<compile_context>
chip_gen: v7x
topology: tpu7x:2x2x1
jax: 0.10.2.dev20260603
libtpu: 0.0.44.dev20260713+nightly
codegen_flags: <defaults>
</compile_context>

<pallas_src>
import functools

import jax
import jax.numpy as jnp
from jax import lax
from jax.experimental import pallas as pl
from jax.experimental.pallas import tpu as pltpu
from jax.experimental.pallas import tpu_sc as plsc

_N = 320000
_C = 128
_B = 32
_NC = 2
_NS = 16
_NW = _NC * _NS
_RPW = _N // _NW
_T = 200
_NT = _RPW // _T
_G = _C // 16

_M1 = 166400
_RPW1 = _M1 // _NW
_NT1 = _RPW1 // _T
_TBLK = 12800
_NTB = (_N - _M1) // _TBLK


def _wid():
    return lax.axis_index("s") * _NC + lax.axis_index("c")


def _cnt_add(cnt, seg, amt):
    iota = lax.iota(jnp.int32, 16)
    for h in range(2):
        sel = jnp.where(iota == (seg - 16 * h), amt, 0.0)
        cnt[pl.ds(16 * h, 16)] = cnt[pl.ds(16 * h, 16)] + sel


def _p1_body(feats, idx, psum, pmax, pcnt,
             ibuf0, ibuf1, idxb0, idxb1, accs, accm, cnt,
             in_sem0, in_sem1, idx_sem0, idx_sem1):
    ibuf = [ibuf0, ibuf1]
    idxb = [idxb0, idxb1]
    in_sem = [in_sem0, in_sem1]
    idx_sem = [idx_sem0, idx_sem1]
    wid = _wid()
    row0 = wid * _RPW1

    zero = jnp.zeros((16,), jnp.float32)
    ninf = jnp.full((16,), -jnp.inf, jnp.float32)

    def init_body(i, _):
        for j in range(_G):
            accs[i, pl.ds(16 * j, 16)] = zero
            accm[i, pl.ds(16 * j, 16)] = ninf
        return 0

    lax.fori_loop(0, _B, init_body, 0)
    cnt[pl.ds(0, 16)] = zero
    cnt[pl.ds(16, 16)] = zero
    for b in range(2):
        idxb[b][pl.ds(_T, 16)] = jnp.full((16,), 127, jnp.int32)

    def start_in(t, b):
        r0 = row0 + t * _T
        pltpu.async_copy(feats.at[pl.ds(r0, _T)], ibuf[b], in_sem[b])
        pltpu.async_copy(idx.at[pl.ds(r0, _T)], idxb[b].at[pl.ds(0, _T)],
                         idx_sem[b])

    def wait_in(b):
        pltpu.make_async_copy(feats.at[pl.ds(0, _T)], ibuf[b],
                              in_sem[b]).wait()
        pltpu.make_async_copy(idx.at[pl.ds(0, _T)], idxb[b].at[pl.ds(0, _T)],
                              idx_sem[b]).wait()

    start_in(0, 0)

    def pair_body(t2, _):
        for b in range(2):
            t = 2 * t2 + b

            @pl.when(t + 1 < _NT1)
            def _pref():
                start_in(t + 1, 1 - b)

            wait_in(b)
            buf = ibuf[b]
            idv = idxb[b]
            segf = idv[pl.ds(0, 16)][0]
            segl = idv[pl.ds(_T - 16, 16)][15]

            @pl.when(segf == segl)
            def _fast():
                def row_body(i, carry):
                    sums, maxs = carry
                    new_s, new_m = [], []
                    for j in range(_G):
                        v = buf[i, pl.ds(16 * j, 16)]
                        new_s.append(sums[j] + v)
                        new_m.append(jnp.maximum(maxs[j], v))
                    return (tuple(new_s), tuple(new_m))

                sums0 = tuple(zero for _ in range(_G))
                maxs0 = tuple(ninf for _ in range(_G))
                sums, maxs = lax.fori_loop(0, _T, row_body, (sums0, maxs0))
                for j in range(_G):
                    sl16 = pl.ds(16 * j, 16)
                    accs[segf, sl16] = accs[segf, sl16] + sums[j]
                    accm[segf, sl16] = jnp.maximum(accm[segf, sl16], maxs[j])
                _cnt_add(cnt, segf, float(_T))

            @pl.when(segf != segl)
            def _slow():
                def row_body(i, _):
                    seg = idv[pl.ds(i, 16)][0]
                    for j in range(_G):
                        sl16 = pl.ds(16 * j, 16)
                        v = buf[i, sl16]
                        accs[seg, sl16] = accs[seg, sl16] + v
                        accm[seg, sl16] = jnp.maximum(accm[seg, sl16], v)
                    _cnt_add(cnt, seg, 1.0)
                    return 0

                lax.fori_loop(0, _T, row_body, 0)

        return 0

    lax.fori_loop(0, _NT1 // 2, pair_body, 0)
    pltpu.sync_copy(accs, psum.at[pl.ds(wid * _B, _B)])
    pltpu.sync_copy(accm, pmax.at[pl.ds(wid * _B, _B)])
    pltpu.sync_copy(cnt, pcnt.at[wid])


def _p1_tc(feats, bounds, pos):
    def body(bounds_ref, pos_ref, feats_ref, psum_ref, pmax_ref, pcnt_ref):
        k = pl.program_id(0)

        @pl.when(k == 0)
        def _init():
            psum_ref[...] = jnp.zeros((_B, _C), jnp.float32)
            pmax_ref[...] = jnp.full((_B, _C), -jnp.inf, jnp.float32)
            pcnt_ref[...] = jnp.zeros((8, _B), jnp.float32)

        f = feats_ref[...]
        sf = bounds_ref[k]
        sl = bounds_ref[k + 1]
        lane8b = lax.broadcasted_iota(jnp.int32, (8, _B), 1)
        row0 = _M1 + k * _TBLK

        @pl.when(sf == sl)
        def _fast():
            cs = jnp.sum(f, axis=0, keepdims=True)
            cm = jnp.max(f, axis=0, keepdims=True)
            psum_ref[pl.ds(sf, 1), :] += cs
            pmax_ref[pl.ds(sf, 1), :] = jnp.maximum(
                pmax_ref[pl.ds(sf, 1), :], cm)
            pcnt_ref[...] += jnp.where(lane8b == sf, float(_TBLK), 0.0)

        @pl.when(sf != sl)
        def _slow():
            def sbody(b, _):
                lo = jnp.maximum(pos_ref[b], row0) - row0
                hi = jnp.minimum(pos_ref[b + 1], row0 + _TBLK) - row0
                k0 = lo // 64
                k1 = (hi + 63) // 64

                def cbody(kk, carry):
                    s8, m8 = carry
                    v = feats_ref[pl.ds(kk * 64, 64), :]
                    riota = (lax.broadcasted_iota(jnp.int32, (64, 1), 0)
                             + kk * 64)
                    mask = (riota >= lo) & (riota < hi)
                    s8 = s8 + jnp.where(mask, v, 0.0)
                    m8 = jnp.maximum(m8, jnp.where(mask, v, -jnp.inf))
                    return (s8, m8)

                s8, m8 = lax.fori_loop(
                    k0, k1, cbody,
                    (jnp.zeros((64, _C), jnp.float32),
                     jnp.full((64, _C), -jnp.inf, jnp.float32)))
                cs = jnp.sum(s8, axis=0, keepdims=True)
                cm = jnp.max(m8, axis=0, keepdims=True)
                cnt = (hi - lo).astype(jnp.float32)
                psum_ref[pl.ds(b, 1), :] += cs
                pmax_ref[pl.ds(b, 1), :] = jnp.maximum(
                    pmax_ref[pl.ds(b, 1), :], cm)
                pcnt_ref[...] += jnp.where(lane8b == b, cnt, 0.0)
                return 0

            lax.fori_loop(sf, sl + 1, sbody, 0)

    grid_spec = pltpu.PrefetchScalarGridSpec(
        num_scalar_prefetch=2,
        grid=(_NTB,),
        in_specs=[
            pl.BlockSpec((_TBLK, _C), lambda k, b, p: (_M1 // _TBLK + k, 0)),
        ],
        out_specs=(
            pl.BlockSpec((_B, _C), lambda k, b, p: (0, 0)),
            pl.BlockSpec((_B, _C), lambda k, b, p: (0, 0)),
            pl.BlockSpec((8, _B), lambda k, b, p: (0, 0)),
        ),
    )
    return pl.pallas_call(
        body,
        grid_spec=grid_spec,
        out_shape=(
            jax.ShapeDtypeStruct((_B, _C), jnp.float32),
            jax.ShapeDtypeStruct((_B, _C), jnp.float32),
            jax.ShapeDtypeStruct((8, _B), jnp.float32),
        ),
    )(bounds, pos, feats)


def _p3_body(feats, idx, atts, out,
             ibuf0, ibuf1, obuf0, obuf1, idxb0, idxb1, attb,
             in_sem0, in_sem1, idx_sem0, idx_sem1, out_sem0, out_sem1):
    ibuf = [ibuf0, ibuf1]
    obuf = [obuf0, obuf1]
    idxb = [idxb0, idxb1]
    in_sem = [in_sem0, in_sem1]
    idx_sem = [idx_sem0, idx_sem1]
    out_sem = [out_sem0, out_sem1]
    wid = _wid()
    row0 = wid * _RPW
    pltpu.sync_copy(atts, attb)
    for b in range(2):
        idxb[b][pl.ds(_T, 16)] = jnp.full((16,), 127, jnp.int32)

    def start_in(t, b):
        r0 = row0 + t * _T
        pltpu.async_copy(feats.at[pl.ds(r0, _T)], ibuf[b], in_sem[b])
        pltpu.async_copy(idx.at[pl.ds(r0, _T)], idxb[b].at[pl.ds(0, _T)],
                         idx_sem[b])

    def wait_in(b):
        pltpu.make_async_copy(feats.at[pl.ds(0, _T)], ibuf[b],
                              in_sem[b]).wait()
        pltpu.make_async_copy(idx.at[pl.ds(0, _T)], idxb[b].at[pl.ds(0, _T)],
                              idx_sem[b]).wait()

    def wait_out(b):
        pltpu.make_async_copy(obuf[b], out.at[pl.ds(0, _T)],
                              out_sem[b]).wait()

    start_in(0, 0)

    def pair_body(t2, _):
        for b in range(2):
            t = 2 * t2 + b

            @pl.when(t + 1 < _NT)
            def _pref():
                start_in(t + 1, 1 - b)

            wait_in(b)

            @pl.when(t >= 2)
            def _wout():
                wait_out(b)

            buf = ibuf[b]
            ob = obuf[b]
            idv = idxb[b]
            segf = idv[pl.ds(0, 16)][0]
            segl = idv[pl.ds(_T - 16, 16)][15]

            @pl.when(segf == segl)
            def _fast():
                base = segf * _C
                avecs = [attb[pl.ds(base + 16 * j, 16)] for j in range(_G)]

                def row_body(i, _):
                    for j in range(_G):
                        ob[i, pl.ds(16 * j, 16)] = (
                            buf[i, pl.ds(16 * j, 16)] * avecs[j])
                    return 0

                lax.fori_loop(0, _T, row_body, 0)

            @pl.when(segf != segl)
            def _slow():
                def row_body(i, _):
                    seg = idv[pl.ds(i, 16)][0]
                    base = seg * _C
                    for j in range(_G):
                        a = attb[pl.ds(base + 16 * j, 16)]
                        ob[i, pl.ds(16 * j, 16)] = (
                            buf[i, pl.ds(16 * j, 16)] * a)
                    return 0

                lax.fori_loop(0, _T, row_body, 0)

            r0 = row0 + t * _T
            pltpu.async_copy(ob, out.at[pl.ds(r0, _T)], out_sem[b])

        return 0

    lax.fori_loop(0, _NT // 2, pair_body, 0)
    wait_out(0)
    wait_out(1)


@functools.lru_cache(maxsize=None)
def _build_sc_kernels():
    mesh = plsc.VectorSubcoreMesh(core_axis_name="c", subcore_axis_name="s")
    p1 = pl.kernel(
        _p1_body,
        out_type=(
            jax.ShapeDtypeStruct((_NW * _B, _C), jnp.float32),
            jax.ShapeDtypeStruct((_NW * _B, _C), jnp.float32),
            jax.ShapeDtypeStruct((_NW, _B), jnp.float32),
        ),
        mesh=mesh,
        scratch_types=[
            pltpu.VMEM((_T, _C), jnp.float32),
            pltpu.VMEM((_T, _C), jnp.float32),
            pltpu.VMEM((_T + 16,), jnp.int32),
            pltpu.VMEM((_T + 16,), jnp.int32),
            pltpu.VMEM((_B, _C), jnp.float32),
            pltpu.VMEM((_B, _C), jnp.float32),
            pltpu.VMEM((_B,), jnp.float32),
            pltpu.SemaphoreType.DMA,
            pltpu.SemaphoreType.DMA,
            pltpu.SemaphoreType.DMA,
            pltpu.SemaphoreType.DMA,
        ],
        name="seg_pool_sc",
    )
    p3 = pl.kernel(
        _p3_body,
        out_type=jax.ShapeDtypeStruct((_N, _C), jnp.float32),
        mesh=mesh,
        scratch_types=[
            pltpu.VMEM((_T, _C), jnp.float32),
            pltpu.VMEM((_T, _C), jnp.float32),
            pltpu.VMEM((_T, _C), jnp.float32),
            pltpu.VMEM((_T, _C), jnp.float32),
            pltpu.VMEM((_T + 16,), jnp.int32),
            pltpu.VMEM((_T + 16,), jnp.int32),
            pltpu.VMEM((_B * _C,), jnp.float32),
            pltpu.SemaphoreType.DMA,
            pltpu.SemaphoreType.DMA,
            pltpu.SemaphoreType.DMA,
            pltpu.SemaphoreType.DMA,
            pltpu.SemaphoreType.DMA,
            pltpu.SemaphoreType.DMA,
        ],
        name="scale_sc",
    )
    return p1, p3


def _mlp_tc(psum, pmax, pcnt, psum_t, pmax_t, pcnt_t, W1, b1, W2, b2):
    def body(ps, pm, pc, pst, pmt, pct, w1, b1r, w2, b2r, o):
        s = pst[...]
        m = pmt[...]
        for w in range(_NW):
            s = s + ps[w * _B:(w + 1) * _B, :]
            m = jnp.maximum(m, pm[w * _B:(w + 1) * _B, :])
        c = jnp.sum(pc[...], axis=0) + pct[0, :]
        avgp = s / jnp.maximum(c, 1.0)[:, None]
        maxp = jnp.where(c[:, None] > 0, m, 0.0)

        def mlp(x):
            h = jnp.maximum(
                jnp.dot(x, w1[...], preferred_element_type=jnp.float32)
                + b1r[...], 0.0)
            return (jnp.dot(h, w2[...], preferred_element_type=jnp.float32)
                    + b2r[...])

        o[...] = jax.nn.sigmoid(mlp(avgp) + mlp(maxp))

    return pl.pallas_call(
        body,
        out_shape=jax.ShapeDtypeStruct((_B, _C), jnp.float32),
    )(psum, pmax, pcnt,
      psum_t, pmax_t, pcnt_t,
      W1, b1.reshape(1, -1), W2, b2.reshape(1, -1))


@jax.jit
def _impl(feats, idx, W1, b1, W2, b2):
    p1, p3 = _build_sc_kernels()
    psum, pmax, pcnt = p1(feats, idx)
    bounds = jnp.concatenate([idx[_M1::_TBLK], idx[-1:]])
    pos = jnp.searchsorted(idx, jnp.arange(_B + 1, dtype=jnp.int32),
                           method='compare_all').astype(jnp.int32)
    psum_t, pmax_t, pcnt_t = _p1_tc(feats, bounds, pos)
    atts = _mlp_tc(psum, pmax, pcnt, psum_t, pmax_t, pcnt_t,
                   W1, b1, W2, b2)
    return p3(feats, idx, atts.reshape(_B * _C))


def kernel(feats, batch_index, W1, b1, W2, b2):
    return _impl(feats, batch_index.astype(jnp.int32), W1, b1, W2, b2)

# --- scband reference (transcript-rebuilt; emitter-appended) ---
"""Pipeline reference for scband-channel-attention-35442070126786 (READ-ONLY COPY).

The authoritative reference and input builder live on the scoring server;
editing this copy changes nothing except your own understanding.
"""

import jax, jax.numpy as jnp
import numpy as np

N = 320000
C = 128
R = 16
B = 32


def setup_inputs(seed: int = 0) -> dict:
    key = jax.random.key(seed)
    k1, k2, k3, k4, k5, k6 = jax.random.split(key, 6)
    feats = jax.random.normal(k1, (N, C), dtype=jnp.float32)
    batch_index = jnp.sort(jax.random.randint(k2, (N,), 0, B, dtype=jnp.int64))
    W1 = jax.random.normal(k3, (C, C // R), dtype=jnp.float32) * (1.0 / np.sqrt(C))
    b1 = jnp.zeros((C // R,), dtype=jnp.float32)
    W2 = jax.random.normal(k4, (C // R, C), dtype=jnp.float32) * (1.0 / np.sqrt(C // R))
    b2 = jnp.zeros((C,), dtype=jnp.float32)
    return {"feats": feats, "batch_index": batch_index, "W1": W1, "b1": b1, "W2": W2, "b2": b2}


def reference(feats, batch_index, W1, b1, W2, b2):
    # Global average pooling per batch segment (spnn.GlobalAveragePooling)
    sums = jax.ops.segment_sum(feats, batch_index, num_segments=B)
    counts = jax.ops.segment_sum(jnp.ones((feats.shape[0],), dtype=jnp.float32), batch_index, num_segments=B)
    avgp = sums / jnp.maximum(counts, 1.0)[:, None]
    # Global max pooling per batch segment (spnn.GlobalMaxPooling)
    maxp = jax.ops.segment_max(feats, batch_index, num_segments=B)
    maxp = jnp.where(counts[:, None] > 0, maxp, 0.0)

    def mlp(x):
        return jax.nn.relu(x @ W1 + b1) @ W2 + b2

    atts = jax.nn.sigmoid(mlp(avgp) + mlp(maxp))
    # Per-point scaling by its batch's attention vector (gather + elementwise mul)
    out = feats * atts[batch_index]
    return out

if __name__ == "__main__":
    import jax
    _d = setup_inputs()
    print(jax.jit(kernel)(*tuple(_d.values())))

</pallas_src>

<mosaic_0001>
#map = affine_map<(d0, d1) -> (0, 0)>
#map1 = affine_map<(d0, d1) -> (0)>
module attributes {stable_mosaic.version = 14 : i64} {
  func.func @seg_pool_sc(%arg0: i32, %arg1: i32, %arg2: memref<320000x128xf32, #tpu.memory_space<hbm>>, %arg3: memref<320000xi32, #tpu.memory_space<hbm>>, %arg4: memref<1024x128xf32, #tpu.memory_space<hbm>>, %arg5: memref<1024x128xf32, #tpu.memory_space<hbm>>, %arg6: memref<32x32xf32, #tpu.memory_space<hbm>>, %arg7: memref<200x128xf32, #tpu.memory_space<vmem>>, %arg8: memref<200x128xf32, #tpu.memory_space<vmem>>, %arg9: memref<216xi32, #tpu.memory_space<vmem>>, %arg10: memref<216xi32, #tpu.memory_space<vmem>>, %arg11: memref<32x128xf32, #tpu.memory_space<vmem>>, %arg12: memref<32x128xf32, #tpu.memory_space<vmem>>, %arg13: memref<32xf32, #tpu.memory_space<vmem>>, %arg14: memref<!tpu.dma_semaphore, #tpu.memory_space<semaphore_mem>>, %arg15: memref<!tpu.dma_semaphore, #tpu.memory_space<semaphore_mem>>, %arg16: memref<!tpu.dma_semaphore, #tpu.memory_space<semaphore_mem>>, %arg17: memref<!tpu.dma_semaphore, #tpu.memory_space<semaphore_mem>>) attributes {dimension_semantics = [#tpu.dimension_semantics<core_parallel>, #tpu.dimension_semantics<subcore_parallel>], iteration_bounds = array<i64: 2, 16>, scalar_prefetch = 0 : i64, scratch_operands = 11 : i64, tpu.core_type = #tpu.core_type<sc_vector_subcore>, window_params = [{transform_indices = #map}, {transform_indices = #map1}, {transform_indices = #map}, {transform_indices = #map}, {transform_indices = #map}]} {
    %mul3A = arith.constant 2 : i32
    %mul3A_0 = arith.muli %arg1, %mul3A : i32
    %add3A = arith.addi %mul3A_0, %arg0 : i32
    %mul3A_1 = arith.constant 5200 : i32
    %mul3A_2 = arith.muli %add3A, %mul3A_1 : i32
    %broadcast_in_dim3A = arith.constant 0.000000e+00 : f32
    %broadcast_in_dim3A_3 = vector.broadcast %broadcast_in_dim3A : f32 to vector<16xf32>
    %broadcast_in_dim3A_4 = arith.constant 0xFF800000 : f32
    %broadcast_in_dim3A_5 = vector.broadcast %broadcast_in_dim3A_4 : f32 to vector<16xf32>
    %scan3A = arith.constant 0 : i32
    %scan3A_6 = arith.constant 0 : i32
    %scan3A_7 = arith.constant 32 : i32
    %scan3A_8 = arith.addi %scan3A_6, %scan3A_7 : i32
    %scan3A_9 = arith.constant 1 : i32
    %scan3A_10 = scf.for %scan3A_53 = %scan3A_6 to %scan3A_8 step %scan3A_9 iter_args(%scan3A_54 = %scan3A) -> (i32)  : i32 {
      %swap3A_55 = arith.index_cast %scan3A_53 : i32 to index
      %swap3A_56 = arith.constant 0 : index
      %swap3A_57 = tpu.vector_load %arg11[%swap3A_55, %swap3A_56] {strides = array<i32>} : memref<32x128xf32, #tpu.memory_space<vmem>>, vector<1x16xf32>,
      %swap3A_58 = vector.shape_cast %swap3A_57 : vector<1x16xf32> to vector<16xf32>
      %swap3A_59 = vector.shape_cast %broadcast_in_dim3A_3 : vector<16xf32> to vector<1x16xf32>
      tpu.vector_store %arg11[%swap3A_55, %swap3A_56], %swap3A_59 {strides = array<i32>} : memref<32x128xf32, #tpu.memory_space<vmem>>, vector<1x16xf32>,
      %swap3A_60 = arith.index_cast %scan3A_53 : i32 to index
      %swap3A_61 = arith.constant 0 : index
      %swap3A_62 = tpu.vector_load %arg12[%swap3A_60, %swap3A_61] {strides = array<i32>} : memref<32x128xf32, #tpu.memory_space<vmem>>, vector<1x16xf32>,
      %swap3A_63 = vector.shape_cast %swap3A_62 : vector<1x16xf32> to vector<16xf32>
      %swap3A_64 = vector.shape_cast %broadcast_in_dim3A_5 : vector<16xf32> to vector<1x16xf32>
      tpu.vector_store %arg12[%swap3A_60, %swap3A_61], %swap3A_64 {strides = array<i32>} : memref<32x128xf32, #tpu.memory_space<vmem>>, vector<1x16xf32>,
      %swap3A_65 = arith.index_cast %scan3A_53 : i32 to index
      %swap3A_66 = arith.constant 16 : index
      %swap3A_67 = tpu.vector_load %arg11[%swap3A_65, %swap3A_66] {strides = array<i32>} : memref<32x128xf32, #tpu.memory_space<vmem>>, vector<1x16xf32>,
      %swap3A_68 = vector.shape_cast %swap3A_67 : vector<1x16xf32> to vector<16xf32>
      %swap3A_69 = vector.shape_cast %broadcast_in_dim3A_3 : vector<16xf32> to vector<1x16xf32>
      tpu.vector_store %arg11[%swap3A_65, %swap3A_66], %swap3A_69 {strides = array<i32>} : memref<32x128xf32, #tpu.memory_space<vmem>>, vector<1x16xf32>,
      %swap3A_70 = arith.index_cast %scan3A_53 : i32 to index
      %swap3A_71 = arith.constant 16 : index
      %swap3A_72 = tpu.vector_load %arg12[%swap3A_70, %swap3A_71] {strides = array<i32>} : memref<32x128xf32, #tpu.memory_space<vmem>>, vector<1x16xf32>,
      %swap3A_73 = vector.shape_cast %swap3A_72 : vector<1x16xf32> to vector<16xf32>
      %swap3A_74 = vector.shape_cast %broadcast_in_dim3A_5 : vector<16xf32> to vector<1x16xf32>
      tpu.vector_store %arg12[%swap3A_70, %swap3A_71], %swap3A_74 {strides = array<i32>} : memref<32x128xf32, #tpu.memory_space<vmem>>, vector<1x16xf32>,
      %swap3A_75 = arith.index_cast %scan3A_53 : i32 to index
      %swap3A_76 = arith.constant 32 : index
      %swap3A_77 = tpu.vector_load %arg11[%swap3A_75, %swap3A_76] {strides = array<i32>} : memref<32x128xf32, #tpu.memory_space<vmem>>, vector<1x16xf32>,
      %swap3A_78 = vector.shape_cast %swap3A_77 : vector<1x16xf32> to vector<16xf32>
      %swap3A_79 = vector.shape_cast %broadcast_in_dim3A_3 : vector<16xf32> to vector<1x16xf32>
      tpu.vector_store %arg11[%swap3A_75, %swap3A_76], %swap3A_79 {strides = array<i32>} : memref<32x128xf32, #tpu.memory_space<vmem>>, vector<1x16xf32>,
      %swap3A_80 = arith.index_cast %scan3A_53 : i32 to index
      %swap3A_81 = arith.constant 32 : index
      %swap3A_82 = tpu.vector_load %arg12[%swap3A_80, %swap3A_81] {strides = array<i32>} : memref<32x128xf32, #tpu.memory_space<vmem>>, vector<1x16xf32>,
      %swap3A_83 = vector.shape_cast %swap3A_82 : vector<1x16xf32> to vector<16xf32>
      %swap3A_84 = vector.shape_cast %broadcast_in_dim3A_5 : vector<16xf32> to vector<1x16xf32>
      tpu.vector_store %arg12[%swap3A_80, %swap3A_81], %swap3A_84 {strides = array<i32>} : memref<32x128xf32, #tpu.memory_space<vmem>>, vector<1x16xf32>,
      %swap3A_85 = arith.index_cast %scan3A_53 : i32 to index
      %swap3A_86 = arith.constant 48 : index
      %swap3A_87 = tpu.vector_load %arg11[%swap3A_85, %swap3A_86] {strides = array<i32>} : memref<32x128xf32, #tpu.memory_space<vmem>>, vector<1x16xf32>,
      %swap3A_88 = vector.shape_cast %swap3A_87 : vector<1x16xf32> to vector<16xf32>
      %swap3A_89 = vector.shape_cast %broadcast_in_dim3A_3 : vector<16xf32> to vector<1x16xf32>
      tpu.vector_store %arg11[%swap3A_85, %swap3A_86], %swap3A_89 {strides = array<i32>} : memref<32x128xf32, #tpu.memory_space<vmem>>, vector<1x16xf32>,
      %swap3A_90 = arith.index_cast %scan3A_53 : i32 to index
      %swap3A_91 = arith.constant 48 : index
      %swap3A_92 = tpu.vector_load %arg12[%swap3A_90, %swap3A_91] {strides = array<i32>} : memref<32x128xf32, #tpu.memory_space<vmem>>, vector<1x16xf32>,
      %swap3A_93 = vector.shape_cast %swap3A_92 : vector<1x16xf32> to vector<16xf32>
      %swap3A_94 = vector.shape_cast %broadcast_in_dim3A_5 : vector<16xf32> to vector<1x16xf32>
      tpu.vector_store %arg12[%swap3A_90, %swap3A_91], %swap3A_94 {strides = array<i32>} : memref<32x128xf32, #tpu.memory_space<vmem>>, vector<1x16xf32>,
      %swap3A_95 = arith.index_cast %scan3A_53 : i32 to index
      %swap3A_96 = arith.constant 64 : index
      %swap3A_97 = tpu.vector_load %arg11[%swap3A_95, %swap3A_96] {strides = array<i32>} : memref<32x128xf32, #tpu.memory_space<vmem>>, vector<1x16xf32>,
      %swap3A_98 = vector.shape_cast %swap3A_97 : vector<1x16xf32> to vector<16xf32>
      %swap3A_99 = vector.shape_cast %broadcast_in_dim3A_3 : vector<16xf32> to vector<1x16xf32>
      tpu.vector_store %arg11[%swap3A_95, %swap3A_96], %swap3A_99 {strides = array<i32>} : memref<32x128xf32, #tpu.memory_space<vmem>>, vector<1x16xf32>,
      %swap3A_100 = arith.index_cast %scan3A_53 : i32 to index
      %swap3A_101 = arith.constant 64 : index
      %swap3A_102 = tpu.vector_load %arg12[%swap3A_100, %swap3A_101] {strides = array<i32>} : memref<32x128xf32, #tpu.memory_space<vmem>>, vector<1x16xf32>,
      %swap3A_103 = vector.shape_cast %swap3A_102 : vector<1x16xf32> to vector<16xf32>
      %swap3A_104 = vector.shape_cast %broadcast_in_dim3A_5 : vector<16xf32> to vector<1x16xf32>
      tpu.vector_store %arg12[%swap3A_100, %swap3A_101], %swap3A_104 {strides = array<i32>} : memref<32x128xf32, #tpu.memory_space<vmem>>, vector<1x16xf32>,
      %swap3A_105 = arith.index_cast %scan3A_53 : i32 to index
      %swap3A_106 = arith.constant 80 : index
      %swap3A_107 = tpu.vector_load %arg11[%swap3A_105, %swap3A_106] {strides = array<i32>} : memref<32x128xf32, #tpu.memory_space<vmem>>, vector<1x16xf32>,
      %swap3A_108 = vector.shape_cast %swap3A_107 : vector<1x16xf32> to vector<16xf32>
      %swap3A_109 = vector.shape_cast %broadcast_in_dim3A_3 : vector<16xf32> to vector<1x16xf32>
      tpu.vector_store %arg11[%swap3A_105, %swap3A_106], %swap3A_109 {strides = array<i32>} : memref<32x128xf32, #tpu.memory_space<vmem>>, vector<1x16xf32>,
      %swap3A_110 = arith.index_cast %scan3A_53 : i32 to index
      %swap3A_111 = arith.constant 80 : index
      %swap3A_112 = tpu.vector_load %arg12[%swap3A_110, %swap3A_111] {strides = array<i32>} : memref<32x128xf32, #tpu.memory_space<vmem>>, vector<1x16xf32>,
      %swap3A_113 = vector.shape_cast %swap3A_112 : vector<1x16xf32> to vector<16xf32>
      %swap3A_114 = vector.shape_cast %broadcast_in_dim3A_5 : vector<16xf32> to vector<1x16xf32>
      tpu.vector_store %arg12[%swap3A_110, %swap3A_111], %swap3A_114 {strides = array<i32>} : memref<32x128xf32, #tpu.memory_space<vmem>>, vector<1x16xf32>,
      %swap3A_115 = arith.index_cast %scan3A_53 : i32 to index
      %swap3A_116 = arith.constant 96 : index
      %swap3A_117 = tpu.vector_load %arg11[%swap3A_115, %swap3A_116] {strides = array<i32>} : memref<32x128xf32, #tpu.memory_space<vmem>>, vector<1x16xf32>,
      %swap3A_118 = vector.shape_cast %swap3A_117 : vector<1x16xf32> to vector<16xf32>
      %swap3A_119 = vector.shape_cast %broadcast_in_dim3A_3 : vector<16xf32> to vector<1x16xf32>
      tpu.vector_store %arg11[%swap3A_115, %swap3A_116], %swap3A_119 {strides = array<i32>} : memref<32x128xf32, #tpu.memory_space<vmem>>, vector<1x16xf32>,
      %swap3A_120 = arith.index_cast %scan3A_53 : i32 to index
      %swap3A_121 = arith.constant 96 : index
      %swap3A_122 = tpu.vector_load %arg12[%swap3A_120, %swap3A_121] {strides = array<i32>} : memref<32x128xf32, #tpu.memory_space<vmem>>, vector<1x16xf32>,
      %swap3A_123 = vector.shape_cast %swap3A_122 : vector<1x16xf32> to vector<16xf32>
      %swap3A_124 = vector.shape_cast %broadcast_in_dim3A_5 : vector<16xf32> to vector<1x16xf32>
      tpu.vector_store %arg12[%swap3A_120, %swap3A_121], %swap3A_124 {strides = array<i32>} : memref<32x128xf32, #tpu.memory_space<vmem>>, vector<1x16xf32>,
      %swap3A_125 = arith.index_cast %scan3A_53 : i32 to index
      %swap3A_126 = arith.constant 112 : index
      %swap3A_127 = tpu.vector_load %arg11[%swap3A_125, %swap3A_126] {strides = array<i32>} : memref<32x128xf32, #tpu.memory_space<vmem>>, vector<1x16xf32>,
      %swap3A_128 = vector.shape_cast %swap3A_127 : vector<1x16xf32> to vector<16xf32>
      %swap3A_129 = vector.shape_cast %broadcast_in_dim3A_3 : vector<16xf32> to vector<1x16xf32>
      tpu.vector_store %arg11[%swap3A_125, %swap3A_126], %swap3A_129 {strides = array<i32>} : memref<32x128xf32, #tpu.memory_space<vmem>>, vector<1x16xf32>,
      %swap3A_130 = arith.index_cast %scan3A_53 : i32 to index
      %swap3A_131 = arith.constant 112 : index
      %swap3A_132 = tpu.vector_load %arg12[%swap3A_130, %swap3A_131] {strides = array<i32>} : memref<32x128xf32, #tpu.memory_space<vmem>>, vector<1x16xf32>,
      %swap3A_133 = vector.shape_cast %swap3A_132 : vector<1x16xf32> to vector<16xf32>
      %swap3A_134 = vector.shape_cast %broadcast_in_dim3A_5 : vector<16xf32> to vector<1x16xf32>
      tpu.vector_store %arg12[%swap3A_130, %swap3A_131], %swap3A_134 {strides = array<i32>} : memref<32x128xf32, #tpu.memory_space<vmem>>, vector<1x16xf32>,
      %scan3A_135 = arith.constant 0 : i32
      scf.yield %scan3A_135 : i32
    }
    %scan3A_11 = arith.constant 32 : i32
    %swap3A = arith.constant 0 : index
    %swap3A_12 = tpu.vector_load %arg13[%swap3A] {strides = array<i32>} : memref<32xf32, #tpu.memory_space<vmem>>, vector<16xf32>,
    %swap3A_13 = vector.shape_cast %swap3A_12 : vector<16xf32> to vector<16xf32>
    %swap3A_14 = vector.shape_cast %broadcast_in_dim3A_3 : vector<16xf32> to vector<16xf32>
    tpu.vector_store %arg13[%swap3A], %swap3A_14 {strides = array<i32>} : memref<32xf32, #tpu.memory_space<vmem>>, vector<16xf32>,
    %swap3A_15 = arith.constant 16 : index
    %swap3A_16 = tpu.vector_load %arg13[%swap3A_15] {strides = array<i32>} : memref<32xf32, #tpu.memory_space<vmem>>, vector<16xf32>,
    %swap3A_17 = vector.shape_cast %swap3A_16 : vector<16xf32> to vector<16xf32>
    %swap3A_18 = vector.shape_cast %broadcast_in_dim3A_3 : vector<16xf32> to vector<16xf32>
    tpu.vector_store %arg13[%swap3A_15], %swap3A_18 {strides = array<i32>} : memref<32xf32, #tpu.memory_space<vmem>>, vector<16xf32>,
    %broadcast_in_dim3A_19 = arith.constant 127 : i32
    %broadcast_in_dim3A_20 = vector.broadcast %broadcast_in_dim3A_19 : i32 to vector<16xi32>
    %swap3A_21 = arith.constant 200 : index
    %swap3A_22 = tpu.vector_load %arg9[%swap3A_21] {strides = array<i32>} : memref<216xi32, #tpu.memory_space<vmem>>, vector<16xi32>,
    %swap3A_23 = vector.shape_cast %swap3A_22 : vector<16xi32> to vector<16xi32>
    %swap3A_24 = vector.shape_cast %broadcast_in_dim3A_20 : vector<16xi32> to vector<16xi32>
    tpu.vector_store %arg9[%swap3A_21], %swap3A_24 {strides = array<i32>} : memref<216xi32, #tpu.memory_space<vmem>>, vector<16xi32>,
    %broadcast_in_dim3A_25 = arith.constant 127 : i32
    %broadcast_in_dim3A_26 = vector.broadcast %broadcast_in_dim3A_25 : i32 to vector<16xi32>
    %swap3A_27 = arith.constant 200 : index
    %swap3A_28 = tpu.vector_load %arg10[%swap3A_27] {strides = array<i32>} : memref<216xi32, #tpu.memory_space<vmem>>, vector<16xi32>,
    %swap3A_29 = vector.shape_cast %swap3A_28 : vector<16xi32> to vector<16xi32>
    %swap3A_30 = vector.shape_cast %broadcast_in_dim3A_26 : vector<16xi32> to vector<16xi32>
    tpu.vector_store %arg10[%swap3A_27], %swap3A_30 {strides = array<i32>} : memref<216xi32, #tpu.memory_space<vmem>>, vector<16xi32>,
    %add3A_31 = arith.constant 0 : i32
    %add3A_32 = arith.addi %mul3A_2, %add3A_31 : i32
    %dma_start3A = arith.constant 0 : i32
    %dma_start3A_33 = tpu.memref_slice %arg2[%add3A_32, %dma_start3A] : memref<320000x128xf32, #tpu.memory_space<hbm>> -> memref<200x128xf32, #tpu.memory_space<hbm>>
    %dma_start3A_34 = arith.constant 0 : i32
    %dma_start3A_35 = tpu.memref_slice %arg2[%add3A_32, %dma_start3A_34] : memref<320000x128xf32, #tpu.memory_space<hbm>> -> memref<200x128xf32, #tpu.memory_space<hbm>>
    tpu.enqueue_dma source(%dma_start3A_35 : memref<200x128xf32, #tpu.memory_space<hbm>>) target(%arg7 : memref<200x128xf32, #tpu.memory_space<vmem>>) target_semaphore(%arg14 : memref<!tpu.dma_semaphore, #tpu.memory_space<semaphore_mem>>)
    %dma_start3A_36 = arith.constant 0 : i32
    %dma_start3A_37 = tpu.memref_slice %arg9[%dma_start3A_36] : memref<216xi32, #tpu.memory_space<vmem>> -> memref<200xi32, #tpu.memory_space<vmem>>
    %dma_start3A_38 = tpu.memref_slice %arg3[%add3A_32] : memref<320000xi32, #tpu.memory_space<hbm>> -> memref<200xi32, #tpu.memory_space<hbm>>
    %dma_start3A_39 = arith.constant 0 : i32
    %dma_start3A_40 = tpu.memref_slice %arg9[%dma_start3A_39] : memref<216xi32, #tpu.memory_space<vmem>> -> memref<200xi32, #tpu.memory_space<vmem>>
    %dma_start3A_41 = tpu.memref_slice %arg3[%add3A_32] : memref<320000xi32, #tpu.memory_space<hbm>> -> memref<200xi32, #tpu.memory_space<hbm>>
    tpu.enqueue_dma source(%dma_start3A_41 : memref<200xi32, #tpu.memory_space<hbm>>) target(%dma_start3A_40 : memref<200xi32, #tpu.memory_space<vmem>>) target_semaphore(%arg16 : memref<!tpu.dma_semaphore, #tpu.memory_space<semaphore_mem>>)
    %scan3A_42 = arith.constant 0 : i32
    %scan3A_43 = arith.constant 0 : i32
    %scan3A_44 = arith.constant 13 : i32
    %scan3A_45 = arith.addi %scan3A_43, %scan3A_44 : i32
    %scan3A_46 = arith.constant 1 : i32
    %scan3A_47 = scf.for %scan3A_53 = %scan3A_43 to %scan3A_45 step %scan3A_46 iter_args(%scan3A_54 = %scan3A_42) -> (i32)  : i32 {
      %mul3A_55 = arith.constant 2 : i32
      %mul3A_56 = arith.muli %mul3A_55, %scan3A_53 : i32
      %add3A_57 = arith.constant 0 : i32
      %add3A_58 = arith.addi %mul3A_56, %add3A_57 : i32
      %add3A_59 = arith.constant 1 : i32
      %add3A_60 = arith.addi %add3A_58, %add3A_59 : i32
      %lt3A = arith.constant 26 : i32
      %lt3A_61 = arith.cmpi slt, %add3A_60, %lt3A : i32
      %convert_element_type3A = arith.extui %lt3A_61 : i1 to i32
      %cond3A = arith.constant 0 : i32
      %cond3A_62 = arith.cmpi ne, %convert_element_type3A, %cond3A : i32
      scf.if %cond3A_62 {
        %add3A_133 = arith.constant 1 : i32
        %add3A_134 = arith.addi %add3A_58, %add3A_133 : i32
        %mul3A_135 = arith.constant 200 : i32
        %mul3A_136 = arith.muli %add3A_134, %mul3A_135 : i32
        %add3A_137 = arith.addi %mul3A_2, %mul3A_136 : i32
        %dma_start3A_138 = arith.constant 0 : i32
        %dma_start3A_139 = tpu.memref_slice %arg2[%add3A_137, %dma_start3A_138] : memref<320000x128xf32, #tpu.memory_space<hbm>> -> memref<200x128xf32, #tpu.memory_space<hbm>>
        %dma_start3A_140 = arith.constant 0 : i32
        %dma_start3A_141 = tpu.memref_slice %arg2[%add3A_137, %dma_start3A_140] : memref<320000x128xf32, #tpu.memory_space<hbm>> -> memref<200x128xf32, #tpu.memory_space<hbm>>
        tpu.enqueue_dma source(%dma_start3A_141 : memref<200x128xf32, #tpu.memory_space<hbm>>) target(%arg8 : memref<200x128xf32, #tpu.memory_space<vmem>>) target_semaphore(%arg15 : memref<!tpu.dma_semaphore, #tpu.memory_space<semaphore_mem>>)
        %dma_start3A_142 = arith.constant 0 : i32
        %dma_start3A_143 = tpu.memref_slice %arg10[%dma_start3A_142] : memref<216xi32, #tpu.memory_space<vmem>> -> memref<200xi32, #tpu.memory_space<vmem>>
        %dma_start3A_144 = tpu.memref_slice %arg3[%add3A_137] : memref<320000xi32, #tpu.memory_space<hbm>> -> memref<200xi32, #tpu.memory_space<hbm>>
        %dma_start3A_145 = arith.constant 0 : i32
        %dma_start3A_146 = tpu.memref_slice %arg10[%dma_start3A_145] : memref<216xi32, #tpu.memory_space<vmem>> -> memref<200xi32, #tpu.memory_space<vmem>>
        %dma_start3A_147 = tpu.memref_slice %arg3[%add3A_137] : memref<320000xi32, #tpu.memory_space<hbm>> -> memref<200xi32, #tpu.memory_space<hbm>>
        tpu.enqueue_dma source(%dma_start3A_147 : memref<200xi32, #tpu.memory_space<hbm>>) target(%dma_start3A_146 : memref<200xi32, #tpu.memory_space<vmem>>) target_semaphore(%arg17 : memref<!tpu.dma_semaphore, #tpu.memory_space<semaphore_mem>>)
      } else {
      }
      %dma_wait3A = arith.constant 0 : i32
      %dma_wait3A_63 = arith.constant 0 : i32
      %dma_wait3A_64 = tpu.memref_slice %arg2[%dma_wait3A, %dma_wait3A_63] : memref<320000x128xf32, #tpu.memory_space<hbm>> -> memref<200x128xf32, #tpu.memory_space<hbm>>
      %dma_wait3A_65 = arith.constant 0 : i32
      %dma_wait3A_66 = arith.constant 0 : i32
      %dma_wait3A_67 = tpu.memref_slice %arg2[%dma_wait3A_65, %dma_wait3A_66] : memref<320000x128xf32, #tpu.memory_space<hbm>> -> memref<200x128xf32, #tpu.memory_space<hbm>>
      tpu.wait_dma2 semaphore(%arg14 : memref<!tpu.dma_semaphore, #tpu.memory_space<semaphore_mem>>) src(%dma_wait3A_67 : memref<200x128xf32, #tpu.memory_space<hbm>>) dst(%arg7 : memref<200x128xf32, #tpu.memory_space<vmem>>)
      %dma_wait3A_68 = arith.constant 0 : i32
      %dma_wait3A_69 = tpu.memref_slice %arg9[%dma_wait3A_68] : memref<216xi32, #tpu.memory_space<vmem>> -> memref<200xi32, #tpu.memory_space<vmem>>
      %dma_wait3A_70 = arith.constant 0 : i32
      %dma_wait3A_71 = tpu.memref_slice %arg3[%dma_wait3A_70] : memref<320000xi32, #tpu.memory_space<hbm>> -> memref<200xi32, #tpu.memory_space<hbm>>
      %dma_wait3A_72 = arith.constant 0 : i32
      %dma_wait3A_73 = tpu.memref_slice %arg9[%dma_wait3A_72] : memref<216xi32, #tpu.memory_space<vmem>> -> memref<200xi32, #tpu.memory_space<vmem>>
      %dma_wait3A_74 = arith.constant 0 : i32
      %dma_wait3A_75 = tpu.memref_slice %arg3[%dma_wait3A_74] : memref<320000xi32, #tpu.memory_space<hbm>> -> memref<200xi32, #tpu.memory_space<hbm>>
      tpu.wait_dma2 semaphore(%arg16 : memref<!tpu.dma_semaphore, #tpu.memory_space<semaphore_mem>>) src(%dma_wait3A_75 : memref<200xi32, #tpu.memory_space<hbm>>) dst(%dma_wait3A_73 : memref<200xi32, #tpu.memory_space<vmem>>)
      %get3A = arith.constant 0 : index
      %get3A_76 = tpu.vector_load %arg9[%get3A] {strides = array<i32>} : memref<216xi32, #tpu.memory_space<vmem>>, vector<16xi32>,
      %get3A_77 = vector.shape_cast %get3A_76 : vector<16xi32> to vector<16xi32>
      %slice3A = vector.extract_strided_slice %get3A_77 {offsets = [0], sizes = [1], strides = [1]} : vector<16xi32> to vector<1xi32>
      %squeeze3A = vector.extract %slice3A[0] : i32 from vector<1xi32>
      %get3A_78 = arith.constant 184 : index
      %get3A_79 = tpu.vector_load %arg9[%get3A_78] {strides = array<i32>} : memref<216xi32, #tpu.memory_space<vmem>>, vector<16xi32>,
      %get3A_80 = vector.shape_cast %get3A_79 : vector<16xi32> to vector<16xi32>
      %slice3A_81 = vector.extract_strided_slice %get3A_80 {offsets = [15], sizes = [1], strides = [1]} : vector<16xi32> to vector<1xi32>
      %squeeze3A_82 = vector.extract %slice3A_81[0] : i32 from vector<1xi32>
      %eq3A = arith.cmpi eq, %squeeze3A, %squeeze3A_82 : i32
      %convert_element_type3A_83 = arith.extui %eq3A : i1 to i32
      %cond3A_84 = arith.constant 0 : i32
      %cond3A_85 = arith.cmpi ne, %convert_element_type3A_83, %cond3A_84 : i32
      scf.if %cond3A_85 {
        %scan3A_133 = arith.constant 0 : i32
        %scan3A_134 = arith.constant 200 : i32
        %scan3A_135 = arith.addi %scan3A_133, %scan3A_134 : i32
        %scan3A_136 = arith.constant 1 : i32
        %scan3A_137:16 = scf.for %scan3A_329 = %scan3A_133 to %scan3A_135 step %scan3A_136 iter_args(%scan3A_330 = %broadcast_in_dim3A_3, %scan3A_331 = %broadcast_in_dim3A_3, %scan3A_332 = %broadcast_in_dim3A_3, %scan3A_333 = %broadcast_in_dim3A_3, %scan3A_334 = %broadcast_in_dim3A_3, %scan3A_335 = %broadcast_in_dim3A_3, %scan3A_336 = %broadcast_in_dim3A_3, %scan3A_337 = %broadcast_in_dim3A_3, %scan3A_338 = %broadcast_in_dim3A_5, %scan3A_339 = %broadcast_in_dim3A_5, %scan3A_340 = %broadcast_in_dim3A_5, %scan3A_341 = %broadcast_in_dim3A_5, %scan3A_342 = %broadcast_in_dim3A_5, %scan3A_343 = %broadcast_in_dim3A_5, %scan3A_344 = %broadcast_in_dim3A_5, %scan3A_345 = %broadcast_in_dim3A_5) -> (vector<16xf32>, vector<16xf32>, vector<16xf32>, vector<16xf32>, vector<16xf32>, vector<16xf32>, vector<16xf32>, vector<16xf32>, vector<16xf32>, vector<16xf32>, vector<16xf32>, vector<16xf32>, vector<16xf32>, vector<16xf32>, vector<16xf32>, vector<16xf32>)  : i32 {
          %get3A_346 = arith.index_cast %scan3A_329 : i32 to index
          %get3A_347 = arith.constant 0 : index
          %get3A_348 = tpu.vector_load %arg7[%get3A_346, %get3A_347] {strides = array<i32>} : memref<200x128xf32, #tpu.memory_space<vmem>>, vector<1x16xf32>,
          %get3A_349 = vector.shape_cast %get3A_348 : vector<1x16xf32> to vector<16xf32>
          %add3A_350 = arith.addf %scan3A_330, %get3A_349 : vector<16xf32>
          %max3A_351 = arith.maximumf %scan3A_338, %get3A_349 : vector<16xf32>
          %get3A_352 = arith.index_cast %scan3A_329 : i32 to index
          %get3A_353 = arith.constant 16 : index
          %get3A_354 = tpu.vector_load %arg7[%get3A_352, %get3A_353] {strides = array<i32>} : memref<200x128xf32, #tpu.memory_space<vmem>>, vector<1x16xf32>,
          %get3A_355 = vector.shape_cast %get3A_354 : vector<1x16xf32> to vector<16xf32>
          %add3A_356 = arith.addf %scan3A_331, %get3A_355 : vector<16xf32>
          %max3A_357 = arith.maximumf %scan3A_339, %get3A_355 : vector<16xf32>
          %get3A_358 = arith.index_cast %scan3A_329 : i32 to index
          %get3A_359 = arith.constant 32 : index
          %get3A_360 = tpu.vector_load %arg7[%get3A_358, %get3A_359] {strides = array<i32>} : memref<200x128xf32, #tpu.memory_space<vmem>>, vector<1x16xf32>,
          %get3A_361 = vector.shape_cast %get3A_360 : vector<1x16xf32> to vector<16xf32>
          %add3A_362 = arith.addf %scan3A_332, %get3A_361 : vector<16xf32>
          %max3A_363 = arith.maximumf %scan3A_340, %get3A_361 : vector<16xf32>
          %get3A_364 = arith.index_cast %scan3A_329 : i32 to index
          %get3A_365 = arith.constant 48 : index
          %get3A_366 = tpu.vector_load %arg7[%get3A_364, %get3A_365] {strides = array<i32>} : memref<200x128xf32, #tpu.memory_space<vmem>>, vector<1x16xf32>,
          %get3A_367 = vector.shape_cast %get3A_366 : vector<1x16xf32> to vector<16xf32>
          %add3A_368 = arith.addf %scan3A_333, %get3A_367 : vector<16xf32>
          %max3A_369 = arith.maximumf %scan3A_341, %get3A_367 : vector<16xf32>
          %get3A_370 = arith.index_cast %scan3A_329 : i32 to index
          %get3A_371 = arith.constant 64 : index
          %get3A_372 = tpu.vector_load %arg7[%get3A_370, %get3A_371] {strides = array<i32>} : memref<200x128xf32, #tpu.memory_space<vmem>>, vector<1x16xf32>,
          %get3A_373 = vector.shape_cast %get3A_372 : vector<1x16xf32> to vector<16xf32>
          %add3A_374 = arith.addf %scan3A_334, %get3A_373 : vector<16xf32>
          %max3A_375 = arith.maximumf %scan3A_342, %get3A_373 : vector<16xf32>
          %get3A_376 = arith.index_cast %scan3A_329 : i32 to index
          %get3A_377 = arith.constant 80 : index
          %get3A_378 = tpu.vector_load %arg7[%get3A_376, %get3A_377] {strides = array<i32>} : memref<200x128xf32, #tpu.memory_space<vmem>>, vector<1x16xf32>,
          %get3A_379 = vector.shape_cast %get3A_378 : vector<1x16xf32> to vector<16xf32>
          %add3A_380 = arith.addf %scan3A_335, %get3A_379 : vector<16xf32>
          %max3A_381 = arith.maximumf %scan3A_343, %get3A_379 : vector<16xf32>
          %get3A_382 = arith.index_cast %scan3A_329 : i32 to index
          %get3A_383 = arith.constant 96 : index
          %get3A_384 = tpu.vector_load %arg7[%get3A_382, %get3A_383] {strides = array<i32>} : memref<200x128xf32, #tpu.memory_space<vmem>>, vector<1x16xf32>,
          %get3A_385 = vector.shape_cast %get3A_384 : vector<1x16xf32> to vector<16xf32>
          %add3A_386 = arith.addf %scan3A_336, %get3A_385 : vector<16xf32>
          %max3A_387 = arith.maximumf %scan3A_344, %get3A_385 : vector<16xf32>
          %get3A_388 = arith.index_cast %scan3A_329 : i32 to index
          %get3A_389 = arith.constant 112 : index
          %get3A_390 = tpu.vector_load %arg7[%get3A_388, %get3A_389] {strides = array<i32>} : memref<200x128xf32, #tpu.memory_space<vmem>>, vector<1x16xf32>,
          %get3A_391 = vector.shape_cast %get3A_390 : vector<1x16xf32> to vector<16xf32>
          %add3A_392 = arith.addf %scan3A_337, %get3A_391 : vector<16xf32>
          %max3A_393 = arith.maximumf %scan3A_345, %get3A_391 : vector<16xf32>
          scf.yield %add3A_350, %add3A_356, %add3A_362, %add3A_368, %add3A_374, %add3A_380, %add3A_386, %add3A_392, %max3A_351, %max3A_357, %max3A_363, %max3A_369, %max3A_375, %max3A_381, %max3A_387, %max3A_393 : vector<16xf32>, vector<16xf32>, vector<16xf32>, vector<16xf32>, vector<16xf32>, vector<16xf32>, vector<16xf32>, vector<16xf32>, vector<16xf32>, vector<16xf32>, vector<16xf32>, vector<16xf32>, vector<16xf32>, vector<16xf32>, vector<16xf32>, vector<16xf32>
        }
        %scan3A_138 = arith.constant 200 : i32
        %get3A_139 = arith.index_cast %squeeze3A : i32 to index
        %get3A_140 = arith.constant 0 : index
        %get3A_141 = tpu.vector_load %arg11[%get3A_139, %get3A_140] {strides = array<i32>} : memref<32x128xf32, #tpu.memory_space<vmem>>, vector<1x16xf32>,
        %get3A_142 = vector.shape_cast %get3A_141 : vector<1x16xf32> to vector<16xf32>
        %add3A_143 = arith.addf %get3A_142, %scan3A_137#0 : vector<16xf32>
        %swap3A_144 = arith.index_cast %squeeze3A : i32 to index
        %swap3A_145 = arith.constant 0 : index
        %swap3A_146 = tpu.vector_load %arg11[%swap3A_144, %swap3A_145] {strides = array<i32>} : memref<32x128xf32, #tpu.memory_space<vmem>>, vector<1x16xf32>,
        %swap3A_147 = vector.shape_cast %swap3A_146 : vector<1x16xf32> to vector<16xf32>
        %swap3A_148 = vector.shape_cast %add3A_143 : vector<16xf32> to vector<1x16xf32>
        tpu.vector_store %arg11[%swap3A_144, %swap3A_145], %swap3A_148 {strides = array<i32>} : memref<32x128xf32, #tpu.memory_space<vmem>>, vector<1x16xf32>,
        %get3A_149 = arith.index_cast %squeeze3A : i32 to index
        %get3A_150 = arith.constant 0 : index
        %get3A_151 = tpu.vector_load %arg12[%get3A_149, %get3A_150] {strides = array<i32>} : memref<32x128xf32, #tpu.memory_space<vmem>>, vector<1x16xf32>,
        %get3A_152 = vector.shape_cast %get3A_151 : vector<1x16xf32> to vector<16xf32>
        %max3A = arith.maximumf %get3A_152, %scan3A_137#8 : vector<16xf32>
        %swap3A_153 = arith.index_cast %squeeze3A : i32 to index
        %swap3A_154 = arith.constant 0 : index
        %swap3A_155 = tpu.vector_load %arg12[%swap3A_153, %swap3A_154] {strides = array<i32>} : memref<32x128xf32, #tpu.memory_space<vmem>>, vector<1x16xf32>,
        %swap3A_156 = vector.shape_cast %swap3A_155 : vector<1x16xf32> to vector<16xf32>
        %swap3A_157 = vector.shape_cast %max3A : vector<16xf32> to vector<1x16xf32>
        tpu.vector_store %arg12[%swap3A_153, %swap3A_154], %swap3A_157 {strides = array<i32>} : memref<32x128xf32, #tpu.memory_space<vmem>>, vector<1x16xf32>,
        %get3A_158 = arith.index_cast %squeeze3A : i32 to index
        %get3A_159 = arith.constant 16 : index
        %get3A_160 = tpu.vector_load %arg11[%get3A_158, %get3A_159] {strides = array<i32>} : memref<32x128xf32, #tpu.memory_space<vmem>>, vector<1x16xf32>,
        %get3A_161 = vector.shape_cast %get3A_160 : vector<1x16xf32> to vector<16xf32>
        %add3A_162 = arith.addf %get3A_161, %scan3A_137#1 : vector<16xf32>
        %swap3A_163 = arith.index_cast %squeeze3A : i32 to index
        %swap3A_164 = arith.constant 16 : index
        %swap3A_165 = tpu.vector_load %arg11[%swap3A_163, %swap3A_164] {strides = array<i32>} : memref<32x128xf32, #tpu.memory_space<vmem>>, vector<1x16xf32>,
        %swap3A_166 = vector.shape_cast %swap3A_165 : vector<1x16xf32> to vector<16xf32>
        %swap3A_167 = vector.shape_cast %add3A_162 : vector<16xf32> to vector<1x16xf32>
        tpu.vector_store %arg11[%swap3A_163, %swap3A_164], %swap3A_167 {strides = array<i32>} : memref<32x128xf32, #tpu.memory_space<vmem>>, vector<1x16xf32>,
        %get3A_168 = arith.index_cast %squeeze3A : i32 to index
        %get3A_169 = arith.constant 16 : index
        %get3A_170 = tpu.vector_load %arg12[%get3A_168, %get3A_169] {strides = array<i32>} : memref<32x128xf32, #tpu.memory_space<vmem>>, vector<1x16xf32>,
        %get3A_171 = vector.shape_cast %get3A_170 : vector<1x16xf32> to vector<16xf32>
        %max3A_172 = arith.maximumf %get3A_171, %scan3A_137#9 : vector<16xf32>
        %swap3A_173 = arith.index_cast %squeeze3A : i32 to index
        %swap3A_174 = arith.constant 16 : index
        %swap3A_175 = tpu.vector_load %arg12[%swap3A_173, %swap3A_174] {strides = array<i32>} : memref<32x128xf32, #tpu.memory_space<vmem>>, vector<1x16xf32>,
        %swap3A_176 = vector.shape_cast %swap3A_175 : vector<1x16xf32> to vector<16xf32>
        %swap3A_177 = vector.shape_cast %max3A_172 : vector<16xf32> to vector<1x16xf32>
        tpu.vector_store %arg12[%swap3A_173, %swap3A_174], %swap3A_177 {strides = array<i32>} : memref<32x128xf32, #tpu.memory_space<vmem>>, vector<1x16xf32>,
        %get3A_178 = arith.index_cast %squeeze3A : i32 to index
        %get3A_179 = arith.constant 32 : index
        %get3A_180 = tpu.vector_load %arg11[%get3A_178, %get3A_179] {strides = array<i32>} : memref<32x128xf32, #tpu.memory_space<vmem>>, vector<1x16xf32>,
        %get3A_181 = vector.shape_cast %get3A_180 : vector<1x16xf32> to vector<16xf32>
        %add3A_182 = arith.addf %get3A_181, %scan3A_137#2 : vector<16xf32>
        %swap3A_183 = arith.index_cast %squeeze3A : i32 to index
        %swap3A_184 = arith.constant 32 : index
        %swap3A_185 = tpu.vector_load %arg11[%swap3A_183, %swap3A_184] {strides = array<i32>} : memref<32x128xf32, #tpu.memory_space<vmem>>, vector<1x16xf32>,
        %swap3A_186 = vector.shape_cast %swap3A_185 : vector<1x16xf32> to vector<16xf32>
        %swap3A_187 = vector.shape_cast %add3A_182 : vector<16xf32> to vector<1x16xf32>
        tpu.vector_store %arg11[%swap3A_183, %swap3A_184], %swap3A_187 {strides = array<i32>} : memref<32x128xf32, #tpu.memory_space<vmem>>, vector<1x16xf32>,
        %get3A_188 = arith.index_cast %squeeze3A : i32 to index
        %get3A_189 = arith.constant 32 : index
        %get3A_190 = tpu.vector_load %arg12[%get3A_188, %get3A_189] {strides = array<i32>} : memref<32x128xf32, #tpu.memory_space<vmem>>, vector<1x16xf32>,
        %get3A_191 = vector.shape_cast %get3A_190 : vector<1x16xf32> to vector<16xf32>
        %max3A_192 = arith.maximumf %get3A_191, %scan3A_137#10 : vector<16xf32>
        %swap3A_193 = arith.index_cast %squeeze3A : i32 to index
        %swap3A_194 = arith.constant 32 : index
        %swap3A_195 = tpu.vector_load %arg12[%swap3A_193, %swap3A_194] {strides = array<i32>} : memref<32x128xf32, #tpu.memory_space<vmem>>, vector<1x16xf32>,
        %swap3A_196 = vector.shape_cast %swap3A_195 : vector<1x16xf32> to vector<16xf32>
        %swap3A_197 = vector.shape_cast %max3A_192 : vector<16xf32> to vector<1x16xf32>
        tpu.vector_store %arg12[%swap3A_193, %swap3A_194], %swap3A_197 {strides = array<i32>} : memref<32x128xf32, #tpu.memory_space<vmem>>, vector<1x16xf32>,
        %get3A_198 = arith.index_cast %squeeze3A : i32 to index
        %get3A_199 = arith.constant 48 : index
        %get3A_200 = tpu.vector_load %arg11[%get3A_198, %get3A_199] {strides = array<i32>} : memref<32x128xf32, #tpu.memory_space<vmem>>, vector<1x16xf32>,
        %get3A_201 = vector.shape_cast %get3A_200 : vector<1x16xf32> to vector<16xf32>
        %add3A_202 = arith.addf %get3A_201, %scan3A_137#3 : vector<16xf32>
        %swap3A_203 = arith.index_cast %squeeze3A : i32 to index
        %swap3A_204 = arith.constant 48 : index
        %swap3A_205 = tpu.vector_load %arg11[%swap3A_203, %swap3A_204] {strides = array<i32>} : memref<32x128xf32, #tpu.memory_space<vmem>>, vector<1x16xf32>,
        %swap3A_206 = vector.shape_cast %swap3A_205 : vector<1x16xf32> to vector<16xf32>
        %swap3A_207 = vector.shape_cast %add3A_202 : vector<16xf32> to vector<1x16xf32>
        tpu.vector_store %arg11[%swap3A_203, %swap3A_204], %swap3A_207 {strides = array<i32>} : memref<32x128xf32, #tpu.memory_space<vmem>>, vector<1x16xf32>,
        %get3A_208 = arith.index_cast %squeeze3A : i32 to index
        %get3A_209 = arith.constant 48 : index
        %get3A_210 = tpu.vector_load %arg12[%get3A_208, %get3A_209] {strides = array<i32>} : memref<32x128xf32, #tpu.memory_space<vmem>>, vector<1x16xf32>,
        %get3A_211 = vector.shape_cast %get3A_210 : vector<1x16xf32> to vector<16xf32>
        %max3A_212 = arith.maximumf %get3A_211, %scan3A_137#11 : vector<16xf32>
        %swap3A_213 = arith.index_cast %squeeze3A : i32 to index
        %swap3A_214 = arith.constant 48 : index
        %swap3A_215 = tpu.vector_load %arg12[%swap3A_213, %swap3A_214] {strides = array<i32>} : memref<32x128xf32, #tpu.memory_space<vmem>>, vector<1x16xf32>,
        %swap3A_216 = vector.shape_cast %swap3A_215 : vector<1x16xf32> to vector<16xf32>
        %swap3A_217 = vector.shape_cast %max3A_212 : vector<16xf32> to vector<1x16xf32>
        tpu.vector_store %arg12[%swap3A_213, %swap3A_214], %swap3A_217 {strides = array<i32>} : memref<32x128xf32, #tpu.memory_space<vmem>>, vector<1x16xf32>,
        %get3A_218 = arith.index_cast %squeeze3A : i32 to index
        %get3A_219 = arith.constant 64 : index
        %get3A_220 = tpu.vector_load %arg11[%get3A_218, %get3A_219] {strides = array<i32>} : memref<32x128xf32, #tpu.memory_space<vmem>>, vector<1x16xf32>,
        %get3A_221 = vector.shape_cast %get3A_220 : vector<1x16xf32> to vector<16xf32>
        %add3A_222 = arith.addf %get3A_221, %scan3A_137#4 : vector<16xf32>
        %swap3A_223 = arith.index_cast %squeeze3A : i32 to index
        %swap3A_224 = arith.constant 64 : index
        %swap3A_225 = tpu.vector_load %arg11[%swap3A_223, %swap3A_224] {strides = array<i32>} : memref<32x128xf32, #tpu.memory_space<vmem>>, vector<1x16xf32>,
        %swap3A_226 = vector.shape_cast %swap3A_225 : vector<1x16xf32> to vector<16xf32>
        %swap3A_227 = vector.shape_cast %add3A_222 : vector<16xf32> to vector<1x16xf32>
        tpu.vector_store %arg11[%swap3A_223, %swap3A_224], %swap3A_227 {strides = array<i32>} : memref<32x128xf32, #tpu.memory_space<vmem>>, vector<1x16xf32>,
        %get3A_228 = arith.index_cast %squeeze3A : i32 to index
        %get3A_229 = arith.constant 64 : index
        %get3A_230 = tpu.vector_load %arg12[%get3A_228, %get3A_229] {strides = array<i32>} : memref<32x128xf32, #tpu.memory_space<vmem>>, vector<1x16xf32>,
        %get3A_231 = vector.shape_cast %get3A_230 : vector<1x16xf32> to vector<16xf32>
        %max3A_232 = arith.maximumf %get3A_231, %scan3A_137#12 : vector<16xf32>
        %swap3A_233 = arith.index_cast %squeeze3A : i32 to index
        %swap3A_234 = arith.constant 64 : index
        %swap3A_235 = tpu.vector_load %arg12[%swap3A_233, %swap3A_234] {strides = array<i32>} : memref<32x128xf32, #tpu.memory_space<vmem>>, vector<1x16xf32>,
        %swap3A_236 = vector.shape_cast %swap3A_235 : vector<1x16xf32> to vector<16xf32>
        %swap3A_237 = vector.shape_cast %max3A_232 : vector<16xf32> to vector<1x16xf32>
        tpu.vector_store %arg12[%swap3A_233, %swap3A_234], %swap3A_237 {strides = array<i32>} : memref<32x128xf32, #tpu.memory_space<vmem>>, vector<1x16xf32>,
        %get3A_238 = arith.index_cast %squeeze3A : i32 to index
        %get3A_239 = arith.constant 80 : index
        %get3A_240 = tpu.vector_load %arg11[%get3A_238, %get3A_239] {strides = array<i32>} : memref<32x128xf32, #tpu.memory_space<vmem>>, vector<1x16xf32>,
        %get3A_241 = vector.shape_cast %get3A_240 : vector<1x16xf32> to vector<16xf32>
        %add3A_242 = arith.addf %get3A_241, %scan3A_137#5 : vector<16xf32>
        %swap3A_243 = arith.index_cast %squeeze3A : i32 to index
        %swap3A_244 = arith.constant 80 : index
        %swap3A_245 = tpu.vector_load %arg11[%swap3A_243, %swap3A_244] {strides = array<i32>} : memref<32x128xf32, #tpu.memory_space<vmem>>, vector<1x16xf32>,
        %swap3A_246 = vector.shape_cast %swap3A_245 : vector<1x16xf32> to vector<16xf32>
        %swap3A_247 = vector.shape_cast %add3A_242 : vector<16xf32> to vector<1x16xf32>
        tpu.vector_store %arg11[%swap3A_243, %swap3A_244], %swap3A_247 {strides = array<i32>} : memref<32x128xf32, #tpu.memory_space<vmem>>, vector<1x16xf32>,
        %get3A_248 = arith.index_cast %squeeze3A : i32 to index
        %get3A_249 = arith.constant 80 : index
        %get3A_250 = tpu.vector_load %arg12[%get3A_248, %get3A_249] {strides = array<i32>} : memref<32x128xf32, #tpu.memory_space<vmem>>, vector<1x16xf32>,
        %get3A_251 = vector.shape_cast %get3A_250 : vector<1x16xf32> to vector<16xf32>
        %max3A_252 = arith.maximumf %get3A_251, %scan3A_137#13 : vector<16xf32>
        %swap3A_253 = arith.index_cast %squeeze3A : i32 to index
        %swap3A_254 = arith.constant 80 : index
        %swap3A_255 = tpu.vector_load %arg12[%swap3A_253, %swap3A_254] {strides = array<i32>} : memref<32x128xf32, #tpu.memory_space<vmem>>, vector<1x16xf32>,
        %swap3A_256 = vector.shape_cast %swap3A_255 : vector<1x16xf32> to vector<16xf32>
        %swap3A_257 = vector.shape_cast %max3A_252 : vector<16xf32> to vector<1x16xf32>
        tpu.vector_store %arg12[%swap3A_253, %swap3A_254], %swap3A_257 {strides = array<i32>} : memref<32x128xf32, #tpu.memory_space<vmem>>, vector<1x16xf32>,
        %get3A_258 = arith.index_cast %squeeze3A : i32 to index
        %get3A_259 = arith.constant 96 : index
        %get3A_260 = tpu.vector_load %arg11[%get3A_258, %get3A_259] {strides = array<i32>} : memref<32x128xf32, #tpu.memory_space<vmem>>, vector<1x16xf32>,
        %get3A_261 = vector.shape_cast %get3A_260 : vector<1x16xf32> to vector<16xf32>
        %add3A_262 = arith.addf %get3A_261, %scan3A_137#6 : vector<16xf32>
        %swap3A_263 = arith.index_cast %squeeze3A : i32 to index
        %swap3A_264 = arith.constant 96 : index
        %swap3A_265 = tpu.vector_load %arg11[%swap3A_263, %swap3A_264] {strides = array<i32>} : memref<32x128xf32, #tpu.memory_space<vmem>>, vector<1x16xf32>,
        %swap3A_266 = vector.shape_cast %swap3A_265 : vector<1x16xf32> to vector<16xf32>
        %swap3A_267 = vector.shape_cast %add3A_262 : vector<16xf32> to vector<1x16xf32>
        tpu.vector_store %arg11[%swap3A_263, %swap3A_264], %swap3A_267 {strides = array<i32>} : memref<32x128xf32, #tpu.memory_space<vmem>>, vector<1x16xf32>,
        %get3A_268 = arith.index_cast %squeeze3A : i32 to index
        %get3A_269 = arith.constant 96 : index
        %get3A_270 = tpu.vector_load %arg12[%get3A_268, %get3A_269] {strides = array<i32>} : memref<32x128xf32, #tpu.memory_space<vmem>>, vector<1x16xf32>,
        %get3A_271 = vector.shape_cast %get3A_270 : vector<1x16xf32> to vector<16xf32>
        %max3A_272 = arith.maximumf %get3A_271, %scan3A_137#14 : vector<16xf32>
        %swap3A_273 = arith.index_cast %squeeze3A : i32 to index
        %swap3A_274 = arith.constant 96 : index
        %swap3A_275 = tpu.vector_load %arg12[%swap3A_273, %swap3A_274] {strides = array<i32>} : memref<32x128xf32, #tpu.memory_space<vmem>>, vector<1x16xf32>,
        %swap3A_276 = vector.shape_cast %swap3A_275 : vector<1x16xf32> to vector<16xf32>
        %swap3A_277 = vector.shape_cast %max3A_272 : vector<16xf32> to vector<1x16xf32>
        tpu.vector_store %arg12[%swap3A_273, %swap3A_274], %swap3A_277 {strides = array<i32>} : memref<32x128xf32, #tpu.memory_space<vmem>>, vector<1x16xf32>,
        %get3A_278 = arith.index_cast %squeeze3A : i32 to index
        %get3A_279 = arith.constant 112 : index
        %get3A_280 = tpu.vector_load %arg11[%get3A_278, %get3A_279] {strides = array<i32>} : memref<32x128xf32, #tpu.memory_space<vmem>>, vector<1x16xf32>,
        %get3A_281 = vector.shape_cast %get3A_280 : vector<1x16xf32> to vector<16xf32>
        %add3A_282 = arith.addf %get3A_281, %scan3A_137#7 : vector<16xf32>
        %swap3A_283 = arith.index_cast %squeeze3A : i32 to index
        %swap3A_284 = arith.constant 112 : index
        %swap3A_285 = tpu.vector_load %arg11[%swap3A_283, %swap3A_284] {strides = array<i32>} : memref<32x128xf32, #tpu.memory_space<vmem>>, vector<1x16xf32>,
        %swap3A_286 = vector.shape_cast %swap3A_285 : vector<1x16xf32> to vector<16xf32>
        %swap3A_287 = vector.shape_cast %add3A_282 : vector<16xf32> to vector<1x16xf32>
        tpu.vector_store %arg11[%swap3A_283, %swap3A_284], %swap3A_287 {strides = array<i32>} : memref<32x128xf32, #tpu.memory_space<vmem>>, vector<1x16xf32>,
        %get3A_288 = arith.index_cast %squeeze3A : i32 to index
        %get3A_289 = arith.constant 112 : index
        %get3A_290 = tpu.vector_load %arg12[%get3A_288, %get3A_289] {strides = array<i32>} : memref<32x128xf32, #tpu.memory_space<vmem>>, vector<1x16xf32>,
        %get3A_291 = vector.shape_cast %get3A_290 : vector<1x16xf32> to vector<16xf32>
        %max3A_292 = arith.maximumf %get3A_291, %scan3A_137#15 : vector<16xf32>
        %swap3A_293 = arith.index_cast %squeeze3A : i32 to index
        %swap3A_294 = arith.constant 112 : index
        %swap3A_295 = tpu.vector_load %arg12[%swap3A_293, %swap3A_294] {strides = array<i32>} : memref<32x128xf32, #tpu.memory_space<vmem>>, vector<1x16xf32>,
        %swap3A_296 = vector.shape_cast %swap3A_295 : vector<1x16xf32> to vector<16xf32>
        %swap3A_297 = vector.shape_cast %max3A_292 : vector<16xf32> to vector<1x16xf32>
        tpu.vector_store %arg12[%swap3A_293, %swap3A_294], %swap3A_297 {strides = array<i32>} : memref<32x128xf32, #tpu.memory_space<vmem>>, vector<1x16xf32>,
        %iota3A = tpu.iota {dimensions = array<i32: 0>} : vector<16xi32>
        %sub3A = arith.constant 0 : i32
        %sub3A_298 = arith.subi %squeeze3A, %sub3A : i32
        %eq3A_299 = vector.broadcast %sub3A_298 : i32 to vector<16xi32>
        %eq3A_300 = arith.cmpi eq, %iota3A, %eq3A_299 : vector<16xi32>
        %jit3A = arith.constant 2.000000e+02 : f32
        %jit3A_301 = arith.constant 0.000000e+00 : f32
        %broadcast_in_dim3A_302 = vector.broadcast %jit3A : f32 to vector<16xf32>
        %broadcast_in_dim3A_303 = vector.broadcast %jit3A_301 : f32 to vector<16xf32>
        %select_n3A = arith.select %eq3A_300, %broadcast_in_dim3A_302, %broadcast_in_dim3A_303 : vector<16xi1>, vector<16xf32>
        %get3A_304 = arith.constant 0 : index
        %get3A_305 = tpu.vector_load %arg13[%get3A_304] {strides = array<i32>} : memref<32xf32, #tpu.memory_space<vmem>>, vector<16xf32>,
        %get3A_306 = vector.shape_cast %get3A_305 : vector<16xf32> to vector<16xf32>
        %add3A_307 = arith.addf %get3A_306, %select_n3A : vector<16xf32>
        %swap3A_308 = arith.constant 0 : index
        %swap3A_309 = tpu.vector_load %arg13[%swap3A_308] {strides = array<i32>} : memref<32xf32, #tpu.memory_space<vmem>>, vector<16xf32>,
        %swap3A_310 = vector.shape_cast %swap3A_309 : vector<16xf32> to vector<16xf32>
        %swap3A_311 = vector.shape_cast %add3A_307 : vector<16xf32> to vector<16xf32>
        tpu.vector_store %arg13[%swap3A_308], %swap3A_311 {strides = array<i32>} : memref<32xf32, #tpu.memory_space<vmem>>, vector<16xf32>,
        %sub3A_312 = arith.constant 16 : i32
        %sub3A_313 = arith.subi %squeeze3A, %sub3A_312 : i32
        %eq3A_314 = vector.broadcast %sub3A_313 : i32 to vector<16xi32>
        %eq3A_315 = arith.cmpi eq, %iota3A, %eq3A_314 : vector<16xi32>
        %jit3A_316 = arith.constant 2.000000e+02 : f32
        %jit3A_317 = arith.constant 0.000000e+00 : f32
        %broadcast_in_dim3A_318 = vector.broadcast %jit3A_316 : f32 to vector<16xf32>
        %broadcast_in_dim3A_319 = vector.broadcast %jit3A_317 : f32 to vector<16xf32>
        %select_n3A_320 = arith.select %eq3A_315, %broadcast_in_dim3A_318, %broadcast_in_dim3A_319 : vector<16xi1>, vector<16xf32>
        %get3A_321 = arith.constant 16 : index
        %get3A_322 = tpu.vector_load %arg13[%get3A_321] {strides = array<i32>} : memref<32xf32, #tpu.memory_space<vmem>>, vector<16xf32>,
        %get3A_323 = vector.shape_cast %get3A_322 : vector<16xf32> to vector<16xf32>
        %add3A_324 = arith.addf %get3A_323, %select_n3A_320 : vector<16xf32>
        %swap3A_325 = arith.constant 16 : index
        %swap3A_326 = tpu.vector_load %arg13[%swap3A_325] {strides = array<i32>} : memref<32xf32, #tpu.memory_space<vmem>>, vector<16xf32>,
        %swap3A_327 = vector.shape_cast %swap3A_326 : vector<16xf32> to vector<16xf32>
        %swap3A_328 = vector.shape_cast %add3A_324 : vector<16xf32> to vector<16xf32>
        tpu.vector_store %arg13[%swap3A_325], %swap3A_328 {strides = array<i32>} : memref<32xf32, #tpu.memory_space<vmem>>, vector<16xf32>,
      } else {
      }
      %ne3A = arith.cmpi ne, %squeeze3A, %squeeze3A_82 : i32
      %convert_element_type3A_86 = arith.extui %ne3A : i1 to i32
      %cond3A_87 = arith.constant 0 : i32
      %cond3A_88 = arith.cmpi ne, %convert_element_type3A_86, %cond3A_87 : i32
      scf.if %cond3A_88 {
        %scan3A_133 = arith.constant 0 : i32
        %scan3A_134 = arith.constant 0 : i32
        %scan3A_135 = arith.constant 200 : i32
        %scan3A_136 = arith.addi %scan3A_134, %scan3A_135 : i32
        %scan3A_137 = arith.constant 1 : i32
        %scan3A_138 = scf.for %scan3A_140 = %scan3A_134 to %scan3A_136 step %scan3A_137 iter_args(%scan3A_141 = %scan3A_133) -> (i32)  : i32 {
          %get3A_142 = arith.index_cast %scan3A_140 : i32 to index
          %get3A_143 = tpu.vector_load %arg9[%get3A_142] {strides = array<i32>} : memref<216xi32, #tpu.memory_space<vmem>>, vector<16xi32>,
          %get3A_144 = vector.shape_cast %get3A_143 : vector<16xi32> to vector<16xi32>
          %slice3A_145 = vector.extract_strided_slice %get3A_144 {offsets = [0], sizes = [1], strides = [1]} : vector<16xi32> to vector<1xi32>
          %squeeze3A_146 = vector.extract %slice3A_145[0] : i32 from vector<1xi32>
          %get3A_147 = arith.index_cast %scan3A_140 : i32 to index
          %get3A_148 = arith.constant 0 : index
          %get3A_149 = tpu.vector_load %arg7[%get3A_147, %get3A_148] {strides = array<i32>} : memref<200x128xf32, #tpu.memory_space<vmem>>, vector<1x16xf32>,
          %get3A_150 = vector.shape_cast %get3A_149 : vector<1x16xf32> to vector<16xf32>
          %get3A_151 = arith.index_cast %squeeze3A_146 : i32 to index
          %get3A_152 = arith.constant 0 : index
          %get3A_153 = tpu.vector_load %arg11[%get3A_151, %get3A_152] {strides = array<i32>} : memref<32x128xf32, #tpu.memory_space<vmem>>, vector<1x16xf32>,
          %get3A_154 = vector.shape_cast %get3A_153 : vector<1x16xf32> to vector<16xf32>
          %add3A_155 = arith.addf %get3A_154, %get3A_150 : vector<16xf32>
          %swap3A_156 = arith.index_cast %squeeze3A_146 : i32 to index
          %swap3A_157 = arith.constant 0 : index
          %swap3A_158 = tpu.vector_load %arg11[%swap3A_156, %swap3A_157] {strides = array<i32>} : memref<32x128xf32, #tpu.memory_space<vmem>>, vector<1x16xf32>,
          %swap3A_159 = vector.shape_cast %swap3A_158 : vector<1x16xf32> to vector<16xf32>
          %swap3A_160 = vector.shape_cast %add3A_155 : vector<16xf32> to vector<1x16xf32>
          tpu.vector_store %arg11[%swap3A_156, %swap3A_157], %swap3A_160 {strides = array<i32>} : memref<32x128xf32, #tpu.memory_space<vmem>>, vector<1x16xf32>,
          %get3A_161 = arith.index_cast %squeeze3A_146 : i32 to index
          %get3A_162 = arith.constant 0 : index
          %get3A_163 = tpu.vector_load %arg12[%get3A_161, %get3A_162] {strides = array<i32>} : memref<32x128xf32, #tpu.memory_space<vmem>>, vector<1x16xf32>,
          %get3A_164 = vector.shape_cast %get3A_163 : vector<1x16xf32> to vector<16xf32>
          %max3A = arith.maximumf %get3A_164, %get3A_150 : vector<16xf32>
          %swap3A_165 = arith.index_cast %squeeze3A_146 : i32 to index
          %swap3A_166 = arith.constant 0 : index
          %swap3A_167 = tpu.vector_load %arg12[%swap3A_165, %swap3A_166] {strides = array<i32>} : memref<32x128xf32, #tpu.memory_space<vmem>>, vector<1x16xf32>,
          %swap3A_168 = vector.shape_cast %swap3A_167 : vector<1x16xf32> to vector<16xf32>
          %swap3A_169 = vector.shape_cast %max3A : vector<16xf32> to vector<1x16xf32>
          tpu.vector_store %arg12[%swap3A_165, %swap3A_166], %swap3A_169 {strides = array<i32>} : memref<32x128xf32, #tpu.memory_space<vmem>>, vector<1x16xf32>,
          %get3A_170 = arith.index_cast %scan3A_140 : i32 to index
          %get3A_171 = arith.constant 16 : index
          %get3A_172 = tpu.vector_load %arg7[%get3A_170, %get3A_171] {strides = array<i32>} : memref<200x128xf32, #tpu.memory_space<vmem>>, vector<1x16xf32>,
          %get3A_173 = vector.shape_cast %get3A_172 : vector<1x16xf32> to vector<16xf32>
          %get3A_174 = arith.index_cast %squeeze3A_146 : i32 to index
          %get3A_175 = arith.constant 16 : index
          %get3A_176 = tpu.vector_load %arg11[%get3A_174, %get3A_175] {strides = array<i32>} : memref<32x128xf32, #tpu.memory_space<vmem>>, vector<1x16xf32>,
          %get3A_177 = vector.shape_cast %get3A_176 : vector<1x16xf32> to vector<16xf32>
          %add3A_178 = arith.addf %get3A_177, %get3A_173 : vector<16xf32>
          %swap3A_179 = arith.index_cast %squeeze3A_146 : i32 to index
          %swap3A_180 = arith.constant 16 : index
          %swap3A_181 = tpu.vector_load %arg11[%swap3A_179, %swap3A_180] {strides = array<i32>} : memref<32x128xf32, #tpu.memory_space<vmem>>, vector<1x16xf32>,
          %swap3A_182 = vector.shape_cast %swap3A_181 : vector<1x16xf32> to vector<16xf32>
          %swap3A_183 = vector.shape_cast %add3A_178 : vector<16xf32> to vector<1x16xf32>
          tpu.vector_store %arg11[%swap3A_179, %swap3A_180], %swap3A_183 {strides = array<i32>} : memref<32x128xf32, #tpu.memory_space<vmem>>, vector<1x16xf32>,
          %get3A_184 = arith.index_cast %squeeze3A_146 : i32 to index
          %get3A_185 = arith.constant 16 : index
          %get3A_186 = tpu.vector_load %arg12[%get3A_184, %get3A_185] {strides = array<i32>} : memref<32x128xf32, #tpu.memory_space<vmem>>, vector<1x16xf32>,
          %get3A_187 = vector.shape_cast %get3A_186 : vector<1x16xf32> to vector<16xf32>
          %max3A_188 = arith.maximumf %get3A_187, %get3A_173 : vector<16xf32>
          %swap3A_189 = arith.index_cast %squeeze3A_146 : i32 to index
          %swap3A_190 = arith.constant 16 : index
          %swap3A_191 = tpu.vector_load %arg12[%swap3A_189, %swap3A_190] {strides = array<i32>} : memref<32x128xf32, #tpu.memory_space<vmem>>, vector<1x16xf32>,
          %swap3A_192 = vector.shape_cast %swap3A_191 : vector<1x16xf32> to vector<16xf32>
          %swap3A_193 = vector.shape_cast %max3A_188 : vector<16xf32> to vector<1x16xf32>
          tpu.vector_store %arg12[%swap3A_189, %swap3A_190], %swap3A_193 {strides = array<i32>} : memref<32x128xf32, #tpu.memory_space<vmem>>, vector<1x16xf32>,
          %get3A_194 = arith.index_cast %scan3A_140 : i32 to index
          %get3A_195 = arith.constant 32 : index
          %get3A_196 = tpu.vector_load %arg7[%get3A_194, %get3A_195] {strides = array<i32>} : memref<200x128xf32, #tpu.memory_space<vmem>>, vector<1x16xf32>,
          %get3A_197 = vector.shape_cast %get3A_196 : vector<1x16xf32> to vector<16xf32>
          %get3A_198 = arith.index_cast %squeeze3A_146 : i32 to index
          %get3A_199 = arith.constant 32 : index
          %get3A_200 = tpu.vector_load %arg11[%get3A_198, %get3A_199] {strides = array<i32>} : memref<32x128xf32, #tpu.memory_space<vmem>>, vector<1x16xf32>,
          %get3A_201 = vector.shape_cast %get3A_200 : vector<1x16xf32> to vector<16xf32>
          %add3A_202 = arith.addf %get3A_201, %get3A_197 : vector<16xf32>
          %swap3A_203 = arith.index_cast %squeeze3A_146 : i32 to index
          %swap3A_204 = arith.constant 32 : index
          %swap3A_205 = tpu.vector_load %arg11[%swap3A_203, %swap3A_204] {strides = array<i32>} : memref<32x128xf32, #tpu.memory_space<vmem>>, vector<1x16xf32>,
          %swap3A_206 = vector.shape_cast %swap3A_205 : vector<1x16xf32> to vector<16xf32>
          %swap3A_207 = vector.shape_cast %add3A_202 : vector<16xf32> to vector<1x16xf32>
          tpu.vector_store %arg11[%swap3A_203, %swap3A_204], %swap3A_207 {strides = array<i32>} : memref<32x128xf32, #tpu.memory_space<vmem>>, vector<1x16xf32>,
          %get3A_208 = arith.index_cast %squeeze3A_146 : i32 to index
          %get3A_209 = arith.constant 32 : index
          %get3A_210 = tpu.vector_load %arg12[%get3A_208, %get3A_209] {strides = array<i32>} : memref<32x128xf32, #tpu.memory_space<vmem>>, vector<1x16xf32>,
          %get3A_211 = vector.shape_cast %get3A_210 : vector<1x16xf32> to vector<16xf32>
          %max3A_212 = arith.maximumf %get3A_211, %get3A_197 : vector<16xf32>
          %swap3A_213 = arith.index_cast %squeeze3A_146 : i32 to index
          %swap3A_214 = arith.constant 32 : index
          %swap3A_215 = tpu.vector_load %arg12[%swap3A_213, %swap3A_214] {strides = array<i32>} : memref<32x128xf32, #tpu.memory_space<vmem>>, vector<1x16xf32>,
          %swap3A_216 = vector.shape_cast %swap3A_215 : vector<1x16xf32> to vector<16xf32>
          %swap3A_217 = vector.shape_cast %max3A_212 : vector<16xf32> to vector<1x16xf32>
          tpu.vector_store %arg12[%swap3A_213, %swap3A_214], %swap3A_217 {strides = array<i32>} : memref<32x128xf32, #tpu.memory_space<vmem>>, vector<1x16xf32>,
          %get3A_218 = arith.index_cast %scan3A_140 : i32 to index
          %get3A_219 = arith.constant 48 : index
          %get3A_220 = tpu.vector_load %arg7[%get3A_218, %get3A_219] {strides = array<i32>} : memref<200x128xf32, #tpu.memory_space<vmem>>, vector<1x16xf32>,
          %get3A_221 = vector.shape_cast %get3A_220 : vector<1x16xf32> to vector<16xf32>
          %get3A_222 = arith.index_cast %squeeze3A_146 : i32 to index
          %get3A_223 = arith.constant 48 : index
          %get3A_224 = tpu.vector_load %arg11[%get3A_222, %get3A_223] {strides = array<i32>} : memref<32x128xf32, #tpu.memory_space<vmem>>, vector<1x16xf32>,
          %get3A_225 = vector.shape_cast %get3A_224 : vector<1x16xf32> to vector<16xf32>
          %add3A_226 = arith.addf %get3A_225, %get3A_221 : vector<16xf32>
          %swap3A_227 = arith.index_cast %squeeze3A_146 : i32 to index
          %swap3A_228 = arith.constant 48 : index
          %swap3A_229 = tpu.vector_load %arg11[%swap3A_227, %swap3A_228] {strides = array<i32>} : memref<32x128xf32, #tpu.memory_space<vmem>>, vector<1x16xf32>,
          %swap3A_230 = vector.shape_cast %swap3A_229 : vector<1x16xf32> to vector<16xf32>
          %swap3A_231 = vector.shape_cast %add3A_226 : vector<16xf32> to vector<1x16xf32>
          tpu.vector_store %arg11[%swap3A_227, %swap3A_228], %swap3A_231 {strides = array<i32>} : memref<32x128xf32, #tpu.memory_space<vmem>>, vector<1x16xf32>,
          %get3A_232 = arith.index_cast %squeeze3A_146 : i32 to index
          %get3A_233 = arith.constant 48 : index
          %get3A_234 = tpu.vector_load %arg12[%get3A_232, %get3A_233] {strides = array<i32>} : memref<32x128xf32, #tpu.memory_space<vmem>>, vector<1x16xf32>,
          %get3A_235 = vector.shape_cast %get3A_234 : vector<1x16xf32> to vector<16xf32>
          %max3A_236 = arith.maximumf %get3A_235, %get3A_221 : vector<16xf32>
          %swap3A_237 = arith.index_cast %squeeze3A_146 : i32 to index
          %swap3A_238 = arith.constant 48 : index
          %swap3A_239 = tpu.vector_load %arg12[%swap3A_237, %swap3A_238] {strides = array<i32>} : memref<32x128xf32, #tpu.memory_space<vmem>>, vector<1x16xf32>,
          %swap3A_240 = vector.shape_cast %swap3A_239 : vector<1x16xf32> to vector<16xf32>
          %swap3A_241 = vector.shape_cast %max3A_236 : vector<16xf32> to vector<1x16xf32>
          tpu.vector_store %arg12[%swap3A_237, %swap3A_238], %swap3A_241 {strides = array<i32>} : memref<32x128xf32, #tpu.memory_space<vmem>>, vector<1x16xf32>,
          %get3A_242 = arith.index_cast %scan3A_140 : i32 to index
          %get3A_243 = arith.constant 64 : index
          %get3A_244 = tpu.vector_load %arg7[%get3A_242, %get3A_243] {strides = array<i32>} : memref<200x128xf32, #tpu.memory_space<vmem>>, vector<1x16xf32>,
          %get3A_245 = vector.shape_cast %get3A_244 : vector<1x16xf32> to vector<16xf32>
          %get3A_246 = arith.index_cast %squeeze3A_146 : i32 to index
          %get3A_247 = arith.constant 64 : index
          %get3A_248 = tpu.vector_load %arg11[%get3A_246, %get3A_247] {strides = array<i32>} : memref<32x128xf32, #tpu.memory_space<vmem>>, vector<1x16xf32>,
          %get3A_249 = vector.shape_cast %get3A_248 : vector<1x16xf32> to vector<16xf32>
          %add3A_250 = arith.addf %get3A_249, %get3A_245 : vector<16xf32>
          %swap3A_251 = arith.index_cast %squeeze3A_146 : i32 to index
          %swap3A_252 = arith.constant 64 : index
          %swap3A_253 = tpu.vector_load %arg11[%swap3A_251, %swap3A_252] {strides = array<i32>} : memref<32x128xf32, #tpu.memory_space<vmem>>, vector<1x16xf32>,
          %swap3A_254 = vector.shape_cast %swap3A_253 : vector<1x16xf32> to vector<16xf32>
          %swap3A_255 = vector.shape_cast %add3A_250 : vector<16xf32> to vector<1x16xf32>
          tpu.vector_store %arg11[%swap3A_251, %swap3A_252], %swap3A_255 {strides = array<i32>} : memref<32x128xf32, #tpu.memory_space<vmem>>, vector<1x16xf32>,
          %get3A_256 = arith.index_cast %squeeze3A_146 : i32 to index
          %get3A_257 = arith.constant 64 : index
          %get3A_258 = tpu.vector_load %arg12[%get3A_256, %get3A_257] {strides = array<i32>} : memref<32x128xf32, #tpu.memory_space<vmem>>, vector<1x16xf32>,
          %get3A_259 = vector.shape_cast %get3A_258 : vector<1x16xf32> to vector<16xf32>
          %max3A_260 = arith.maximumf %get3A_259, %get3A_245 : vector<16xf32>
          %swap3A_261 = arith.index_cast %squeeze3A_146 : i32 to index
          %swap3A_262 = arith.constant 64 : index
          %swap3A_263 = tpu.vector_load %arg12[%swap3A_261, %swap3A_262] {strides = array<i32>} : memref<32x128xf32, #tpu.memory_space<vmem>>, vector<1x16xf32>,
          %swap3A_264 = vector.shape_cast %swap3A_263 : vector<1x16xf32> to vector<16xf32>
          %swap3A_265 = vector.shape_cast %max3A_260 : vector<16xf32> to vector<1x16xf32>
          tpu.vector_store %arg12[%swap3A_261, %swap3A_262], %swap3A_265 {strides = array<i32>} : memref<32x128xf32, #tpu.memory_space<vmem>>, vector<1x16xf32>,
          %get3A_266 = arith.index_cast %scan3A_140 : i32 to index
          %get3A_267 = arith.constant 80 : index
          %get3A_268 = tpu.vector_load %arg7[%get3A_266, %get3A_267] {strides = array<i32>} : memref<200x128xf32, #tpu.memory_space<vmem>>, vector<1x16xf32>,
          %get3A_269 = vector.shape_cast %get3A_268 : vector<1x16xf32> to vector<16xf32>
          %get3A_270 = arith.index_cast %squeeze3A_146 : i32 to index
          %get3A_271 = arith.constant 80 : index
          %get3A_272 = tpu.vector_load %arg11[%get3A_270, %get3A_271] {strides = array<i32>} : memref<32x128xf32, #tpu.memory_space<vmem>>, vector<1x16xf32>,
          %get3A_273 = vector.shape_cast %get3A_272 : vector<1x16xf32> to vector<16xf32>
          %add3A_274 = arith.addf %get3A_273, %get3A_269 : vector<16xf32>
          %swap3A_275 = arith.index_cast %squeeze3A_146 : i32 to index
          %swap3A_276 = arith.constant 80 : index
          %swap3A_277 = tpu.vector_load %arg11[%swap3A_275, %swap3A_276] {strides = array<i32>} : memref<32x128xf32, #tpu.memory_space<vmem>>, vector<1x16xf32>,
          %swap3A_278 = vector.shape_cast %swap3A_277 : vector<1x16xf32> to vector<16xf32>
          %swap3A_279 = vector.shape_cast %add3A_274 : vector<16xf32> to vector<1x16xf32>
          tpu.vector_store %arg11[%swap3A_275, %swap3A_276], %swap3A_279 {strides = array<i32>} : memref<32x128xf32, #tpu.memory_space<vmem>>, vector<1x16xf32>,
          %get3A_280 = arith.index_cast %squeeze3A_146 : i32 to index
          %get3A_281 = arith.constant 80 : index
          %get3A_282 = tpu.vector_load %arg12[%get3A_280, %get3A_281] {strides = array<i32>} : memref<32x128xf32, #tpu.memory_space<vmem>>, vector<1x16xf32>,
          %get3A_283 = vector.shape_cast %get3A_282 : vector<1x16xf32> to vector<16xf32>
          %max3A_284 = arith.maximumf %get3A_283, %get3A_269 : vector<16xf32>
          %swap3A_285 = arith.index_cast %squeeze3A_146 : i32 to index
          %swap3A_286 = arith.constant 80 : index
          %swap3A_287 = tpu.vector_load %arg12[%swap3A_285, %swap3A_286] {strides = array<i32>} : memref<32x128xf32, #tpu.memory_space<vmem>>, vector<1x16xf32>,
          %swap3A_288 = vector.shape_cast %swap3A_287 : vector<1x16xf32> to vector<16xf32>
          %swap3A_289 = vector.shape_cast %max3A_284 : vector<16xf32> to vector<1x16xf32>
          tpu.vector_store %arg12[%swap3A_285, %swap3A_286], %swap3A_289 {strides = array<i32>} : memref<32x128xf32, #tpu.memory_space<vmem>>, vector<1x16xf32>,
          %get3A_290 = arith.index_cast %scan3A_140 : i32 to index
          %get3A_291 = arith.constant 96 : index
          %get3A_292 = tpu.vector_load %arg7[%get3A_290, %get3A_291] {strides = array<i32>} : memref<200x128xf32, #tpu.memory_space<vmem>>, vector<1x16xf32>,
          %get3A_293 = vector.shape_cast %get3A_292 : vector<1x16xf32> to vector<16xf32>
          %get3A_294 = arith.index_cast %squeeze3A_146 : i32 to index
          %get3A_295 = arith.constant 96 : index
          %get3A_296 = tpu.vector_load %arg11[%get3A_294, %get3A_295] {strides = array<i32>} : memref<32x128xf32, #tpu.memory_space<vmem>>, vector<1x16xf32>,
          %get3A_297 = vector.shape_cast %get3A_296 : vector<1x16xf32> to vector<16xf32>
          %add3A_298 = arith.addf %get3A_297, %get3A_293 : vector<16xf32>
          %swap3A_299 = arith.index_cast %squeeze3A_146 : i32 to index
          %swap3A_300 = arith.constant 96 : index
          %swap3A_301 = tpu.vector_load %arg11[%swap3A_299, %swap3A_300] {strides = array<i32>} : memref<32x128xf32, #tpu.memory_space<vmem>>, vector<1x16xf32>,
          %swap3A_302 = vector.shape_cast %swap3A_301 : vector<1x16xf32> to vector<16xf32>
          %swap3A_303 = vector.shape_cast %add3A_298 : vector<16xf32> to vector<1x16xf32>
          tpu.vector_store %arg11[%swap3A_299, %swap3A_300], %swap3A_303 {strides = array<i32>} : memref<32x128xf32, #tpu.memory_space<vmem>>, vector<1x16xf32>,
          %get3A_304 = arith.index_cast %squeeze3A_146 : i32 to index
          %get3A_305 = arith.constant 96 : index
          %get3A_306 = tpu.vector_load %arg12[%get3A_304, %get3A_305] {strides = array<i32>} : memref<32x128xf32, #tpu.memory_space<vmem>>, vector<1x16xf32>,
          %get3A_307 = vector.shape_cast %get3A_306 : vector<1x16xf32> to vector<16xf32>
          %max3A_308 = arith.maximumf %get3A_307, %get3A_293 : vector<16xf32>
          %swap3A_309 = arith.index_cast %squeeze3A_146 : i32 to index
          %swap3A_310 = arith.constant 96 : index
          %swap3A_311 = tpu.vector_load %arg12[%swap3A_309, %swap3A_310] {strides = array<i32>} : memref<32x128xf32, #tpu.memory_space<vmem>>, vector<1x16xf32>,
          %swap3A_312 = vector.shape_cast %swap3A_311 : vector<1x16xf32> to vector<16xf32>
          %swap3A_313 = vector.shape_cast %max3A_308 : vector<16xf32> to vector<1x16xf32>
          tpu.vector_store %arg12[%swap3A_309, %swap3A_310], %swap3A_313 {strides = array<i32>} : memref<32x128xf32, #tpu.memory_space<vmem>>, vector<1x16xf32>,
          %get3A_314 = arith.index_cast %scan3A_140 : i32 to index
          %get3A_315 = arith.constant 112 : index
          %get3A_316 = tpu.vector_load %arg7[%get3A_314, %get3A_315] {strides = array<i32>} : memref<200x128xf32, #tpu.memory_space<vmem>>, vector<1x16xf32>,
          %get3A_317 = vector.shape_cast %get3A_316 : vector<1x16xf32> to vector<16xf32>
          %get3A_318 = arith.index_cast %squeeze3A_146 : i32 to index
          %get3A_319 = arith.constant 112 : index
          %get3A_320 = tpu.vector_load %arg11[%get3A_318, %get3A_319] {strides = array<i32>} : memref<32x128xf32, #tpu.memory_space<vmem>>, vector<1x16xf32>,
          %get3A_321 = vector.shape_cast %get3A_320 : vector<1x16xf32> to vector<16xf32>
          %add3A_322 = arith.addf %get3A_321, %get3A_317 : vector<16xf32>
          %swap3A_323 = arith.index_cast %squeeze3A_146 : i32 to index
          %swap3A_324 = arith.constant 112 : index
          %swap3A_325 = tpu.vector_load %arg11[%swap3A_323, %swap3A_324] {strides = array<i32>} : memref<32x128xf32, #tpu.memory_space<vmem>>, vector<1x16xf32>,
          %swap3A_326 = vector.shape_cast %swap3A_325 : vector<1x16xf32> to vector<16xf32>
          %swap3A_327 = vector.shape_cast %add3A_322 : vector<16xf32> to vector<1x16xf32>
          tpu.vector_store %arg11[%swap3A_323, %swap3A_324], %swap3A_327 {strides = array<i32>} : memref<32x128xf32, #tpu.memory_space<vmem>>, vector<1x16xf32>,
          %get3A_328 = arith.index_cast %squeeze3A_146 : i32 to index
          %get3A_329 = arith.constant 112 : index
          %get3A_330 = tpu.vector_load %arg12[%get3A_328, %get3A_329] {strides = array<i32>} : memref<32x128xf32, #tpu.memory_space<vmem>>, vector<1x16xf32>,
          %get3A_331 = vector.shape_cast %get3A_330 : vector<1x16xf32> to vector<16xf32>
          %max3A_332 = arith.maximumf %get3A_331, %get3A_317 : vector<16xf32>
          %swap3A_333 = arith.index_cast %squeeze3A_146 : i32 to index
          %swap3A_334 = arith.constant 112 : index
          %swap3A_335 = tpu.vector_load %arg12[%swap3A_333, %swap3A_334] {strides = array<i32>} : memref<32x128xf32, #tpu.memory_space<vmem>>, vector<1x16xf32>,
          %swap3A_336 = vector.shape_cast %swap3A_335 : vector<1x16xf32> to vector<16xf32>
          %swap3A_337 = vector.shape_cast %max3A_332 : vector<16xf32> to vector<1x16xf32>
          tpu.vector_store %arg12[%swap3A_333, %swap3A_334], %swap3A_337 {strides = array<i32>} : memref<32x128xf32, #tpu.memory_space<vmem>>, vector<1x16xf32>,
          %iota3A = tpu.iota {dimensions = array<i32: 0>} : vector<16xi32>
          %sub3A = arith.constant 0 : i32
          %sub3A_338 = arith.subi %squeeze3A_146, %sub3A : i32
          %eq3A_339 = vector.broadcast %sub3A_338 : i32 to vector<16xi32>
          %eq3A_340 = arith.cmpi eq, %iota3A, %eq3A_339 : vector<16xi32>
          %jit3A = arith.constant 1.000000e+00 : f32
          %jit3A_341 = arith.constant 0.000000e+00 : f32
          %broadcast_in_dim3A_342 = vector.broadcast %jit3A : f32 to vector<16xf32>
          %broadcast_in_dim3A_343 = vector.broadcast %jit3A_341 : f32 to vector<16xf32>
          %select_n3A = arith.select %eq3A_340, %broadcast_in_dim3A_342, %broadcast_in_dim3A_343 : vector<16xi1>, vector<16xf32>
          %get3A_344 = arith.constant 0 : index
          %get3A_345 = tpu.vector_load %arg13[%get3A_344] {strides = array<i32>} : memref<32xf32, #tpu.memory_space<vmem>>, vector<16xf32>,
          %get3A_346 = vector.shape_cast %get3A_345 : vector<16xf32> to vector<16xf32>
          %add3A_347 = arith.addf %get3A_346, %select_n3A : vector<16xf32>
          %swap3A_348 = arith.constant 0 : index
          %swap3A_349 = tpu.vector_load %arg13[%swap3A_348] {strides = array<i32>} : memref<32xf32, #tpu.memory_space<vmem>>, vector<16xf32>,
          %swap3A_350 = vector.shape_cast %swap3A_349 : vector<16xf32> to vector<16xf32>
          %swap3A_351 = vector.shape_cast %add3A_347 : vector<16xf32> to vector<16xf32>
          tpu.vector_store %arg13[%swap3A_348], %swap3A_351 {strides = array<i32>} : memref<32xf32, #tpu.memory_space<vmem>>, vector<16xf32>,
          %sub3A_352 = arith.constant 16 : i32
          %sub3A_353 = arith.subi %squeeze3A_146, %sub3A_352 : i32
          %eq3A_354 = vector.broadcast %sub3A_353 : i32 to vector<16xi32>
          %eq3A_355 = arith.cmpi eq, %iota3A, %eq3A_354 : vector<16xi32>
          %jit3A_356 = arith.constant 1.000000e+00 : f32
          %jit3A_357 = arith.constant 0.000000e+00 : f32
          %broadcast_in_dim3A_358 = vector.broadcast %jit3A_356 : f32 to vector<16xf32>
          %broadcast_in_dim3A_359 = vector.broadcast %jit3A_357 : f32 to vector<16xf32>
          %select_n3A_360 = arith.select %eq3A_355, %broadcast_in_dim3A_358, %broadcast_in_dim3A_359 : vector<16xi1>, vector<16xf32>
          %get3A_361 = arith.constant 16 : index
          %get3A_362 = tpu.vector_load %arg13[%get3A_361] {strides = array<i32>} : memref<32xf32, #tpu.memory_space<vmem>>, vector<16xf32>,
          %get3A_363 = vector.shape_cast %get3A_362 : vector<16xf32> to vector<16xf32>
          %add3A_364 = arith.addf %get3A_363, %select_n3A_360 : vector<16xf32>
          %swap3A_365 = arith.constant 16 : index
          %swap3A_366 = tpu.vector_load %arg13[%swap3A_365] {strides = array<i32>} : memref<32xf32, #tpu.memory_space<vmem>>, vector<16xf32>,
          %swap3A_367 = vector.shape_cast %swap3A_366 : vector<16xf32> to vector<16xf32>
          %swap3A_368 = vector.shape_cast %add3A_364 : vector<16xf32> to vector<16xf32>
          tpu.vector_store %arg13[%swap3A_365], %swap3A_368 {strides = array<i32>} : memref<32xf32, #tpu.memory_space<vmem>>, vector<16xf32>,
          %scan3A_369 = arith.constant 0 : i32
          scf.yield %scan3A_369 : i32
        }
        %scan3A_139 = arith.constant 200 : i32
      } else {
      }
      %mul3A_89 = arith.constant 2 : i32
      %mul3A_90 = arith.muli %mul3A_89, %scan3A_53 : i32
      %add3A_91 = arith.constant 1 : i32
      %add3A_92 = arith.addi %mul3A_90, %add3A_91 : i32
      %add3A_93 = arith.constant 1 : i32
      %add3A_94 = arith.addi %add3A_92, %add3A_93 : i32
      %lt3A_95 = arith.constant 26 : i32
      %lt3A_96 = arith.cmpi slt, %add3A_94, %lt3A_95 : i32
      %convert_element_type3A_97 = arith.extui %lt3A_96 : i1 to i32
      %cond3A_98 = arith.constant 0 : i32
      %cond3A_99 = arith.cmpi ne, %convert_element_type3A_97, %cond3A_98 : i32
      scf.if %cond3A_99 {
        %add3A_133 = arith.constant 1 : i32
        %add3A_134 = arith.addi %add3A_92, %add3A_133 : i32
        %mul3A_135 = arith.constant 200 : i32
        %mul3A_136 = arith.muli %add3A_134, %mul3A_135 : i32
        %add3A_137 = arith.addi %mul3A_2, %mul3A_136 : i32
        %dma_start3A_138 = arith.constant 0 : i32
        %dma_start3A_139 = tpu.memref_slice %arg2[%add3A_137, %dma_start3A_138] : memref<320000x128xf32, #tpu.memory_space<hbm>> -> memref<200x128xf32, #tpu.memory_space<hbm>>
        %dma_start3A_140 = arith.constant 0 : i32
        %dma_start3A_141 = tpu.memref_slice %arg2[%add3A_137, %dma_start3A_140] : memref<320000x128xf32, #tpu.memory_space<hbm>> -> memref<200x128xf32, #tpu.memory_space<hbm>>
        tpu.enqueue_dma source(%dma_start3A_141 : memref<200x128xf32, #tpu.memory_space<hbm>>) target(%arg7 : memref<200x128xf32, #tpu.memory_space<vmem>>) target_semaphore(%arg14 : memref<!tpu.dma_semaphore, #tpu.memory_space<semaphore_mem>>)
        %dma_start3A_142 = arith.constant 0 : i32
        %dma_start3A_143 = tpu.memref_slice %arg9[%dma_start3A_142] : memref<216xi32, #tpu.memory_space<vmem>> -> memref<200xi32, #tpu.memory_space<vmem>>
        %dma_start3A_144 = tpu.memref_slice %arg3[%add3A_137] : memref<320000xi32, #tpu.memory_space<hbm>> -> memref<200xi32, #tpu.memory_space<hbm>>
        %dma_start3A_145 = arith.constant 0 : i32
        %dma_start3A_146 = tpu.memref_slice %arg9[%dma_start3A_145] : memref<216xi32, #tpu.memory_space<vmem>> -> memref<200xi32, #tpu.memory_space<vmem>>
        %dma_start3A_147 = tpu.memref_slice %arg3[%add3A_137] : memref<320000xi32, #tpu.memory_space<hbm>> -> memref<200xi32, #tpu.memory_space<hbm>>
        tpu.enqueue_dma source(%dma_start3A_147 : memref<200xi32, #tpu.memory_space<hbm>>) target(%dma_start3A_146 : memref<200xi32, #tpu.memory_space<vmem>>) target_semaphore(%arg16 : memref<!tpu.dma_semaphore, #tpu.memory_space<semaphore_mem>>)
      } else {
      }
      %dma_wait3A_100 = arith.constant 0 : i32
      %dma_wait3A_101 = arith.constant 0 : i32
      %dma_wait3A_102 = tpu.memref_slice %arg2[%dma_wait3A_100, %dma_wait3A_101] : memref<320000x128xf32, #tpu.memory_space<hbm>> -> memref<200x128xf32, #tpu.memory_space<hbm>>
      %dma_wait3A_103 = arith.constant 0 : i32
      %dma_wait3A_104 = arith.constant 0 : i32
      %dma_wait3A_105 = tpu.memref_slice %arg2[%dma_wait3A_103, %dma_wait3A_104] : memref<320000x128xf32, #tpu.memory_space<hbm>> -> memref<200x128xf32, #tpu.memory_space<hbm>>
      tpu.wait_dma2 semaphore(%arg15 : memref<!tpu.dma_semaphore, #tpu.memory_space<semaphore_mem>>) src(%dma_wait3A_105 : memref<200x128xf32, #tpu.memory_space<hbm>>) dst(%arg8 : memref<200x128xf32, #tpu.memory_space<vmem>>)
      %dma_wait3A_106 = arith.constant 0 : i32
      %dma_wait3A_107 = tpu.memref_slice %arg10[%dma_wait3A_106] : memref<216xi32, #tpu.memory_space<vmem>> -> memref<200xi32, #tpu.memory_space<vmem>>
      %dma_wait3A_108 = arith.constant 0 : i32
      %dma_wait3A_109 = tpu.memref_slice %arg3[%dma_wait3A_108] : memref<320000xi32, #tpu.memory_space<hbm>> -> memref<200xi32, #tpu.memory_space<hbm>>
      %dma_wait3A_110 = arith.constant 0 : i32
      %dma_wait3A_111 = tpu.memref_slice %arg10[%dma_wait3A_110] : memref<216xi32, #tpu.memory_space<vmem>> -> memref<200xi32, #tpu.memory_space<vmem>>
      %dma_wait3A_112 = arith.constant 0 : i32
      %dma_wait3A_113 = tpu.memref_slice %arg3[%dma_wait3A_112] : memref<320000xi32, #tpu.memory_space<hbm>> -> memref<200xi32, #tpu.memory_space<hbm>>
      tpu.wait_dma2 semaphore(%arg17 : memref<!tpu.dma_semaphore, #tpu.memory_space<semaphore_mem>>) src(%dma_wait3A_113 : memref<200xi32, #tpu.memory_space<hbm>>) dst(%dma_wait3A_111 : memref<200xi32, #tpu.memory_space<vmem>>)
      %get3A_114 = arith.constant 0 : index
      %get3A_115 = tpu.vector_load %arg10[%get3A_114] {strides = array<i32>} : memref<216xi32, #tpu.memory_space<vmem>>, vector<16xi32>,
      %get3A_116 = vector.shape_cast %get3A_115 : vector<16xi32> to vector<16xi32>
      %slice3A_117 = vector.extract_strided_slice %get3A_116 {offsets = [0], sizes = [1], strides = [1]} : vector<16xi32> to vector<1xi32>
      %squeeze3A_118 = vector.extract %slice3A_117[0] : i32 from vector<1xi32>
      %get3A_119 = arith.constant 184 : index
      %get3A_120 = tpu.vector_load %arg10[%get3A_119] {strides = array<i32>} : memref<216xi32, #tpu.memory_space<vmem>>, vector<16xi32>,
      %get3A_121 = vector.shape_cast %get3A_120 : vector<16xi32> to vector<16xi32>
      %slice3A_122 = vector.extract_strided_slice %get3A_121 {offsets = [15], sizes = [1], strides = [1]} : vector<16xi32> to vector<1xi32>
      %squeeze3A_123 = vector.extract %slice3A_122[0] : i32 from vector<1xi32>
      %eq3A_124 = arith.cmpi eq, %squeeze3A_118, %squeeze3A_123 : i32
      %convert_element_type3A_125 = arith.extui %eq3A_124 : i1 to i32
      %cond3A_126 = arith.constant 0 : i32
      %cond3A_127 = arith.cmpi ne, %convert_element_type3A_125, %cond3A_126 : i32
      scf.if %cond3A_127 {
        %scan3A_133 = arith.constant 0 : i32
        %scan3A_134 = arith.constant 200 : i32
        %scan3A_135 = arith.addi %scan3A_133, %scan3A_134 : i32
        %scan3A_136 = arith.constant 1 : i32
        %scan3A_137:16 = scf.for %scan3A_329 = %scan3A_133 to %scan3A_135 step %scan3A_136 iter_args(%scan3A_330 = %broadcast_in_dim3A_3, %scan3A_331 = %broadcast_in_dim3A_3, %scan3A_332 = %broadcast_in_dim3A_3, %scan3A_333 = %broadcast_in_dim3A_3, %scan3A_334 = %broadcast_in_dim3A_3, %scan3A_335 = %broadcast_in_dim3A_3, %scan3A_336 = %broadcast_in_dim3A_3, %scan3A_337 = %broadcast_in_dim3A_3, %scan3A_338 = %broadcast_in_dim3A_5, %scan3A_339 = %broadcast_in_dim3A_5, %scan3A_340 = %broadcast_in_dim3A_5, %scan3A_341 = %broadcast_in_dim3A_5, %scan3A_342 = %broadcast_in_dim3A_5, %scan3A_343 = %broadcast_in_dim3A_5, %scan3A_344 = %broadcast_in_dim3A_5, %scan3A_345 = %broadcast_in_dim3A_5) -> (vector<16xf32>, vector<16xf32>, vector<16xf32>, vector<16xf32>, vector<16xf32>, vector<16xf32>, vector<16xf32>, vector<16xf32>, vector<16xf32>, vector<16xf32>, vector<16xf32>, vector<16xf32>, vector<16xf32>, vector<16xf32>, vector<16xf32>, vector<16xf32>)  : i32 {
          %get3A_346 = arith.index_cast %scan3A_329 : i32 to index
          %get3A_347 = arith.constant 0 : index
          %get3A_348 = tpu.vector_load %arg8[%get3A_346, %get3A_347] {strides = array<i32>} : memref<200x128xf32, #tpu.memory_space<vmem>>, vector<1x16xf32>,
          %get3A_349 = vector.shape_cast %get3A_348 : vector<1x16xf32> to vector<16xf32>
          %add3A_350 = arith.addf %scan3A_330, %get3A_349 : vector<16xf32>
          %max3A_351 = arith.maximumf %scan3A_338, %get3A_349 : vector<16xf32>
          %get3A_352 = arith.index_cast %scan3A_329 : i32 to index
          %get3A_353 = arith.constant 16 : index
          %get3A_354 = tpu.vector_load %arg8[%get3A_352, %get3A_353] {strides = array<i32>} : memref<200x128xf32, #tpu.memory_space<vmem>>, vector<1x16xf32>,
          %get3A_355 = vector.shape_cast %get3A_354 : vector<1x16xf32> to vector<16xf32>
          %add3A_356 = arith.addf %scan3A_331, %get3A_355 : vector<16xf32>
          %max3A_357 = arith.maximumf %scan3A_339, %get3A_355 : vector<16xf32>
          %get3A_358 = arith.index_cast %scan3A_329 : i32 to index
          %get3A_359 = arith.constant 32 : index
          %get3A_360 = tpu.vector_load %arg8[%get3A_358, %get3A_359] {strides = array<i32>} : memref<200x128xf32, #tpu.memory_space<vmem>>, vector<1x16xf32>,
          %get3A_361 = vector.shape_cast %get3A_360 : vector<1x16xf32> to vector<16xf32>
          %add3A_362 = arith.addf %scan3A_332, %get3A_361 : vector<16xf32>
          %max3A_363 = arith.maximumf %scan3A_340, %get3A_361 : vector<16xf32>
          %get3A_364 = arith.index_cast %scan3A_329 : i32 to index
          %get3A_365 = arith.constant 48 : index
          %get3A_366 = tpu.vector_load %arg8[%get3A_364, %get3A_365] {strides = array<i32>} : memref<200x128xf32, #tpu.memory_space<vmem>>, vector<1x16xf32>,
          %get3A_367 = vector.shape_cast %get3A_366 : vector<1x16xf32> to vector<16xf32>
          %add3A_368 = arith.addf %scan3A_333, %get3A_367 : vector<16xf32>
          %max3A_369 = arith.maximumf %scan3A_341, %get3A_367 : vector<16xf32>
          %get3A_370 = arith.index_cast %scan3A_329 : i32 to index
          %get3A_371 = arith.constant 64 : index
          %get3A_372 = tpu.vector_load %arg8[%get3A_370, %get3A_371] {strides = array<i32>} : memref<200x128xf32, #tpu.memory_space<vmem>>, vector<1x16xf32>,
          %get3A_373 = vector.shape_cast %get3A_372 : vector<1x16xf32> to vector<16xf32>
          %add3A_374 = arith.addf %scan3A_334, %get3A_373 : vector<16xf32>
          %max3A_375 = arith.maximumf %scan3A_342, %get3A_373 : vector<16xf32>
          %get3A_376 = arith.index_cast %scan3A_329 : i32 to index
          %get3A_377 = arith.constant 80 : index
          %get3A_378 = tpu.vector_load %arg8[%get3A_376, %get3A_377] {strides = array<i32>} : memref<200x128xf32, #tpu.memory_space<vmem>>, vector<1x16xf32>,
          %get3A_379 = vector.shape_cast %get3A_378 : vector<1x16xf32> to vector<16xf32>
          %add3A_380 = arith.addf %scan3A_335, %get3A_379 : vector<16xf32>
          %max3A_381 = arith.maximumf %scan3A_343, %get3A_379 : vector<16xf32>
          %get3A_382 = arith.index_cast %scan3A_329 : i32 to index
          %get3A_383 = arith.constant 96 : index
          %get3A_384 = tpu.vector_load %arg8[%get3A_382, %get3A_383] {strides = array<i32>} : memref<200x128xf32, #tpu.memory_space<vmem>>, vector<1x16xf32>,
          %get3A_385 = vector.shape_cast %get3A_384 : vector<1x16xf32> to vector<16xf32>
          %add3A_386 = arith.addf %scan3A_336, %get3A_385 : vector<16xf32>
          %max3A_387 = arith.maximumf %scan3A_344, %get3A_385 : vector<16xf32>
          %get3A_388 = arith.index_cast %scan3A_329 : i32 to index
          %get3A_389 = arith.constant 112 : index
          %get3A_390 = tpu.vector_load %arg8[%get3A_388, %get3A_389] {strides = array<i32>} : memref<200x128xf32, #tpu.memory_space<vmem>>, vector<1x16xf32>,
          %get3A_391 = vector.shape_cast %get3A_390 : vector<1x16xf32> to vector<16xf32>
          %add3A_392 = arith.addf %scan3A_337, %get3A_391 : vector<16xf32>
          %max3A_393 = arith.maximumf %scan3A_345, %get3A_391 : vector<16xf32>
          scf.yield %add3A_350, %add3A_356, %add3A_362, %add3A_368, %add3A_374, %add3A_380, %add3A_386, %add3A_392, %max3A_351, %max3A_357, %max3A_363, %max3A_369, %max3A_375, %max3A_381, %max3A_387, %max3A_393 : vector<16xf32>, vector<16xf32>, vector<16xf32>, vector<16xf32>, vector<16xf32>, vector<16xf32>, vector<16xf32>, vector<16xf32>, vector<16xf32>, vector<16xf32>, vector<16xf32>, vector<16xf32>, vector<16xf32>, vector<16xf32>, vector<16xf32>, vector<16xf32>
        }
        %scan3A_138 = arith.constant 200 : i32
        %get3A_139 = arith.index_cast %squeeze3A_118 : i32 to index
        %get3A_140 = arith.constant 0 : index
        %get3A_141 = tpu.vector_load %arg11[%get3A_139, %get3A_140] {strides = array<i32>} : memref<32x128xf32, #tpu.memory_space<vmem>>, vector<1x16xf32>,
        %get3A_142 = vector.shape_cast %get3A_141 : vector<1x16xf32> to vector<16xf32>
        %add3A_143 = arith.addf %get3A_142, %scan3A_137#0 : vector<16xf32>
        %swap3A_144 = arith.index_cast %squeeze3A_118 : i32 to index
        %swap3A_145 = arith.constant 0 : index
        %swap3A_146 = tpu.vector_load %arg11[%swap3A_144, %swap3A_145] {strides = array<i32>} : memref<32x128xf32, #tpu.memory_space<vmem>>, vector<1x16xf32>,
        %swap3A_147 = vector.shape_cast %swap3A_146 : vector<1x16xf32> to vector<16xf32>
        %swap3A_148 = vector.shape_cast %add3A_143 : vector<16xf32> to vector<1x16xf32>
        tpu.vector_store %arg11[%swap3A_144, %swap3A_145], %swap3A_148 {strides = array<i32>} : memref<32x128xf32, #tpu.memory_space<vmem>>, vector<1x16xf32>,
        %get3A_149 = arith.index_cast %squeeze3A_118 : i32 to index
        %get3A_150 = arith.constant 0 : index
        %get3A_151 = tpu.vector_load %arg12[%get3A_149, %get3A_150] {strides = array<i32>} : memref<32x128xf32, #tpu.memory_space<vmem>>, vector<1x16xf32>,
        %get3A_152 = vector.shape_cast %get3A_151 : vector<1x16xf32> to vector<16xf32>
        %max3A = arith.maximumf %get3A_152, %scan3A_137#8 : vector<16xf32>
        %swap3A_153 = arith.index_cast %squeeze3A_118 : i32 to index
        %swap3A_154 = arith.constant 0 : index
        %swap3A_155 = tpu.vector_load %arg12[%swap3A_153, %swap3A_154] {strides = array<i32>} : memref<32x128xf32, #tpu.memory_space<vmem>>, vector<1x16xf32>,
        %swap3A_156 = vector.shape_cast %swap3A_155 : vector<1x16xf32> to vector<16xf32>
        %swap3A_157 = vector.shape_cast %max3A : vector<16xf32> to vector<1x16xf32>
        tpu.vector_store %arg12[%swap3A_153, %swap3A_154], %swap3A_157 {strides = array<i32>} : memref<32x128xf32, #tpu.memory_space<vmem>>, vector<1x16xf32>,
        %get3A_158 = arith.index_cast %squeeze3A_118 : i32 to index
        %get3A_159 = arith.constant 16 : index
        %get3A_160 = tpu.vector_load %arg11[%get3A_158, %get3A_159] {strides = array<i32>} : memref<32x128xf32, #tpu.memory_space<vmem>>, vector<1x16xf32>,
        %get3A_161 = vector.shape_cast %get3A_160 : vector<1x16xf32> to vector<16xf32>
        %add3A_162 = arith.addf %get3A_161, %scan3A_137#1 : vector<16xf32>
        %swap3A_163 = arith.index_cast %squeeze3A_118 : i32 to index
        %swap3A_164 = arith.constant 16 : index
        %swap3A_165 = tpu.vector_load %arg11[%swap3A_163, %swap3A_164] {strides = array<i32>} : memref<32x128xf32, #tpu.memory_space<vmem>>, vector<1x16xf32>,
        %swap3A_166 = vector.shape_cast %swap3A_165 : vector<1x16xf32> to vector<16xf32>
        %swap3A_167 = vector.shape_cast %add3A_162 : vector<16xf32> to vector<1x16xf32>
        tpu.vector_store %arg11[%swap3A_163, %swap3A_164], %swap3A_167 {strides = array<i32>} : memref<32x128xf32, #tpu.memory_space<vmem>>, vector<1x16xf32>,
        %get3A_168 = arith.index_cast %squeeze3A_118 : i32 to index
        %get3A_169 = arith.constant 16 : index
        %get3A_170 = tpu.vector_load %arg12[%get3A_168, %get3A_169] {strides = array<i32>} : memref<32x128xf32, #tpu.memory_space<vmem>>, vector<1x16xf32>,
        %get3A_171 = vector.shape_cast %get3A_170 : vector<1x16xf32> to vector<16xf32>
        %max3A_172 = arith.maximumf %get3A_171, %scan3A_137#9 : vector<16xf32>
        %swap3A_173 = arith.index_cast %squeeze3A_118 : i32 to index
        %swap3A_174 = arith.constant 16 : index
        %swap3A_175 = tpu.vector_load %arg12[%swap3A_173, %swap3A_174] {strides = array<i32>} : memref<32x128xf32, #tpu.memory_space<vmem>>, vector<1x16xf32>,
        %swap3A_176 = vector.shape_cast %swap3A_175 : vector<1x16xf32> to vector<16xf32>
        %swap3A_177 = vector.shape_cast %max3A_172 : vector<16xf32> to vector<1x16xf32>
        tpu.vector_store %arg12[%swap3A_173, %swap3A_174], %swap3A_177 {strides = array<i32>} : memref<32x128xf32, #tpu.memory_space<vmem>>, vector<1x16xf32>,
        %get3A_178 = arith.index_cast %squeeze3A_118 : i32 to index
        %get3A_179 = arith.constant 32 : index
        %get3A_180 = tpu.vector_load %arg11[%get3A_178, %get3A_179] {strides = array<i32>} : memref<32x128xf32, #tpu.memory_space<vmem>>, vector<1x16xf32>,
        %get3A_181 = vector.shape_cast %get3A_180 : vector<1x16xf32> to vector<16xf32>
        %add3A_182 = arith.addf %get3A_181, %scan3A_137#2 : vector<16xf32>
        %swap3A_183 = arith.index_cast %squeeze3A_118 : i32 to index
        %swap3A_184 = arith.constant 32 : index
        %swap3A_185 = tpu.vector_load %arg11[%swap3A_183, %swap3A_184] {strides = array<i32>} : memref<32x128xf32, #tpu.memory_space<vmem>>, vector<1x16xf32>,
        %swap3A_186 = vector.shape_cast %swap3A_185 : vector<1x16xf32> to vector<16xf32>
        %swap3A_187 = vector.shape_cast %add3A_182 : vector<16xf32> to vector<1x16xf32>
        tpu.vector_store %arg11[%swap3A_183, %swap3A_184], %swap3A_187 {strides = array<i32>} : memref<32x128xf32, #tpu.memory_space<vmem>>, vector<1x16xf32>,
        %get3A_188 = arith.index_cast %squeeze3A_118 : i32 to index
        %get3A_189 = arith.constant 32 : index
        %get3A_190 = tpu.vector_load %arg12[%get3A_188, %get3A_189] {strides = array<i32>} : memref<32x128xf32, #tpu.memory_space<vmem>>, vector<1x16xf32>,
        %get3A_191 = vector.shape_cast %get3A_190 : vector<1x16xf32> to vector<16xf32>
        %max3A_192 = arith.maximumf %get3A_191, %scan3A_137#10 : vector<16xf32>
        %swap3A_193 = arith.index_cast %squeeze3A_118 : i32 to index
        %swap3A_194 = arith.constant 32 : index
        %swap3A_195 = tpu.vector_load %arg12[%swap3A_193, %swap3A_194] {strides = array<i32>} : memref<32x128xf32, #tpu.memory_space<vmem>>, vector<1x16xf32>,
        %swap3A_196 = vector.shape_cast %swap3A_195 : vector<1x16xf32> to vector<16xf32>
        %swap3A_197 = vector.shape_cast %max3A_192 : vector<16xf32> to vector<1x16xf32>
        tpu.vector_store %arg12[%swap3A_193, %swap3A_194], %swap3A_197 {strides = array<i32>} : memref<32x128xf32, #tpu.memory_space<vmem>>, vector<1x16xf32>,
        %get3A_198 = arith.index_cast %squeeze3A_118 : i32 to index
        %get3A_199 = arith.constant 48 : index
        %get3A_200 = tpu.vector_load %arg11[%get3A_198, %get3A_199] {strides = array<i32>} : memref<32x128xf32, #tpu.memory_space<vmem>>, vector<1x16xf32>,
        %get3A_201 = vector.shape_cast %get3A_200 : vector<1x16xf32> to vector<16xf32>
        %add3A_202 = arith.addf %get3A_201, %scan3A_137#3 : vector<16xf32>
        %swap3A_203 = arith.index_cast %squeeze3A_118 : i32 to index
        %swap3A_204 = arith.constant 48 : index
        %swap3A_205 = tpu.vector_load %arg11[%swap3A_203, %swap3A_204] {strides = array<i32>} : memref<32x128xf32, #tpu.memory_space<vmem>>, vector<1x16xf32>,
        %swap3A_206 = vector.shape_cast %swap3A_205 : vector<1x16xf32> to vector<16xf32>
        %swap3A_207 = vector.shape_cast %add3A_202 : vector<16xf32> to vector<1x16xf32>
        tpu.vector_store %arg11[%swap3A_203, %swap3A_204], %swap3A_207 {strides = array<i32>} : memref<32x128xf32, #tpu.memory_space<vmem>>, vector<1x16xf32>,
        %get3A_208 = arith.index_cast %squeeze3A_118 : i32 to index
        %get3A_209 = arith.constant 48 : index
        %get3A_210 = tpu.vector_load %arg12[%get3A_208, %get3A_209] {strides = array<i32>} : memref<32x128xf32, #tpu.memory_space<vmem>>, vector<1x16xf32>,
        %get3A_211 = vector.shape_cast %get3A_210 : vector<1x16xf32> to vector<16xf32>
        %max3A_212 = arith.maximumf %get3A_211, %scan3A_137#11 : vector<16xf32>
        %swap3A_213 = arith.index_cast %squeeze3A_118 : i32 to index
        %swap3A_214 = arith.constant 48 : index
        %swap3A_215 = tpu.vector_load %arg12[%swap3A_213, %swap3A_214] {strides = array<i32>} : memref<32x128xf32, #tpu.memory_space<vmem>>, vector<1x16xf32>,
        %swap3A_216 = vector.shape_cast %swap3A_215 : vector<1x16xf32> to vector<16xf32>
        %swap3A_217 = vector.shape_cast %max3A_212 : vector<16xf32> to vector<1x16xf32>
        tpu.vector_store %arg12[%swap3A_213, %swap3A_214], %swap3A_217 {strides = array<i32>} : memref<32x128xf32, #tpu.memory_space<vmem>>, vector<1x16xf32>,
        %get3A_218 = arith.index_cast %squeeze3A_118 : i32 to index
        %get3A_219 = arith.constant 64 : index
        %get3A_220 = tpu.vector_load %arg11[%get3A_218, %get3A_219] {strides = array<i32>} : memref<32x128xf32, #tpu.memory_space<vmem>>, vector<1x16xf32>,
        %get3A_221 = vector.shape_cast %get3A_220 : vector<1x16xf32> to vector<16xf32>
        %add3A_222 = arith.addf %get3A_221, %scan3A_137#4 : vector<16xf32>
        %swap3A_223 = arith.index_cast %squeeze3A_118 : i32 to index
        %swap3A_224 = arith.constant 64 : index
        %swap3A_225 = tpu.vector_load %arg11[%swap3A_223, %swap3A_224] {strides = array<i32>} : memref<32x128xf32, #tpu.memory_space<vmem>>, vector<1x16xf32>,
        %swap3A_226 = vector.shape_cast %swap3A_225 : vector<1x16xf32> to vector<16xf32>
        %swap3A_227 = vector.shape_cast %add3A_222 : vector<16xf32> to vector<1x16xf32>
        tpu.vector_store %arg11[%swap3A_223, %swap3A_224], %swap3A_227 {strides = array<i32>} : memref<32x128xf32, #tpu.memory_space<vmem>>, vector<1x16xf32>,
        %get3A_228 = arith.index_cast %squeeze3A_118 : i32 to index
        %get3A_229 = arith.constant 64 : index
        %get3A_230 = tpu.vector_load %arg12[%get3A_228, %get3A_229] {strides = array<i32>} : memref<32x128xf32, #tpu.memory_space<vmem>>, vector<1x16xf32>,
        %get3A_231 = vector.shape_cast %get3A_230 : vector<1x16xf32> to vector<16xf32>
        %max3A_232 = arith.maximumf %get3A_231, %scan3A_137#12 : vector<16xf32>
        %swap3A_233 = arith.index_cast %squeeze3A_118 : i32 to index
        %swap3A_234 = arith.constant 64 : index
        %swap3A_235 = tpu.vector_load %arg12[%swap3A_233, %swap3A_234] {strides = array<i32>} : memref<32x128xf32, #tpu.memory_space<vmem>>, vector<1x16xf32>,
        %swap3A_236 = vector.shape_cast %swap3A_235 : vector<1x16xf32> to vector<16xf32>
        %swap3A_237 = vector.shape_cast %max3A_232 : vector<16xf32> to vector<1x16xf32>
        tpu.vector_store %arg12[%swap3A_233, %swap3A_234], %swap3A_237 {strides = array<i32>} : memref<32x128xf32, #tpu.memory_space<vmem>>, vector<1x16xf32>,
        %get3A_238 = arith.index_cast %squeeze3A_118 : i32 to index
        %get3A_239 = arith.constant 80 : index
        %get3A_240 = tpu.vector_load %arg11[%get3A_238, %get3A_239] {strides = array<i32>} : memref<32x128xf32, #tpu.memory_space<vmem>>, vector<1x16xf32>,
        %get3A_241 = vector.shape_cast %get3A_240 : vector<1x16xf32> to vector<16xf32>
        %add3A_242 = arith.addf %get3A_241, %scan3A_137#5 : vector<16xf32>
        %swap3A_243 = arith.index_cast %squeeze3A_118 : i32 to index
        %swap3A_244 = arith.constant 80 : index
        %swap3A_245 = tpu.vector_load %arg11[%swap3A_243, %swap3A_244] {strides = array<i32>} : memref<32x128xf32, #tpu.memory_space<vmem>>, vector<1x16xf32>,
        %swap3A_246 = vector.shape_cast %swap3A_245 : vector<1x16xf32> to vector<16xf32>
        %swap3A_247 = vector.shape_cast %add3A_242 : vector<16xf32> to vector<1x16xf32>
        tpu.vector_store %arg11[%swap3A_243, %swap3A_244], %swap3A_247 {strides = array<i32>} : memref<32x128xf32, #tpu.memory_space<vmem>>, vector<1x16xf32>,
        %get3A_248 = arith.index_cast %squeeze3A_118 : i32 to index
        %get3A_249 = arith.constant 80 : index
        %get3A_250 = tpu.vector_load %arg12[%get3A_248, %get3A_249] {strides = array<i32>} : memref<32x128xf32, #tpu.memory_space<vmem>>, vector<1x16xf32>,
        %get3A_251 = vector.shape_cast %get3A_250 : vector<1x16xf32> to vector<16xf32>
        %max3A_252 = arith.maximumf %get3A_251, %scan3A_137#13 : vector<16xf32>
        %swap3A_253 = arith.index_cast %squeeze3A_118 : i32 to index
        %swap3A_254 = arith.constant 80 : index
        %swap3A_255 = tpu.vector_load %arg12[%swap3A_253, %swap3A_254] {strides = array<i32>} : memref<32x128xf32, #tpu.memory_space<vmem>>, vector<1x16xf32>,
        %swap3A_256 = vector.shape_cast %swap3A_255 : vector<1x16xf32> to vector<16xf32>
        %swap3A_257 = vector.shape_cast %max3A_252 : vector<16xf32> to vector<1x16xf32>
        tpu.vector_store %arg12[%swap3A_253, %swap3A_254], %swap3A_257 {strides = array<i32>} : memref<32x128xf32, #tpu.memory_space<vmem>>, vector<1x16xf32>,
        %get3A_258 = arith.index_cast %squeeze3A_118 : i32 to index
        %get3A_259 = arith.constant 96 : index
        %get3A_260 = tpu.vector_load %arg11[%get3A_258, %get3A_259] {strides = array<i32>} : memref<32x128xf32, #tpu.memory_space<vmem>>, vector<1x16xf32>,
        %get3A_261 = vector.shape_cast %get3A_260 : vector<1x16xf32> to vector<16xf32>
        %add3A_262 = arith.addf %get3A_261, %scan3A_137#6 : vector<16xf32>
        %swap3A_263 = arith.index_cast %squeeze3A_118 : i32 to index
        %swap3A_264 = arith.constant 96 : index
        %swap3A_265 = tpu.vector_load %arg11[%swap3A_263, %swap3A_264] {strides = array<i32>} : memref<32x128xf32, #tpu.memory_space<vmem>>, vector<1x16xf32>,
        %swap3A_266 = vector.shape_cast %swap3A_265 : vector<1x16xf32> to vector<16xf32>
        %swap3A_267 = vector.shape_cast %add3A_262 : vector<16xf32> to vector<1x16xf32>
        tpu.vector_store %arg11[%swap3A_263, %swap3A_264], %swap3A_267 {strides = array<i32>} : memref<32x128xf32, #tpu.memory_space<vmem>>, vector<1x16xf32>,
        %get3A_268 = arith.index_cast %squeeze3A_118 : i32 to index
        %get3A_269 = arith.constant 96 : index
        %get3A_270 = tpu.vector_load %arg12[%get3A_268, %get3A_269] {strides = array<i32>} : memref<32x128xf32, #tpu.memory_space<vmem>>, vector<1x16xf32>,
        %get3A_271 = vector.shape_cast %get3A_270 : vector<1x16xf32> to vector<16xf32>
        %max3A_272 = arith.maximumf %get3A_271, %scan3A_137#14 : vector<16xf32>
        %swap3A_273 = arith.index_cast %squeeze3A_118 : i32 to index
        %swap3A_274 = arith.constant 96 : index
        %swap3A_275 = tpu.vector_load %arg12[%swap3A_273, %swap3A_274] {strides = array<i32>} : memref<32x128xf32, #tpu.memory_space<vmem>>, vector<1x16xf32>,
        %swap3A_276 = vector.shape_cast %swap3A_275 : vector<1x16xf32> to vector<16xf32>
        %swap3A_277 = vector.shape_cast %max3A_272 : vector<16xf32> to vector<1x16xf32>
        tpu.vector_store %arg12[%swap3A_273, %swap3A_274], %swap3A_277 {strides = array<i32>} : memref<32x128xf32, #tpu.memory_space<vmem>>, vector<1x16xf32>,
        %get3A_278 = arith.index_cast %squeeze3A_118 : i32 to index
        %get3A_279 = arith.constant 112 : index
        %get3A_280 = tpu.vector_load %arg11[%get3A_278, %get3A_279] {strides = array<i32>} : memref<32x128xf32, #tpu.memory_space<vmem>>, vector<1x16xf32>,
        %get3A_281 = vector.shape_cast %get3A_280 : vector<1x16xf32> to vector<16xf32>
        %add3A_282 = arith.addf %get3A_281, %scan3A_137#7 : vector<16xf32>
        %swap3A_283 = arith.index_cast %squeeze3A_118 : i32 to index
        %swap3A_284 = arith.constant 112 : index
        %swap3A_285 = tpu.vector_load %arg11[%swap3A_283, %swap3A_284] {strides = array<i32>} : memref<32x128xf32, #tpu.memory_space<vmem>>, vector<1x16xf32>,
        %swap3A_286 = vector.shape_cast %swap3A_285 : vector<1x16xf32> to vector<16xf32>
        %swap3A_287 = vector.shape_cast %add3A_282 : vector<16xf32> to vector<1x16xf32>
        tpu.vector_store %arg11[%swap3A_283, %swap3A_284], %swap3A_287 {strides = array<i32>} : memref<32x128xf32, #tpu.memory_space<vmem>>, vector<1x16xf32>,
        %get3A_288 = arith.index_cast %squeeze3A_118 : i32 to index
        %get3A_289 = arith.constant 112 : index
        %get3A_290 = tpu.vector_load %arg12[%get3A_288, %get3A_289] {strides = array<i32>} : memref<32x128xf32, #tpu.memory_space<vmem>>, vector<1x16xf32>,
        %get3A_291 = vector.shape_cast %get3A_290 : vector<1x16xf32> to vector<16xf32>
        %max3A_292 = arith.maximumf %get3A_291, %scan3A_137#15 : vector<16xf32>
        %swap3A_293 = arith.index_cast %squeeze3A_118 : i32 to index
        %swap3A_294 = arith.constant 112 : index
        %swap3A_295 = tpu.vector_load %arg12[%swap3A_293, %swap3A_294] {strides = array<i32>} : memref<32x128xf32, #tpu.memory_space<vmem>>, vector<1x16xf32>,
        %swap3A_296 = vector.shape_cast %swap3A_295 : vector<1x16xf32> to vector<16xf32>
        %swap3A_297 = vector.shape_cast %max3A_292 : vector<16xf32> to vector<1x16xf32>
        tpu.vector_store %arg12[%swap3A_293, %swap3A_294], %swap3A_297 {strides = array<i32>} : memref<32x128xf32, #tpu.memory_space<vmem>>, vector<1x16xf32>,
        %iota3A = tpu.iota {dimensions = array<i32: 0>} : vector<16xi32>
        %sub3A = arith.constant 0 : i32
        %sub3A_298 = arith.subi %squeeze3A_118, %sub3A : i32
        %eq3A_299 = vector.broadcast %sub3A_298 : i32 to vector<16xi32>
        %eq3A_300 = arith.cmpi eq, %iota3A, %eq3A_299 : vector<16xi32>
        %jit3A = arith.constant 2.000000e+02 : f32
        %jit3A_301 = arith.constant 0.000000e+00 : f32
        %broadcast_in_dim3A_302 = vector.broadcast %jit3A : f32 to vector<16xf32>
        %broadcast_in_dim3A_303 = vector.broadcast %jit3A_301 : f32 to vector<16xf32>
        %select_n3A = arith.select %eq3A_300, %broadcast_in_dim3A_302, %broadcast_in_dim3A_303 : vector<16xi1>, vector<16xf32>
        %get3A_304 = arith.constant 0 : index
        %get3A_305 = tpu.vector_load %arg13[%get3A_304] {strides = array<i32>} : memref<32xf32, #tpu.memory_space<vmem>>, vector<16xf32>,
        %get3A_306 = vector.shape_cast %get3A_305 : vector<16xf32> to vector<16xf32>
        %add3A_307 = arith.addf %get3A_306, %select_n3A : vector<16xf32>
        %swap3A_308 = arith.constant 0 : index
        %swap3A_309 = tpu.vector_load %arg13[%swap3A_308] {strides = array<i32>} : memref<32xf32, #tpu.memory_space<vmem>>, vector<16xf32>,
        %swap3A_310 = vector.shape_cast %swap3A_309 : vector<16xf32> to vector<16xf32>
        %swap3A_311 = vector.shape_cast %add3A_307 : vector<16xf32> to vector<16xf32>
        tpu.vector_store %arg13[%swap3A_308], %swap3A_311 {strides = array<i32>} : memref<32xf32, #tpu.memory_space<vmem>>, vector<16xf32>,
        %sub3A_312 = arith.constant 16 : i32
        %sub3A_313 = arith.subi %squeeze3A_118, %sub3A_312 : i32
        %eq3A_314 = vector.broadcast %sub3A_313 : i32 to vector<16xi32>
        %eq3A_315 = arith.cmpi eq, %iota3A, %eq3A_314 : vector<16xi32>
        %jit3A_316 = arith.constant 2.000000e+02 : f32
        %jit3A_317 = arith.constant 0.000000e+00 : f32
        %broadcast_in_dim3A_318 = vector.broadcast %jit3A_316 : f32 to vector<16xf32>
        %broadcast_in_dim3A_319 = vector.broadcast %jit3A_317 : f32 to vector<16xf32>
        %select_n3A_320 = arith.select %eq3A_315, %broadcast_in_dim3A_318, %broadcast_in_dim3A_319 : vector<16xi1>, vector<16xf32>
        %get3A_321 = arith.constant 16 : index
        %get3A_322 = tpu.vector_load %arg13[%get3A_321] {strides = array<i32>} : memref<32xf32, #tpu.memory_space<vmem>>, vector<16xf32>,
        %get3A_323 = vector.shape_cast %get3A_322 : vector<16xf32> to vector<16xf32>
        %add3A_324 = arith.addf %get3A_323, %select_n3A_320 : vector<16xf32>
        %swap3A_325 = arith.constant 16 : index
        %swap3A_326 = tpu.vector_load %arg13[%swap3A_325] {strides = array<i32>} : memref<32xf32, #tpu.memory_space<vmem>>, vector<16xf32>,
        %swap3A_327 = vector.shape_cast %swap3A_326 : vector<16xf32> to vector<16xf32>
        %swap3A_328 = vector.shape_cast %add3A_324 : vector<16xf32> to vector<16xf32>
        tpu.vector_store %arg13[%swap3A_325], %swap3A_328 {strides = array<i32>} : memref<32xf32, #tpu.memory_space<vmem>>, vector<16xf32>,
      } else {
      }
      %ne3A_128 = arith.cmpi ne, %squeeze3A_118, %squeeze3A_123 : i32
      %convert_element_type3A_129 = arith.extui %ne3A_128 : i1 to i32
      %cond3A_130 = arith.constant 0 : i32
      %cond3A_131 = arith.cmpi ne, %convert_element_type3A_129, %cond3A_130 : i32
      scf.if %cond3A_131 {
        %scan3A_133 = arith.constant 0 : i32
        %scan3A_134 = arith.constant 0 : i32
        %scan3A_135 = arith.constant 200 : i32
        %scan3A_136 = arith.addi %scan3A_134, %scan3A_135 : i32
        %scan3A_137 = arith.constant 1 : i32
        %scan3A_138 = scf.for %scan3A_140 = %scan3A_134 to %scan3A_136 step %scan3A_137 iter_args(%scan3A_141 = %scan3A_133) -> (i32)  : i32 {
          %get3A_142 = arith.index_cast %scan3A_140 : i32 to index
          %get3A_143 = tpu.vector_load %arg10[%get3A_142] {strides = array<i32>} : memref<216xi32, #tpu.memory_space<vmem>>, vector<16xi32>,
          %get3A_144 = vector.shape_cast %get3A_143 : vector<16xi32> to vector<16xi32>
          %slice3A_145 = vector.extract_strided_slice %get3A_144 {offsets = [0], sizes = [1], strides = [1]} : vector<16xi32> to vector<1xi32>
          %squeeze3A_146 = vector.extract %slice3A_145[0] : i32 from vector<1xi32>
          %get3A_147 = arith.index_cast %scan3A_140 : i32 to index
          %get3A_148 = arith.constant 0 : index
          %get3A_149 = tpu.vector_load %arg8[%get3A_147, %get3A_148] {strides = array<i32>} : memref<200x128xf32, #tpu.memory_space<vmem>>, vector<1x16xf32>,
          %get3A_150 = vector.shape_cast %get3A_149 : vector<1x16xf32> to vector<16xf32>
          %get3A_151 = arith.index_cast %squeeze3A_146 : i32 to index
          %get3A_152 = arith.constant 0 : index
          %get3A_153 = tpu.vector_load %arg11[%get3A_151, %get3A_152] {strides = array<i32>} : memref<32x128xf32, #tpu.memory_space<vmem>>, vector<1x16xf32>,
          %get3A_154 = vector.shape_cast %get3A_153 : vector<1x16xf32> to vector<16xf32>
          %add3A_155 = arith.addf %get3A_154, %get3A_150 : vector<16xf32>
          %swap3A_156 = arith.index_cast %squeeze3A_146 : i32 to index
          %swap3A_157 = arith.constant 0 : index
          %swap3A_158 = tpu.vector_load %arg11[%swap3A_156, %swap3A_157] {strides = array<i32>} : memref<32x128xf32, #tpu.memory_space<vmem>>, vector<1x16xf32>,
          %swap3A_159 = vector.shape_cast %swap3A_158 : vector<1x16xf32> to vector<16xf32>
          %swap3A_160 = vector.shape_cast %add3A_155 : vector<16xf32> to vector<1x16xf32>
          tpu.vector_store %arg11[%swap3A_156, %swap3A_157], %swap3A_160 {strides = array<i32>} : memref<32x128xf32, #tpu.memory_space<vmem>>, vector<1x16xf32>,
          %get3A_161 = arith.index_cast %squeeze3A_146 : i32 to index
          %get3A_162 = arith.constant 0 : index
          %get3A_163 = tpu.vector_load %arg12[%get3A_161, %get3A_162] {strides = array<i32>} : memref<32x128xf32, #tpu.memory_space<vmem>>, vector<1x16xf32>,
          %get3A_164 = vector.shape_cast %get3A_163 : vector<1x16xf32> to vector<16xf32>
          %max3A = arith.maximumf %get3A_164, %get3A_150 : vector<16xf32>
          %swap3A_165 = arith.index_cast %squeeze3A_146 : i32 to index
          %swap3A_166 = arith.constant 0 : index
          %swap3A_167 = tpu.vector_load %arg12[%swap3A_165, %swap3A_166] {strides = array<i32>} : memref<32x128xf32, #tpu.memory_space<vmem>>, vector<1x16xf32>,
          %swap3A_168 = vector.shape_cast %swap3A_167 : vector<1x16xf32> to vector<16xf32>
          %swap3A_169 = vector.shape_cast %max3A : vector<16xf32> to vector<1x16xf32>
          tpu.vector_store %arg12[%swap3A_165, %swap3A_166], %swap3A_169 {strides = array<i32>} : memref<32x128xf32, #tpu.memory_space<vmem>>, vector<1x16xf32>,
          %get3A_170 = arith.index_cast %scan3A_140 : i32 to index
          %get3A_171 = arith.constant 16 : index
          %get3A_172 = tpu.vector_load %arg8[%get3A_170, %get3A_171] {strides = array<i32>} : memref<200x128xf32, #tpu.memory_space<vmem>>, vector<1x16xf32>,
          %get3A_173 = vector.shape_cast %get3A_172 : vector<1x16xf32> to vector<16xf32>
          %get3A_174 = arith.index_cast %squeeze3A_146 : i32 to index
          %get3A_175 = arith.constant 16 : index
          %get3A_176 = tpu.vector_load %arg11[%get3A_174, %get3A_175] {strides = array<i32>} : memref<32x128xf32, #tpu.memory_space<vmem>>, vector<1x16xf32>,
          %get3A_177 = vector.shape_cast %get3A_176 : vector<1x16xf32> to vector<16xf32>
          %add3A_178 = arith.addf %get3A_177, %get3A_173 : vector<16xf32>
          %swap3A_179 = arith.index_cast %squeeze3A_146 : i32 to index
          %swap3A_180 = arith.constant 16 : index
          %swap3A_181 = tpu.vector_load %arg11[%swap3A_179, %swap3A_180] {strides = array<i32>} : memref<32x128xf32, #tpu.memory_space<vmem>>, vector<1x16xf32>,
          %swap3A_182 = vector.shape_cast %swap3A_181 : vector<1x16xf32> to vector<16xf32>
          %swap3A_183 = vector.shape_cast %add3A_178 : vector<16xf32> to vector<1x16xf32>
          tpu.vector_store %arg11[%swap3A_179, %swap3A_180], %swap3A_183 {strides = array<i32>} : memref<32x128xf32, #tpu.memory_space<vmem>>, vector<1x16xf32>,
          %get3A_184 = arith.index_cast %squeeze3A_146 : i32 to index
          %get3A_185 = arith.constant 16 : index
          %get3A_186 = tpu.vector_load %arg12[%get3A_184, %get3A_185] {strides = array<i32>} : memref<32x128xf32, #tpu.memory_space<vmem>>, vector<1x16xf32>,
          %get3A_187 = vector.shape_cast %get3A_186 : vector<1x16xf32> to vector<16xf32>
          %max3A_188 = arith.maximumf %get3A_187, %get3A_173 : vector<16xf32>
          %swap3A_189 = arith.index_cast %squeeze3A_146 : i32 to index
          %swap3A_190 = arith.constant 16 : index
          %swap3A_191 = tpu.vector_load %arg12[%swap3A_189, %swap3A_190] {strides = array<i32>} : memref<32x128xf32, #tpu.memory_space<vmem>>, vector<1x16xf32>,
          %swap3A_192 = vector.shape_cast %swap3A_191 : vector<1x16xf32> to vector<16xf32>
          %swap3A_193 = vector.shape_cast %max3A_188 : vector<16xf32> to vector<1x16xf32>
          tpu.vector_store %arg12[%swap3A_189, %swap3A_190], %swap3A_193 {strides = array<i32>} : memref<32x128xf32, #tpu.memory_space<vmem>>, vector<1x16xf32>,
          %get3A_194 = arith.index_cast %scan3A_140 : i32 to index
          %get3A_195 = arith.constant 32 : index
          %get3A_196 = tpu.vector_load %arg8[%get3A_194, %get3A_195] {strides = array<i32>} : memref<200x128xf32, #tpu.memory_space<vmem>>, vector<1x16xf32>,
          %get3A_197 = vector.shape_cast %get3A_196 : vector<1x16xf32> to vector<16xf32>
          %get3A_198 = arith.index_cast %squeeze3A_146 : i32 to index
          %get3A_199 = arith.constant 32 : index
          %get3A_200 = tpu.vector_load %arg11[%get3A_198, %get3A_199] {strides = array<i32>} : memref<32x128xf32, #tpu.memory_space<vmem>>, vector<1x16xf32>,
          %get3A_201 = vector.shape_cast %get3A_200 : vector<1x16xf32> to vector<16xf32>
          %add3A_202 = arith.addf %get3A_201, %get3A_197 : vector<16xf32>
          %swap3A_203 = arith.index_cast %squeeze3A_146 : i32 to index
          %swap3A_204 = arith.constant 32 : index
          %swap3A_205 = tpu.vector_load %arg11[%swap3A_203, %swap3A_204] {strides = array<i32>} : memref<32x128xf32, #tpu.memory_space<vmem>>, vector<1x16xf32>,
          %swap3A_206 = vector.shape_cast %swap3A_205 : vector<1x16xf32> to vector<16xf32>
          %swap3A_207 = vector.shape_cast %add3A_202 : vector<16xf32> to vector<1x16xf32>
          tpu.vector_store %arg11[%swap3A_203, %swap3A_204], %swap3A_207 {strides = array<i32>} : memref<32x128xf32, #tpu.memory_space<vmem>>, vector<1x16xf32>,
          %get3A_208 = arith.index_cast %squeeze3A_146 : i32 to index
          %get3A_209 = arith.constant 32 : index
          %get3A_210 = tpu.vector_load %arg12[%get3A_208, %get3A_209] {strides = array<i32>} : memref<32x128xf32, #tpu.memory_space<vmem>>, vector<1x16xf32>,
          %get3A_211 = vector.shape_cast %get3A_210 : vector<1x16xf32> to vector<16xf32>
          %max3A_212 = arith.maximumf %get3A_211, %get3A_197 : vector<16xf32>
          %swap3A_213 = arith.index_cast %squeeze3A_146 : i32 to index
          %swap3A_214 = arith.constant 32 : index
          %swap3A_215 = tpu.vector_load %arg12[%swap3A_213, %swap3A_214] {strides = array<i32>} : memref<32x128xf32, #tpu.memory_space<vmem>>, vector<1x16xf32>,
          %swap3A_216 = vector.shape_cast %swap3A_215 : vector<1x16xf32> to vector<16xf32>
          %swap3A_217 = vector.shape_cast %max3A_212 : vector<16xf32> to vector<1x16xf32>
          tpu.vector_store %arg12[%swap3A_213, %swap3A_214], %swap3A_217 {strides = array<i32>} : memref<32x128xf32, #tpu.memory_space<vmem>>, vector<1x16xf32>,
          %get3A_218 = arith.index_cast %scan3A_140 : i32 to index
          %get3A_219 = arith.constant 48 : index
          %get3A_220 = tpu.vector_load %arg8[%get3A_218, %get3A_219] {strides = array<i32>} : memref<200x128xf32, #tpu.memory_space<vmem>>, vector<1x16xf32>,
          %get3A_221 = vector.shape_cast %get3A_220 : vector<1x16xf32> to vector<16xf32>
          %get3A_222 = arith.index_cast %squeeze3A_146 : i32 to index
          %get3A_223 = arith.constant 48 : index
          %get3A_224 = tpu.vector_load %arg11[%get3A_222, %get3A_223] {strides = array<i32>} : memref<32x128xf32, #tpu.memory_space<vmem>>, vector<1x16xf32>,
          %get3A_225 = vector.shape_cast %get3A_224 : vector<1x16xf32> to vector<16xf32>
          %add3A_226 = arith.addf %get3A_225, %get3A_221 : vector<16xf32>
          %swap3A_227 = arith.index_cast %squeeze3A_146 : i32 to index
          %swap3A_228 = arith.constant 48 : index
          %swap3A_229 = tpu.vector_load %arg11[%swap3A_227, %swap3A_228] {strides = array<i32>} : memref<32x128xf32, #tpu.memory_space<vmem>>, vector<1x16xf32>,
          %swap3A_230 = vector.shape_cast %swap3A_229 : vector<1x16xf32> to vector<16xf32>
          %swap3A_231 = vector.shape_cast %add3A_226 : vector<16xf32> to vector<1x16xf32>
          tpu.vector_store %arg11[%swap3A_227, %swap3A_228], %swap3A_231 {strides = array<i32>} : memref<32x128xf32, #tpu.memory_space<vmem>>, vector<1x16xf32>,
          %get3A_232 = arith.index_cast %squeeze3A_146 : i32 to index
          %get3A_233 = arith.constant 48 : index
          %get3A_234 = tpu.vector_load %arg12[%get3A_232, %get3A_233] {strides = array<i32>} : memref<32x128xf32, #tpu.memory_space<vmem>>, vector<1x16xf32>,
          %get3A_235 = vector.shape_cast %get3A_234 : vector<1x16xf32> to vector<16xf32>
          %max3A_236 = arith.maximumf %get3A_235, %get3A_221 : vector<16xf32>
          %swap3A_237 = arith.index_cast %squeeze3A_146 : i32 to index
          %swap3A_238 = arith.constant 48 : index
          %swap3A_239 = tpu.vector_load %arg12[%swap3A_237, %swap3A_238] {strides = array<i32>} : memref<32x128xf32, #tpu.memory_space<vmem>>, vector<1x16xf32>,
          %swap3A_240 = vector.shape_cast %swap3A_239 : vector<1x16xf32> to vector<16xf32>
          %swap3A_241 = vector.shape_cast %max3A_236 : vector<16xf32> to vector<1x16xf32>
          tpu.vector_store %arg12[%swap3A_237, %swap3A_238], %swap3A_241 {strides = array<i32>} : memref<32x128xf32, #tpu.memory_space<vmem>>, vector<1x16xf32>,
          %get3A_242 = arith.index_cast %scan3A_140 : i32 to index
          %get3A_243 = arith.constant 64 : index
          %get3A_244 = tpu.vector_load %arg8[%get3A_242, %get3A_243] {strides = array<i32>} : memref<200x128xf32, #tpu.memory_space<vmem>>, vector<1x16xf32>,
          %get3A_245 = vector.shape_cast %get3A_244 : vector<1x16xf32> to vector<16xf32>
          %get3A_246 = arith.index_cast %squeeze3A_146 : i32 to index
          %get3A_247 = arith.constant 64 : index
          %get3A_248 = tpu.vector_load %arg11[%get3A_246, %get3A_247] {strides = array<i32>} : memref<32x128xf32, #tpu.memory_space<vmem>>, vector<1x16xf32>,
          %get3A_249 = vector.shape_cast %get3A_248 : vector<1x16xf32> to vector<16xf32>
          %add3A_250 = arith.addf %get3A_249, %get3A_245 : vector<16xf32>
          %swap3A_251 = arith.index_cast %squeeze3A_146 : i32 to index
          %swap3A_252 = arith.constant 64 : index
          %swap3A_253 = tpu.vector_load %arg11[%swap3A_251, %swap3A_252] {strides = array<i32>} : memref<32x128xf32, #tpu.memory_space<vmem>>, vector<1x16xf32>,
          %swap3A_254 = vector.shape_cast %swap3A_253 : vector<1x16xf32> to vector<16xf32>
          %swap3A_255 = vector.shape_cast %add3A_250 : vector<16xf32> to vector<1x16xf32>
          tpu.vector_store %arg11[%swap3A_251, %swap3A_252], %swap3A_255 {strides = array<i32>} : memref<32x128xf32, #tpu.memory_space<vmem>>, vector<1x16xf32>,
          %get3A_256 = arith.index_cast %squeeze3A_146 : i32 to index
          %get3A_257 = arith.constant 64 : index
          %get3A_258 = tpu.vector_load %arg12[%get3A_256, %get3A_257] {strides = array<i32>} : memref<32x128xf32, #tpu.memory_space<vmem>>, vector<1x16xf32>,
          %get3A_259 = vector.shape_cast %get3A_258 : vector<1x16xf32> to vector<16xf32>
          %max3A_260 = arith.maximumf %get3A_259, %get3A_245 : vector<16xf32>
          %swap3A_261 = arith.index_cast %squeeze3A_146 : i32 to index
          %swap3A_262 = arith.constant 64 : index
          %swap3A_263 = tpu.vector_load %arg12[%swap3A_261, %swap3A_262] {strides = array<i32>} : memref<32x128xf32, #tpu.memory_space<vmem>>, vector<1x16xf32>,
          %swap3A_264 = vector.shape_cast %swap3A_263 : vector<1x16xf32> to vector<16xf32>
          %swap3A_265 = vector.shape_cast %max3A_260 : vector<16xf32> to vector<1x16xf32>
          tpu.vector_store %arg12[%swap3A_261, %swap3A_262], %swap3A_265 {strides = array<i32>} : memref<32x128xf32, #tpu.memory_space<vmem>>, vector<1x16xf32>,
          %get3A_266 = arith.index_cast %scan3A_140 : i32 to index
          %get3A_267 = arith.constant 80 : index
          %get3A_268 = tpu.vector_load %arg8[%get3A_266, %get3A_267] {strides = array<i32>} : memref<200x128xf32, #tpu.memory_space<vmem>>, vector<1x16xf32>,
          %get3A_269 = vector.shape_cast %get3A_268 : vector<1x16xf32> to vector<16xf32>
          %get3A_270 = arith.index_cast %squeeze3A_146 : i32 to index
          %get3A_271 = arith.constant 80 : index
          %get3A_272 = tpu.vector_load %arg11[%get3A_270, %get3A_271] {strides = array<i32>} : memref<32x128xf32, #tpu.memory_space<vmem>>, vector<1x16xf32>,
          %get3A_273 = vector.shape_cast %get3A_272 : vector<1x16xf32> to vector<16xf32>
          %add3A_274 = arith.addf %get3A_273, %get3A_269 : vector<16xf32>
          %swap3A_275 = arith.index_cast %squeeze3A_146 : i32 to index
          %swap3A_276 = arith.constant 80 : index
          %swap3A_277 = tpu.vector_load %arg11[%swap3A_275, %swap3A_276] {strides = array<i32>} : memref<32x128xf32, #tpu.memory_space<vmem>>, vector<1x16xf32>,
          %swap3A_278 = vector.shape_cast %swap3A_277 : vector<1x16xf32> to vector<16xf32>
          %swap3A_279 = vector.shape_cast %add3A_274 : vector<16xf32> to vector<1x16xf32>
          tpu.vector_store %arg11[%swap3A_275, %swap3A_276], %swap3A_279 {strides = array<i32>} : memref<32x128xf32, #tpu.memory_space<vmem>>, vector<1x16xf32>,
          %get3A_280 = arith.index_cast %squeeze3A_146 : i32 to index
          %get3A_281 = arith.constant 80 : index
          %get3A_282 = tpu.vector_load %arg12[%get3A_280, %get3A_281] {strides = array<i32>} : memref<32x128xf32, #tpu.memory_space<vmem>>, vector<1x16xf32>,
          %get3A_283 = vector.shape_cast %get3A_282 : vector<1x16xf32> to vector<16xf32>
          %max3A_284 = arith.maximumf %get3A_283, %get3A_269 : vector<16xf32>
          %swap3A_285 = arith.index_cast %squeeze3A_146 : i32 to index
          %swap3A_286 = arith.constant 80 : index
          %swap3A_287 = tpu.vector_load %arg12[%swap3A_285, %swap3A_286] {strides = array<i32>} : memref<32x128xf32, #tpu.memory_space<vmem>>, vector<1x16xf32>,
          %swap3A_288 = vector.shape_cast %swap3A_287 : vector<1x16xf32> to vector<16xf32>
          %swap3A_289 = vector.shape_cast %max3A_284 : vector<16xf32> to vector<1x16xf32>
          tpu.vector_store %arg12[%swap3A_285, %swap3A_286], %swap3A_289 {strides = array<i32>} : memref<32x128xf32, #tpu.memory_space<vmem>>, vector<1x16xf32>,
          %get3A_290 = arith.index_cast %scan3A_140 : i32 to index
          %get3A_291 = arith.constant 96 : index
          %get3A_292 = tpu.vector_load %arg8[%get3A_290, %get3A_291] {strides = array<i32>} : memref<200x128xf32, #tpu.memory_space<vmem>>, vector<1x16xf32>,
          %get3A_293 = vector.shape_cast %get3A_292 : vector<1x16xf32> to vector<16xf32>
          %get3A_294 = arith.index_cast %squeeze3A_146 : i32 to index
          %get3A_295 = arith.constant 96 : index
          %get3A_296 = tpu.vector_load %arg11[%get3A_294, %get3A_295] {strides = array<i32>} : memref<32x128xf32, #tpu.memory_space<vmem>>, vector<1x16xf32>,
          %get3A_297 = vector.shape_cast %get3A_296 : vector<1x16xf32> to vector<16xf32>
          %add3A_298 = arith.addf %get3A_297, %get3A_293 : vector<16xf32>
          %swap3A_299 = arith.index_cast %squeeze3A_146 : i32 to index
          %swap3A_300 = arith.constant 96 : index
          %swap3A_301 = tpu.vector_load %arg11[%swap3A_299, %swap3A_300] {strides = array<i32>} : memref<32x128xf32, #tpu.memory_space<vmem>>, vector<1x16xf32>,
          %swap3A_302 = vector.shape_cast %swap3A_301 : vector<1x16xf32> to vector<16xf32>
          %swap3A_303 = vector.shape_cast %add3A_298 : vector<16xf32> to vector<1x16xf32>
          tpu.vector_store %arg11[%swap3A_299, %swap3A_300], %swap3A_303 {strides = array<i32>} : memref<32x128xf32, #tpu.memory_space<vmem>>, vector<1x16xf32>,
          %get3A_304 = arith.index_cast %squeeze3A_146 : i32 to index
          %get3A_305 = arith.constant 96 : index
          %get3A_306 = tpu.vector_load %arg12[%get3A_304, %get3A_305] {strides = array<i32>} : memref<32x128xf32, #tpu.memory_space<vmem>>, vector<1x16xf32>,
          %get3A_307 = vector.shape_cast %get3A_306 : vector<1x16xf32> to vector<16xf32>
          %max3A_308 = arith.maximumf %get3A_307, %get3A_293 : vector<16xf32>
          %swap3A_309 = arith.index_cast %squeeze3A_146 : i32 to index
          %swap3A_310 = arith.constant 96 : index
          %swap3A_311 = tpu.vector_load %arg12[%swap3A_309, %swap3A_310] {strides = array<i32>} : memref<32x128xf32, #tpu.memory_space<vmem>>, vector<1x16xf32>,
          %swap3A_312 = vector.shape_cast %swap3A_311 : vector<1x16xf32> to vector<16xf32>
          %swap3A_313 = vector.shape_cast %max3A_308 : vector<16xf32> to vector<1x16xf32>
          tpu.vector_store %arg12[%swap3A_309, %swap3A_310], %swap3A_313 {strides = array<i32>} : memref<32x128xf32, #tpu.memory_space<vmem>>, vector<1x16xf32>,
          %get3A_314 = arith.index_cast %scan3A_140 : i32 to index
          %get3A_315 = arith.constant 112 : index
          %get3A_316 = tpu.vector_load %arg8[%get3A_314, %get3A_315] {strides = array<i32>} : memref<200x128xf32, #tpu.memory_space<vmem>>, vector<1x16xf32>,
          %get3A_317 = vector.shape_cast %get3A_316 : vector<1x16xf32> to vector<16xf32>
          %get3A_318 = arith.index_cast %squeeze3A_146 : i32 to index
          %get3A_319 = arith.constant 112 : index
          %get3A_320 = tpu.vector_load %arg11[%get3A_318, %get3A_319] {strides = array<i32>} : memref<32x128xf32, #tpu.memory_space<vmem>>, vector<1x16xf32>,
          %get3A_321 = vector.shape_cast %get3A_320 : vector<1x16xf32> to vector<16xf32>
          %add3A_322 = arith.addf %get3A_321, %get3A_317 : vector<16xf32>
          %swap3A_323 = arith.index_cast %squeeze3A_146 : i32 to index
          %swap3A_324 = arith.constant 112 : index
          %swap3A_325 = tpu.vector_load %arg11[%swap3A_323, %swap3A_324] {strides = array<i32>} : memref<32x128xf32, #tpu.memory_space<vmem>>, vector<1x16xf32>,
          %swap3A_326 = vector.shape_cast %swap3A_325 : vector<1x16xf32> to vector<16xf32>
          %swap3A_327 = vector.shape_cast %add3A_322 : vector<16xf32> to vector<1x16xf32>
          tpu.vector_store %arg11[%swap3A_323, %swap3A_324], %swap3A_327 {strides = array<i32>} : memref<32x128xf32, #tpu.memory_space<vmem>>, vector<1x16xf32>,
          %get3A_328 = arith.index_cast %squeeze3A_146 : i32 to index
          %get3A_329 = arith.constant 112 : index
          %get3A_330 = tpu.vector_load %arg12[%get3A_328, %get3A_329] {strides = array<i32>} : memref<32x128xf32, #tpu.memory_space<vmem>>, vector<1x16xf32>,
          %get3A_331 = vector.shape_cast %get3A_330 : vector<1x16xf32> to vector<16xf32>
          %max3A_332 = arith.maximumf %get3A_331, %get3A_317 : vector<16xf32>
          %swap3A_333 = arith.index_cast %squeeze3A_146 : i32 to index
          %swap3A_334 = arith.constant 112 : index
          %swap3A_335 = tpu.vector_load %arg12[%swap3A_333, %swap3A_334] {strides = array<i32>} : memref<32x128xf32, #tpu.memory_space<vmem>>, vector<1x16xf32>,
          %swap3A_336 = vector.shape_cast %swap3A_335 : vector<1x16xf32> to vector<16xf32>
          %swap3A_337 = vector.shape_cast %max3A_332 : vector<16xf32> to vector<1x16xf32>
          tpu.vector_store %arg12[%swap3A_333, %swap3A_334], %swap3A_337 {strides = array<i32>} : memref<32x128xf32, #tpu.memory_space<vmem>>, vector<1x16xf32>,
          %iota3A = tpu.iota {dimensions = array<i32: 0>} : vector<16xi32>
          %sub3A = arith.constant 0 : i32
          %sub3A_338 = arith.subi %squeeze3A_146, %sub3A : i32
          %eq3A_339 = vector.broadcast %sub3A_338 : i32 to vector<16xi32>
          %eq3A_340 = arith.cmpi eq, %iota3A, %eq3A_339 : vector<16xi32>
          %jit3A = arith.constant 1.000000e+00 : f32
          %jit3A_341 = arith.constant 0.000000e+00 : f32
          %broadcast_in_dim3A_342 = vector.broadcast %jit3A : f32 to vector<16xf32>
          %broadcast_in_dim3A_343 = vector.broadcast %jit3A_341 : f32 to vector<16xf32>
          %select_n3A = arith.select %eq3A_340, %broadcast_in_dim3A_342, %broadcast_in_dim3A_343 : vector<16xi1>, vector<16xf32>
          %get3A_344 = arith.constant 0 : index
          %get3A_345 = tpu.vector_load %arg13[%get3A_344] {strides = array<i32>} : memref<32xf32, #tpu.memory_space<vmem>>, vector<16xf32>,
          %get3A_346 = vector.shape_cast %get3A_345 : vector<16xf32> to vector<16xf32>
          %add3A_347 = arith.addf %get3A_346, %select_n3A : vector<16xf32>
          %swap3A_348 = arith.constant 0 : index
          %swap3A_349 = tpu.vector_load %arg13[%swap3A_348] {strides = array<i32>} : memref<32xf32, #tpu.memory_space<vmem>>, vector<16xf32>,
          %swap3A_350 = vector.shape_cast %swap3A_349 : vector<16xf32> to vector<16xf32>
          %swap3A_351 = vector.shape_cast %add3A_347 : vector<16xf32> to vector<16xf32>
          tpu.vector_store %arg13[%swap3A_348], %swap3A_351 {strides = array<i32>} : memref<32xf32, #tpu.memory_space<vmem>>, vector<16xf32>,
          %sub3A_352 = arith.constant 16 : i32
          %sub3A_353 = arith.subi %squeeze3A_146, %sub3A_352 : i32
          %eq3A_354 = vector.broadcast %sub3A_353 : i32 to vector<16xi32>
          %eq3A_355 = arith.cmpi eq, %iota3A, %eq3A_354 : vector<16xi32>
          %jit3A_356 = arith.constant 1.000000e+00 : f32
          %jit3A_357 = arith.constant 0.000000e+00 : f32
          %broadcast_in_dim3A_358 = vector.broadcast %jit3A_356 : f32 to vector<16xf32>
          %broadcast_in_dim3A_359 = vector.broadcast %jit3A_357 : f32 to vector<16xf32>
          %select_n3A_360 = arith.select %eq3A_355, %broadcast_in_dim3A_358, %broadcast_in_dim3A_359 : vector<16xi1>, vector<16xf32>
          %get3A_361 = arith.constant 16 : index
          %get3A_362 = tpu.vector_load %arg13[%get3A_361] {strides = array<i32>} : memref<32xf32, #tpu.memory_space<vmem>>, vector<16xf32>,
          %get3A_363 = vector.shape_cast %get3A_362 : vector<16xf32> to vector<16xf32>
          %add3A_364 = arith.addf %get3A_363, %select_n3A_360 : vector<16xf32>
          %swap3A_365 = arith.constant 16 : index
          %swap3A_366 = tpu.vector_load %arg13[%swap3A_365] {strides = array<i32>} : memref<32xf32, #tpu.memory_space<vmem>>, vector<16xf32>,
          %swap3A_367 = vector.shape_cast %swap3A_366 : vector<16xf32> to vector<16xf32>
          %swap3A_368 = vector.shape_cast %add3A_364 : vector<16xf32> to vector<16xf32>
          tpu.vector_store %arg13[%swap3A_365], %swap3A_368 {strides = array<i32>} : memref<32xf32, #tpu.memory_space<vmem>>, vector<16xf32>,
          %scan3A_369 = arith.constant 0 : i32
          scf.yield %scan3A_369 : i32
        }
        %scan3A_139 = arith.constant 200 : i32
      } else {
      }
      %scan3A_132 = arith.constant 0 : i32
      scf.yield %scan3A_132 : i32
    }
    %scan3A_48 = arith.constant 13 : i32
    %mul3A_49 = arith.constant 32 : i32
    %mul3A_50 = arith.muli %add3A, %mul3A_49 : i32
    "tpu.region"() ({
      %run_scoped3A = tpu.sem_alloc : memref<!tpu.dma_semaphore, #tpu.memory_space<semaphore_mem>>
      %dma_start3A_53 = arith.constant 0 : i32
      %dma_start3A_54 = tpu.memref_slice %arg4[%mul3A_50, %dma_start3A_53] : memref<1024x128xf32, #tpu.memory_space<hbm>> -> memref<32x128xf32, #tpu.memory_space<hbm>>
      %dma_start3A_55 = arith.constant 0 : i32
      %dma_start3A_56 = tpu.memref_slice %arg4[%mul3A_50, %dma_start3A_55] : memref<1024x128xf32, #tpu.memory_space<hbm>> -> memref<32x128xf32, #tpu.memory_space<hbm>>
      tpu.enqueue_dma source(%arg11 : memref<32x128xf32, #tpu.memory_space<vmem>>) target(%dma_start3A_56 : memref<32x128xf32, #tpu.memory_space<hbm>>) target_semaphore(%run_scoped3A : memref<!tpu.dma_semaphore, #tpu.memory_space<semaphore_mem>>)
      %dma_wait3A = arith.constant 0 : i32
      %dma_wait3A_57 = tpu.memref_slice %arg4[%mul3A_50, %dma_wait3A] : memref<1024x128xf32, #tpu.memory_space<hbm>> -> memref<32x128xf32, #tpu.memory_space<hbm>>
      %dma_wait3A_58 = arith.constant 0 : i32
      %dma_wait3A_59 = tpu.memref_slice %arg4[%mul3A_50, %dma_wait3A_58] : memref<1024x128xf32, #tpu.memory_space<hbm>> -> memref<32x128xf32, #tpu.memory_space<hbm>>
      tpu.wait_dma2 semaphore(%run_scoped3A : memref<!tpu.dma_semaphore, #tpu.memory_space<semaphore_mem>>) src(%arg11 : memref<32x128xf32, #tpu.memory_space<vmem>>) dst(%dma_wait3A_59 : memref<32x128xf32, #tpu.memory_space<hbm>>)
      tpu.yield
    }) : () -> ()
    %mul3A_51 = arith.constant 32 : i32
    %mul3A_52 = arith.muli %add3A, %mul3A_51 : i32
    "tpu.region"() ({
      %run_scoped3A = tpu.sem_alloc : memref<!tpu.dma_semaphore, #tpu.memory_space<semaphore_mem>>
      %dma_start3A_53 = arith.constant 0 : i32
      %dma_start3A_54 = tpu.memref_slice %arg5[%mul3A_52, %dma_start3A_53] : memref<1024x128xf32, #tpu.memory_space<hbm>> -> memref<32x128xf32, #tpu.memory_space<hbm>>
      %dma_start3A_55 = arith.constant 0 : i32
      %dma_start3A_56 = tpu.memref_slice %arg5[%mul3A_52, %dma_start3A_55] : memref<1024x128xf32, #tpu.memory_space<hbm>> -> memref<32x128xf32, #tpu.memory_space<hbm>>
      tpu.enqueue_dma source(%arg12 : memref<32x128xf32, #tpu.memory_space<vmem>>) target(%dma_start3A_56 : memref<32x128xf32, #tpu.memory_space<hbm>>) target_semaphore(%run_scoped3A : memref<!tpu.dma_semaphore, #tpu.memory_space<semaphore_mem>>)
      %dma_wait3A = arith.constant 0 : i32
      %dma_wait3A_57 = tpu.memref_slice %arg5[%mul3A_52, %dma_wait3A] : memref<1024x128xf32, #tpu.memory_space<hbm>> -> memref<32x128xf32, #tpu.memory_space<hbm>>
      %dma_wait3A_58 = arith.constant 0 : i32
      %dma_wait3A_59 = tpu.memref_slice %arg5[%mul3A_52, %dma_wait3A_58] : memref<1024x128xf32, #tpu.memory_space<hbm>> -> memref<32x128xf32, #tpu.memory_space<hbm>>
      tpu.wait_dma2 semaphore(%run_scoped3A : memref<!tpu.dma_semaphore, #tpu.memory_space<semaphore_mem>>) src(%arg12 : memref<32x128xf32, #tpu.memory_space<vmem>>) dst(%dma_wait3A_59 : memref<32x128xf32, #tpu.memory_space<hbm>>)
      tpu.yield
    }) : () -> ()
    "tpu.region"() ({
      %run_scoped3A = tpu.sem_alloc : memref<!tpu.dma_semaphore, #tpu.memory_space<semaphore_mem>>
      %dma_start3A_53 = arith.constant 0 : i32
      %dma_start3A_54 = tpu.memref_slice %arg6[%add3A, %dma_start3A_53] : memref<32x32xf32, #tpu.memory_space<hbm>> -> memref<1x32xf32, #tpu.memory_space<hbm>>
      %dma_start3A_55 = tpu.memref_squeeze %dma_start3A_54 : memref<1x32xf32, #tpu.memory_space<hbm>> -> memref<32xf32, #tpu.memory_space<hbm>>
      %dma_start3A_56 = arith.constant 0 : i32
      %dma_start3A_57 = tpu.memref_slice %arg6[%add3A, %dma_start3A_56] : memref<32x32xf32, #tpu.memory_space<hbm>> -> memref<1x32xf32, #tpu.memory_space<hbm>>
      %dma_start3A_58 = tpu.memref_squeeze %dma_start3A_57 : memref<1x32xf32, #tpu.memory_space<hbm>> -> memref<32xf32, #tpu.memory_space<hbm>>
      tpu.enqueue_dma source(%arg13 : memref<32xf32, #tpu.memory_space<vmem>>) target(%dma_start3A_58 : memref<32xf32, #tpu.memory_space<hbm>>) target_semaphore(%run_scoped3A : memref<!tpu.dma_semaphore, #tpu.memory_space<semaphore_mem>>)
      %dma_wait3A = arith.constant 0 : i32
      %dma_wait3A_59 = tpu.memref_slice %arg6[%add3A, %dma_wait3A] : memref<32x32xf32, #tpu.memory_space<hbm>> -> memref<1x32xf32, #tpu.memory_space<hbm>>
      %dma_wait3A_60 = tpu.memref_squeeze %dma_wait3A_59 : memref<1x32xf32, #tpu.memory_space<hbm>> -> memref<32xf32, #tpu.memory_space<hbm>>
      %dma_wait3A_61 = arith.constant 0 : i32
      %dma_wait3A_62 = tpu.memref_slice %arg6[%add3A, %dma_wait3A_61] : memref<32x32xf32, #tpu.memory_space<hbm>> -> memref<1x32xf32, #tpu.memory_space<hbm>>
      %dma_wait3A_63 = tpu.memref_squeeze %dma_wait3A_62 : memref<1x32xf32, #tpu.memory_space<hbm>> -> memref<32xf32, #tpu.memory_space<hbm>>
      tpu.wait_dma2 semaphore(%run_scoped3A : memref<!tpu.dma_semaphore, #tpu.memory_space<semaphore_mem>>) src(%arg13 : memref<32xf32, #tpu.memory_space<vmem>>) dst(%dma_wait3A_63 : memref<32xf32, #tpu.memory_space<hbm>>)
      tpu.yield
    }) : () -> ()
    return
  }
}

#map = affine_map<(d0, d1) -> (0, 0)>
#map1 = affine_map<(d0, d1) -> (0)>
module attributes {stable_mosaic.version = 14 : i64} {
  func.func @scale_sc(%arg0: i32, %arg1: i32, %arg2: memref<320000x128xf32, #tpu.memory_space<hbm>>, %arg3: memref<320000xi32, #tpu.memory_space<hbm>>, %arg4: memref<4096xf32, #tpu.memory_space<hbm>>, %arg5: memref<320000x128xf32, #tpu.memory_space<hbm>>, %arg6: memref<200x128xf32, #tpu.memory_space<vmem>>, %arg7: memref<200x128xf32, #tpu.memory_space<vmem>>, %arg8: memref<200x128xf32, #tpu.memory_space<vmem>>, %arg9: memref<200x128xf32, #tpu.memory_space<vmem>>, %arg10: memref<216xi32, #tpu.memory_space<vmem>>, %arg11: memref<216xi32, #tpu.memory_space<vmem>>, %arg12: memref<4096xf32, #tpu.memory_space<vmem>>, %arg13: memref<!tpu.dma_semaphore, #tpu.memory_space<semaphore_mem>>, %arg14: memref<!tpu.dma_semaphore, #tpu.memory_space<semaphore_mem>>, %arg15: memref<!tpu.dma_semaphore, #tpu.memory_space<semaphore_mem>>, %arg16: memref<!tpu.dma_semaphore, #tpu.memory_space<semaphore_mem>>, %arg17: memref<!tpu.dma_semaphore, #tpu.memory_space<semaphore_mem>>, %arg18: memref<!tpu.dma_semaphore, #tpu.memory_space<semaphore_mem>>) attributes {dimension_semantics = [#tpu.dimension_semantics<core_parallel>, #tpu.dimension_semantics<subcore_parallel>], iteration_bounds = array<i64: 2, 16>, scalar_prefetch = 0 : i64, scratch_operands = 13 : i64, tpu.core_type = #tpu.core_type<sc_vector_subcore>, window_params = [{transform_indices = #map}, {transform_indices = #map1}, {transform_indices = #map1}, {transform_indices = #map}]} {
    %mul3A = arith.constant 2 : i32
    %mul3A_0 = arith.muli %arg1, %mul3A : i32
    %add3A = arith.addi %mul3A_0, %arg0 : i32
    %mul3A_1 = arith.constant 10000 : i32
    %mul3A_2 = arith.muli %add3A, %mul3A_1 : i32
    "tpu.region"() ({
      %run_scoped3A = tpu.sem_alloc : memref<!tpu.dma_semaphore, #tpu.memory_space<semaphore_mem>>
      tpu.enqueue_dma source(%arg4 : memref<4096xf32, #tpu.memory_space<hbm>>) target(%arg12 : memref<4096xf32, #tpu.memory_space<vmem>>) target_semaphore(%run_scoped3A : memref<!tpu.dma_semaphore, #tpu.memory_space<semaphore_mem>>)
      tpu.wait_dma2 semaphore(%run_scoped3A : memref<!tpu.dma_semaphore, #tpu.memory_space<semaphore_mem>>) src(%arg4 : memref<4096xf32, #tpu.memory_space<hbm>>) dst(%arg12 : memref<4096xf32, #tpu.memory_space<vmem>>)
      tpu.yield
    }) : () -> ()
    %broadcast_in_dim3A = arith.constant 127 : i32
    %broadcast_in_dim3A_3 = vector.broadcast %broadcast_in_dim3A : i32 to vector<16xi32>
    %swap3A = arith.constant 200 : index
    %swap3A_4 = tpu.vector_load %arg10[%swap3A] {strides = array<i32>} : memref<216xi32, #tpu.memory_space<vmem>>, vector<16xi32>,
    %swap3A_5 = vector.shape_cast %swap3A_4 : vector<16xi32> to vector<16xi32>
    %swap3A_6 = vector.shape_cast %broadcast_in_dim3A_3 : vector<16xi32> to vector<16xi32>
    tpu.vector_store %arg10[%swap3A], %swap3A_6 {strides = array<i32>} : memref<216xi32, #tpu.memory_space<vmem>>, vector<16xi32>,
    %broadcast_in_dim3A_7 = arith.constant 127 : i32
    %broadcast_in_dim3A_8 = vector.broadcast %broadcast_in_dim3A_7 : i32 to vector<16xi32>
    %swap3A_9 = arith.constant 200 : index
    %swap3A_10 = tpu.vector_load %arg11[%swap3A_9] {strides = array<i32>} : memref<216xi32, #tpu.memory_space<vmem>>, vector<16xi32>,
    %swap3A_11 = vector.shape_cast %swap3A_10 : vector<16xi32> to vector<16xi32>
    %swap3A_12 = vector.shape_cast %broadcast_in_dim3A_8 : vector<16xi32> to vector<16xi32>
    tpu.vector_store %arg11[%swap3A_9], %swap3A_12 {strides = array<i32>} : memref<216xi32, #tpu.memory_space<vmem>>, vector<16xi32>,
    %add3A_13 = arith.constant 0 : i32
    %add3A_14 = arith.addi %mul3A_2, %add3A_13 : i32
    %dma_start3A = arith.constant 0 : i32
    %dma_start3A_15 = tpu.memref_slice %arg2[%add3A_14, %dma_start3A] : memref<320000x128xf32, #tpu.memory_space<hbm>> -> memref<200x128xf32, #tpu.memory_space<hbm>>
    %dma_start3A_16 = arith.constant 0 : i32
    %dma_start3A_17 = tpu.memref_slice %arg2[%add3A_14, %dma_start3A_16] : memref<320000x128xf32, #tpu.memory_space<hbm>> -> memref<200x128xf32, #tpu.memory_space<hbm>>
    tpu.enqueue_dma source(%dma_start3A_17 : memref<200x128xf32, #tpu.memory_space<hbm>>) target(%arg6 : memref<200x128xf32, #tpu.memory_space<vmem>>) target_semaphore(%arg13 : memref<!tpu.dma_semaphore, #tpu.memory_space<semaphore_mem>>)
    %dma_start3A_18 = arith.constant 0 : i32
    %dma_start3A_19 = tpu.memref_slice %arg10[%dma_start3A_18] : memref<216xi32, #tpu.memory_space<vmem>> -> memref<200xi32, #tpu.memory_space<vmem>>
    %dma_start3A_20 = tpu.memref_slice %arg3[%add3A_14] : memref<320000xi32, #tpu.memory_space<hbm>> -> memref<200xi32, #tpu.memory_space<hbm>>
    %dma_start3A_21 = arith.constant 0 : i32
    %dma_start3A_22 = tpu.memref_slice %arg10[%dma_start3A_21] : memref<216xi32, #tpu.memory_space<vmem>> -> memref<200xi32, #tpu.memory_space<vmem>>
    %dma_start3A_23 = tpu.memref_slice %arg3[%add3A_14] : memref<320000xi32, #tpu.memory_space<hbm>> -> memref<200xi32, #tpu.memory_space<hbm>>
    tpu.enqueue_dma source(%dma_start3A_23 : memref<200xi32, #tpu.memory_space<hbm>>) target(%dma_start3A_22 : memref<200xi32, #tpu.memory_space<vmem>>) target_semaphore(%arg15 : memref<!tpu.dma_semaphore, #tpu.memory_space<semaphore_mem>>)
    %scan3A = arith.constant 0 : i32
    %scan3A_24 = arith.constant 0 : i32
    %scan3A_25 = arith.constant 25 : i32
    %scan3A_26 = arith.addi %scan3A_24, %scan3A_25 : i32
    %scan3A_27 = arith.constant 1 : i32
    %scan3A_28 = scf.for %scan3A_41 = %scan3A_24 to %scan3A_26 step %scan3A_27 iter_args(%scan3A_42 = %scan3A) -> (i32)  : i32 {
      %mul3A_43 = arith.constant 2 : i32
      %mul3A_44 = arith.muli %mul3A_43, %scan3A_41 : i32
      %add3A_45 = arith.constant 0 : i32
      %add3A_46 = arith.addi %mul3A_44, %add3A_45 : i32
      %add3A_47 = arith.constant 1 : i32
      %add3A_48 = arith.addi %add3A_46, %add3A_47 : i32
      %lt3A = arith.constant 50 : i32
      %lt3A_49 = arith.cmpi slt, %add3A_48, %lt3A : i32
      %convert_element_type3A = arith.extui %lt3A_49 : i1 to i32
      %cond3A = arith.constant 0 : i32
      %cond3A_50 = arith.cmpi ne, %convert_element_type3A, %cond3A : i32
      scf.if %cond3A_50 {
        %add3A_145 = arith.constant 1 : i32
        %add3A_146 = arith.addi %add3A_46, %add3A_145 : i32
        %mul3A_147 = arith.constant 200 : i32
        %mul3A_148 = arith.muli %add3A_146, %mul3A_147 : i32
        %add3A_149 = arith.addi %mul3A_2, %mul3A_148 : i32
        %dma_start3A_150 = arith.constant 0 : i32
        %dma_start3A_151 = tpu.memref_slice %arg2[%add3A_149, %dma_start3A_150] : memref<320000x128xf32, #tpu.memory_space<hbm>> -> memref<200x128xf32, #tpu.memory_space<hbm>>
        %dma_start3A_152 = arith.constant 0 : i32
        %dma_start3A_153 = tpu.memref_slice %arg2[%add3A_149, %dma_start3A_152] : memref<320000x128xf32, #tpu.memory_space<hbm>> -> memref<200x128xf32, #tpu.memory_space<hbm>>
        tpu.enqueue_dma source(%dma_start3A_153 : memref<200x128xf32, #tpu.memory_space<hbm>>) target(%arg7 : memref<200x128xf32, #tpu.memory_space<vmem>>) target_semaphore(%arg14 : memref<!tpu.dma_semaphore, #tpu.memory_space<semaphore_mem>>)
        %dma_start3A_154 = arith.constant 0 : i32
        %dma_start3A_155 = tpu.memref_slice %arg11[%dma_start3A_154] : memref<216xi32, #tpu.memory_space<vmem>> -> memref<200xi32, #tpu.memory_space<vmem>>
        %dma_start3A_156 = tpu.memref_slice %arg3[%add3A_149] : memref<320000xi32, #tpu.memory_space<hbm>> -> memref<200xi32, #tpu.memory_space<hbm>>
        %dma_start3A_157 = arith.constant 0 : i32
        %dma_start3A_158 = tpu.memref_slice %arg11[%dma_start3A_157] : memref<216xi32, #tpu.memory_space<vmem>> -> memref<200xi32, #tpu.memory_space<vmem>>
        %dma_start3A_159 = tpu.memref_slice %arg3[%add3A_149] : memref<320000xi32, #tpu.memory_space<hbm>> -> memref<200xi32, #tpu.memory_space<hbm>>
        tpu.enqueue_dma source(%dma_start3A_159 : memref<200xi32, #tpu.memory_space<hbm>>) target(%dma_start3A_158 : memref<200xi32, #tpu.memory_space<vmem>>) target_semaphore(%arg16 : memref<!tpu.dma_semaphore, #tpu.memory_space<semaphore_mem>>)
      } else {
      }
      %dma_wait3A_51 = arith.constant 0 : i32
      %dma_wait3A_52 = arith.constant 0 : i32
      %dma_wait3A_53 = tpu.memref_slice %arg2[%dma_wait3A_51, %dma_wait3A_52] : memref<320000x128xf32, #tpu.memory_space<hbm>> -> memref<200x128xf32, #tpu.memory_space<hbm>>
      %dma_wait3A_54 = arith.constant 0 : i32
      %dma_wait3A_55 = arith.constant 0 : i32
      %dma_wait3A_56 = tpu.memref_slice %arg2[%dma_wait3A_54, %dma_wait3A_55] : memref<320000x128xf32, #tpu.memory_space<hbm>> -> memref<200x128xf32, #tpu.memory_space<hbm>>
      tpu.wait_dma2 semaphore(%arg13 : memref<!tpu.dma_semaphore, #tpu.memory_space<semaphore_mem>>) src(%dma_wait3A_56 : memref<200x128xf32, #tpu.memory_space<hbm>>) dst(%arg6 : memref<200x128xf32, #tpu.memory_space<vmem>>)
      %dma_wait3A_57 = arith.constant 0 : i32
      %dma_wait3A_58 = tpu.memref_slice %arg10[%dma_wait3A_57] : memref<216xi32, #tpu.memory_space<vmem>> -> memref<200xi32, #tpu.memory_space<vmem>>
      %dma_wait3A_59 = arith.constant 0 : i32
      %dma_wait3A_60 = tpu.memref_slice %arg3[%dma_wait3A_59] : memref<320000xi32, #tpu.memory_space<hbm>> -> memref<200xi32, #tpu.memory_space<hbm>>
      %dma_wait3A_61 = arith.constant 0 : i32
      %dma_wait3A_62 = tpu.memref_slice %arg10[%dma_wait3A_61] : memref<216xi32, #tpu.memory_space<vmem>> -> memref<200xi32, #tpu.memory_space<vmem>>
      %dma_wait3A_63 = arith.constant 0 : i32
      %dma_wait3A_64 = tpu.memref_slice %arg3[%dma_wait3A_63] : memref<320000xi32, #tpu.memory_space<hbm>> -> memref<200xi32, #tpu.memory_space<hbm>>
      tpu.wait_dma2 semaphore(%arg15 : memref<!tpu.dma_semaphore, #tpu.memory_space<semaphore_mem>>) src(%dma_wait3A_64 : memref<200xi32, #tpu.memory_space<hbm>>) dst(%dma_wait3A_62 : memref<200xi32, #tpu.memory_space<vmem>>)
      %ge3A = arith.constant 2 : i32
      %ge3A_65 = arith.cmpi sge, %add3A_46, %ge3A : i32
      %convert_element_type3A_66 = arith.extui %ge3A_65 : i1 to i32
      %cond3A_67 = arith.constant 0 : i32
      %cond3A_68 = arith.cmpi ne, %convert_element_type3A_66, %cond3A_67 : i32
      scf.if %cond3A_68 {
        %dma_wait3A_145 = arith.constant 0 : i32
        %dma_wait3A_146 = arith.constant 0 : i32
        %dma_wait3A_147 = tpu.memref_slice %arg5[%dma_wait3A_145, %dma_wait3A_146] : memref<320000x128xf32, #tpu.memory_space<hbm>> -> memref<200x128xf32, #tpu.memory_space<hbm>>
        %dma_wait3A_148 = arith.constant 0 : i32
        %dma_wait3A_149 = arith.constant 0 : i32
        %dma_wait3A_150 = tpu.memref_slice %arg5[%dma_wait3A_148, %dma_wait3A_149] : memref<320000x128xf32, #tpu.memory_space<hbm>> -> memref<200x128xf32, #tpu.memory_space<hbm>>
        tpu.wait_dma2 semaphore(%arg17 : memref<!tpu.dma_semaphore, #tpu.memory_space<semaphore_mem>>) src(%arg8 : memref<200x128xf32, #tpu.memory_space<vmem>>) dst(%dma_wait3A_150 : memref<200x128xf32, #tpu.memory_space<hbm>>)
      } else {
      }
      %get3A = arith.constant 0 : index
      %get3A_69 = tpu.vector_load %arg10[%get3A] {strides = array<i32>} : memref<216xi32, #tpu.memory_space<vmem>>, vector<16xi32>,
      %get3A_70 = vector.shape_cast %get3A_69 : vector<16xi32> to vector<16xi32>
      %slice3A = vector.extract_strided_slice %get3A_70 {offsets = [0], sizes = [1], strides = [1]} : vector<16xi32> to vector<1xi32>
      %squeeze3A = vector.extract %slice3A[0] : i32 from vector<1xi32>
      %get3A_71 = arith.constant 184 : index
      %get3A_72 = tpu.vector_load %arg10[%get3A_71] {strides = array<i32>} : memref<216xi32, #tpu.memory_space<vmem>>, vector<16xi32>,
      %get3A_73 = vector.shape_cast %get3A_72 : vector<16xi32> to vector<16xi32>
      %slice3A_74 = vector.extract_strided_slice %get3A_73 {offsets = [15], sizes = [1], strides = [1]} : vector<16xi32> to vector<1xi32>
      %squeeze3A_75 = vector.extract %slice3A_74[0] : i32 from vector<1xi32>
      %eq3A = arith.cmpi eq, %squeeze3A, %squeeze3A_75 : i32
      %convert_element_type3A_76 = arith.extui %eq3A : i1 to i32
      %cond3A_77 = arith.constant 0 : i32
      %cond3A_78 = arith.cmpi ne, %convert_element_type3A_76, %cond3A_77 : i32
      scf.if %cond3A_78 {
        %mul3A_145 = arith.constant 128 : i32
        %mul3A_146 = arith.muli %squeeze3A, %mul3A_145 : i32
        %add3A_147 = arith.constant 0 : i32
        %add3A_148 = arith.addi %mul3A_146, %add3A_147 : i32
        %get3A_149 = arith.index_cast %add3A_148 : i32 to index
        %get3A_150 = tpu.vector_load %arg12[%get3A_149] {strides = array<i32>} : memref<4096xf32, #tpu.memory_space<vmem>>, vector<16xf32>,
        %get3A_151 = vector.shape_cast %get3A_150 : vector<16xf32> to vector<16xf32>
        %add3A_152 = arith.constant 16 : i32
        %add3A_153 = arith.addi %mul3A_146, %add3A_152 : i32
        %get3A_154 = arith.index_cast %add3A_153 : i32 to index
        %get3A_155 = tpu.vector_load %arg12[%get3A_154] {strides = array<i32>} : memref<4096xf32, #tpu.memory_space<vmem>>, vector<16xf32>,
        %get3A_156 = vector.shape_cast %get3A_155 : vector<16xf32> to vector<16xf32>
        %add3A_157 = arith.constant 32 : i32
        %add3A_158 = arith.addi %mul3A_146, %add3A_157 : i32
        %get3A_159 = arith.index_cast %add3A_158 : i32 to index
        %get3A_160 = tpu.vector_load %arg12[%get3A_159] {strides = array<i32>} : memref<4096xf32, #tpu.memory_space<vmem>>, vector<16xf32>,
        %get3A_161 = vector.shape_cast %get3A_160 : vector<16xf32> to vector<16xf32>
        %add3A_162 = arith.constant 48 : i32
        %add3A_163 = arith.addi %mul3A_146, %add3A_162 : i32
        %get3A_164 = arith.index_cast %add3A_163 : i32 to index
        %get3A_165 = tpu.vector_load %arg12[%get3A_164] {strides = array<i32>} : memref<4096xf32, #tpu.memory_space<vmem>>, vector<16xf32>,
        %get3A_166 = vector.shape_cast %get3A_165 : vector<16xf32> to vector<16xf32>
        %add3A_167 = arith.constant 64 : i32
        %add3A_168 = arith.addi %mul3A_146, %add3A_167 : i32
        %get3A_169 = arith.index_cast %add3A_168 : i32 to index
        %get3A_170 = tpu.vector_load %arg12[%get3A_169] {strides = array<i32>} : memref<4096xf32, #tpu.memory_space<vmem>>, vector<16xf32>,
        %get3A_171 = vector.shape_cast %get3A_170 : vector<16xf32> to vector<16xf32>
        %add3A_172 = arith.constant 80 : i32
        %add3A_173 = arith.addi %mul3A_146, %add3A_172 : i32
        %get3A_174 = arith.index_cast %add3A_173 : i32 to index
        %get3A_175 = tpu.vector_load %arg12[%get3A_174] {strides = array<i32>} : memref<4096xf32, #tpu.memory_space<vmem>>, vector<16xf32>,
        %get3A_176 = vector.shape_cast %get3A_175 : vector<16xf32> to vector<16xf32>
        %add3A_177 = arith.constant 96 : i32
        %add3A_178 = arith.addi %mul3A_146, %add3A_177 : i32
        %get3A_179 = arith.index_cast %add3A_178 : i32 to index
        %get3A_180 = tpu.vector_load %arg12[%get3A_179] {strides = array<i32>} : memref<4096xf32, #tpu.memory_space<vmem>>, vector<16xf32>,
        %get3A_181 = vector.shape_cast %get3A_180 : vector<16xf32> to vector<16xf32>
        %add3A_182 = arith.constant 112 : i32
        %add3A_183 = arith.addi %mul3A_146, %add3A_182 : i32
        %get3A_184 = arith.index_cast %add3A_183 : i32 to index
        %get3A_185 = tpu.vector_load %arg12[%get3A_184] {strides = array<i32>} : memref<4096xf32, #tpu.memory_space<vmem>>, vector<16xf32>,
        %get3A_186 = vector.shape_cast %get3A_185 : vector<16xf32> to vector<16xf32>
        %scan3A_187 = arith.constant 0 : i32
        %scan3A_188 = arith.constant 0 : i32
        %scan3A_189 = arith.constant 200 : i32
        %scan3A_190 = arith.addi %scan3A_188, %scan3A_189 : i32
        %scan3A_191 = arith.constant 1 : i32
        %scan3A_192 = scf.for %scan3A_194 = %scan3A_188 to %scan3A_190 step %scan3A_191 iter_args(%scan3A_195 = %scan3A_187) -> (i32)  : i32 {
          %get3A_196 = arith.index_cast %scan3A_194 : i32 to index
          %get3A_197 = arith.constant 0 : index
          %get3A_198 = tpu.vector_load %arg6[%get3A_196, %get3A_197] {strides = array<i32>} : memref<200x128xf32, #tpu.memory_space<vmem>>, vector<1x16xf32>,
          %get3A_199 = vector.shape_cast %get3A_198 : vector<1x16xf32> to vector<16xf32>
          %mul3A_200 = arith.mulf %get3A_199, %get3A_151 : vector<16xf32>
          %swap3A_201 = arith.index_cast %scan3A_194 : i32 to index
          %swap3A_202 = arith.constant 0 : index
          %swap3A_203 = tpu.vector_load %arg8[%swap3A_201, %swap3A_202] {strides = array<i32>} : memref<200x128xf32, #tpu.memory_space<vmem>>, vector<1x16xf32>,
          %swap3A_204 = vector.shape_cast %swap3A_203 : vector<1x16xf32> to vector<16xf32>
          %swap3A_205 = vector.shape_cast %mul3A_200 : vector<16xf32> to vector<1x16xf32>
          tpu.vector_store %arg8[%swap3A_201, %swap3A_202], %swap3A_205 {strides = array<i32>} : memref<200x128xf32, #tpu.memory_space<vmem>>, vector<1x16xf32>,
          %get3A_206 = arith.index_cast %scan3A_194 : i32 to index
          %get3A_207 = arith.constant 16 : index
          %get3A_208 = tpu.vector_load %arg6[%get3A_206, %get3A_207] {strides = array<i32>} : memref<200x128xf32, #tpu.memory_space<vmem>>, vector<1x16xf32>,
          %get3A_209 = vector.shape_cast %get3A_208 : vector<1x16xf32> to vector<16xf32>
          %mul3A_210 = arith.mulf %get3A_209, %get3A_156 : vector<16xf32>
          %swap3A_211 = arith.index_cast %scan3A_194 : i32 to index
          %swap3A_212 = arith.constant 16 : index
          %swap3A_213 = tpu.vector_load %arg8[%swap3A_211, %swap3A_212] {strides = array<i32>} : memref<200x128xf32, #tpu.memory_space<vmem>>, vector<1x16xf32>,
          %swap3A_214 = vector.shape_cast %swap3A_213 : vector<1x16xf32> to vector<16xf32>
          %swap3A_215 = vector.shape_cast %mul3A_210 : vector<16xf32> to vector<1x16xf32>
          tpu.vector_store %arg8[%swap3A_211, %swap3A_212], %swap3A_215 {strides = array<i32>} : memref<200x128xf32, #tpu.memory_space<vmem>>, vector<1x16xf32>,
          %get3A_216 = arith.index_cast %scan3A_194 : i32 to index
          %get3A_217 = arith.constant 32 : index
          %get3A_218 = tpu.vector_load %arg6[%get3A_216, %get3A_217] {strides = array<i32>} : memref<200x128xf32, #tpu.memory_space<vmem>>, vector<1x16xf32>,
          %get3A_219 = vector.shape_cast %get3A_218 : vector<1x16xf32> to vector<16xf32>
          %mul3A_220 = arith.mulf %get3A_219, %get3A_161 : vector<16xf32>
          %swap3A_221 = arith.index_cast %scan3A_194 : i32 to index
          %swap3A_222 = arith.constant 32 : index
          %swap3A_223 = tpu.vector_load %arg8[%swap3A_221, %swap3A_222] {strides = array<i32>} : memref<200x128xf32, #tpu.memory_space<vmem>>, vector<1x16xf32>,
          %swap3A_224 = vector.shape_cast %swap3A_223 : vector<1x16xf32> to vector<16xf32>
          %swap3A_225 = vector.shape_cast %mul3A_220 : vector<16xf32> to vector<1x16xf32>
          tpu.vector_store %arg8[%swap3A_221, %swap3A_222], %swap3A_225 {strides = array<i32>} : memref<200x128xf32, #tpu.memory_space<vmem>>, vector<1x16xf32>,
          %get3A_226 = arith.index_cast %scan3A_194 : i32 to index
          %get3A_227 = arith.constant 48 : index
          %get3A_228 = tpu.vector_load %arg6[%get3A_226, %get3A_227] {strides = array<i32>} : memref<200x128xf32, #tpu.memory_space<vmem>>, vector<1x16xf32>,
          %get3A_229 = vector.shape_cast %get3A_228 : vector<1x16xf32> to vector<16xf32>
          %mul3A_230 = arith.mulf %get3A_229, %get3A_166 : vector<16xf32>
          %swap3A_231 = arith.index_cast %scan3A_194 : i32 to index
          %swap3A_232 = arith.constant 48 : index
          %swap3A_233 = tpu.vector_load %arg8[%swap3A_231, %swap3A_232] {strides = array<i32>} : memref<200x128xf32, #tpu.memory_space<vmem>>, vector<1x16xf32>,
          %swap3A_234 = vector.shape_cast %swap3A_233 : vector<1x16xf32> to vector<16xf32>
          %swap3A_235 = vector.shape_cast %mul3A_230 : vector<16xf32> to vector<1x16xf32>
          tpu.vector_store %arg8[%swap3A_231, %swap3A_232], %swap3A_235 {strides = array<i32>} : memref<200x128xf32, #tpu.memory_space<vmem>>, vector<1x16xf32>,
          %get3A_236 = arith.index_cast %scan3A_194 : i32 to index
          %get3A_237 = arith.constant 64 : index
          %get3A_238 = tpu.vector_load %arg6[%get3A_236, %get3A_237] {strides = array<i32>} : memref<200x128xf32, #tpu.memory_space<vmem>>, vector<1x16xf32>,
          %get3A_239 = vector.shape_cast %get3A_238 : vector<1x16xf32> to vector<16xf32>
          %mul3A_240 = arith.mulf %get3A_239, %get3A_171 : vector<16xf32>
          %swap3A_241 = arith.index_cast %scan3A_194 : i32 to index
          %swap3A_242 = arith.constant 64 : index
          %swap3A_243 = tpu.vector_load %arg8[%swap3A_241, %swap3A_242] {strides = array<i32>} : memref<200x128xf32, #tpu.memory_space<vmem>>, vector<1x16xf32>,
          %swap3A_244 = vector.shape_cast %swap3A_243 : vector<1x16xf32> to vector<16xf32>
          %swap3A_245 = vector.shape_cast %mul3A_240 : vector<16xf32> to vector<1x16xf32>
          tpu.vector_store %arg8[%swap3A_241, %swap3A_242], %swap3A_245 {strides = array<i32>} : memref<200x128xf32, #tpu.memory_space<vmem>>, vector<1x16xf32>,
          %get3A_246 = arith.index_cast %scan3A_194 : i32 to index
          %get3A_247 = arith.constant 80 : index
          %get3A_248 = tpu.vector_load %arg6[%get3A_246, %get3A_247] {strides = array<i32>} : memref<200x128xf32, #tpu.memory_space<vmem>>, vector<1x16xf32>,
          %get3A_249 = vector.shape_cast %get3A_248 : vector<1x16xf32> to vector<16xf32>
          %mul3A_250 = arith.mulf %get3A_249, %get3A_176 : vector<16xf32>
          %swap3A_251 = arith.index_cast %scan3A_194 : i32 to index
          %swap3A_252 = arith.constant 80 : index
          %swap3A_253 = tpu.vector_load %arg8[%swap3A_251, %swap3A_252] {strides = array<i32>} : memref<200x128xf32, #tpu.memory_space<vmem>>, vector<1x16xf32>,
          %swap3A_254 = vector.shape_cast %swap3A_253 : vector<1x16xf32> to vector<16xf32>
          %swap3A_255 = vector.shape_cast %mul3A_250 : vector<16xf32> to vector<1x16xf32>
          tpu.vector_store %arg8[%swap3A_251, %swap3A_252], %swap3A_255 {strides = array<i32>} : memref<200x128xf32, #tpu.memory_space<vmem>>, vector<1x16xf32>,
          %get3A_256 = arith.index_cast %scan3A_194 : i32 to index
          %get3A_257 = arith.constant 96 : index
          %get3A_258 = tpu.vector_load %arg6[%get3A_256, %get3A_257] {strides = array<i32>} : memref<200x128xf32, #tpu.memory_space<vmem>>, vector<1x16xf32>,
          %get3A_259 = vector.shape_cast %get3A_258 : vector<1x16xf32> to vector<16xf32>
          %mul3A_260 = arith.mulf %get3A_259, %get3A_181 : vector<16xf32>
          %swap3A_261 = arith.index_cast %scan3A_194 : i32 to index
          %swap3A_262 = arith.constant 96 : index
          %swap3A_263 = tpu.vector_load %arg8[%swap3A_261, %swap3A_262] {strides = array<i32>} : memref<200x128xf32, #tpu.memory_space<vmem>>, vector<1x16xf32>,
          %swap3A_264 = vector.shape_cast %swap3A_263 : vector<1x16xf32> to vector<16xf32>
          %swap3A_265 = vector.shape_cast %mul3A_260 : vector<16xf32> to vector<1x16xf32>
          tpu.vector_store %arg8[%swap3A_261, %swap3A_262], %swap3A_265 {strides = array<i32>} : memref<200x128xf32, #tpu.memory_space<vmem>>, vector<1x16xf32>,
          %get3A_266 = arith.index_cast %scan3A_194 : i32 to index
          %get3A_267 = arith.constant 112 : index
          %get3A_268 = tpu.vector_load %arg6[%get3A_266, %get3A_267] {strides = array<i32>} : memref<200x128xf32, #tpu.memory_space<vmem>>, vector<1x16xf32>,
          %get3A_269 = vector.shape_cast %get3A_268 : vector<1x16xf32> to vector<16xf32>
          %mul3A_270 = arith.mulf %get3A_269, %get3A_186 : vector<16xf32>
          %swap3A_271 = arith.index_cast %scan3A_194 : i32 to index
          %swap3A_272 = arith.constant 112 : index
          %swap3A_273 = tpu.vector_load %arg8[%swap3A_271, %swap3A_272] {strides = array<i32>} : memref<200x128xf32, #tpu.memory_space<vmem>>, vector<1x16xf32>,
          %swap3A_274 = vector.shape_cast %swap3A_273 : vector<1x16xf32> to vector<16xf32>
          %swap3A_275 = vector.shape_cast %mul3A_270 : vector<16xf32> to vector<1x16xf32>
          tpu.vector_store %arg8[%swap3A_271, %swap3A_272], %swap3A_275 {strides = array<i32>} : memref<200x128xf32, #tpu.memory_space<vmem>>, vector<1x16xf32>,
          %scan3A_276 = arith.constant 0 : i32
          scf.yield %scan3A_276 : i32
        }
        %scan3A_193 = arith.constant 200 : i32
      } else {
      }
      %ne3A = arith.cmpi ne, %squeeze3A, %squeeze3A_75 : i32
      %convert_element_type3A_79 = arith.extui %ne3A : i1 to i32
      %cond3A_80 = arith.constant 0 : i32
      %cond3A_81 = arith.cmpi ne, %convert_element_type3A_79, %cond3A_80 : i32
      scf.if %cond3A_81 {
        %scan3A_145 = arith.constant 0 : i32
        %scan3A_146 = arith.constant 0 : i32
        %scan3A_147 = arith.constant 200 : i32
        %scan3A_148 = arith.addi %scan3A_146, %scan3A_147 : i32
        %scan3A_149 = arith.constant 1 : i32
        %scan3A_150 = scf.for %scan3A_152 = %scan3A_146 to %scan3A_148 step %scan3A_149 iter_args(%scan3A_153 = %scan3A_145) -> (i32)  : i32 {
          %get3A_154 = arith.index_cast %scan3A_152 : i32 to index
          %get3A_155 = tpu.vector_load %arg10[%get3A_154] {strides = array<i32>} : memref<216xi32, #tpu.memory_space<vmem>>, vector<16xi32>,
          %get3A_156 = vector.shape_cast %get3A_155 : vector<16xi32> to vector<16xi32>
          %slice3A_157 = vector.extract_strided_slice %get3A_156 {offsets = [0], sizes = [1], strides = [1]} : vector<16xi32> to vector<1xi32>
          %squeeze3A_158 = vector.extract %slice3A_157[0] : i32 from vector<1xi32>
          %mul3A_159 = arith.constant 128 : i32
          %mul3A_160 = arith.muli %squeeze3A_158, %mul3A_159 : i32
          %add3A_161 = arith.constant 0 : i32
          %add3A_162 = arith.addi %mul3A_160, %add3A_161 : i32
          %get3A_163 = arith.index_cast %add3A_162 : i32 to index
          %get3A_164 = tpu.vector_load %arg12[%get3A_163] {strides = array<i32>} : memref<4096xf32, #tpu.memory_space<vmem>>, vector<16xf32>,
          %get3A_165 = vector.shape_cast %get3A_164 : vector<16xf32> to vector<16xf32>
          %get3A_166 = arith.index_cast %scan3A_152 : i32 to index
          %get3A_167 = arith.constant 0 : index
          %get3A_168 = tpu.vector_load %arg6[%get3A_166, %get3A_167] {strides = array<i32>} : memref<200x128xf32, #tpu.memory_space<vmem>>, vector<1x16xf32>,
          %get3A_169 = vector.shape_cast %get3A_168 : vector<1x16xf32> to vector<16xf32>
          %mul3A_170 = arith.mulf %get3A_169, %get3A_165 : vector<16xf32>
          %swap3A_171 = arith.index_cast %scan3A_152 : i32 to index
          %swap3A_172 = arith.constant 0 : index
          %swap3A_173 = tpu.vector_load %arg8[%swap3A_171, %swap3A_172] {strides = array<i32>} : memref<200x128xf32, #tpu.memory_space<vmem>>, vector<1x16xf32>,
          %swap3A_174 = vector.shape_cast %swap3A_173 : vector<1x16xf32> to vector<16xf32>
          %swap3A_175 = vector.shape_cast %mul3A_170 : vector<16xf32> to vector<1x16xf32>
          tpu.vector_store %arg8[%swap3A_171, %swap3A_172], %swap3A_175 {strides = array<i32>} : memref<200x128xf32, #tpu.memory_space<vmem>>, vector<1x16xf32>,
          %add3A_176 = arith.constant 16 : i32
          %add3A_177 = arith.addi %mul3A_160, %add3A_176 : i32
          %get3A_178 = arith.index_cast %add3A_177 : i32 to index
          %get3A_179 = tpu.vector_load %arg12[%get3A_178] {strides = array<i32>} : memref<4096xf32, #tpu.memory_space<vmem>>, vector<16xf32>,
          %get3A_180 = vector.shape_cast %get3A_179 : vector<16xf32> to vector<16xf32>
          %get3A_181 = arith.index_cast %scan3A_152 : i32 to index
          %get3A_182 = arith.constant 16 : index
          %get3A_183 = tpu.vector_load %arg6[%get3A_181, %get3A_182] {strides = array<i32>} : memref<200x128xf32, #tpu.memory_space<vmem>>, vector<1x16xf32>,
          %get3A_184 = vector.shape_cast %get3A_183 : vector<1x16xf32> to vector<16xf32>
          %mul3A_185 = arith.mulf %get3A_184, %get3A_180 : vector<16xf32>
          %swap3A_186 = arith.index_cast %scan3A_152 : i32 to index
          %swap3A_187 = arith.constant 16 : index
          %swap3A_188 = tpu.vector_load %arg8[%swap3A_186, %swap3A_187] {strides = array<i32>} : memref<200x128xf32, #tpu.memory_space<vmem>>, vector<1x16xf32>,
          %swap3A_189 = vector.shape_cast %swap3A_188 : vector<1x16xf32> to vector<16xf32>
          %swap3A_190 = vector.shape_cast %mul3A_185 : vector<16xf32> to vector<1x16xf32>
          tpu.vector_store %arg8[%swap3A_186, %swap3A_187], %swap3A_190 {strides = array<i32>} : memref<200x128xf32, #tpu.memory_space<vmem>>, vector<1x16xf32>,
          %add3A_191 = arith.constant 32 : i32
          %add3A_192 = arith.addi %mul3A_160, %add3A_191 : i32
          %get3A_193 = arith.index_cast %add3A_192 : i32 to index
          %get3A_194 = tpu.vector_load %arg12[%get3A_193] {strides = array<i32>} : memref<4096xf32, #tpu.memory_space<vmem>>, vector<16xf32>,
          %get3A_195 = vector.shape_cast %get3A_194 : vector<16xf32> to vector<16xf32>
          %get3A_196 = arith.index_cast %scan3A_152 : i32 to index
          %get3A_197 = arith.constant 32 : index
          %get3A_198 = tpu.vector_load %arg6[%get3A_196, %get3A_197] {strides = array<i32>} : memref<200x128xf32, #tpu.memory_space<vmem>>, vector<1x16xf32>,
          %get3A_199 = vector.shape_cast %get3A_198 : vector<1x16xf32> to vector<16xf32>
          %mul3A_200 = arith.mulf %get3A_199, %get3A_195 : vector<16xf32>
          %swap3A_201 = arith.index_cast %scan3A_152 : i32 to index
          %swap3A_202 = arith.constant 32 : index
          %swap3A_203 = tpu.vector_load %arg8[%swap3A_201, %swap3A_202] {strides = array<i32>} : memref<200x128xf32, #tpu.memory_space<vmem>>, vector<1x16xf32>,
          %swap3A_204 = vector.shape_cast %swap3A_203 : vector<1x16xf32> to vector<16xf32>
          %swap3A_205 = vector.shape_cast %mul3A_200 : vector<16xf32> to vector<1x16xf32>
          tpu.vector_store %arg8[%swap3A_201, %swap3A_202], %swap3A_205 {strides = array<i32>} : memref<200x128xf32, #tpu.memory_space<vmem>>, vector<1x16xf32>,
          %add3A_206 = arith.constant 48 : i32
          %add3A_207 = arith.addi %mul3A_160, %add3A_206 : i32
          %get3A_208 = arith.index_cast %add3A_207 : i32 to index
          %get3A_209 = tpu.vector_load %arg12[%get3A_208] {strides = array<i32>} : memref<4096xf32, #tpu.memory_space<vmem>>, vector<16xf32>,
          %get3A_210 = vector.shape_cast %get3A_209 : vector<16xf32> to vector<16xf32>
          %get3A_211 = arith.index_cast %scan3A_152 : i32 to index
          %get3A_212 = arith.constant 48 : index
          %get3A_213 = tpu.vector_load %arg6[%get3A_211, %get3A_212] {strides = array<i32>} : memref<200x128xf32, #tpu.memory_space<vmem>>, vector<1x16xf32>,
          %get3A_214 = vector.shape_cast %get3A_213 : vector<1x16xf32> to vector<16xf32>
          %mul3A_215 = arith.mulf %get3A_214, %get3A_210 : vector<16xf32>
          %swap3A_216 = arith.index_cast %scan3A_152 : i32 to index
          %swap3A_217 = arith.constant 48 : index
          %swap3A_218 = tpu.vector_load %arg8[%swap3A_216, %swap3A_217] {strides = array<i32>} : memref<200x128xf32, #tpu.memory_space<vmem>>, vector<1x16xf32>,
          %swap3A_219 = vector.shape_cast %swap3A_218 : vector<1x16xf32> to vector<16xf32>
          %swap3A_220 = vector.shape_cast %mul3A_215 : vector<16xf32> to vector<1x16xf32>
          tpu.vector_store %arg8[%swap3A_216, %swap3A_217], %swap3A_220 {strides = array<i32>} : memref<200x128xf32, #tpu.memory_space<vmem>>, vector<1x16xf32>,
          %add3A_221 = arith.constant 64 : i32
          %add3A_222 = arith.addi %mul3A_160, %add3A_221 : i32
          %get3A_223 = arith.index_cast %add3A_222 : i32 to index
          %get3A_224 = tpu.vector_load %arg12[%get3A_223] {strides = array<i32>} : memref<4096xf32, #tpu.memory_space<vmem>>, vector<16xf32>,
          %get3A_225 = vector.shape_cast %get3A_224 : vector<16xf32> to vector<16xf32>
          %get3A_226 = arith.index_cast %scan3A_152 : i32 to index
          %get3A_227 = arith.constant 64 : index
          %get3A_228 = tpu.vector_load %arg6[%get3A_226, %get3A_227] {strides = array<i32>} : memref<200x128xf32, #tpu.memory_space<vmem>>, vector<1x16xf32>,
          %get3A_229 = vector.shape_cast %get3A_228 : vector<1x16xf32> to vector<16xf32>
          %mul3A_230 = arith.mulf %get3A_229, %get3A_225 : vector<16xf32>
          %swap3A_231 = arith.index_cast %scan3A_152 : i32 to index
          %swap3A_232 = arith.constant 64 : index
          %swap3A_233 = tpu.vector_load %arg8[%swap3A_231, %swap3A_232] {strides = array<i32>} : memref<200x128xf32, #tpu.memory_space<vmem>>, vector<1x16xf32>,
          %swap3A_234 = vector.shape_cast %swap3A_233 : vector<1x16xf32> to vector<16xf32>
          %swap3A_235 = vector.shape_cast %mul3A_230 : vector<16xf32> to vector<1x16xf32>
          tpu.vector_store %arg8[%swap3A_231, %swap3A_232], %swap3A_235 {strides = array<i32>} : memref<200x128xf32, #tpu.memory_space<vmem>>, vector<1x16xf32>,
          %add3A_236 = arith.constant 80 : i32
          %add3A_237 = arith.addi %mul3A_160, %add3A_236 : i32
          %get3A_238 = arith.index_cast %add3A_237 : i32 to index
          %get3A_239 = tpu.vector_load %arg12[%get3A_238] {strides = array<i32>} : memref<4096xf32, #tpu.memory_space<vmem>>, vector<16xf32>,
          %get3A_240 = vector.shape_cast %get3A_239 : vector<16xf32> to vector<16xf32>
          %get3A_241 = arith.index_cast %scan3A_152 : i32 to index
          %get3A_242 = arith.constant 80 : index
          %get3A_243 = tpu.vector_load %arg6[%get3A_241, %get3A_242] {strides = array<i32>} : memref<200x128xf32, #tpu.memory_space<vmem>>, vector<1x16xf32>,
          %get3A_244 = vector.shape_cast %get3A_243 : vector<1x16xf32> to vector<16xf32>
          %mul3A_245 = arith.mulf %get3A_244, %get3A_240 : vector<16xf32>
          %swap3A_246 = arith.index_cast %scan3A_152 : i32 to index
          %swap3A_247 = arith.constant 80 : index
          %swap3A_248 = tpu.vector_load %arg8[%swap3A_246, %swap3A_247] {strides = array<i32>} : memref<200x128xf32, #tpu.memory_space<vmem>>, vector<1x16xf32>,
          %swap3A_249 = vector.shape_cast %swap3A_248 : vector<1x16xf32> to vector<16xf32>
          %swap3A_250 = vector.shape_cast %mul3A_245 : vector<16xf32> to vector<1x16xf32>
          tpu.vector_store %arg8[%swap3A_246, %swap3A_247], %swap3A_250 {strides = array<i32>} : memref<200x128xf32, #tpu.memory_space<vmem>>, vector<1x16xf32>,
          %add3A_251 = arith.constant 96 : i32
          %add3A_252 = arith.addi %mul3A_160, %add3A_251 : i32
          %get3A_253 = arith.index_cast %add3A_252 : i32 to index
          %get3A_254 = tpu.vector_load %arg12[%get3A_253] {strides = array<i32>} : memref<4096xf32, #tpu.memory_space<vmem>>, vector<16xf32>,
          %get3A_255 = vector.shape_cast %get3A_254 : vector<16xf32> to vector<16xf32>
          %get3A_256 = arith.index_cast %scan3A_152 : i32 to index
          %get3A_257 = arith.constant 96 : index
          %get3A_258 = tpu.vector_load %arg6[%get3A_256, %get3A_257] {strides = array<i32>} : memref<200x128xf32, #tpu.memory_space<vmem>>, vector<1x16xf32>,
          %get3A_259 = vector.shape_cast %get3A_258 : vector<1x16xf32> to vector<16xf32>
          %mul3A_260 = arith.mulf %get3A_259, %get3A_255 : vector<16xf32>
          %swap3A_261 = arith.index_cast %scan3A_152 : i32 to index
          %swap3A_262 = arith.constant 96 : index
          %swap3A_263 = tpu.vector_load %arg8[%swap3A_261, %swap3A_262] {strides = array<i32>} : memref<200x128xf32, #tpu.memory_space<vmem>>, vector<1x16xf32>,
          %swap3A_264 = vector.shape_cast %swap3A_263 : vector<1x16xf32> to vector<16xf32>
          %swap3A_265 = vector.shape_cast %mul3A_260 : vector<16xf32> to vector<1x16xf32>
          tpu.vector_store %arg8[%swap3A_261, %swap3A_262], %swap3A_265 {strides = array<i32>} : memref<200x128xf32, #tpu.memory_space<vmem>>, vector<1x16xf32>,
          %add3A_266 = arith.constant 112 : i32
          %add3A_267 = arith.addi %mul3A_160, %add3A_266 : i32
          %get3A_268 = arith.index_cast %add3A_267 : i32 to index
          %get3A_269 = tpu.vector_load %arg12[%get3A_268] {strides = array<i32>} : memref<4096xf32, #tpu.memory_space<vmem>>, vector<16xf32>,
          %get3A_270 = vector.shape_cast %get3A_269 : vector<16xf32> to vector<16xf32>
          %get3A_271 = arith.index_cast %scan3A_152 : i32 to index
          %get3A_272 = arith.constant 112 : index
          %get3A_273 = tpu.vector_load %arg6[%get3A_271, %get3A_272] {strides = array<i32>} : memref<200x128xf32, #tpu.memory_space<vmem>>, vector<1x16xf32>,
          %get3A_274 = vector.shape_cast %get3A_273 : vector<1x16xf32> to vector<16xf32>
          %mul3A_275 = arith.mulf %get3A_274, %get3A_270 : vector<16xf32>
          %swap3A_276 = arith.index_cast %scan3A_152 : i32 to index
          %swap3A_277 = arith.constant 112 : index
          %swap3A_278 = tpu.vector_load %arg8[%swap3A_276, %swap3A_277] {strides = array<i32>} : memref<200x128xf32, #tpu.memory_space<vmem>>, vector<1x16xf32>,
          %swap3A_279 = vector.shape_cast %swap3A_278 : vector<1x16xf32> to vector<16xf32>
          %swap3A_280 = vector.shape_cast %mul3A_275 : vector<16xf32> to vector<1x16xf32>
          tpu.vector_store %arg8[%swap3A_276, %swap3A_277], %swap3A_280 {strides = array<i32>} : memref<200x128xf32, #tpu.memory_space<vmem>>, vector<1x16xf32>,
          %scan3A_281 = arith.constant 0 : i32
          scf.yield %scan3A_281 : i32
        }
        %scan3A_151 = arith.constant 200 : i32
      } else {
      }
      %mul3A_82 = arith.constant 200 : i32
      %mul3A_83 = arith.muli %add3A_46, %mul3A_82 : i32
      %add3A_84 = arith.addi %mul3A_2, %mul3A_83 : i32
      %dma_start3A_85 = arith.constant 0 : i32
      %dma_start3A_86 = tpu.memref_slice %arg5[%add3A_84, %dma_start3A_85] : memref<320000x128xf32, #tpu.memory_space<hbm>> -> memref<200x128xf32, #tpu.memory_space<hbm>>
      %dma_start3A_87 = arith.constant 0 : i32
      %dma_start3A_88 = tpu.memref_slice %arg5[%add3A_84, %dma_start3A_87] : memref<320000x128xf32, #tpu.memory_space<hbm>> -> memref<200x128xf32, #tpu.memory_space<hbm>>
      tpu.enqueue_dma source(%arg8 : memref<200x128xf32, #tpu.memory_space<vmem>>) target(%dma_start3A_88 : memref<200x128xf32, #tpu.memory_space<hbm>>) target_semaphore(%arg17 : memref<!tpu.dma_semaphore, #tpu.memory_space<semaphore_mem>>)
      %mul3A_89 = arith.constant 2 : i32
      %mul3A_90 = arith.muli %mul3A_89, %scan3A_41 : i32
      %add3A_91 = arith.constant 1 : i32
      %add3A_92 = arith.addi %mul3A_90, %add3A_91 : i32
      %add3A_93 = arith.constant 1 : i32
      %add3A_94 = arith.addi %add3A_92, %add3A_93 : i32
      %lt3A_95 = arith.constant 50 : i32
      %lt3A_96 = arith.cmpi slt, %add3A_94, %lt3A_95 : i32
      %convert_element_type3A_97 = arith.extui %lt3A_96 : i1 to i32
      %cond3A_98 = arith.constant 0 : i32
      %cond3A_99 = arith.cmpi ne, %convert_element_type3A_97, %cond3A_98 : i32
      scf.if %cond3A_99 {
        %add3A_145 = arith.constant 1 : i32
        %add3A_146 = arith.addi %add3A_92, %add3A_145 : i32
        %mul3A_147 = arith.constant 200 : i32
        %mul3A_148 = arith.muli %add3A_146, %mul3A_147 : i32
        %add3A_149 = arith.addi %mul3A_2, %mul3A_148 : i32
        %dma_start3A_150 = arith.constant 0 : i32
        %dma_start3A_151 = tpu.memref_slice %arg2[%add3A_149, %dma_start3A_150] : memref<320000x128xf32, #tpu.memory_space<hbm>> -> memref<200x128xf32, #tpu.memory_space<hbm>>
        %dma_start3A_152 = arith.constant 0 : i32
        %dma_start3A_153 = tpu.memref_slice %arg2[%add3A_149, %dma_start3A_152] : memref<320000x128xf32, #tpu.memory_space<hbm>> -> memref<200x128xf32, #tpu.memory_space<hbm>>
        tpu.enqueue_dma source(%dma_start3A_153 : memref<200x128xf32, #tpu.memory_space<hbm>>) target(%arg6 : memref<200x128xf32, #tpu.memory_space<vmem>>) target_semaphore(%arg13 : memref<!tpu.dma_semaphore, #tpu.memory_space<semaphore_mem>>)
        %dma_start3A_154 = arith.constant 0 : i32
        %dma_start3A_155 = tpu.memref_slice %arg10[%dma_start3A_154] : memref<216xi32, #tpu.memory_space<vmem>> -> memref<200xi32, #tpu.memory_space<vmem>>
        %dma_start3A_156 = tpu.memref_slice %arg3[%add3A_149] : memref<320000xi32, #tpu.memory_space<hbm>> -> memref<200xi32, #tpu.memory_space<hbm>>
        %dma_start3A_157 = arith.constant 0 : i32
        %dma_start3A_158 = tpu.memref_slice %arg10[%dma_start3A_157] : memref<216xi32, #tpu.memory_space<vmem>> -> memref<200xi32, #tpu.memory_space<vmem>>
        %dma_start3A_159 = tpu.memref_slice %arg3[%add3A_149] : memref<320000xi32, #tpu.memory_space<hbm>> -> memref<200xi32, #tpu.memory_space<hbm>>
        tpu.enqueue_dma source(%dma_start3A_159 : memref<200xi32, #tpu.memory_space<hbm>>) target(%dma_start3A_158 : memref<200xi32, #tpu.memory_space<vmem>>) target_semaphore(%arg15 : memref<!tpu.dma_semaphore, #tpu.memory_space<semaphore_mem>>)
      } else {
      }
      %dma_wait3A_100 = arith.constant 0 : i32
      %dma_wait3A_101 = arith.constant 0 : i32
      %dma_wait3A_102 = tpu.memref_slice %arg2[%dma_wait3A_100, %dma_wait3A_101] : memref<320000x128xf32, #tpu.memory_space<hbm>> -> memref<200x128xf32, #tpu.memory_space<hbm>>
      %dma_wait3A_103 = arith.constant 0 : i32
      %dma_wait3A_104 = arith.constant 0 : i32
      %dma_wait3A_105 = tpu.memref_slice %arg2[%dma_wait3A_103, %dma_wait3A_104] : memref<320000x128xf32, #tpu.memory_space<hbm>> -> memref<200x128xf32, #tpu.memory_space<hbm>>
      tpu.wait_dma2 semaphore(%arg14 : memref<!tpu.dma_semaphore, #tpu.memory_space<semaphore_mem>>) src(%dma_wait3A_105 : memref<200x128xf32, #tpu.memory_space<hbm>>) dst(%arg7 : memref<200x128xf32, #tpu.memory_space<vmem>>)
      %dma_wait3A_106 = arith.constant 0 : i32
      %dma_wait3A_107 = tpu.memref_slice %arg11[%dma_wait3A_106] : memref<216xi32, #tpu.memory_space<vmem>> -> memref<200xi32, #tpu.memory_space<vmem>>
      %dma_wait3A_108 = arith.constant 0 : i32
      %dma_wait3A_109 = tpu.memref_slice %arg3[%dma_wait3A_108] : memref<320000xi32, #tpu.memory_space<hbm>> -> memref<200xi32, #tpu.memory_space<hbm>>
      %dma_wait3A_110 = arith.constant 0 : i32
      %dma_wait3A_111 = tpu.memref_slice %arg11[%dma_wait3A_110] : memref<216xi32, #tpu.memory_space<vmem>> -> memref<200xi32, #tpu.memory_space<vmem>>
      %dma_wait3A_112 = arith.constant 0 : i32
      %dma_wait3A_113 = tpu.memref_slice %arg3[%dma_wait3A_112] : memref<320000xi32, #tpu.memory_space<hbm>> -> memref<200xi32, #tpu.memory_space<hbm>>
      tpu.wait_dma2 semaphore(%arg16 : memref<!tpu.dma_semaphore, #tpu.memory_space<semaphore_mem>>) src(%dma_wait3A_113 : memref<200xi32, #tpu.memory_space<hbm>>) dst(%dma_wait3A_111 : memref<200xi32, #tpu.memory_space<vmem>>)
      %ge3A_114 = arith.constant 2 : i32
      %ge3A_115 = arith.cmpi sge, %add3A_92, %ge3A_114 : i32
      %convert_element_type3A_116 = arith.extui %ge3A_115 : i1 to i32
      %cond3A_117 = arith.constant 0 : i32
      %cond3A_118 = arith.cmpi ne, %convert_element_type3A_116, %cond3A_117 : i32
      scf.if %cond3A_118 {
        %dma_wait3A_145 = arith.constant 0 : i32
        %dma_wait3A_146 = arith.constant 0 : i32
        %dma_wait3A_147 = tpu.memref_slice %arg5[%dma_wait3A_145, %dma_wait3A_146] : memref<320000x128xf32, #tpu.memory_space<hbm>> -> memref<200x128xf32, #tpu.memory_space<hbm>>
        %dma_wait3A_148 = arith.constant 0 : i32
        %dma_wait3A_149 = arith.constant 0 : i32
        %dma_wait3A_150 = tpu.memref_slice %arg5[%dma_wait3A_148, %dma_wait3A_149] : memref<320000x128xf32, #tpu.memory_space<hbm>> -> memref<200x128xf32, #tpu.memory_space<hbm>>
        tpu.wait_dma2 semaphore(%arg18 : memref<!tpu.dma_semaphore, #tpu.memory_space<semaphore_mem>>) src(%arg9 : memref<200x128xf32, #tpu.memory_space<vmem>>) dst(%dma_wait3A_150 : memref<200x128xf32, #tpu.memory_space<hbm>>)
      } else {
      }
      %get3A_119 = arith.constant 0 : index
      %get3A_120 = tpu.vector_load %arg11[%get3A_119] {strides = array<i32>} : memref<216xi32, #tpu.memory_space<vmem>>, vector<16xi32>,
      %get3A_121 = vector.shape_cast %get3A_120 : vector<16xi32> to vector<16xi32>
      %slice3A_122 = vector.extract_strided_slice %get3A_121 {offsets = [0], sizes = [1], strides = [1]} : vector<16xi32> to vector<1xi32>
      %squeeze3A_123 = vector.extract %slice3A_122[0] : i32 from vector<1xi32>
      %get3A_124 = arith.constant 184 : index
      %get3A_125 = tpu.vector_load %arg11[%get3A_124] {strides = array<i32>} : memref<216xi32, #tpu.memory_space<vmem>>, vector<16xi32>,
      %get3A_126 = vector.shape_cast %get3A_125 : vector<16xi32> to vector<16xi32>
      %slice3A_127 = vector.extract_strided_slice %get3A_126 {offsets = [15], sizes = [1], strides = [1]} : vector<16xi32> to vector<1xi32>
      %squeeze3A_128 = vector.extract %slice3A_127[0] : i32 from vector<1xi32>
      %eq3A_129 = arith.cmpi eq, %squeeze3A_123, %squeeze3A_128 : i32
      %convert_element_type3A_130 = arith.extui %eq3A_129 : i1 to i32
      %cond3A_131 = arith.constant 0 : i32
      %cond3A_132 = arith.cmpi ne, %convert_element_type3A_130, %cond3A_131 : i32
      scf.if %cond3A_132 {
        %mul3A_145 = arith.constant 128 : i32
        %mul3A_146 = arith.muli %squeeze3A_123, %mul3A_145 : i32
        %add3A_147 = arith.constant 0 : i32
        %add3A_148 = arith.addi %mul3A_146, %add3A_147 : i32
        %get3A_149 = arith.index_cast %add3A_148 : i32 to index
        %get3A_150 = tpu.vector_load %arg12[%get3A_149] {strides = array<i32>} : memref<4096xf32, #tpu.memory_space<vmem>>, vector<16xf32>,
        %get3A_151 = vector.shape_cast %get3A_150 : vector<16xf32> to vector<16xf32>
        %add3A_152 = arith.constant 16 : i32
        %add3A_153 = arith.addi %mul3A_146, %add3A_152 : i32
        %get3A_154 = arith.index_cast %add3A_153 : i32 to index
        %get3A_155 = tpu.vector_load %arg12[%get3A_154] {strides = array<i32>} : memref<4096xf32, #tpu.memory_space<vmem>>, vector<16xf32>,
        %get3A_156 = vector.shape_cast %get3A_155 : vector<16xf32> to vector<16xf32>
        %add3A_157 = arith.constant 32 : i32
        %add3A_158 = arith.addi %mul3A_146, %add3A_157 : i32
        %get3A_159 = arith.index_cast %add3A_158 : i32 to index
        %get3A_160 = tpu.vector_load %arg12[%get3A_159] {strides = array<i32>} : memref<4096xf32, #tpu.memory_space<vmem>>, vector<16xf32>,
        %get3A_161 = vector.shape_cast %get3A_160 : vector<16xf32> to vector<16xf32>
        %add3A_162 = arith.constant 48 : i32
        %add3A_163 = arith.addi %mul3A_146, %add3A_162 : i32
        %get3A_164 = arith.index_cast %add3A_163 : i32 to index
        %get3A_165 = tpu.vector_load %arg12[%get3A_164] {strides = array<i32>} : memref<4096xf32, #tpu.memory_space<vmem>>, vector<16xf32>,
        %get3A_166 = vector.shape_cast %get3A_165 : vector<16xf32> to vector<16xf32>
        %add3A_167 = arith.constant 64 : i32
        %add3A_168 = arith.addi %mul3A_146, %add3A_167 : i32
        %get3A_169 = arith.index_cast %add3A_168 : i32 to index
        %get3A_170 = tpu.vector_load %arg12[%get3A_169] {strides = array<i32>} : memref<4096xf32, #tpu.memory_space<vmem>>, vector<16xf32>,
        %get3A_171 = vector.shape_cast %get3A_170 : vector<16xf32> to vector<16xf32>
        %add3A_172 = arith.constant 80 : i32
        %add3A_173 = arith.addi %mul3A_146, %add3A_172 : i32
        %get3A_174 = arith.index_cast %add3A_173 : i32 to index
        %get3A_175 = tpu.vector_load %arg12[%get3A_174] {strides = array<i32>} : memref<4096xf32, #tpu.memory_space<vmem>>, vector<16xf32>,
        %get3A_176 = vector.shape_cast %get3A_175 : vector<16xf32> to vector<16xf32>
        %add3A_177 = arith.constant 96 : i32
        %add3A_178 = arith.addi %mul3A_146, %add3A_177 : i32
        %get3A_179 = arith.index_cast %add3A_178 : i32 to index
        %get3A_180 = tpu.vector_load %arg12[%get3A_179] {strides = array<i32>} : memref<4096xf32, #tpu.memory_space<vmem>>, vector<16xf32>,
        %get3A_181 = vector.shape_cast %get3A_180 : vector<16xf32> to vector<16xf32>
        %add3A_182 = arith.constant 112 : i32
        %add3A_183 = arith.addi %mul3A_146, %add3A_182 : i32
        %get3A_184 = arith.index_cast %add3A_183 : i32 to index
        %get3A_185 = tpu.vector_load %arg12[%get3A_184] {strides = array<i32>} : memref<4096xf32, #tpu.memory_space<vmem>>, vector<16xf32>,
        %get3A_186 = vector.shape_cast %get3A_185 : vector<16xf32> to vector<16xf32>
        %scan3A_187 = arith.constant 0 : i32
        %scan3A_188 = arith.constant 0 : i32
        %scan3A_189 = arith.constant 200 : i32
        %scan3A_190 = arith.addi %scan3A_188, %scan3A_189 : i32
        %scan3A_191 = arith.constant 1 : i32
        %scan3A_192 = scf.for %scan3A_194 = %scan3A_188 to %scan3A_190 step %scan3A_191 iter_args(%scan3A_195 = %scan3A_187) -> (i32)  : i32 {
          %get3A_196 = arith.index_cast %scan3A_194 : i32 to index
          %get3A_197 = arith.constant 0 : index
          %get3A_198 = tpu.vector_load %arg7[%get3A_196, %get3A_197] {strides = array<i32>} : memref<200x128xf32, #tpu.memory_space<vmem>>, vector<1x16xf32>,
          %get3A_199 = vector.shape_cast %get3A_198 : vector<1x16xf32> to vector<16xf32>
          %mul3A_200 = arith.mulf %get3A_199, %get3A_151 : vector<16xf32>
          %swap3A_201 = arith.index_cast %scan3A_194 : i32 to index
          %swap3A_202 = arith.constant 0 : index
          %swap3A_203 = tpu.vector_load %arg9[%swap3A_201, %swap3A_202] {strides = array<i32>} : memref<200x128xf32, #tpu.memory_space<vmem>>, vector<1x16xf32>,
          %swap3A_204 = vector.shape_cast %swap3A_203 : vector<1x16xf32> to vector<16xf32>
          %swap3A_205 = vector.shape_cast %mul3A_200 : vector<16xf32> to vector<1x16xf32>
          tpu.vector_store %arg9[%swap3A_201, %swap3A_202], %swap3A_205 {strides = array<i32>} : memref<200x128xf32, #tpu.memory_space<vmem>>, vector<1x16xf32>,
          %get3A_206 = arith.index_cast %scan3A_194 : i32 to index
          %get3A_207 = arith.constant 16 : index
          %get3A_208 = tpu.vector_load %arg7[%get3A_206, %get3A_207] {strides = array<i32>} : memref<200x128xf32, #tpu.memory_space<vmem>>, vector<1x16xf32>,
          %get3A_209 = vector.shape_cast %get3A_208 : vector<1x16xf32> to vector<16xf32>
          %mul3A_210 = arith.mulf %get3A_209, %get3A_156 : vector<16xf32>
          %swap3A_211 = arith.index_cast %scan3A_194 : i32 to index
          %swap3A_212 = arith.constant 16 : index
          %swap3A_213 = tpu.vector_load %arg9[%swap3A_211, %swap3A_212] {strides = array<i32>} : memref<200x128xf32, #tpu.memory_space<vmem>>, vector<1x16xf32>,
          %swap3A_214 = vector.shape_cast %swap3A_213 : vector<1x16xf32> to vector<16xf32>
          %swap3A_215 = vector.shape_cast %mul3A_210 : vector<16xf32> to vector<1x16xf32>
          tpu.vector_store %arg9[%swap3A_211, %swap3A_212], %swap3A_215 {strides = array<i32>} : memref<200x128xf32, #tpu.memory_space<vmem>>, vector<1x16xf32>,
          %get3A_216 = arith.index_cast %scan3A_194 : i32 to index
          %get3A_217 = arith.constant 32 : index
          %get3A_218 = tpu.vector_load %arg7[%get3A_216, %get3A_217] {strides = array<i32>} : memref<200x128xf32, #tpu.memory_space<vmem>>, vector<1x16xf32>,
          %get3A_219 = vector.shape_cast %get3A_218 : vector<1x16xf32> to vector<16xf32>
          %mul3A_220 = arith.mulf %get3A_219, %get3A_161 : vector<16xf32>
          %swap3A_221 = arith.index_cast %scan3A_194 : i32 to index
          %swap3A_222 = arith.constant 32 : index
          %swap3A_223 = tpu.vector_load %arg9[%swap3A_221, %swap3A_222] {strides = array<i32>} : memref<200x128xf32, #tpu.memory_space<vmem>>, vector<1x16xf32>,
          %swap3A_224 = vector.shape_cast %swap3A_223 : vector<1x16xf32> to vector<16xf32>
          %swap3A_225 = vector.shape_cast %mul3A_220 : vector<16xf32> to vector<1x16xf32>
          tpu.vector_store %arg9[%swap3A_221, %swap3A_222], %swap3A_225 {strides = array<i32>} : memref<200x128xf32, #tpu.memory_space<vmem>>, vector<1x16xf32>,
          %get3A_226 = arith.index_cast %scan3A_194 : i32 to index
          %get3A_227 = arith.constant 48 : index
          %get3A_228 = tpu.vector_load %arg7[%get3A_226, %get3A_227] {strides = array<i32>} : memref<200x128xf32, #tpu.memory_space<vmem>>, vector<1x16xf32>,
          %get3A_229 = vector.shape_cast %get3A_228 : vector<1x16xf32> to vector<16xf32>
          %mul3A_230 = arith.mulf %get3A_229, %get3A_166 : vector<16xf32>
          %swap3A_231 = arith.index_cast %scan3A_194 : i32 to index
          %swap3A_232 = arith.constant 48 : index
          %swap3A_233 = tpu.vector_load %arg9[%swap3A_231, %swap3A_232] {strides = array<i32>} : memref<200x128xf32, #tpu.memory_space<vmem>>, vector<1x16xf32>,
          %swap3A_234 = vector.shape_cast %swap3A_233 : vector<1x16xf32> to vector<16xf32>
          %swap3A_235 = vector.shape_cast %mul3A_230 : vector<16xf32> to vector<1x16xf32>
          tpu.vector_store %arg9[%swap3A_231, %swap3A_232], %swap3A_235 {strides = array<i32>} : memref<200x128xf32, #tpu.memory_space<vmem>>, vector<1x16xf32>,
          %get3A_236 = arith.index_cast %scan3A_194 : i32 to index
          %get3A_237 = arith.constant 64 : index
          %get3A_238 = tpu.vector_load %arg7[%get3A_236, %get3A_237] {strides = array<i32>} : memref<200x128xf32, #tpu.memory_space<vmem>>, vector<1x16xf32>,
          %get3A_239 = vector.shape_cast %get3A_238 : vector<1x16xf32> to vector<16xf32>
          %mul3A_240 = arith.mulf %get3A_239, %get3A_171 : vector<16xf32>
          %swap3A_241 = arith.index_cast %scan3A_194 : i32 to index
          %swap3A_242 = arith.constant 64 : index
          %swap3A_243 = tpu.vector_load %arg9[%swap3A_241, %swap3A_242] {strides = array<i32>} : memref<200x128xf32, #tpu.memory_space<vmem>>, vector<1x16xf32>,
          %swap3A_244 = vector.shape_cast %swap3A_243 : vector<1x16xf32> to vector<16xf32>
          %swap3A_245 = vector.shape_cast %mul3A_240 : vector<16xf32> to vector<1x16xf32>
          tpu.vector_store %arg9[%swap3A_241, %swap3A_242], %swap3A_245 {strides = array<i32>} : memref<200x128xf32, #tpu.memory_space<vmem>>, vector<1x16xf32>,
          %get3A_246 = arith.index_cast %scan3A_194 : i32 to index
          %get3A_247 = arith.constant 80 : index
          %get3A_248 = tpu.vector_load %arg7[%get3A_246, %get3A_247] {strides = array<i32>} : memref<200x128xf32, #tpu.memory_space<vmem>>, vector<1x16xf32>,
          %get3A_249 = vector.shape_cast %get3A_248 : vector<1x16xf32> to vector<16xf32>
          %mul3A_250 = arith.mulf %get3A_249, %get3A_176 : vector<16xf32>
          %swap3A_251 = arith.index_cast %scan3A_194 : i32 to index
          %swap3A_252 = arith.constant 80 : index
          %swap3A_253 = tpu.vector_load %arg9[%swap3A_251, %swap3A_252] {strides = array<i32>} : memref<200x128xf32, #tpu.memory_space<vmem>>, vector<1x16xf32>,
          %swap3A_254 = vector.shape_cast %swap3A_253 : vector<1x16xf32> to vector<16xf32>
          %swap3A_255 = vector.shape_cast %mul3A_250 : vector<16xf32> to vector<1x16xf32>
          tpu.vector_store %arg9[%swap3A_251, %swap3A_252], %swap3A_255 {strides = array<i32>} : memref<200x128xf32, #tpu.memory_space<vmem>>, vector<1x16xf32>,
          %get3A_256 = arith.index_cast %scan3A_194 : i32 to index
          %get3A_257 = arith.constant 96 : index
          %get3A_258 = tpu.vector_load %arg7[%get3A_256, %get3A_257] {strides = array<i32>} : memref<200x128xf32, #tpu.memory_space<vmem>>, vector<1x16xf32>,
          %get3A_259 = vector.shape_cast %get3A_258 : vector<1x16xf32> to vector<16xf32>
          %mul3A_260 = arith.mulf %get3A_259, %get3A_181 : vector<16xf32>
          %swap3A_261 = arith.index_cast %scan3A_194 : i32 to index
          %swap3A_262 = arith.constant 96 : index
          %swap3A_263 = tpu.vector_load %arg9[%swap3A_261, %swap3A_262] {strides = array<i32>} : memref<200x128xf32, #tpu.memory_space<vmem>>, vector<1x16xf32>,
          %swap3A_264 = vector.shape_cast %swap3A_263 : vector<1x16xf32> to vector<16xf32>
          %swap3A_265 = vector.shape_cast %mul3A_260 : vector<16xf32> to vector<1x16xf32>
          tpu.vector_store %arg9[%swap3A_261, %swap3A_262], %swap3A_265 {strides = array<i32>} : memref<200x128xf32, #tpu.memory_space<vmem>>, vector<1x16xf32>,
          %get3A_266 = arith.index_cast %scan3A_194 : i32 to index
          %get3A_267 = arith.constant 112 : index
          %get3A_268 = tpu.vector_load %arg7[%get3A_266, %get3A_267] {strides = array<i32>} : memref<200x128xf32, #tpu.memory_space<vmem>>, vector<1x16xf32>,
          %get3A_269 = vector.shape_cast %get3A_268 : vector<1x16xf32> to vector<16xf32>
          %mul3A_270 = arith.mulf %get3A_269, %get3A_186 : vector<16xf32>
          %swap3A_271 = arith.index_cast %scan3A_194 : i32 to index
          %swap3A_272 = arith.constant 112 : index
          %swap3A_273 = tpu.vector_load %arg9[%swap3A_271, %swap3A_272] {strides = array<i32>} : memref<200x128xf32, #tpu.memory_space<vmem>>, vector<1x16xf32>,
          %swap3A_274 = vector.shape_cast %swap3A_273 : vector<1x16xf32> to vector<16xf32>
          %swap3A_275 = vector.shape_cast %mul3A_270 : vector<16xf32> to vector<1x16xf32>
          tpu.vector_store %arg9[%swap3A_271, %swap3A_272], %swap3A_275 {strides = array<i32>} : memref<200x128xf32, #tpu.memory_space<vmem>>, vector<1x16xf32>,
          %scan3A_276 = arith.constant 0 : i32
          scf.yield %scan3A_276 : i32
        }
        %scan3A_193 = arith.constant 200 : i32
      } else {
      }
      %ne3A_133 = arith.cmpi ne, %squeeze3A_123, %squeeze3A_128 : i32
      %convert_element_type3A_134 = arith.extui %ne3A_133 : i1 to i32
      %cond3A_135 = arith.constant 0 : i32
      %cond3A_136 = arith.cmpi ne, %convert_element_type3A_134, %cond3A_135 : i32
      scf.if %cond3A_136 {
        %scan3A_145 = arith.constant 0 : i32
        %scan3A_146 = arith.constant 0 : i32
        %scan3A_147 = arith.constant 200 : i32
        %scan3A_148 = arith.addi %scan3A_146, %scan3A_147 : i32
        %scan3A_149 = arith.constant 1 : i32
        %scan3A_150 = scf.for %scan3A_152 = %scan3A_146 to %scan3A_148 step %scan3A_149 iter_args(%scan3A_153 = %scan3A_145) -> (i32)  : i32 {
          %get3A_154 = arith.index_cast %scan3A_152 : i32 to index
          %get3A_155 = tpu.vector_load %arg11[%get3A_154] {strides = array<i32>} : memref<216xi32, #tpu.memory_space<vmem>>, vector<16xi32>,
          %get3A_156 = vector.shape_cast %get3A_155 : vector<16xi32> to vector<16xi32>
          %slice3A_157 = vector.extract_strided_slice %get3A_156 {offsets = [0], sizes = [1], strides = [1]} : vector<16xi32> to vector<1xi32>
          %squeeze3A_158 = vector.extract %slice3A_157[0] : i32 from vector<1xi32>
          %mul3A_159 = arith.constant 128 : i32
          %mul3A_160 = arith.muli %squeeze3A_158, %mul3A_159 : i32
          %add3A_161 = arith.constant 0 : i32
          %add3A_162 = arith.addi %mul3A_160, %add3A_161 : i32
          %get3A_163 = arith.index_cast %add3A_162 : i32 to index
          %get3A_164 = tpu.vector_load %arg12[%get3A_163] {strides = array<i32>} : memref<4096xf32, #tpu.memory_space<vmem>>, vector<16xf32>,
          %get3A_165 = vector.shape_cast %get3A_164 : vector<16xf32> to vector<16xf32>
          %get3A_166 = arith.index_cast %scan3A_152 : i32 to index
          %get3A_167 = arith.constant 0 : index
          %get3A_168 = tpu.vector_load %arg7[%get3A_166, %get3A_167] {strides = array<i32>} : memref<200x128xf32, #tpu.memory_space<vmem>>, vector<1x16xf32>,
          %get3A_169 = vector.shape_cast %get3A_168 : vector<1x16xf32> to vector<16xf32>
          %mul3A_170 = arith.mulf %get3A_169, %get3A_165 : vector<16xf32>
          %swap3A_171 = arith.index_cast %scan3A_152 : i32 to index
          %swap3A_172 = arith.constant 0 : index
          %swap3A_173 = tpu.vector_load %arg9[%swap3A_171, %swap3A_172] {strides = array<i32>} : memref<200x128xf32, #tpu.memory_space<vmem>>, vector<1x16xf32>,
          %swap3A_174 = vector.shape_cast %swap3A_173 : vector<1x16xf32> to vector<16xf32>
          %swap3A_175 = vector.shape_cast %mul3A_170 : vector<16xf32> to vector<1x16xf32>
          tpu.vector_store %arg9[%swap3A_171, %swap3A_172], %swap3A_175 {strides = array<i32>} : memref<200x128xf32, #tpu.memory_space<vmem>>, vector<1x16xf32>,
          %add3A_176 = arith.constant 16 : i32
          %add3A_177 = arith.addi %mul3A_160, %add3A_176 : i32
          %get3A_178 = arith.index_cast %add3A_177 : i32 to index
          %get3A_179 = tpu.vector_load %arg12[%get3A_178] {strides = array<i32>} : memref<4096xf32, #tpu.memory_space<vmem>>, vector<16xf32>,
          %get3A_180 = vector.shape_cast %get3A_179 : vector<16xf32> to vector<16xf32>
          %get3A_181 = arith.index_cast %scan3A_152 : i32 to index
          %get3A_182 = arith.constant 16 : index
          %get3A_183 = tpu.vector_load %arg7[%get3A_181, %get3A_182] {strides = array<i32>} : memref<200x128xf32, #tpu.memory_space<vmem>>, vector<1x16xf32>,
          %get3A_184 = vector.shape_cast %get3A_183 : vector<1x16xf32> to vector<16xf32>
          %mul3A_185 = arith.mulf %get3A_184, %get3A_180 : vector<16xf32>
          %swap3A_186 = arith.index_cast %scan3A_152 : i32 to index
          %swap3A_187 = arith.constant 16 : index
          %swap3A_188 = tpu.vector_load %arg9[%swap3A_186, %swap3A_187] {strides = array<i32>} : memref<200x128xf32, #tpu.memory_space<vmem>>, vector<1x16xf32>,
          %swap3A_189 = vector.shape_cast %swap3A_188 : vector<1x16xf32> to vector<16xf32>
          %swap3A_190 = vector.shape_cast %mul3A_185 : vector<16xf32> to vector<1x16xf32>
          tpu.vector_store %arg9[%swap3A_186, %swap3A_187], %swap3A_190 {strides = array<i32>} : memref<200x128xf32, #tpu.memory_space<vmem>>, vector<1x16xf32>,
          %add3A_191 = arith.constant 32 : i32
          %add3A_192 = arith.addi %mul3A_160, %add3A_191 : i32
          %get3A_193 = arith.index_cast %add3A_192 : i32 to index
          %get3A_194 = tpu.vector_load %arg12[%get3A_193] {strides = array<i32>} : memref<4096xf32, #tpu.memory_space<vmem>>, vector<16xf32>,
          %get3A_195 = vector.shape_cast %get3A_194 : vector<16xf32> to vector<16xf32>
          %get3A_196 = arith.index_cast %scan3A_152 : i32 to index
          %get3A_197 = arith.constant 32 : index
          %get3A_198 = tpu.vector_load %arg7[%get3A_196, %get3A_197] {strides = array<i32>} : memref<200x128xf32, #tpu.memory_space<vmem>>, vector<1x16xf32>,
          %get3A_199 = vector.shape_cast %get3A_198 : vector<1x16xf32> to vector<16xf32>
          %mul3A_200 = arith.mulf %get3A_199, %get3A_195 : vector<16xf32>
          %swap3A_201 = arith.index_cast %scan3A_152 : i32 to index
          %swap3A_202 = arith.constant 32 : index
          %swap3A_203 = tpu.vector_load %arg9[%swap3A_201, %swap3A_202] {strides = array<i32>} : memref<200x128xf32, #tpu.memory_space<vmem>>, vector<1x16xf32>,
          %swap3A_204 = vector.shape_cast %swap3A_203 : vector<1x16xf32> to vector<16xf32>
          %swap3A_205 = vector.shape_cast %mul3A_200 : vector<16xf32> to vector<1x16xf32>
          tpu.vector_store %arg9[%swap3A_201, %swap3A_202], %swap3A_205 {strides = array<i32>} : memref<200x128xf32, #tpu.memory_space<vmem>>, vector<1x16xf32>,
          %add3A_206 = arith.constant 48 : i32
          %add3A_207 = arith.addi %mul3A_160, %add3A_206 : i32
          %get3A_208 = arith.index_cast %add3A_207 : i32 to index
          %get3A_209 = tpu.vector_load %arg12[%get3A_208] {strides = array<i32>} : memref<4096xf32, #tpu.memory_space<vmem>>, vector<16xf32>,
          %get3A_210 = vector.shape_cast %get3A_209 : vector<16xf32> to vector<16xf32>
          %get3A_211 = arith.index_cast %scan3A_152 : i32 to index
          %get3A_212 = arith.constant 48 : index
          %get3A_213 = tpu.vector_load %arg7[%get3A_211, %get3A_212] {strides = array<i32>} : memref<200x128xf32, #tpu.memory_space<vmem>>, vector<1x16xf32>,
          %get3A_214 = vector.shape_cast %get3A_213 : vector<1x16xf32> to vector<16xf32>
          %mul3A_215 = arith.mulf %get3A_214, %get3A_210 : vector<16xf32>
          %swap3A_216 = arith.index_cast %scan3A_152 : i32 to index
          %swap3A_217 = arith.constant 48 : index
          %swap3A_218 = tpu.vector_load %arg9[%swap3A_216, %swap3A_217] {strides = array<i32>} : memref<200x128xf32, #tpu.memory_space<vmem>>, vector<1x16xf32>,
          %swap3A_219 = vector.shape_cast %swap3A_218 : vector<1x16xf32> to vector<16xf32>
          %swap3A_220 = vector.shape_cast %mul3A_215 : vector<16xf32> to vector<1x16xf32>
          tpu.vector_store %arg9[%swap3A_216, %swap3A_217], %swap3A_220 {strides = array<i32>} : memref<200x128xf32, #tpu.memory_space<vmem>>, vector<1x16xf32>,
          %add3A_221 = arith.constant 64 : i32
          %add3A_222 = arith.addi %mul3A_160, %add3A_221 : i32
          %get3A_223 = arith.index_cast %add3A_222 : i32 to index
          %get3A_224 = tpu.vector_load %arg12[%get3A_223] {strides = array<i32>} : memref<4096xf32, #tpu.memory_space<vmem>>, vector<16xf32>,
          %get3A_225 = vector.shape_cast %get3A_224 : vector<16xf32> to vector<16xf32>
          %get3A_226 = arith.index_cast %scan3A_152 : i32 to index
          %get3A_227 = arith.constant 64 : index
          %get3A_228 = tpu.vector_load %arg7[%get3A_226, %get3A_227] {strides = array<i32>} : memref<200x128xf32, #tpu.memory_space<vmem>>, vector<1x16xf32>,
          %get3A_229 = vector.shape_cast %get3A_228 : vector<1x16xf32> to vector<16xf32>
          %mul3A_230 = arith.mulf %get3A_229, %get3A_225 : vector<16xf32>
          %swap3A_231 = arith.index_cast %scan3A_152 : i32 to index
          %swap3A_232 = arith.constant 64 : index
          %swap3A_233 = tpu.vector_load %arg9[%swap3A_231, %swap3A_232] {strides = array<i32>} : memref<200x128xf32, #tpu.memory_space<vmem>>, vector<1x16xf32>,
          %swap3A_234 = vector.shape_cast %swap3A_233 : vector<1x16xf32> to vector<16xf32>
          %swap3A_235 = vector.shape_cast %mul3A_230 : vector<16xf32> to vector<1x16xf32>
          tpu.vector_store %arg9[%swap3A_231, %swap3A_232], %swap3A_235 {strides = array<i32>} : memref<200x128xf32, #tpu.memory_space<vmem>>, vector<1x16xf32>,
          %add3A_236 = arith.constant 80 : i32
          %add3A_237 = arith.addi %mul3A_160, %add3A_236 : i32
          %get3A_238 = arith.index_cast %add3A_237 : i32 to index
          %get3A_239 = tpu.vector_load %arg12[%get3A_238] {strides = array<i32>} : memref<4096xf32, #tpu.memory_space<vmem>>, vector<16xf32>,
          %get3A_240 = vector.shape_cast %get3A_239 : vector<16xf32> to vector<16xf32>
          %get3A_241 = arith.index_cast %scan3A_152 : i32 to index
          %get3A_242 = arith.constant 80 : index
          %get3A_243 = tpu.vector_load %arg7[%get3A_241, %get3A_242] {strides = array<i32>} : memref<200x128xf32, #tpu.memory_space<vmem>>, vector<1x16xf32>,
          %get3A_244 = vector.shape_cast %get3A_243 : vector<1x16xf32> to vector<16xf32>
          %mul3A_245 = arith.mulf %get3A_244, %get3A_240 : vector<16xf32>
          %swap3A_246 = arith.index_cast %scan3A_152 : i32 to index
          %swap3A_247 = arith.constant 80 : index
          %swap3A_248 = tpu.vector_load %arg9[%swap3A_246, %swap3A_247] {strides = array<i32>} : memref<200x128xf32, #tpu.memory_space<vmem>>, vector<1x16xf32>,
          %swap3A_249 = vector.shape_cast %swap3A_248 : vector<1x16xf32> to vector<16xf32>
          %swap3A_250 = vector.shape_cast %mul3A_245 : vector<16xf32> to vector<1x16xf32>
          tpu.vector_store %arg9[%swap3A_246, %swap3A_247], %swap3A_250 {strides = array<i32>} : memref<200x128xf32, #tpu.memory_space<vmem>>, vector<1x16xf32>,
          %add3A_251 = arith.constant 96 : i32
          %add3A_252 = arith.addi %mul3A_160, %add3A_251 : i32
          %get3A_253 = arith.index_cast %add3A_252 : i32 to index
          %get3A_254 = tpu.vector_load %arg12[%get3A_253] {strides = array<i32>} : memref<4096xf32, #tpu.memory_space<vmem>>, vector<16xf32>,
          %get3A_255 = vector.shape_cast %get3A_254 : vector<16xf32> to vector<16xf32>
          %get3A_256 = arith.index_cast %scan3A_152 : i32 to index
          %get3A_257 = arith.constant 96 : index
          %get3A_258 = tpu.vector_load %arg7[%get3A_256, %get3A_257] {strides = array<i32>} : memref<200x128xf32, #tpu.memory_space<vmem>>, vector<1x16xf32>,
          %get3A_259 = vector.shape_cast %get3A_258 : vector<1x16xf32> to vector<16xf32>
          %mul3A_260 = arith.mulf %get3A_259, %get3A_255 : vector<16xf32>
          %swap3A_261 = arith.index_cast %scan3A_152 : i32 to index
          %swap3A_262 = arith.constant 96 : index
          %swap3A_263 = tpu.vector_load %arg9[%swap3A_261, %swap3A_262] {strides = array<i32>} : memref<200x128xf32, #tpu.memory_space<vmem>>, vector<1x16xf32>,
          %swap3A_264 = vector.shape_cast %swap3A_263 : vector<1x16xf32> to vector<16xf32>
          %swap3A_265 = vector.shape_cast %mul3A_260 : vector<16xf32> to vector<1x16xf32>
          tpu.vector_store %arg9[%swap3A_261, %swap3A_262], %swap3A_265 {strides = array<i32>} : memref<200x128xf32, #tpu.memory_space<vmem>>, vector<1x16xf32>,
          %add3A_266 = arith.constant 112 : i32
          %add3A_267 = arith.addi %mul3A_160, %add3A_266 : i32
          %get3A_268 = arith.index_cast %add3A_267 : i32 to index
          %get3A_269 = tpu.vector_load %arg12[%get3A_268] {strides = array<i32>} : memref<4096xf32, #tpu.memory_space<vmem>>, vector<16xf32>,
          %get3A_270 = vector.shape_cast %get3A_269 : vector<16xf32> to vector<16xf32>
          %get3A_271 = arith.index_cast %scan3A_152 : i32 to index
          %get3A_272 = arith.constant 112 : index
          %get3A_273 = tpu.vector_load %arg7[%get3A_271, %get3A_272] {strides = array<i32>} : memref<200x128xf32, #tpu.memory_space<vmem>>, vector<1x16xf32>,
          %get3A_274 = vector.shape_cast %get3A_273 : vector<1x16xf32> to vector<16xf32>
          %mul3A_275 = arith.mulf %get3A_274, %get3A_270 : vector<16xf32>
          %swap3A_276 = arith.index_cast %scan3A_152 : i32 to index
          %swap3A_277 = arith.constant 112 : index
          %swap3A_278 = tpu.vector_load %arg9[%swap3A_276, %swap3A_277] {strides = array<i32>} : memref<200x128xf32, #tpu.memory_space<vmem>>, vector<1x16xf32>,
          %swap3A_279 = vector.shape_cast %swap3A_278 : vector<1x16xf32> to vector<16xf32>
          %swap3A_280 = vector.shape_cast %mul3A_275 : vector<16xf32> to vector<1x16xf32>
          tpu.vector_store %arg9[%swap3A_276, %swap3A_277], %swap3A_280 {strides = array<i32>} : memref<200x128xf32, #tpu.memory_space<vmem>>, vector<1x16xf32>,
          %scan3A_281 = arith.constant 0 : i32
          scf.yield %scan3A_281 : i32
        }
        %scan3A_151 = arith.constant 200 : i32
      } else {
      }
      %mul3A_137 = arith.constant 200 : i32
      %mul3A_138 = arith.muli %add3A_92, %mul3A_137 : i32
      %add3A_139 = arith.addi %mul3A_2, %mul3A_138 : i32
      %dma_start3A_140 = arith.constant 0 : i32
      %dma_start3A_141 = tpu.memref_slice %arg5[%add3A_139, %dma_start3A_140] : memref<320000x128xf32, #tpu.memory_space<hbm>> -> memref<200x128xf32, #tpu.memory_space<hbm>>
      %dma_start3A_142 = arith.constant 0 : i32
      %dma_start3A_143 = tpu.memref_slice %arg5[%add3A_139, %dma_start3A_142] : memref<320000x128xf32, #tpu.memory_space<hbm>> -> memref<200x128xf32, #tpu.memory_space<hbm>>
      tpu.enqueue_dma source(%arg9 : memref<200x128xf32, #tpu.memory_space<vmem>>) target(%dma_start3A_143 : memref<200x128xf32, #tpu.memory_space<hbm>>) target_semaphore(%arg18 : memref<!tpu.dma_semaphore, #tpu.memory_space<semaphore_mem>>)
      %scan3A_144 = arith.constant 0 : i32
      scf.yield %scan3A_144 : i32
    }
    %scan3A_29 = arith.constant 25 : i32
    %dma_wait3A = arith.constant 0 : i32
    %dma_wait3A_30 = arith.constant 0 : i32
    %dma_wait3A_31 = tpu.memref_slice %arg5[%dma_wait3A, %dma_wait3A_30] : memref<320000x128xf32, #tpu.memory_space<hbm>> -> memref<200x128xf32, #tpu.memory_space<hbm>>
    %dma_wait3A_32 = arith.constant 0 : i32
    %dma_wait3A_33 = arith.constant 0 : i32
    %dma_wait3A_34 = tpu.memref_slice %arg5[%dma_wait3A_32, %dma_wait3A_33] : memref<320000x128xf32, #tpu.memory_space<hbm>> -> memref<200x128xf32, #tpu.memory_space<hbm>>
    tpu.wait_dma2 semaphore(%arg17 : memref<!tpu.dma_semaphore, #tpu.memory_space<semaphore_mem>>) src(%arg8 : memref<200x128xf32, #tpu.memory_space<vmem>>) dst(%dma_wait3A_34 : memref<200x128xf32, #tpu.memory_space<hbm>>)
    %dma_wait3A_35 = arith.constant 0 : i32
    %dma_wait3A_36 = arith.constant 0 : i32
    %dma_wait3A_37 = tpu.memref_slice %arg5[%dma_wait3A_35, %dma_wait3A_36] : memref<320000x128xf32, #tpu.memory_space<hbm>> -> memref<200x128xf32, #tpu.memory_space<hbm>>
    %dma_wait3A_38 = arith.constant 0 : i32
    %dma_wait3A_39 = arith.constant 0 : i32
    %dma_wait3A_40 = tpu.memref_slice %arg5[%dma_wait3A_38, %dma_wait3A_39] : memref<320000x128xf32, #tpu.memory_space<hbm>> -> memref<200x128xf32, #tpu.memory_space<hbm>>
    tpu.wait_dma2 semaphore(%arg18 : memref<!tpu.dma_semaphore, #tpu.memory_space<semaphore_mem>>) src(%arg9 : memref<200x128xf32, #tpu.memory_space<vmem>>) dst(%dma_wait3A_40 : memref<200x128xf32, #tpu.memory_space<hbm>>)
    return
  }
}

module attributes {stable_mosaic.version = 14 : i64} {
  func.func @body(%arg0: memref<1024x128xf32, #tpu.memory_space<vmem>>, %arg1: memref<1024x128xf32, #tpu.memory_space<vmem>>, %arg2: memref<32x32xf32, #tpu.memory_space<vmem>>, %arg3: memref<32x128xf32, #tpu.memory_space<vmem>>, %arg4: memref<32x128xf32, #tpu.memory_space<vmem>>, %arg5: memref<8x32xf32, #tpu.memory_space<vmem>>, %arg6: memref<128x8xf32, #tpu.memory_space<vmem>>, %arg7: memref<1x8xf32, #tpu.memory_space<vmem>>, %arg8: memref<8x128xf32, #tpu.memory_space<vmem>>, %arg9: memref<1x128xf32, #tpu.memory_space<vmem>>, %arg10: memref<32x128xf32, #tpu.memory_space<vmem>>) attributes {dimension_semantics = [], scalar_prefetch = 0 : i64, scratch_operands = 0 : i64, tpu.core_type = #tpu.core_type<tc>} {
    %get3A = arith.constant 0 : index
    %get3A_0 = arith.constant 0 : index
    %get3A_1 = vector.load %arg3[%get3A, %get3A_0] : memref<32x128xf32, #tpu.memory_space<vmem>>, vector<32x128xf32>
    %get3A_2 = arith.constant 0 : index
    %get3A_3 = arith.constant 0 : index
    %get3A_4 = vector.load %arg4[%get3A_2, %get3A_3] : memref<32x128xf32, #tpu.memory_space<vmem>>, vector<32x128xf32>
    %get3A_5 = arith.constant 0 : index
    %get3A_6 = arith.constant 0 : index
    %get3A_7 = vector.load %arg0[%get3A_5, %get3A_6] : memref<1024x128xf32, #tpu.memory_space<vmem>>, vector<32x128xf32>
    %add3A = arith.addf %get3A_1, %get3A_7 : vector<32x128xf32>
    %get3A_8 = arith.constant 0 : index
    %get3A_9 = arith.constant 0 : index
    %get3A_10 = vector.load %arg1[%get3A_8, %get3A_9] : memref<1024x128xf32, #tpu.memory_space<vmem>>, vector<32x128xf32>
    %max3A = arith.maximumf %get3A_4, %get3A_10 : vector<32x128xf32>
    %get3A_11 = arith.constant 32 : index
    %get3A_12 = arith.constant 0 : index
    %get3A_13 = vector.load %arg0[%get3A_11, %get3A_12] : memref<1024x128xf32, #tpu.memory_space<vmem>>, vector<32x128xf32>
    %add3A_14 = arith.addf %add3A, %get3A_13 : vector<32x128xf32>
    %get3A_15 = arith.constant 32 : index
    %get3A_16 = arith.constant 0 : index
    %get3A_17 = vector.load %arg1[%get3A_15, %get3A_16] : memref<1024x128xf32, #tpu.memory_space<vmem>>, vector<32x128xf32>
    %max3A_18 = arith.maximumf %max3A, %get3A_17 : vector<32x128xf32>
    %get3A_19 = arith.constant 64 : index
    %get3A_20 = arith.constant 0 : index
    %get3A_21 = vector.load %arg0[%get3A_19, %get3A_20] : memref<1024x128xf32, #tpu.memory_space<vmem>>, vector<32x128xf32>
    %add3A_22 = arith.addf %add3A_14, %get3A_21 : vector<32x128xf32>
    %get3A_23 = arith.constant 64 : index
    %get3A_24 = arith.constant 0 : index
    %get3A_25 = vector.load %arg1[%get3A_23, %get3A_24] : memref<1024x128xf32, #tpu.memory_space<vmem>>, vector<32x128xf32>
    %max3A_26 = arith.maximumf %max3A_18, %get3A_25 : vector<32x128xf32>
    %get3A_27 = arith.constant 96 : index
    %get3A_28 = arith.constant 0 : index
    %get3A_29 = vector.load %arg0[%get3A_27, %get3A_28] : memref<1024x128xf32, #tpu.memory_space<vmem>>, vector<32x128xf32>
    %add3A_30 = arith.addf %add3A_22, %get3A_29 : vector<32x128xf32>
    %get3A_31 = arith.constant 96 : index
    %get3A_32 = arith.constant 0 : index
    %get3A_33 = vector.load %arg1[%get3A_31, %get3A_32] : memref<1024x128xf32, #tpu.memory_space<vmem>>, vector<32x128xf32>
    %max3A_34 = arith.maximumf %max3A_26, %get3A_33 : vector<32x128xf32>
    %get3A_35 = arith.constant 128 : index
    %get3A_36 = arith.constant 0 : index
    %get3A_37 = vector.load %arg0[%get3A_35, %get3A_36] : memref<1024x128xf32, #tpu.memory_space<vmem>>, vector<32x128xf32>
    %add3A_38 = arith.addf %add3A_30, %get3A_37 : vector<32x128xf32>
    %get3A_39 = arith.constant 128 : index
    %get3A_40 = arith.constant 0 : index
    %get3A_41 = vector.load %arg1[%get3A_39, %get3A_40] : memref<1024x128xf32, #tpu.memory_space<vmem>>, vector<32x128xf32>
    %max3A_42 = arith.maximumf %max3A_34, %get3A_41 : vector<32x128xf32>
    %get3A_43 = arith.constant 160 : index
    %get3A_44 = arith.constant 0 : index
    %get3A_45 = vector.load %arg0[%get3A_43, %get3A_44] : memref<1024x128xf32, #tpu.memory_space<vmem>>, vector<32x128xf32>
    %add3A_46 = arith.addf %add3A_38, %get3A_45 : vector<32x128xf32>
    %get3A_47 = arith.constant 160 : index
    %get3A_48 = arith.constant 0 : index
    %get3A_49 = vector.load %arg1[%get3A_47, %get3A_48] : memref<1024x128xf32, #tpu.memory_space<vmem>>, vector<32x128xf32>
    %max3A_50 = arith.maximumf %max3A_42, %get3A_49 : vector<32x128xf32>
    %get3A_51 = arith.constant 192 : index
    %get3A_52 = arith.constant 0 : index
    %get3A_53 = vector.load %arg0[%get3A_51, %get3A_52] : memref<1024x128xf32, #tpu.memory_space<vmem>>, vector<32x128xf32>
    %add3A_54 = arith.addf %add3A_46, %get3A_53 : vector<32x128xf32>
    %get3A_55 = arith.constant 192 : index
    %get3A_56 = arith.constant 0 : index
    %get3A_57 = vector.load %arg1[%get3A_55, %get3A_56] : memref<1024x128xf32, #tpu.memory_space<vmem>>, vector<32x128xf32>
    %max3A_58 = arith.maximumf %max3A_50, %get3A_57 : vector<32x128xf32>
    %get3A_59 = arith.constant 224 : index
    %get3A_60 = arith.constant 0 : index
    %get3A_61 = vector.load %arg0[%get3A_59, %get3A_60] : memref<1024x128xf32, #tpu.memory_space<vmem>>, vector<32x128xf32>
    %add3A_62 = arith.addf %add3A_54, %get3A_61 : vector<32x128xf32>
    %get3A_63 = arith.constant 224 : index
    %get3A_64 = arith.constant 0 : index
    %get3A_65 = vector.load %arg1[%get3A_63, %get3A_64] : memref<1024x128xf32, #tpu.memory_space<vmem>>, vector<32x128xf32>
    %max3A_66 = arith.maximumf %max3A_58, %get3A_65 : vector<32x128xf32>
    %get3A_67 = arith.constant 256 : index
    %get3A_68 = arith.constant 0 : index
    %get3A_69 = vector.load %arg0[%get3A_67, %get3A_68] : memref<1024x128xf32, #tpu.memory_space<vmem>>, vector<32x128xf32>
    %add3A_70 = arith.addf %add3A_62, %get3A_69 : vector<32x128xf32>
    %get3A_71 = arith.constant 256 : index
    %get3A_72 = arith.constant 0 : index
    %get3A_73 = vector.load %arg1[%get3A_71, %get3A_72] : memref<1024x128xf32, #tpu.memory_space<vmem>>, vector<32x128xf32>
    %max3A_74 = arith.maximumf %max3A_66, %get3A_73 : vector<32x128xf32>
    %get3A_75 = arith.constant 288 : index
    %get3A_76 = arith.constant 0 : index
    %get3A_77 = vector.load %arg0[%get3A_75, %get3A_76] : memref<1024x128xf32, #tpu.memory_space<vmem>>, vector<32x128xf32>
    %add3A_78 = arith.addf %add3A_70, %get3A_77 : vector<32x128xf32>
    %get3A_79 = arith.constant 288 : index
    %get3A_80 = arith.constant 0 : index
    %get3A_81 = vector.load %arg1[%get3A_79, %get3A_80] : memref<1024x128xf32, #tpu.memory_space<vmem>>, vector<32x128xf32>
    %max3A_82 = arith.maximumf %max3A_74, %get3A_81 : vector<32x128xf32>
    %get3A_83 = arith.constant 320 : index
    %get3A_84 = arith.constant 0 : index
    %get3A_85 = vector.load %arg0[%get3A_83, %get3A_84] : memref<1024x128xf32, #tpu.memory_space<vmem>>, vector<32x128xf32>
    %add3A_86 = arith.addf %add3A_78, %get3A_85 : vector<32x128xf32>
    %get3A_87 = arith.constant 320 : index
    %get3A_88 = arith.constant 0 : index
    %get3A_89 = vector.load %arg1[%get3A_87, %get3A_88] : memref<1024x128xf32, #tpu.memory_space<vmem>>, vector<32x128xf32>
    %max3A_90 = arith.maximumf %max3A_82, %get3A_89 : vector<32x128xf32>
    %get3A_91 = arith.constant 352 : index
    %get3A_92 = arith.constant 0 : index
    %get3A_93 = vector.load %arg0[%get3A_91, %get3A_92] : memref<1024x128xf32, #tpu.memory_space<vmem>>, vector<32x128xf32>
    %add3A_94 = arith.addf %add3A_86, %get3A_93 : vector<32x128xf32>
    %get3A_95 = arith.constant 352 : index
    %get3A_96 = arith.constant 0 : index
    %get3A_97 = vector.load %arg1[%get3A_95, %get3A_96] : memref<1024x128xf32, #tpu.memory_space<vmem>>, vector<32x128xf32>
    %max3A_98 = arith.maximumf %max3A_90, %get3A_97 : vector<32x128xf32>
    %get3A_99 = arith.constant 384 : index
    %get3A_100 = arith.constant 0 : index
    %get3A_101 = vector.load %arg0[%get3A_99, %get3A_100] : memref<1024x128xf32, #tpu.memory_space<vmem>>, vector<32x128xf32>
    %add3A_102 = arith.addf %add3A_94, %get3A_101 : vector<32x128xf32>
    %get3A_103 = arith.constant 384 : index
    %get3A_104 = arith.constant 0 : index
    %get3A_105 = vector.load %arg1[%get3A_103, %get3A_104] : memref<1024x128xf32, #tpu.memory_space<vmem>>, vector<32x128xf32>
    %max3A_106 = arith.maximumf %max3A_98, %get3A_105 : vector<32x128xf32>
    %get3A_107 = arith.constant 416 : index
    %get3A_108 = arith.constant 0 : index
    %get3A_109 = vector.load %arg0[%get3A_107, %get3A_108] : memref<1024x128xf32, #tpu.memory_space<vmem>>, vector<32x128xf32>
    %add3A_110 = arith.addf %add3A_102, %get3A_109 : vector<32x128xf32>
    %get3A_111 = arith.constant 416 : index
    %get3A_112 = arith.constant 0 : index
    %get3A_113 = vector.load %arg1[%get3A_111, %get3A_112] : memref<1024x128xf32, #tpu.memory_space<vmem>>, vector<32x128xf32>
    %max3A_114 = arith.maximumf %max3A_106, %get3A_113 : vector<32x128xf32>
    %get3A_115 = arith.constant 448 : index
    %get3A_116 = arith.constant 0 : index
    %get3A_117 = vector.load %arg0[%get3A_115, %get3A_116] : memref<1024x128xf32, #tpu.memory_space<vmem>>, vector<32x128xf32>
    %add3A_118 = arith.addf %add3A_110, %get3A_117 : vector<32x128xf32>
    %get3A_119 = arith.constant 448 : index
    %get3A_120 = arith.constant 0 : index
    %get3A_121 = vector.load %arg1[%get3A_119, %get3A_120] : memref<1024x128xf32, #tpu.memory_space<vmem>>, vector<32x128xf32>
    %max3A_122 = arith.maximumf %max3A_114, %get3A_121 : vector<32x128xf32>
    %get3A_123 = arith.constant 480 : index
    %get3A_124 = arith.constant 0 : index
    %get3A_125 = vector.load %arg0[%get3A_123, %get3A_124] : memref<1024x128xf32, #tpu.memory_space<vmem>>, vector<32x128xf32>
    %add3A_126 = arith.addf %add3A_118, %get3A_125 : vector<32x128xf32>
    %get3A_127 = arith.constant 480 : index
    %get3A_128 = arith.constant 0 : index
    %get3A_129 = vector.load %arg1[%get3A_127, %get3A_128] : memref<1024x128xf32, #tpu.memory_space<vmem>>, vector<32x128xf32>
    %max3A_130 = arith.maximumf %max3A_122, %get3A_129 : vector<32x128xf32>
    %get3A_131 = arith.constant 512 : index
    %get3A_132 = arith.constant 0 : index
    %get3A_133 = vector.load %arg0[%get3A_131, %get3A_132] : memref<1024x128xf32, #tpu.memory_space<vmem>>, vector<32x128xf32>
    %add3A_134 = arith.addf %add3A_126, %get3A_133 : vector<32x128xf32>
    %get3A_135 = arith.constant 512 : index
    %get3A_136 = arith.constant 0 : index
    %get3A_137 = vector.load %arg1[%get3A_135, %get3A_136] : memref<1024x128xf32, #tpu.memory_space<vmem>>, vector<32x128xf32>
    %max3A_138 = arith.maximumf %max3A_130, %get3A_137 : vector<32x128xf32>
    %get3A_139 = arith.constant 544 : index
    %get3A_140 = arith.constant 0 : index
    %get3A_141 = vector.load %arg0[%get3A_139, %get3A_140] : memref<1024x128xf32, #tpu.memory_space<vmem>>, vector<32x128xf32>
    %add3A_142 = arith.addf %add3A_134, %get3A_141 : vector<32x128xf32>
    %get3A_143 = arith.constant 544 : index
    %get3A_144 = arith.constant 0 : index
    %get3A_145 = vector.load %arg1[%get3A_143, %get3A_144] : memref<1024x128xf32, #tpu.memory_space<vmem>>, vector<32x128xf32>
    %max3A_146 = arith.maximumf %max3A_138, %get3A_145 : vector<32x128xf32>
    %get3A_147 = arith.constant 576 : index
    %get3A_148 = arith.constant 0 : index
    %get3A_149 = vector.load %arg0[%get3A_147, %get3A_148] : memref<1024x128xf32, #tpu.memory_space<vmem>>, vector<32x128xf32>
    %add3A_150 = arith.addf %add3A_142, %get3A_149 : vector<32x128xf32>
    %get3A_151 = arith.constant 576 : index
    %get3A_152 = arith.constant 0 : index
    %get3A_153 = vector.load %arg1[%get3A_151, %get3A_152] : memref<1024x128xf32, #tpu.memory_space<vmem>>, vector<32x128xf32>
    %max3A_154 = arith.maximumf %max3A_146, %get3A_153 : vector<32x128xf32>
    %get3A_155 = arith.constant 608 : index
    %get3A_156 = arith.constant 0 : index
    %get3A_157 = vector.load %arg0[%get3A_155, %get3A_156] : memref<1024x128xf32, #tpu.memory_space<vmem>>, vector<32x128xf32>
    %add3A_158 = arith.addf %add3A_150, %get3A_157 : vector<32x128xf32>
    %get3A_159 = arith.constant 608 : index
    %get3A_160 = arith.constant 0 : index
    %get3A_161 = vector.load %arg1[%get3A_159, %get3A_160] : memref<1024x128xf32, #tpu.memory_space<vmem>>, vector<32x128xf32>
    %max3A_162 = arith.maximumf %max3A_154, %get3A_161 : vector<32x128xf32>
    %get3A_163 = arith.constant 640 : index
    %get3A_164 = arith.constant 0 : index
    %get3A_165 = vector.load %arg0[%get3A_163, %get3A_164] : memref<1024x128xf32, #tpu.memory_space<vmem>>, vector<32x128xf32>
    %add3A_166 = arith.addf %add3A_158, %get3A_165 : vector<32x128xf32>
    %get3A_167 = arith.constant 640 : index
    %get3A_168 = arith.constant 0 : index
    %get3A_169 = vector.load %arg1[%get3A_167, %get3A_168] : memref<1024x128xf32, #tpu.memory_space<vmem>>, vector<32x128xf32>
    %max3A_170 = arith.maximumf %max3A_162, %get3A_169 : vector<32x128xf32>
    %get3A_171 = arith.constant 672 : index
    %get3A_172 = arith.constant 0 : index
    %get3A_173 = vector.load %arg0[%get3A_171, %get3A_172] : memref<1024x128xf32, #tpu.memory_space<vmem>>, vector<32x128xf32>
    %add3A_174 = arith.addf %add3A_166, %get3A_173 : vector<32x128xf32>
    %get3A_175 = arith.constant 672 : index
    %get3A_176 = arith.constant 0 : index
    %get3A_177 = vector.load %arg1[%get3A_175, %get3A_176] : memref<1024x128xf32, #tpu.memory_space<vmem>>, vector<32x128xf32>
    %max3A_178 = arith.maximumf %max3A_170, %get3A_177 : vector<32x128xf32>
    %get3A_179 = arith.constant 704 : index
    %get3A_180 = arith.constant 0 : index
    %get3A_181 = vector.load %arg0[%get3A_179, %get3A_180] : memref<1024x128xf32, #tpu.memory_space<vmem>>, vector<32x128xf32>
    %add3A_182 = arith.addf %add3A_174, %get3A_181 : vector<32x128xf32>
    %get3A_183 = arith.constant 704 : index
    %get3A_184 = arith.constant 0 : index
    %get3A_185 = vector.load %arg1[%get3A_183, %get3A_184] : memref<1024x128xf32, #tpu.memory_space<vmem>>, vector<32x128xf32>
    %max3A_186 = arith.maximumf %max3A_178, %get3A_185 : vector<32x128xf32>
    %get3A_187 = arith.constant 736 : index
    %get3A_188 = arith.constant 0 : index
    %get3A_189 = vector.load %arg0[%get3A_187, %get3A_188] : memref<1024x128xf32, #tpu.memory_space<vmem>>, vector<32x128xf32>
    %add3A_190 = arith.addf %add3A_182, %get3A_189 : vector<32x128xf32>
    %get3A_191 = arith.constant 736 : index
    %get3A_192 = arith.constant 0 : index
    %get3A_193 = vector.load %arg1[%get3A_191, %get3A_192] : memref<1024x128xf32, #tpu.memory_space<vmem>>, vector<32x128xf32>
    %max3A_194 = arith.maximumf %max3A_186, %get3A_193 : vector<32x128xf32>
    %get3A_195 = arith.constant 768 : index
    %get3A_196 = arith.constant 0 : index
    %get3A_197 = vector.load %arg0[%get3A_195, %get3A_196] : memref<1024x128xf32, #tpu.memory_space<vmem>>, vector<32x128xf32>
    %add3A_198 = arith.addf %add3A_190, %get3A_197 : vector<32x128xf32>
    %get3A_199 = arith.constant 768 : index
    %get3A_200 = arith.constant 0 : index
    %get3A_201 = vector.load %arg1[%get3A_199, %get3A_200] : memref<1024x128xf32, #tpu.memory_space<vmem>>, vector<32x128xf32>
    %max3A_202 = arith.maximumf %max3A_194, %get3A_201 : vector<32x128xf32>
    %get3A_203 = arith.constant 800 : index
    %get3A_204 = arith.constant 0 : index
    %get3A_205 = vector.load %arg0[%get3A_203, %get3A_204] : memref<1024x128xf32, #tpu.memory_space<vmem>>, vector<32x128xf32>
    %add3A_206 = arith.addf %add3A_198, %get3A_205 : vector<32x128xf32>
    %get3A_207 = arith.constant 800 : index
    %get3A_208 = arith.constant 0 : index
    %get3A_209 = vector.load %arg1[%get3A_207, %get3A_208] : memref<1024x128xf32, #tpu.memory_space<vmem>>, vector<32x128xf32>
    %max3A_210 = arith.maximumf %max3A_202, %get3A_209 : vector<32x128xf32>
    %get3A_211 = arith.constant 832 : index
    %get3A_212 = arith.constant 0 : index
    %get3A_213 = vector.load %arg0[%get3A_211, %get3A_212] : memref<1024x128xf32, #tpu.memory_space<vmem>>, vector<32x128xf32>
    %add3A_214 = arith.addf %add3A_206, %get3A_213 : vector<32x128xf32>
    %get3A_215 = arith.constant 832 : index
    %get3A_216 = arith.constant 0 : index
    %get3A_217 = vector.load %arg1[%get3A_215, %get3A_216] : memref<1024x128xf32, #tpu.memory_space<vmem>>, vector<32x128xf32>
    %max3A_218 = arith.maximumf %max3A_210, %get3A_217 : vector<32x128xf32>
    %get3A_219 = arith.constant 864 : index
    %get3A_220 = arith.constant 0 : index
    %get3A_221 = vector.load %arg0[%get3A_219, %get3A_220] : memref<1024x128xf32, #tpu.memory_space<vmem>>, vector<32x128xf32>
    %add3A_222 = arith.addf %add3A_214, %get3A_221 : vector<32x128xf32>
    %get3A_223 = arith.constant 864 : index
    %get3A_224 = arith.constant 0 : index
    %get3A_225 = vector.load %arg1[%get3A_223, %get3A_224] : memref<1024x128xf32, #tpu.memory_space<vmem>>, vector<32x128xf32>
    %max3A_226 = arith.maximumf %max3A_218, %get3A_225 : vector<32x128xf32>
    %get3A_227 = arith.constant 896 : index
    %get3A_228 = arith.constant 0 : index
    %get3A_229 = vector.load %arg0[%get3A_227, %get3A_228] : memref<1024x128xf32, #tpu.memory_space<vmem>>, vector<32x128xf32>
    %add3A_230 = arith.addf %add3A_222, %get3A_229 : vector<32x128xf32>
    %get3A_231 = arith.constant 896 : index
    %get3A_232 = arith.constant 0 : index
    %get3A_233 = vector.load %arg1[%get3A_231, %get3A_232] : memref<1024x128xf32, #tpu.memory_space<vmem>>, vector<32x128xf32>
    %max3A_234 = arith.maximumf %max3A_226, %get3A_233 : vector<32x128xf32>
    %get3A_235 = arith.constant 928 : index
    %get3A_236 = arith.constant 0 : index
    %get3A_237 = vector.load %arg0[%get3A_235, %get3A_236] : memref<1024x128xf32, #tpu.memory_space<vmem>>, vector<32x128xf32>
    %add3A_238 = arith.addf %add3A_230, %get3A_237 : vector<32x128xf32>
    %get3A_239 = arith.constant 928 : index
    %get3A_240 = arith.constant 0 : index
    %get3A_241 = vector.load %arg1[%get3A_239, %get3A_240] : memref<1024x128xf32, #tpu.memory_space<vmem>>, vector<32x128xf32>
    %max3A_242 = arith.maximumf %max3A_234, %get3A_241 : vector<32x128xf32>
    %get3A_243 = arith.constant 960 : index
    %get3A_244 = arith.constant 0 : index
    %get3A_245 = vector.load %arg0[%get3A_243, %get3A_244] : memref<1024x128xf32, #tpu.memory_space<vmem>>, vector<32x128xf32>
    %add3A_246 = arith.addf %add3A_238, %get3A_245 : vector<32x128xf32>
    %get3A_247 = arith.constant 960 : index
    %get3A_248 = arith.constant 0 : index
    %get3A_249 = vector.load %arg1[%get3A_247, %get3A_248] : memref<1024x128xf32, #tpu.memory_space<vmem>>, vector<32x128xf32>
    %max3A_250 = arith.maximumf %max3A_242, %get3A_249 : vector<32x128xf32>
    %get3A_251 = arith.constant 992 : index
    %get3A_252 = arith.constant 0 : index
    %get3A_253 = vector.load %arg0[%get3A_251, %get3A_252] : memref<1024x128xf32, #tpu.memory_space<vmem>>, vector<32x128xf32>
    %add3A_254 = arith.addf %add3A_246, %get3A_253 : vector<32x128xf32>
    %get3A_255 = arith.constant 992 : index
    %get3A_256 = arith.constant 0 : index
    %get3A_257 = vector.load %arg1[%get3A_255, %get3A_256] : memref<1024x128xf32, #tpu.memory_space<vmem>>, vector<32x128xf32>
    %max3A_258 = arith.maximumf %max3A_250, %get3A_257 : vector<32x128xf32>
    %get3A_259 = arith.constant 0 : index
    %get3A_260 = arith.constant 0 : index
    %get3A_261 = vector.load %arg2[%get3A_259, %get3A_260] : memref<32x32xf32, #tpu.memory_space<vmem>>, vector<32x32xf32>
    %reduce_sum3A = arith.constant dense<0.000000e+00> : vector<32xf32>
    %reduce_sum3A_262 = vector.multi_reduction <add>, %get3A_261, %reduce_sum3A [0] : vector<32x32xf32> to vector<32xf32>
    %get3A_263 = arith.constant 0 : index
    %get3A_264 = arith.constant 0 : index
    %get3A_265 = vector.load %arg5[%get3A_263, %get3A_264] : memref<8x32xf32, #tpu.memory_space<vmem>>, vector<1x32xf32>
    %get3A_266 = vector.shape_cast %get3A_265 : vector<1x32xf32> to vector<32xf32>
    %add3A_267 = arith.addf %reduce_sum3A_262, %get3A_266 : vector<32xf32>
    %max3A_268 = arith.constant 1.000000e+00 : f32
    %max3A_269 = vector.broadcast %max3A_268 : f32 to vector<32xf32>
    %max3A_270 = arith.maximumf %add3A_267, %max3A_269 : vector<32xf32>
    %broadcast_in_dim3A = vector.shape_cast %max3A_270 : vector<32xf32> to vector<32x1xf32>
    %div3A = vector.broadcast %broadcast_in_dim3A : vector<32x1xf32> to vector<32x128xf32>
    %div3A_271 = arith.divf %add3A_254, %div3A : vector<32x128xf32>
    %broadcast_in_dim3A_272 = vector.shape_cast %add3A_267 : vector<32xf32> to vector<32x1xf32>
    %gt3A = arith.constant 0.000000e+00 : f32
    %gt3A_273 = vector.broadcast %gt3A : f32 to vector<32x1xf32>
    %gt3A_274 = arith.cmpf ogt, %broadcast_in_dim3A_272, %gt3A_273 : vector<32x1xf32>
    %jit3A = arith.constant 0.000000e+00 : f32
    %broadcast_in_dim3A_275 = vector.shape_cast %gt3A_274 : vector<32x1xi1> to vector<32x1xi1>
    %broadcast_in_dim3A_276 = vector.broadcast %broadcast_in_dim3A_275 : vector<32x1xi1> to vector<32x128xi1>
    %broadcast_in_dim3A_277 = vector.broadcast %jit3A : f32 to vector<32x128xf32>
    %select_n3A = arith.select %broadcast_in_dim3A_276, %max3A_258, %broadcast_in_dim3A_277 : vector<32x128xi1>, vector<32x128xf32>
    %get3A_278 = arith.constant 0 : index
    %get3A_279 = arith.constant 0 : index
    %get3A_280 = vector.load %arg6[%get3A_278, %get3A_279] : memref<128x8xf32, #tpu.memory_space<vmem>>, vector<128x8xf32>
    %dot_general3A = arith.constant dense<0.000000e+00> : vector<32x8xf32>
    %dot_general3A_281 = tpu.matmul %div3A_271, %get3A_280, %dot_general3A {dimension_numbers = #tpu.dot_dimension_numbers<[1], [0], [0], [1], [0, 0, 1, 1], [], []>, transpose_lhs_hint = false} : vector<32x128xf32>, vector<128x8xf32>, vector<32x8xf32> -> vector<32x8xf32>
    %get3A_282 = arith.constant 0 : index
    %get3A_283 = arith.constant 0 : index
    %get3A_284 = vector.load %arg7[%get3A_282, %get3A_283] : memref<1x8xf32, #tpu.memory_space<vmem>>, vector<1x8xf32>
    %add3A_285 = vector.broadcast %get3A_284 : vector<1x8xf32> to vector<32x8xf32>
    %add3A_286 = arith.addf %dot_general3A_281, %add3A_285 : vector<32x8xf32>
    %max3A_287 = arith.constant 0.000000e+00 : f32
    %max3A_288 = vector.broadcast %max3A_287 : f32 to vector<32x8xf32>
    %max3A_289 = arith.maximumf %add3A_286, %max3A_288 : vector<32x8xf32>
    %get3A_290 = arith.constant 0 : index
    %get3A_291 = arith.constant 0 : index
    %get3A_292 = vector.load %arg8[%get3A_290, %get3A_291] : memref<8x128xf32, #tpu.memory_space<vmem>>, vector<8x128xf32>
    %dot_general3A_293 = arith.constant dense<0.000000e+00> : vector<32x128xf32>
    %dot_general3A_294 = tpu.matmul %max3A_289, %get3A_292, %dot_general3A_293 {dimension_numbers = #tpu.dot_dimension_numbers<[1], [0], [0], [1], [0, 0, 1, 1], [], []>, transpose_lhs_hint = false} : vector<32x8xf32>, vector<8x128xf32>, vector<32x128xf32> -> vector<32x128xf32>
    %get3A_295 = arith.constant 0 : index
    %get3A_296 = arith.constant 0 : index
    %get3A_297 = vector.load %arg9[%get3A_295, %get3A_296] : memref<1x128xf32, #tpu.memory_space<vmem>>, vector<1x128xf32>
    %add3A_298 = vector.broadcast %get3A_297 : vector<1x128xf32> to vector<32x128xf32>
    %add3A_299 = arith.addf %dot_general3A_294, %add3A_298 : vector<32x128xf32>
    %get3A_300 = arith.constant 0 : index
    %get3A_301 = arith.constant 0 : index
    %get3A_302 = vector.load %arg6[%get3A_300, %get3A_301] : memref<128x8xf32, #tpu.memory_space<vmem>>, vector<128x8xf32>
    %dot_general3A_303 = arith.constant dense<0.000000e+00> : vector<32x8xf32>
    %dot_general3A_304 = tpu.matmul %select_n3A, %get3A_302, %dot_general3A_303 {dimension_numbers = #tpu.dot_dimension_numbers<[1], [0], [0], [1], [0, 0, 1, 1], [], []>, transpose_lhs_hint = false} : vector<32x128xf32>, vector<128x8xf32>, vector<32x8xf32> -> vector<32x8xf32>
    %get3A_305 = arith.constant 0 : index
    %get3A_306 = arith.constant 0 : index
    %get3A_307 = vector.load %arg7[%get3A_305, %get3A_306] : memref<1x8xf32, #tpu.memory_space<vmem>>, vector<1x8xf32>
    %add3A_308 = vector.broadcast %get3A_307 : vector<1x8xf32> to vector<32x8xf32>
    %add3A_309 = arith.addf %dot_general3A_304, %add3A_308 : vector<32x8xf32>
    %max3A_310 = arith.constant 0.000000e+00 : f32
    %max3A_311 = vector.broadcast %max3A_310 : f32 to vector<32x8xf32>
    %max3A_312 = arith.maximumf %add3A_309, %max3A_311 : vector<32x8xf32>
    %get3A_313 = arith.constant 0 : index
    %get3A_314 = arith.constant 0 : index
    %get3A_315 = vector.load %arg8[%get3A_313, %get3A_314] : memref<8x128xf32, #tpu.memory_space<vmem>>, vector<8x128xf32>
    %dot_general3A_316 = arith.constant dense<0.000000e+00> : vector<32x128xf32>
    %dot_general3A_317 = tpu.matmul %max3A_312, %get3A_315, %dot_general3A_316 {dimension_numbers = #tpu.dot_dimension_numbers<[1], [0], [0], [1], [0, 0, 1, 1], [], []>, transpose_lhs_hint = false} : vector<32x8xf32>, vector<8x128xf32>, vector<32x128xf32> -> vector<32x128xf32>
    %get3A_318 = arith.constant 0 : index
    %get3A_319 = arith.constant 0 : index
    %get3A_320 = vector.load %arg9[%get3A_318, %get3A_319] : memref<1x128xf32, #tpu.memory_space<vmem>>, vector<1x128xf32>
    %add3A_321 = vector.broadcast %get3A_320 : vector<1x128xf32> to vector<32x128xf32>
    %add3A_322 = arith.addf %dot_general3A_317, %add3A_321 : vector<32x128xf32>
    %add3A_323 = arith.addf %add3A_299, %add3A_322 : vector<32x128xf32>
    %logistic3A = arith.negf %add3A_323 : vector<32x128xf32>
    %logistic3A_324 = math.exp %logistic3A : vector<32x128xf32>
    %logistic3A_325 = arith.constant 1.000000e+00 : f32
    %logistic3A_326 = vector.broadcast %logistic3A_325 : f32 to vector<32x128xf32>
    %logistic3A_327 = arith.addf %logistic3A_326, %logistic3A_324 : vector<32x128xf32>
    %logistic3A_328 = arith.divf %logistic3A_326, %logistic3A_327 : vector<32x128xf32>
    %swap3A = arith.constant 0 : index
    %swap3A_329 = arith.constant 0 : index
    %swap3A_330 = vector.load %arg10[%swap3A, %swap3A_329] : memref<32x128xf32, #tpu.memory_space<vmem>>, vector<32x128xf32>
    tpu.vector_store %arg10[%swap3A, %swap3A_329], %logistic3A_328 {strides = array<i32>} : memref<32x128xf32, #tpu.memory_space<vmem>>, vector<32x128xf32>,
    return
  }
}

module attributes {stable_mosaic.version = 14 : i64} {
  func.func @body(%arg0: i32, %arg1: memref<13xi32, #tpu.memory_space<smem>>, %arg2: memref<33xi32, #tpu.memory_space<smem>>, %arg3: memref<12800x128xf32, #tpu.memory_space<vmem>>, %arg4: memref<32x128xf32, #tpu.memory_space<vmem>>, %arg5: memref<32x128xf32, #tpu.memory_space<vmem>>, %arg6: memref<8x32xf32, #tpu.memory_space<vmem>>) attributes {dimension_semantics = [#tpu.dimension_semantics<arbitrary>], iteration_bounds = array<i64: 12>, scalar_prefetch = 2 : i64, scratch_operands = 0 : i64, tpu.core_type = #tpu.core_type<tc>, window_params = [{transform_indices = @transform_0, window_bounds = array<i64: 12800, 128>}, {pipeline_mode = #tpu.pipeline_mode<synchronous>, transform_indices = @transform_1, window_bounds = array<i64: 32, 128>}, {pipeline_mode = #tpu.pipeline_mode<synchronous>, transform_indices = @transform_2, window_bounds = array<i64: 32, 128>}, {pipeline_mode = #tpu.pipeline_mode<synchronous>, transform_indices = @transform_3, window_bounds = array<i64: 8, 32>}]} {
    %eq3A = arith.constant 0 : i32
    %eq3A_0 = arith.cmpi eq, %arg0, %eq3A : i32
    %convert_element_type3A = arith.extui %eq3A_0 : i1 to i32
    %cond3A = arith.constant 0 : i32
    %cond3A_1 = arith.cmpi ne, %convert_element_type3A, %cond3A : i32
    scf.if %cond3A_1 {
      %broadcast_in_dim3A = arith.constant 0.000000e+00 : f32
      %broadcast_in_dim3A_19 = vector.broadcast %broadcast_in_dim3A : f32 to vector<32x128xf32>
      %swap3A = arith.constant 0 : index
      %swap3A_20 = arith.constant 0 : index
      %swap3A_21 = vector.load %arg4[%swap3A, %swap3A_20] : memref<32x128xf32, #tpu.memory_space<vmem>>, vector<32x128xf32>
      tpu.vector_store %arg4[%swap3A, %swap3A_20], %broadcast_in_dim3A_19 {strides = array<i32>} : memref<32x128xf32, #tpu.memory_space<vmem>>, vector<32x128xf32>,
      %broadcast_in_dim3A_22 = arith.constant 0xFF800000 : f32
      %broadcast_in_dim3A_23 = vector.broadcast %broadcast_in_dim3A_22 : f32 to vector<32x128xf32>
      %swap3A_24 = arith.constant 0 : index
      %swap3A_25 = arith.constant 0 : index
      %swap3A_26 = vector.load %arg5[%swap3A_24, %swap3A_25] : memref<32x128xf32, #tpu.memory_space<vmem>>, vector<32x128xf32>
      tpu.vector_store %arg5[%swap3A_24, %swap3A_25], %broadcast_in_dim3A_23 {strides = array<i32>} : memref<32x128xf32, #tpu.memory_space<vmem>>, vector<32x128xf32>,
      %broadcast_in_dim3A_27 = arith.constant 0.000000e+00 : f32
      %broadcast_in_dim3A_28 = vector.broadcast %broadcast_in_dim3A_27 : f32 to vector<8x32xf32>
      %swap3A_29 = arith.constant 0 : index
      %swap3A_30 = arith.constant 0 : index
      %swap3A_31 = vector.load %arg6[%swap3A_29, %swap3A_30] : memref<8x32xf32, #tpu.memory_space<vmem>>, vector<8x32xf32>
      tpu.vector_store %arg6[%swap3A_29, %swap3A_30], %broadcast_in_dim3A_28 {strides = array<i32>} : memref<8x32xf32, #tpu.memory_space<vmem>>, vector<8x32xf32>,
    } else {
    }
    %get3A = arith.constant 0 : index
    %get3A_2 = arith.constant 0 : index
    %get3A_3 = vector.load %arg3[%get3A, %get3A_2] : memref<12800x128xf32, #tpu.memory_space<vmem>>, vector<12800x128xf32>
    %get3A_4 = arith.index_cast %arg0 : i32 to index
    %get3A_5 = memref.load %arg1[%get3A_4] : memref<13xi32, #tpu.memory_space<smem>>
    %add3A = arith.constant 1 : i32
    %add3A_6 = arith.addi %arg0, %add3A : i32
    %get3A_7 = arith.index_cast %add3A_6 : i32 to index
    %get3A_8 = memref.load %arg1[%get3A_7] : memref<13xi32, #tpu.memory_space<smem>>
    %iota3A = tpu.iota {dimensions = array<i32: 1>} : vector<8x32xi32>
    %mul3A = arith.constant 12800 : i32
    %mul3A_9 = arith.muli %arg0, %mul3A : i32
    %add3A_10 = arith.constant 166400 : i32
    %add3A_11 = arith.addi %add3A_10, %mul3A_9 : i32
    %eq3A_12 = arith.cmpi eq, %get3A_5, %get3A_8 : i32
    %convert_element_type3A_13 = arith.extui %eq3A_12 : i1 to i32
    %cond3A_14 = arith.constant 0 : i32
    %cond3A_15 = arith.cmpi ne, %convert_element_type3A_13, %cond3A_14 : i32
    scf.if %cond3A_15 {
      %reduce_sum3A = arith.constant dense<0.000000e+00> : vector<128xf32>
      %reduce_sum3A_19 = vector.multi_reduction <add>, %get3A_3, %reduce_sum3A [0] : vector<12800x128xf32> to vector<128xf32>
      %broadcast_in_dim3A = vector.shape_cast %reduce_sum3A_19 : vector<128xf32> to vector<1x128xf32>
      %reduce_max3A = arith.constant dense<0xFF800000> : vector<128xf32>
      %reduce_max3A_20 = vector.multi_reduction <maximumf>, %get3A_3, %reduce_max3A [0] : vector<12800x128xf32> to vector<128xf32>
      %broadcast_in_dim3A_21 = vector.shape_cast %reduce_max3A_20 : vector<128xf32> to vector<1x128xf32>
      %get3A_22 = arith.index_cast %get3A_5 : i32 to index
      %get3A_23 = arith.constant 0 : index
      %get3A_24 = vector.load %arg4[%get3A_22, %get3A_23] : memref<32x128xf32, #tpu.memory_space<vmem>>, vector<1x128xf32>
      %add3A_25 = arith.addf %get3A_24, %broadcast_in_dim3A : vector<1x128xf32>
      %swap3A = arith.index_cast %get3A_5 : i32 to index
      %swap3A_26 = arith.constant 0 : index
      %swap3A_27 = vector.load %arg4[%swap3A, %swap3A_26] : memref<32x128xf32, #tpu.memory_space<vmem>>, vector<1x128xf32>
      tpu.vector_store %arg4[%swap3A, %swap3A_26], %add3A_25 {strides = array<i32>} : memref<32x128xf32, #tpu.memory_space<vmem>>, vector<1x128xf32>,
      %get3A_28 = arith.index_cast %get3A_5 : i32 to index
      %get3A_29 = arith.constant 0 : index
      %get3A_30 = vector.load %arg5[%get3A_28, %get3A_29] : memref<32x128xf32, #tpu.memory_space<vmem>>, vector<1x128xf32>
      %max3A = arith.maximumf %get3A_30, %broadcast_in_dim3A_21 : vector<1x128xf32>
      %swap3A_31 = arith.index_cast %get3A_5 : i32 to index
      %swap3A_32 = arith.constant 0 : index
      %swap3A_33 = vector.load %arg5[%swap3A_31, %swap3A_32] : memref<32x128xf32, #tpu.memory_space<vmem>>, vector<1x128xf32>
      tpu.vector_store %arg5[%swap3A_31, %swap3A_32], %max3A {strides = array<i32>} : memref<32x128xf32, #tpu.memory_space<vmem>>, vector<1x128xf32>,
      %get3A_34 = arith.constant 0 : index
      %get3A_35 = arith.constant 0 : index
      %get3A_36 = vector.load %arg6[%get3A_34, %get3A_35] : memref<8x32xf32, #tpu.memory_space<vmem>>, vector<8x32xf32>
      %eq3A_37 = vector.broadcast %get3A_5 : i32 to vector<8x32xi32>
      %eq3A_38 = arith.cmpi eq, %iota3A, %eq3A_37 : vector<8x32xi32>
      %jit3A = arith.constant 1.280000e+04 : f32
      %jit3A_39 = arith.constant 0.000000e+00 : f32
      %broadcast_in_dim3A_40 = vector.broadcast %jit3A : f32 to vector<8x32xf32>
      %broadcast_in_dim3A_41 = vector.broadcast %jit3A_39 : f32 to vector<8x32xf32>
      %select_n3A = arith.select %eq3A_38, %broadcast_in_dim3A_40, %broadcast_in_dim3A_41 : vector<8x32xi1>, vector<8x32xf32>
      %add3A_42 = arith.addf %get3A_36, %select_n3A : vector<8x32xf32>
      %swap3A_43 = arith.constant 0 : index
      %swap3A_44 = arith.constant 0 : index
      %swap3A_45 = vector.load %arg6[%swap3A_43, %swap3A_44] : memref<8x32xf32, #tpu.memory_space<vmem>>, vector<8x32xf32>
      tpu.vector_store %arg6[%swap3A_43, %swap3A_44], %add3A_42 {strides = array<i32>} : memref<8x32xf32, #tpu.memory_space<vmem>>, vector<8x32xf32>,
    } else {
    }
    %ne3A = arith.cmpi ne, %get3A_5, %get3A_8 : i32
    %convert_element_type3A_16 = arith.extui %ne3A : i1 to i32
    %cond3A_17 = arith.constant 0 : i32
    %cond3A_18 = arith.cmpi ne, %convert_element_type3A_16, %cond3A_17 : i32
    scf.if %cond3A_18 {
      %add3A_19 = arith.constant 1 : i32
      %add3A_20 = arith.addi %get3A_8, %add3A_19 : i32
      %while3A = arith.constant 0 : i32
      %while3A_21 = arith.subi %add3A_20, %get3A_5 : i32
      %while3A_22 = arith.addi %get3A_5, %while3A_21 : i32
      %while3A_23 = arith.constant 1 : i32
      %while3A_24 = arith.divsi %while3A_21, %while3A_23 : i32
      %while3A_25 = arith.muli %while3A_24, %while3A_23 : i32
      %while3A_26 = arith.addi %get3A_5, %while3A_25 : i32
      %while3A_27 = arith.constant 1 : i32
      %while3A_28 = scf.for %while3A_31 = %get3A_5 to %while3A_26 step %while3A_27 iter_args(%while3A_32 = %while3A) -> (i32)  : i32 {
        %get3A_33 = arith.index_cast %while3A_31 : i32 to index
        %get3A_34 = memref.load %arg2[%get3A_33] : memref<33xi32, #tpu.memory_space<smem>>
        %max3A = arith.maxsi %get3A_34, %add3A_11 : i32
        %sub3A = arith.subi %max3A, %add3A_11 : i32
        %add3A_35 = arith.constant 1 : i32
        %add3A_36 = arith.addi %while3A_31, %add3A_35 : i32
        %get3A_37 = arith.index_cast %add3A_36 : i32 to index
        %get3A_38 = memref.load %arg2[%get3A_37] : memref<33xi32, #tpu.memory_space<smem>>
        %add3A_39 = arith.constant 12800 : i32
        %add3A_40 = arith.addi %add3A_11, %add3A_39 : i32
        %min3A = arith.minsi %get3A_38, %add3A_40 : i32
        %sub3A_41 = arith.subi %min3A, %add3A_11 : i32
        %jit3A = arith.constant 64 : i32
        %div3A = arith.divsi %sub3A, %jit3A : i32
        %sign3A = arith.constant 0 : i32
        %sign3A_42 = arith.cmpi sgt, %sub3A, %sign3A : i32
        %sign3A_43 = arith.extui %sign3A_42 : i1 to i32
        %sign3A_44 = arith.constant 0 : i32
        %sign3A_45 = arith.cmpi slt, %sub3A, %sign3A_44 : i32
        %sign3A_46 = arith.extui %sign3A_45 : i1 to i32
        %sign3A_47 = arith.subi %sign3A_43, %sign3A_46 : i32
        %sign3A_48 = arith.constant 0 : i32
        %sign3A_49 = arith.cmpi sgt, %jit3A, %sign3A_48 : i32
        %sign3A_50 = arith.extui %sign3A_49 : i1 to i32
        %sign3A_51 = arith.constant 0 : i32
        %sign3A_52 = arith.cmpi slt, %jit3A, %sign3A_51 : i32
        %sign3A_53 = arith.extui %sign3A_52 : i1 to i32
        %sign3A_54 = arith.subi %sign3A_50, %sign3A_53 : i32
        %ne3A_55 = arith.cmpi ne, %sign3A_47, %sign3A_54 : i32
        %rem3A = arith.remsi %sub3A, %jit3A : i32
        %ne3A_56 = arith.constant 0 : i32
        %ne3A_57 = arith.cmpi ne, %rem3A, %ne3A_56 : i32
        %and3A = arith.andi %ne3A_55, %ne3A_57 : i1
        %sub3A_58 = arith.constant 1 : i32
        %sub3A_59 = arith.subi %div3A, %sub3A_58 : i32
        %select_n3A = arith.select %and3A, %sub3A_59, %div3A : i32
        %add3A_60 = arith.constant 63 : i32
        %add3A_61 = arith.addi %sub3A_41, %add3A_60 : i32
        %jit3A_62 = arith.constant 64 : i32
        %div3A_63 = arith.divsi %add3A_61, %jit3A_62 : i32
        %sign3A_64 = arith.constant 0 : i32
        %sign3A_65 = arith.cmpi sgt, %add3A_61, %sign3A_64 : i32
        %sign3A_66 = arith.extui %sign3A_65 : i1 to i32
        %sign3A_67 = arith.constant 0 : i32
        %sign3A_68 = arith.cmpi slt, %add3A_61, %sign3A_67 : i32
        %sign3A_69 = arith.extui %sign3A_68 : i1 to i32
        %sign3A_70 = arith.subi %sign3A_66, %sign3A_69 : i32
        %sign3A_71 = arith.constant 0 : i32
        %sign3A_72 = arith.cmpi sgt, %jit3A_62, %sign3A_71 : i32
        %sign3A_73 = arith.extui %sign3A_72 : i1 to i32
        %sign3A_74 = arith.constant 0 : i32
        %sign3A_75 = arith.cmpi slt, %jit3A_62, %sign3A_74 : i32
        %sign3A_76 = arith.extui %sign3A_75 : i1 to i32
        %sign3A_77 = arith.subi %sign3A_73, %sign3A_76 : i32
        %ne3A_78 = arith.cmpi ne, %sign3A_70, %sign3A_77 : i32
        %rem3A_79 = arith.remsi %add3A_61, %jit3A_62 : i32
        %ne3A_80 = arith.constant 0 : i32
        %ne3A_81 = arith.cmpi ne, %rem3A_79, %ne3A_80 : i32
        %and3A_82 = arith.andi %ne3A_78, %ne3A_81 : i1
        %sub3A_83 = arith.constant 1 : i32
        %sub3A_84 = arith.subi %div3A_63, %sub3A_83 : i32
        %select_n3A_85 = arith.select %and3A_82, %sub3A_84, %div3A_63 : i32
        %broadcast_in_dim3A = arith.constant 0.000000e+00 : f32
        %broadcast_in_dim3A_86 = vector.broadcast %broadcast_in_dim3A : f32 to vector<64x128xf32>
        %broadcast_in_dim3A_87 = arith.constant 0xFF800000 : f32
        %broadcast_in_dim3A_88 = vector.broadcast %broadcast_in_dim3A_87 : f32 to vector<64x128xf32>
        %while3A_89 = arith.subi %select_n3A_85, %select_n3A : i32
        %while3A_90 = arith.addi %select_n3A, %while3A_89 : i32
        %while3A_91 = arith.constant 1 : i32
        %while3A_92 = arith.divsi %while3A_89, %while3A_91 : i32
        %while3A_93 = arith.muli %while3A_92, %while3A_91 : i32
        %while3A_94 = arith.addi %select_n3A, %while3A_93 : i32
        %while3A_95 = arith.constant 1 : i32
        %while3A_96:2 = scf.for %while3A_132 = %select_n3A to %while3A_94 step %while3A_95 iter_args(%while3A_133 = %broadcast_in_dim3A_86, %while3A_134 = %broadcast_in_dim3A_88) -> (vector<64x128xf32>, vector<64x128xf32>)  : i32 {
          %mul3A_135 = arith.constant 64 : i32
          %mul3A_136 = arith.muli %while3A_132, %mul3A_135 : i32
          %get3A_137 = arith.index_cast %mul3A_136 : i32 to index
          %get3A_138 = arith.constant 0 : index
          %get3A_139 = vector.load %arg3[%get3A_137, %get3A_138] : memref<12800x128xf32, #tpu.memory_space<vmem>>, vector<64x128xf32>
          %iota3A_140 = tpu.iota {dimensions = array<i32: 0>} : vector<64x1xi32>
          %mul3A_141 = arith.constant 64 : i32
          %mul3A_142 = arith.muli %while3A_132, %mul3A_141 : i32
          %add3A_143 = vector.broadcast %mul3A_142 : i32 to vector<64x1xi32>
          %add3A_144 = arith.addi %iota3A_140, %add3A_143 : vector<64x1xi32>
          %ge3A = vector.broadcast %sub3A : i32 to vector<64x1xi32>
          %ge3A_145 = arith.cmpi sge, %add3A_144, %ge3A : vector<64x1xi32>
          %lt3A = vector.broadcast %sub3A_41 : i32 to vector<64x1xi32>
          %lt3A_146 = arith.cmpi slt, %add3A_144, %lt3A : vector<64x1xi32>
          %and3A_147 = arith.andi %ge3A_145, %lt3A_146 : vector<64x1xi1>
          %jit3A_148 = arith.constant 0.000000e+00 : f32
          %broadcast_in_dim3A_149 = vector.shape_cast %and3A_147 : vector<64x1xi1> to vector<64x1xi1>
          %broadcast_in_dim3A_150 = vector.broadcast %broadcast_in_dim3A_149 : vector<64x1xi1> to vector<64x128xi1>
          %broadcast_in_dim3A_151 = vector.broadcast %jit3A_148 : f32 to vector<64x128xf32>
          %select_n3A_152 = arith.select %broadcast_in_dim3A_150, %get3A_139, %broadcast_in_dim3A_151 : vector<64x128xi1>, vector<64x128xf32>
          %add3A_153 = arith.addf %while3A_133, %select_n3A_152 : vector<64x128xf32>
          %jit3A_154 = arith.constant 0xFF800000 : f32
          %broadcast_in_dim3A_155 = vector.shape_cast %and3A_147 : vector<64x1xi1> to vector<64x1xi1>
          %broadcast_in_dim3A_156 = vector.broadcast %broadcast_in_dim3A_155 : vector<64x1xi1> to vector<64x128xi1>
          %broadcast_in_dim3A_157 = vector.broadcast %jit3A_154 : f32 to vector<64x128xf32>
          %select_n3A_158 = arith.select %broadcast_in_dim3A_156, %get3A_139, %broadcast_in_dim3A_157 : vector<64x128xi1>, vector<64x128xf32>
          %max3A_159 = arith.maximumf %while3A_134, %select_n3A_158 : vector<64x128xf32>
          scf.yield %add3A_153, %max3A_159 : vector<64x128xf32>, vector<64x128xf32>
        }
        %while3A_97 = arith.constant 1 : i32
        %while3A_98:2 = scf.for %while3A_132 = %while3A_94 to %while3A_90 step %while3A_97 iter_args(%while3A_133 = %while3A_96#0, %while3A_134 = %while3A_96#1) -> (vector<64x128xf32>, vector<64x128xf32>)  : i32 {
          %mul3A_135 = arith.constant 64 : i32
          %mul3A_136 = arith.muli %while3A_132, %mul3A_135 : i32
          %get3A_137 = arith.index_cast %mul3A_136 : i32 to index
          %get3A_138 = arith.constant 0 : index
          %get3A_139 = vector.load %arg3[%get3A_137, %get3A_138] : memref<12800x128xf32, #tpu.memory_space<vmem>>, vector<64x128xf32>
          %iota3A_140 = tpu.iota {dimensions = array<i32: 0>} : vector<64x1xi32>
          %mul3A_141 = arith.constant 64 : i32
          %mul3A_142 = arith.muli %while3A_132, %mul3A_141 : i32
          %add3A_143 = vector.broadcast %mul3A_142 : i32 to vector<64x1xi32>
          %add3A_144 = arith.addi %iota3A_140, %add3A_143 : vector<64x1xi32>
          %ge3A = vector.broadcast %sub3A : i32 to vector<64x1xi32>
          %ge3A_145 = arith.cmpi sge, %add3A_144, %ge3A : vector<64x1xi32>
          %lt3A = vector.broadcast %sub3A_41 : i32 to vector<64x1xi32>
          %lt3A_146 = arith.cmpi slt, %add3A_144, %lt3A : vector<64x1xi32>
          %and3A_147 = arith.andi %ge3A_145, %lt3A_146 : vector<64x1xi1>
          %jit3A_148 = arith.constant 0.000000e+00 : f32
          %broadcast_in_dim3A_149 = vector.shape_cast %and3A_147 : vector<64x1xi1> to vector<64x1xi1>
          %broadcast_in_dim3A_150 = vector.broadcast %broadcast_in_dim3A_149 : vector<64x1xi1> to vector<64x128xi1>
          %broadcast_in_dim3A_151 = vector.broadcast %jit3A_148 : f32 to vector<64x128xf32>
          %select_n3A_152 = arith.select %broadcast_in_dim3A_150, %get3A_139, %broadcast_in_dim3A_151 : vector<64x128xi1>, vector<64x128xf32>
          %add3A_153 = arith.addf %while3A_133, %select_n3A_152 : vector<64x128xf32>
          %jit3A_154 = arith.constant 0xFF800000 : f32
          %broadcast_in_dim3A_155 = vector.shape_cast %and3A_147 : vector<64x1xi1> to vector<64x1xi1>
          %broadcast_in_dim3A_156 = vector.broadcast %broadcast_in_dim3A_155 : vector<64x1xi1> to vector<64x128xi1>
          %broadcast_in_dim3A_157 = vector.broadcast %jit3A_154 : f32 to vector<64x128xf32>
          %select_n3A_158 = arith.select %broadcast_in_dim3A_156, %get3A_139, %broadcast_in_dim3A_157 : vector<64x128xi1>, vector<64x128xf32>
          %max3A_159 = arith.maximumf %while3A_134, %select_n3A_158 : vector<64x128xf32>
          scf.yield %add3A_153, %max3A_159 : vector<64x128xf32>, vector<64x128xf32>
        }
        %reduce_sum3A = arith.constant dense<0.000000e+00> : vector<128xf32>
        %reduce_sum3A_99 = vector.multi_reduction <add>, %while3A_98#0, %reduce_sum3A [0] : vector<64x128xf32> to vector<128xf32>
        %broadcast_in_dim3A_100 = vector.shape_cast %reduce_sum3A_99 : vector<128xf32> to vector<1x128xf32>
        %reduce_max3A = arith.constant dense<0xFF800000> : vector<128xf32>
        %reduce_max3A_101 = vector.multi_reduction <maximumf>, %while3A_98#1, %reduce_max3A [0] : vector<64x128xf32> to vector<128xf32>
        %broadcast_in_dim3A_102 = vector.shape_cast %reduce_max3A_101 : vector<128xf32> to vector<1x128xf32>
        %sub3A_103 = arith.subi %sub3A_41, %sub3A : i32
        %convert_element_type3A_104 = arith.sitofp %sub3A_103 : i32 to f32
        %get3A_105 = arith.index_cast %while3A_31 : i32 to index
        %get3A_106 = arith.constant 0 : index
        %get3A_107 = vector.load %arg4[%get3A_105, %get3A_106] : memref<32x128xf32, #tpu.memory_space<vmem>>, vector<1x128xf32>
        %add3A_108 = arith.addf %get3A_107, %broadcast_in_dim3A_100 : vector<1x128xf32>
        %swap3A = arith.index_cast %while3A_31 : i32 to index
        %swap3A_109 = arith.constant 0 : index
        %swap3A_110 = vector.load %arg4[%swap3A, %swap3A_109] : memref<32x128xf32, #tpu.memory_space<vmem>>, vector<1x128xf32>
        tpu.vector_store %arg4[%swap3A, %swap3A_109], %add3A_108 {strides = array<i32>} : memref<32x128xf32, #tpu.memory_space<vmem>>, vector<1x128xf32>,
        %get3A_111 = arith.index_cast %while3A_31 : i32 to index
        %get3A_112 = arith.constant 0 : index
        %get3A_113 = vector.load %arg5[%get3A_111, %get3A_112] : memref<32x128xf32, #tpu.memory_space<vmem>>, vector<1x128xf32>
        %max3A_114 = arith.maximumf %get3A_113, %broadcast_in_dim3A_102 : vector<1x128xf32>
        %swap3A_115 = arith.index_cast %while3A_31 : i32 to index
        %swap3A_116 = arith.constant 0 : index
        %swap3A_117 = vector.load %arg5[%swap3A_115, %swap3A_116] : memref<32x128xf32, #tpu.memory_space<vmem>>, vector<1x128xf32>
        tpu.vector_store %arg5[%swap3A_115, %swap3A_116], %max3A_114 {strides = array<i32>} : memref<32x128xf32, #tpu.memory_space<vmem>>, vector<1x128xf32>,
        %get3A_118 = arith.constant 0 : index
        %get3A_119 = arith.constant 0 : index
        %get3A_120 = vector.load %arg6[%get3A_118, %get3A_119] : memref<8x32xf32, #tpu.memory_space<vmem>>, vector<8x32xf32>
        %eq3A_121 = vector.broadcast %while3A_31 : i32 to vector<8x32xi32>
        %eq3A_122 = arith.cmpi eq, %iota3A, %eq3A_121 : vector<8x32xi32>
        %jit3A_123 = arith.constant 0.000000e+00 : f32
        %broadcast_in_dim3A_124 = vector.broadcast %convert_element_type3A_104 : f32 to vector<8x32xf32>
        %broadcast_in_dim3A_125 = vector.broadcast %jit3A_123 : f32 to vector<8x32xf32>
        %select_n3A_126 = arith.select %eq3A_122, %broadcast_in_dim3A_124, %broadcast_in_dim3A_125 : vector<8x32xi1>, vector<8x32xf32>
        %add3A_127 = arith.addf %get3A_120, %select_n3A_126 : vector<8x32xf32>
        %swap3A_128 = arith.constant 0 : index
        %swap3A_129 = arith.constant 0 : index
        %swap3A_130 = vector.load %arg6[%swap3A_128, %swap3A_129] : memref<8x32xf32, #tpu.memory_space<vmem>>, vector<8x32xf32>
        tpu.vector_store %arg6[%swap3A_128, %swap3A_129], %add3A_127 {strides = array<i32>} : memref<8x32xf32, #tpu.memory_space<vmem>>, vector<8x32xf32>,
        %while3A_131 = arith.constant 0 : i32
        scf.yield %while3A_131 : i32
      }
      %while3A_29 = arith.constant 1 : i32
      %while3A_30 = scf.for %while3A_31 = %while3A_26 to %while3A_22 step %while3A_29 iter_args(%while3A_32 = %while3A_28) -> (i32)  : i32 {
        %get3A_33 = arith.index_cast %while3A_31 : i32 to index
        %get3A_34 = memref.load %arg2[%get3A_33] : memref<33xi32, #tpu.memory_space<smem>>
        %max3A = arith.maxsi %get3A_34, %add3A_11 : i32
        %sub3A = arith.subi %max3A, %add3A_11 : i32
        %add3A_35 = arith.constant 1 : i32
        %add3A_36 = arith.addi %while3A_31, %add3A_35 : i32
        %get3A_37 = arith.index_cast %add3A_36 : i32 to index
        %get3A_38 = memref.load %arg2[%get3A_37] : memref<33xi32, #tpu.memory_space<smem>>
        %add3A_39 = arith.constant 12800 : i32
        %add3A_40 = arith.addi %add3A_11, %add3A_39 : i32
        %min3A = arith.minsi %get3A_38, %add3A_40 : i32
        %sub3A_41 = arith.subi %min3A, %add3A_11 : i32
        %jit3A = arith.constant 64 : i32
        %div3A = arith.divsi %sub3A, %jit3A : i32
        %sign3A = arith.constant 0 : i32
        %sign3A_42 = arith.cmpi sgt, %sub3A, %sign3A : i32
        %sign3A_43 = arith.extui %sign3A_42 : i1 to i32
        %sign3A_44 = arith.constant 0 : i32
        %sign3A_45 = arith.cmpi slt, %sub3A, %sign3A_44 : i32
        %sign3A_46 = arith.extui %sign3A_45 : i1 to i32
        %sign3A_47 = arith.subi %sign3A_43, %sign3A_46 : i32
        %sign3A_48 = arith.constant 0 : i32
        %sign3A_49 = arith.cmpi sgt, %jit3A, %sign3A_48 : i32
        %sign3A_50 = arith.extui %sign3A_49 : i1 to i32
        %sign3A_51 = arith.constant 0 : i32
        %sign3A_52 = arith.cmpi slt, %jit3A, %sign3A_51 : i32
        %sign3A_53 = arith.extui %sign3A_52 : i1 to i32
        %sign3A_54 = arith.subi %sign3A_50, %sign3A_53 : i32
        %ne3A_55 = arith.cmpi ne, %sign3A_47, %sign3A_54 : i32
        %rem3A = arith.remsi %sub3A, %jit3A : i32
        %ne3A_56 = arith.constant 0 : i32
        %ne3A_57 = arith.cmpi ne, %rem3A, %ne3A_56 : i32
        %and3A = arith.andi %ne3A_55, %ne3A_57 : i1
        %sub3A_58 = arith.constant 1 : i32
        %sub3A_59 = arith.subi %div3A, %sub3A_58 : i32
        %select_n3A = arith.select %and3A, %sub3A_59, %div3A : i32
        %add3A_60 = arith.constant 63 : i32
        %add3A_61 = arith.addi %sub3A_41, %add3A_60 : i32
        %jit3A_62 = arith.constant 64 : i32
        %div3A_63 = arith.divsi %add3A_61, %jit3A_62 : i32
        %sign3A_64 = arith.constant 0 : i32
        %sign3A_65 = arith.cmpi sgt, %add3A_61, %sign3A_64 : i32
        %sign3A_66 = arith.extui %sign3A_65 : i1 to i32
        %sign3A_67 = arith.constant 0 : i32
        %sign3A_68 = arith.cmpi slt, %add3A_61, %sign3A_67 : i32
        %sign3A_69 = arith.extui %sign3A_68 : i1 to i32
        %sign3A_70 = arith.subi %sign3A_66, %sign3A_69 : i32
        %sign3A_71 = arith.constant 0 : i32
        %sign3A_72 = arith.cmpi sgt, %jit3A_62, %sign3A_71 : i32
        %sign3A_73 = arith.extui %sign3A_72 : i1 to i32
        %sign3A_74 = arith.constant 0 : i32
        %sign3A_75 = arith.cmpi slt, %jit3A_62, %sign3A_74 : i32
        %sign3A_76 = arith.extui %sign3A_75 : i1 to i32
        %sign3A_77 = arith.subi %sign3A_73, %sign3A_76 : i32
        %ne3A_78 = arith.cmpi ne, %sign3A_70, %sign3A_77 : i32
        %rem3A_79 = arith.remsi %add3A_61, %jit3A_62 : i32
        %ne3A_80 = arith.constant 0 : i32
        %ne3A_81 = arith.cmpi ne, %rem3A_79, %ne3A_80 : i32
        %and3A_82 = arith.andi %ne3A_78, %ne3A_81 : i1
        %sub3A_83 = arith.constant 1 : i32
        %sub3A_84 = arith.subi %div3A_63, %sub3A_83 : i32
        %select_n3A_85 = arith.select %and3A_82, %sub3A_84, %div3A_63 : i32
        %broadcast_in_dim3A = arith.constant 0.000000e+00 : f32
        %broadcast_in_dim3A_86 = vector.broadcast %broadcast_in_dim3A : f32 to vector<64x128xf32>
        %broadcast_in_dim3A_87 = arith.constant 0xFF800000 : f32
        %broadcast_in_dim3A_88 = vector.broadcast %broadcast_in_dim3A_87 : f32 to vector<64x128xf32>
        %while3A_89 = arith.subi %select_n3A_85, %select_n3A : i32
        %while3A_90 = arith.addi %select_n3A, %while3A_89 : i32
        %while3A_91 = arith.constant 1 : i32
        %while3A_92 = arith.divsi %while3A_89, %while3A_91 : i32
        %while3A_93 = arith.muli %while3A_92, %while3A_91 : i32
        %while3A_94 = arith.addi %select_n3A, %while3A_93 : i32
        %while3A_95 = arith.constant 1 : i32
        %while3A_96:2 = scf.for %while3A_132 = %select_n3A to %while3A_94 step %while3A_95 iter_args(%while3A_133 = %broadcast_in_dim3A_86, %while3A_134 = %broadcast_in_dim3A_88) -> (vector<64x128xf32>, vector<64x128xf32>)  : i32 {
          %mul3A_135 = arith.constant 64 : i32
          %mul3A_136 = arith.muli %while3A_132, %mul3A_135 : i32
          %get3A_137 = arith.index_cast %mul3A_136 : i32 to index
          %get3A_138 = arith.constant 0 : index
          %get3A_139 = vector.load %arg3[%get3A_137, %get3A_138] : memref<12800x128xf32, #tpu.memory_space<vmem>>, vector<64x128xf32>
          %iota3A_140 = tpu.iota {dimensions = array<i32: 0>} : vector<64x1xi32>
          %mul3A_141 = arith.constant 64 : i32
          %mul3A_142 = arith.muli %while3A_132, %mul3A_141 : i32
          %add3A_143 = vector.broadcast %mul3A_142 : i32 to vector<64x1xi32>
          %add3A_144 = arith.addi %iota3A_140, %add3A_143 : vector<64x1xi32>
          %ge3A = vector.broadcast %sub3A : i32 to vector<64x1xi32>
          %ge3A_145 = arith.cmpi sge, %add3A_144, %ge3A : vector<64x1xi32>
          %lt3A = vector.broadcast %sub3A_41 : i32 to vector<64x1xi32>
          %lt3A_146 = arith.cmpi slt, %add3A_144, %lt3A : vector<64x1xi32>
          %and3A_147 = arith.andi %ge3A_145, %lt3A_146 : vector<64x1xi1>
          %jit3A_148 = arith.constant 0.000000e+00 : f32
          %broadcast_in_dim3A_149 = vector.shape_cast %and3A_147 : vector<64x1xi1> to vector<64x1xi1>
          %broadcast_in_dim3A_150 = vector.broadcast %broadcast_in_dim3A_149 : vector<64x1xi1> to vector<64x128xi1>
          %broadcast_in_dim3A_151 = vector.broadcast %jit3A_148 : f32 to vector<64x128xf32>
          %select_n3A_152 = arith.select %broadcast_in_dim3A_150, %get3A_139, %broadcast_in_dim3A_151 : vector<64x128xi1>, vector<64x128xf32>
          %add3A_153 = arith.addf %while3A_133, %select_n3A_152 : vector<64x128xf32>
          %jit3A_154 = arith.constant 0xFF800000 : f32
          %broadcast_in_dim3A_155 = vector.shape_cast %and3A_147 : vector<64x1xi1> to vector<64x1xi1>
          %broadcast_in_dim3A_156 = vector.broadcast %broadcast_in_dim3A_155 : vector<64x1xi1> to vector<64x128xi1>
          %broadcast_in_dim3A_157 = vector.broadcast %jit3A_154 : f32 to vector<64x128xf32>
          %select_n3A_158 = arith.select %broadcast_in_dim3A_156, %get3A_139, %broadcast_in_dim3A_157 : vector<64x128xi1>, vector<64x128xf32>
          %max3A_159 = arith.maximumf %while3A_134, %select_n3A_158 : vector<64x128xf32>
          scf.yield %add3A_153, %max3A_159 : vector<64x128xf32>, vector<64x128xf32>
        }
        %while3A_97 = arith.constant 1 : i32
        %while3A_98:2 = scf.for %while3A_132 = %while3A_94 to %while3A_90 step %while3A_97 iter_args(%while3A_133 = %while3A_96#0, %while3A_134 = %while3A_96#1) -> (vector<64x128xf32>, vector<64x128xf32>)  : i32 {
          %mul3A_135 = arith.constant 64 : i32
          %mul3A_136 = arith.muli %while3A_132, %mul3A_135 : i32
          %get3A_137 = arith.index_cast %mul3A_136 : i32 to index
          %get3A_138 = arith.constant 0 : index
          %get3A_139 = vector.load %arg3[%get3A_137, %get3A_138] : memref<12800x128xf32, #tpu.memory_space<vmem>>, vector<64x128xf32>
          %iota3A_140 = tpu.iota {dimensions = array<i32: 0>} : vector<64x1xi32>
          %mul3A_141 = arith.constant 64 : i32
          %mul3A_142 = arith.muli %while3A_132, %mul3A_141 : i32
          %add3A_143 = vector.broadcast %mul3A_142 : i32 to vector<64x1xi32>
          %add3A_144 = arith.addi %iota3A_140, %add3A_143 : vector<64x1xi32>
          %ge3A = vector.broadcast %sub3A : i32 to vector<64x1xi32>
          %ge3A_145 = arith.cmpi sge, %add3A_144, %ge3A : vector<64x1xi32>
          %lt3A = vector.broadcast %sub3A_41 : i32 to vector<64x1xi32>
          %lt3A_146 = arith.cmpi slt, %add3A_144, %lt3A : vector<64x1xi32>
          %and3A_147 = arith.andi %ge3A_145, %lt3A_146 : vector<64x1xi1>
          %jit3A_148 = arith.constant 0.000000e+00 : f32
          %broadcast_in_dim3A_149 = vector.shape_cast %and3A_147 : vector<64x1xi1> to vector<64x1xi1>
          %broadcast_in_dim3A_150 = vector.broadcast %broadcast_in_dim3A_149 : vector<64x1xi1> to vector<64x128xi1>
          %broadcast_in_dim3A_151 = vector.broadcast %jit3A_148 : f32 to vector<64x128xf32>
          %select_n3A_152 = arith.select %broadcast_in_dim3A_150, %get3A_139, %broadcast_in_dim3A_151 : vector<64x128xi1>, vector<64x128xf32>
          %add3A_153 = arith.addf %while3A_133, %select_n3A_152 : vector<64x128xf32>
          %jit3A_154 = arith.constant 0xFF800000 : f32
          %broadcast_in_dim3A_155 = vector.shape_cast %and3A_147 : vector<64x1xi1> to vector<64x1xi1>
          %broadcast_in_dim3A_156 = vector.broadcast %broadcast_in_dim3A_155 : vector<64x1xi1> to vector<64x128xi1>
          %broadcast_in_dim3A_157 = vector.broadcast %jit3A_154 : f32 to vector<64x128xf32>
          %select_n3A_158 = arith.select %broadcast_in_dim3A_156, %get3A_139, %broadcast_in_dim3A_157 : vector<64x128xi1>, vector<64x128xf32>
          %max3A_159 = arith.maximumf %while3A_134, %select_n3A_158 : vector<64x128xf32>
          scf.yield %add3A_153, %max3A_159 : vector<64x128xf32>, vector<64x128xf32>
        }
        %reduce_sum3A = arith.constant dense<0.000000e+00> : vector<128xf32>
        %reduce_sum3A_99 = vector.multi_reduction <add>, %while3A_98#0, %reduce_sum3A [0] : vector<64x128xf32> to vector<128xf32>
        %broadcast_in_dim3A_100 = vector.shape_cast %reduce_sum3A_99 : vector<128xf32> to vector<1x128xf32>
        %reduce_max3A = arith.constant dense<0xFF800000> : vector<128xf32>
        %reduce_max3A_101 = vector.multi_reduction <maximumf>, %while3A_98#1, %reduce_max3A [0] : vector<64x128xf32> to vector<128xf32>
        %broadcast_in_dim3A_102 = vector.shape_cast %reduce_max3A_101 : vector<128xf32> to vector<1x128xf32>
        %sub3A_103 = arith.subi %sub3A_41, %sub3A : i32
        %convert_element_type3A_104 = arith.sitofp %sub3A_103 : i32 to f32
        %get3A_105 = arith.index_cast %while3A_31 : i32 to index
        %get3A_106 = arith.constant 0 : index
        %get3A_107 = vector.load %arg4[%get3A_105, %get3A_106] : memref<32x128xf32, #tpu.memory_space<vmem>>, vector<1x128xf32>
        %add3A_108 = arith.addf %get3A_107, %broadcast_in_dim3A_100 : vector<1x128xf32>
        %swap3A = arith.index_cast %while3A_31 : i32 to index
        %swap3A_109 = arith.constant 0 : index
        %swap3A_110 = vector.load %arg4[%swap3A, %swap3A_109] : memref<32x128xf32, #tpu.memory_space<vmem>>, vector<1x128xf32>
        tpu.vector_store %arg4[%swap3A, %swap3A_109], %add3A_108 {strides = array<i32>} : memref<32x128xf32, #tpu.memory_space<vmem>>, vector<1x128xf32>,
        %get3A_111 = arith.index_cast %while3A_31 : i32 to index
        %get3A_112 = arith.constant 0 : index
        %get3A_113 = vector.load %arg5[%get3A_111, %get3A_112] : memref<32x128xf32, #tpu.memory_space<vmem>>, vector<1x128xf32>
        %max3A_114 = arith.maximumf %get3A_113, %broadcast_in_dim3A_102 : vector<1x128xf32>
        %swap3A_115 = arith.index_cast %while3A_31 : i32 to index
        %swap3A_116 = arith.constant 0 : index
        %swap3A_117 = vector.load %arg5[%swap3A_115, %swap3A_116] : memref<32x128xf32, #tpu.memory_space<vmem>>, vector<1x128xf32>
        tpu.vector_store %arg5[%swap3A_115, %swap3A_116], %max3A_114 {strides = array<i32>} : memref<32x128xf32, #tpu.memory_space<vmem>>, vector<1x128xf32>,
        %get3A_118 = arith.constant 0 : index
        %get3A_119 = arith.constant 0 : index
        %get3A_120 = vector.load %arg6[%get3A_118, %get3A_119] : memref<8x32xf32, #tpu.memory_space<vmem>>, vector<8x32xf32>
        %eq3A_121 = vector.broadcast %while3A_31 : i32 to vector<8x32xi32>
        %eq3A_122 = arith.cmpi eq, %iota3A, %eq3A_121 : vector<8x32xi32>
        %jit3A_123 = arith.constant 0.000000e+00 : f32
        %broadcast_in_dim3A_124 = vector.broadcast %convert_element_type3A_104 : f32 to vector<8x32xf32>
        %broadcast_in_dim3A_125 = vector.broadcast %jit3A_123 : f32 to vector<8x32xf32>
        %select_n3A_126 = arith.select %eq3A_122, %broadcast_in_dim3A_124, %broadcast_in_dim3A_125 : vector<8x32xi1>, vector<8x32xf32>
        %add3A_127 = arith.addf %get3A_120, %select_n3A_126 : vector<8x32xf32>
        %swap3A_128 = arith.constant 0 : index
        %swap3A_129 = arith.constant 0 : index
        %swap3A_130 = vector.load %arg6[%swap3A_128, %swap3A_129] : memref<8x32xf32, #tpu.memory_space<vmem>>, vector<8x32xf32>
        tpu.vector_store %arg6[%swap3A_128, %swap3A_129], %add3A_127 {strides = array<i32>} : memref<8x32xf32, #tpu.memory_space<vmem>>, vector<8x32xf32>,
        %while3A_131 = arith.constant 0 : i32
        scf.yield %while3A_131 : i32
      }
    } else {
    }
    return
  }
  func.func @transform_0(%arg0: i32, %arg1: memref<13xi32, #tpu.memory_space<smem>>, %arg2: memref<33xi32, #tpu.memory_space<smem>>) -> (i32, i32) {
    %add3A = arith.constant 13 : i32
    %add3A_0 = arith.addi %add3A, %arg0 : i32
    %c0_i32 = arith.constant 0 : i32
    %c0_i32_1 = arith.constant 0 : i32
    return %add3A_0, %c0_i32 : i32, i32
  }
  func.func @transform_1(%arg0: i32, %arg1: memref<13xi32, #tpu.memory_space<smem>>, %arg2: memref<33xi32, #tpu.memory_space<smem>>) -> (i32, i32) {
    %c0_i32 = arith.constant 0 : i32
    %c0_i32_0 = arith.constant 0 : i32
    %c0_i32_1 = arith.constant 0 : i32
    return %c0_i32, %c0_i32_0 : i32, i32
  }
  func.func @transform_2(%arg0: i32, %arg1: memref<13xi32, #tpu.memory_space<smem>>, %arg2: memref<33xi32, #tpu.memory_space<smem>>) -> (i32, i32) {
    %c0_i32 = arith.constant 0 : i32
    %c0_i32_0 = arith.constant 0 : i32
    %c0_i32_1 = arith.constant 0 : i32
    return %c0_i32, %c0_i32_0 : i32, i32
  }
  func.func @transform_3(%arg0: i32, %arg1: memref<13xi32, #tpu.memory_space<smem>>, %arg2: memref<33xi32, #tpu.memory_space<smem>>) -> (i32, i32) {
    %c0_i32 = arith.constant 0 : i32
    %c0_i32_0 = arith.constant 0 : i32
    %c0_i32_1 = arith.constant 0 : i32
    return %c0_i32, %c0_i32_0 : i32, i32
  }
}

</mosaic_0001>

<sc_bundles>
// kernel: scale_sc.3.cloned.1.call-start
scs
__scs_entry_jumppad:
0x0: {  	(pc) =	sbr.rel $0x88, $3  }
0x1: {  	(tag) =	ssettag $0x0;
	lr =	simm.s32 $0x1  }
0x2: {  	[smem:$0x3F9B] =	sst lr;
	_ =	strace $0xD0000000  }
0x3: {  	_ = 	snop  }
0x4: {  	_ = 	snop  }
0x5: {  	_ = 	snop  }
0x6: {  	_ = 	snop  }
0x7: {  	_ = 	snop  }
__scs_overlays_trampoline_lowered:
0x8: {  	[smem:$0x3FAA] =	sst s0  }
0x9: {  	[smem:$0x3FAB] =	sst s1  }
0xa: {  	[smem:$0x3FAC] =	sst s2  }
0xb: {  	[smem:$0x3FAD] =	sst s3  }
0xc: {  	[smem:$0x3FAE] =	sst s4  }
0xd: {  	[smem:$0x3FAF] =	sst s5  }
0xe: {  	[smem:$0x3FB0] =	sst s6  }
0xf: {  	[smem:$0x3FB1] =	sst s7  }
0x10: {  	[smem:$0x3FB2] =	sst s8  }
0x11: {  	[smem:$0x3FB3] =	sst s9;
	s0 =	simm.s32 @!p0 $0x0  }
0x12: {  	s1 =	sld [smem:$0x3F99];
	s0 =	simm.s32 @p0 $0x1  }
0x13: {  	[smem:$0x3FB4] =	sst s0;
	s0 =	simm.s32 @!p1 $0x0  }
0x14: {  	s2 =	sld [smem:$0x3F98];
	s0 =	simm.s32 @p1 $0x1  }
0x15: {  	[smem:$0x3FB5] =	sst s0;
	s0 =	simm.s32 @!p2 $0x0  }
0x16: {  	s3 =	sld [smem:$0x3FDB];
	s0 =	simm.s32 @p2 $0x1  }
0x17: {  	s4 =	simm.s32 $0x1BF5;
	[smem:$0x3FB7] =	sst s0  }
0x18: {  	s0 =	sld [smem:$0x3F9A];
	_ =	swait.ge [sflag:s4], $0x0  }
0x19: {  	s7 =	sld [smem:$0x3F9B]  }
0x1a: {  	s8 =	sadd.s32 $0xFFFFE003, lr  }
0x1b: {  	s9 =	sadd.s32 $0xFFFFFEF7, lr;
	s5 =	simm.s32 $0xFFFFFFFF;
	p2 =	slt.u32 s8, $0xFFFFF086  }
0x1c: {  	p1 =	slt.u32 s9, $0xF7A;
	s5 =	simm.s32 @!p2 $0x0  }
0x1d: {  	s5 =	simm.s32 @p1 $0x1;
	p0 =	seq.s32 s7, s2  }
0x1e: {  	s7 =	smul.u32 @!p0 $0xF7A, s2;
	p2 =	seq.s32 @!p0 s5, $0x0  }
0x1f: {  	s9 =	smul.u32 $0xF7A, s1;
	s8 =	simm.s32 @!p0 $0x1BF5;
	p2 =	por !p2, p0  }
0x20: {  	[sflag:s8] =	ssyncset.s32 @!p0 $0xFFFFF086;
	s6 =	sadd.s32 @!p0 s3, s7;
	s7 =	simm.s32 @!p0 $0x108  }
0x21: {  	s3 =	sadd.s32 s3, s9;
	s6 =	sadd.s32 @!p0 $0x88, s6;
	s7 =	simm.s32 @p2 $0x1082  }
0x22: {  	[simem:s7], [sflag:s8] =	dma.local @!p0 [hbm:s6], $0xF7A  }
0x23: {  	s9 =	sor.u32 $0xD0000000, s2;
	s6 =	simm.s32 $0x108;
	_ =	swait.ge @!p0 [sflag:s8], $0x0  }
0x24: {  	s3 =	sadd.s32 $0x88, s3;
	s6 =	simm.s32 @!p1 $0x1082;
	[sflag:s4] =	ssyncset.s32 $0xFFFFF086  }
0x25: {  	[simem:s6], [sflag:s4] =	dma.local [hbm:s3], $0xF7A  }
0x26: {  	[smem:$0x3F9B] =	sst s1;
	(tag) =	ssettag s2;
	_ =	strace s9  }
0x27: {  	s1 =	sld [smem:$0x3FAB]  }
0x28: {  	s2 =	sld [smem:$0x3FAC]  }
0x29: {  	s4 =	sld [smem:$0x3FAE]  }
0x2a: {  	p0 =	seq.s32 s5, $0x0;
	s5 =	sld [smem:$0x3FAF]  }
0x2b: {  	s6 =	sld [smem:$0x3FB0]  }
0x2c: {  	s7 =	sld [smem:$0x3FB1]  }
0x2d: {  	s3 =	simm.s32 $0x108;
	s8 =	sld [smem:$0x3FB2]  }
0x2e: {  	s3 =	simm.s32 @!p0 $0x1082;
	s9 =	sld [smem:$0x3FB3]  }
0x2f: {  	lr =	sadd.s32 s0, s3;
	s0 =	sld [smem:$0x3FAA]  }
0x30: {  	s3 =	sld [smem:$0x3FAD]  }
0x31: {  	[smem:$0x3FB6] =	sst s10  }
0x32: {  	s10 =	sld [smem:$0x3FB4];
	_ =	sdelay $0x3  }
0x33: {  	p0 =	seq.s32 s10, $0x1;
	s10 =	sld [smem:$0x3FB6];
	_ =	sdelay $0x3  }
0x34: {  	[smem:$0x3FB6] =	sst s10  }
0x35: {  	s10 =	sld [smem:$0x3FB5];
	_ =	sdelay $0x3  }
0x36: {  	p1 =	seq.s32 s10, $0x1;
	s10 =	sld [smem:$0x3FB6];
	_ =	sdelay $0x3  }
0x37: {  	[smem:$0x3FB6] =	sst s10  }
0x38: {  	s10 =	sld [smem:$0x3FB7]  }
0x39: {  	_ = 	snop;
	(pc) =	sbr.ind lr, $3  }
0x3a: {  	_ = 	snop  }
0x3b: {  	_ = 	snop  }
0x3c: {  	p2 =	seq.s32 s10, $0x1;
	s10 =	sld [smem:$0x3FB6]  }
0x3d: {  	_ =	shalt  }
0x3e: {  	_ =	shalt  }
0x3f: {  	_ =	shalt  }
0x40: {  	_ =	shalt  }
0x41: {  	_ =	shalt  }
0x42: {  	_ =	shalt  }
0x43: {  	_ =	shalt  }
0x44: {  	_ =	shalt  }
0x45: {  	_ =	shalt  }
0x46: {  	_ =	shalt  }
0x47: {  	_ =	shalt  }
0x48: {  	_ =	shalt  }
0x49: {  	_ =	shalt  }
0x4a: {  	_ =	shalt  }
0x4b: {  	_ =	shalt  }
0x4c: {  	_ =	shalt  }
0x4d: {  	_ =	shalt  }
0x4e: {  	_ =	shalt  }
0x4f: {  	_ =	shalt  }
0x50: {  	_ =	shalt  }
0x51: {  	_ =	shalt  }
0x52: {  	_ =	shalt  }
0x53: {  	_ =	shalt  }
0x54: {  	_ =	shalt  }
0x55: {  	_ =	shalt  }
0x56: {  	_ =	shalt  }
0x57: {  	_ =	shalt  }
0x58: {  	_ =	shalt  }
0x59: {  	_ =	shalt  }
0x5a: {  	_ =	shalt  }
0x5b: {  	_ =	shalt  }
0x5c: {  	_ =	shalt  }
0x5d: {  	_ =	shalt  }
0x5e: {  	_ =	shalt  }
0x5f: {  	_ =	shalt  }
0x60: {  	_ =	shalt  }
0x61: {  	_ =	shalt  }
0x62: {  	_ =	shalt  }
0x63: {  	_ =	shalt  }
0x64: {  	_ =	shalt  }
0x65: {  	_ =	shalt  }
0x66: {  	_ =	shalt  }
0x67: {  	_ =	shalt  }
0x68: {  	_ =	shalt  }
0x69: {  	_ =	shalt  }
0x6a: {  	_ =	shalt  }
0x6b: {  	_ =	shalt  }
0x6c: {  	_ =	shalt  }
0x6d: {  	_ =	shalt  }
0x6e: {  	_ =	shalt  }
0x6f: {  	_ =	shalt  }
0x70: {  	_ =	shalt  }
0x71: {  	_ =	shalt  }
0x72: {  	_ =	shalt  }
0x73: {  	_ =	shalt  }
0x74: {  	_ =	shalt  }
0x75: {  	_ =	shalt  }
0x76: {  	_ =	shalt  }
0x77: {  	_ =	shalt  }
0x78: {  	_ =	shalt  }
0x79: {  	_ =	shalt  }
0x7a: {  	_ =	shalt  }
0x7b: {  	_ =	shalt  }
0x7c: {  	_ =	shalt  }
0x7d: {  	_ =	shalt  }
0x7e: {  	_ =	shalt  }
0x7f: {  	_ =	shalt  }
0x80: {  	_ =	shalt  }
0x81: {  	_ =	shalt  }
0x82: {  	_ =	shalt  }
0x83: {  	_ =	shalt  }
0x84: {  	_ =	shalt  }
0x85: {  	_ =	shalt  }
0x86: {  	_ =	shalt  }
0x87: {  	_ =	shalt  }
.Lfunc_end0:
.L_simem_size_0:
called_computation.1_lowered:
.L_overlay_start_0:
0x88: {  	s2 =	sld [smem:$0x3FD9]  }
0x89: {  	s3 =	sld [smem:$0x3FFE];
	_ =	sdelay $0x1  }
0x8a: {  	s1 =	srdreg.scid  }
0x8b: {  	s0 =	sand.u32 $0x1, s1  }
0x8c: {  	s17 =	sshll.u32 s0, $0xA;
	s2 =	sadd.s32 s3, s2  }
0x8d: {  	s2 =	sadd.s32 s2, s17  }
0x8e: {  	[smem:$0x3FC2] =	sst s2  }
0x8f: {  	_ = 	snop  }
0x90: {  	s2 =	sld [smem:$0x3FC9]  }
0x91: {  	s18 =	sld [smem:$0x3FC8]  }
0x92: {  	s4 =	sld [smem:$0x3FD0];
	(tm) =	ssettm $0x1  }
0x93: {  	s5 =	sld [smem:$0x3FFB];
	_ =	sdelay $0x3  }
0x94: {  	_ =	strace s5  }
0x95: {  	s5 =	sld [smem:$0x3FFC];
	_ =	sdelay $0x3  }
0x96: {  	_ =	strace s5  }
0x97: {  	s5 =	sld [smem:$0x3FFD];
	_ =	sdelay $0x3  }
0x98: {  	_ =	strace s5  }
0x99: {  	_ =	strace $0x8FFFFFFF  }
0x9a: {  	s19 =	sld [smem:$0x3FDB];
	_ =	sdelay $0x1  }
0x9b: {  	s6 =	simm.s32 $_scs_section_size  }
0x9c: {  	s7 =	simm.s32 $_size__tile_overlayer_lowered;
	s8 =	simm.s32 $_tile_overlayer_lowered  }
0x9d: {  	s22 =	simm.s32 $0x1BFF;
	s21 =	sshll.u32 s8, $0x1;
	s5 =	sadd.s32 s6, s19  }
0x9e: {  	s9 =	simm.s32 $0x0;
	s20 =	sshll.u32 s7, $0x1;
	s7 =	sadd.s32 s21, s5  }
0x9f: {  	[timem:s9], [sflag:s22] =	dma.local [hbm:s7], s20  }
0xa0: {  	_ =	swait.ge [sflag:s22], s20  }
0xa1: {  	s6 =	ssub.s32 $0x0, s20;
	[sflag:s22] =	ssyncset.done $0x0  }
0xa2: {  	[sflag:s22] =	ssyncadd.s32 s6;
	_ =	sdelay $0x1  }
0xa3: {  	s23 =	simm.s32 $0x1B8B  }
0xa4: {  	_ =	swait.ge [sflag:s23], $0x1  }
0xa5: {  	[sflag:s23] =	ssyncset.done $0x0  }
0xa6: {  	s25 =	simm.s32 $0x1B8E;
	s24 =	sld [smem:$0x3FFE];
	[sflag:s23] =	ssyncadd.s32 $0xFFFFFFFF  }
0xa7: {  	s26 =	simm.s32 $execute0_lowered;
	[smem:$0x3FD2] =	sst s25  }
0xa8: {  	s7 =	sshll.u32 s26, $0x1;
	_ =	strace $0x80000049;
	[dreg:$0x1] =	wrdreg $0xFFFFFFFF  }
0xa9: {  	s28 =	simm.s32 $_size_execute0_lowered;
	s5 =	sadd.s32 s5, s7;
	[dreg:$0x0] =	wrdreg $0x0  }
0xaa: {  	s7 =	sshll.u32 s28, $0x1;
	[dreg:$0x2] =	wrdreg s5  }
0xab: {  	[dreg:$0x3] =	wrdreg s7  }
0xac: {  	[dreg:$0x4] =	wrdreg $0xC0  }
0xad: {  	_ =	task [dreg:s9], $0x5FFFF  }
0xae: {  	[dreg:$0x1] =	wrdreg $0xFFFFFFFF  }
0xaf: {  	[dreg:$0x0] =	wrdreg $0x60  }
0xb0: {  	[dreg:$0x2] =	wrdreg s2  }
0xb1: {  	[dreg:$0x3] =	wrdreg s18  }
0xb2: {  	[dreg:$0x4] =	wrdreg s24  }
0xb3: {  	[dreg:$0x5] =	wrdreg s4  }
0xb4: {  	[dreg:$0x6] =	wrdreg $0x9  }
0xb5: {  	_ =	task.clear_ibuf [dreg:s9], $0x7FFFF;
	_ =	strace $0x90000049  }
0xb6: {  	s29 =	simm.s32 $0x9;
	_ =	strace $0x8000004B  }
0xb7: {  	_ =	swait.ge [sflag:s29], $0x1  }
0xb8: {  	[sflag:s29] =	ssyncadd.s32 $0xFFFFFFFF  }
0xb9: {  	_ =	strace $0x9000004B  }
0xba: {  	_ =	sfence  }
0xbb: {  	s30 =	sld [smem:$0x0];
	_ =	sdelay $0x2  }
0xbc: {  	s31 =	sshll.u32 s1, $0xD;
	s1 =	sshrl.u32 s1, $0x2  }
0xbd: {  	s3 =	sand.u32 $0x4000, s31;
	s1 =	sadd.s32 s1, s30  }
0xbe: {  	s0 =	sor.u32 s3, s0;
	s1 =	sshll.u32 s1, $0x11  }
0xbf: {  	s0 =	sor.u32 s1, s0  }
0xc0: {  	s0 =	sadd.s32 $0x8F2B, s0  }
0xc1: {  	[sflag:s0] =	ssyncadd.remote.s32 $0x1  }
0xc2: {  	_ =	sfence.sel $0xFFFF  }
0xc3: {  	[dreg:$0x0] =	wrdreg $0xFFFFFFFF;
	(pc) =	sbr.abs _section_cstart, $3  }
0xc4: {  	[dreg:$0x1] =	wrdreg $0xFFFFFFFF  }
0xc5: {  	_ =	task.clear_ibuf [dreg:s9], $0x2FFFF;
	_ =	strace $0x9FFFFFFF  }
0xc6: {  	(tm) =	ssettm $0x7FFFFFFF  }
0xc7: {  	_ =	shalt  }
tec
execute0_lowered:
.L_overlay_start_1:
0x0: {  	(tag) =	ssettag $0x1  }
0x1: {  	s1 =	rddreg [dreg:$0x0]  }
0x2: {  	s2 =	rddreg [dreg:$0x1]  }
0x3: {  	s0 =	srdreg.scid;
	s4 =	stileid.u32  }
0x4: {  	s3 =	rddreg [dreg:$0x2];
	s14 =	simm.s32 $0x7;
	s16 =	simm.s32 $0x6400  }
0x5: {  	s17 =	simm.s32 $0x19100;
	s18 =	simm.s32 $0x1;
	s19 =	simm.s32 $0x3  }
0x6: {  	s20 =	simm.s32 $0xC800;
	s21 =	simm.s32 $0x2;
	s22 =	simm.s32 $0x4  }
0x7: {  	s23 =	simm.s32 $0x12C00;
	s0 =	sand.u32 $0x1, s0;
	s5 =	sshll.u32 s4, $0x1  }
0x8: {  	s24 =	simm.s32 $0x5;
	s25 =	simm.s32 $0x6;
	s7 =	sor.u32 s0, s5  }
0x9: {  	s26 =	simm.s32 $0x0;
	s4 =	rddreg [dreg:$0x3];
	s6 =	smul.u32 $0x2710, s7  }
.Ltmp0:
0xa: {  	s5 =	simm.s32 $0x0;
	s0 =	ssub.s32 $0x2, s0;
	(pc) =	sbr.rel .LBB2_1-.Ltmp0, $4  }
0xb: {  	[smem:$0x7FF] =	sst s5;
	s8 =	smul.u32 $0x27100, s7;
	s30 =	sshrl.u32 s0, $0x1  }
0xc: {  	s7 =	sadd.s32 $0x1C00, s3;
	_ =	strace $0x8000004A;
	s0 =	ssub.s32 s0, s30  }
0xd: {  	s8 =	sadd.s32 s1, s8;
	s31 =	sshrl.u32 s6, $0x3;
	s10 =	sadd.s32 $0xC8, s6  }
0xe: {  	v0 =	vimm.s32 $0x7F;
	s11 =	sadd.s32 $0x190, s6;
	s12 =	smax.u32 s0, $0x1;
	s9 =	sadd.s32 s2, s31  }
.LBB2_17:
0xf: {  	s26 =	sadd.s32 $0x1, s26  }
0x10: {  	_ =	swait.ge [sflag:s24], $0x6400;
	p0 =	sne.s32 s26, s12  }
.Ltmp1:
0x11: {  	[sflag:s24] =	ssyncset.done $0x0;
	(pc) =	sbr.rel @!p0 .LBB2_18-.Ltmp1, $4  }
0x12: {  	[sflag:s24] =	ssyncadd.s32 $0xFFFF9C00  }
0x13: {  	_ =	swait.ge [sflag:s25], $0x6400  }
0x14: {  	[sflag:s25] =	ssyncset.done $0x0  }
0x15: {  	[sflag:s25] =	ssyncadd.s32 $0xFFFF9C00  }
.LBB2_1:
0x16: {  	s0 =	simm.s32 $0x19200  }
0x17: {  	[tilespmem:s0], [sflag:$0x7] =	stream.linear.gather [hbm4b:s7+s5], $0x1000, $0x38;
	[tilespmem:$0x1A200] =	vst v63  }
0x18: {  	_ =	swait.ge [sflag:s14], $0x1000  }
0x19: {  	[sflag:s14] =	ssyncset.done $0x0  }
0x1a: {  	[sflag:s14] =	ssyncadd.s32 $0xFFFFF000  }
.Ltmp2:
0x1b: {  	[tilespmem:$0x190C8] =	vst v0;
	(pc) =	sbr.rel .LBB2_2-.Ltmp2, $4  }
0x1c: {  	[tilespmem:$0x191C8] =	vst v0  }
0x1d: {  	[tilespmem:s5], [sflag:$0x1] =	stream.linear.gather [hbm4b:s8+s5], $0x6400, $0x38;
	[tilespmem:$0x1A200] =	vst v63  }
0x1e: {  	s31 =	simm.s32 $0x19000;
	s28 =	simm.s32 $0x0  }
0x1f: {  	[tilespmem:s31], [sflag:$0x3] =	stream.linear.gather [hbm4b:s9+s5], $0xC8, $0x38;
	[tilespmem:$0x1A200] =	vst v63  }
.LBB2_12:
0x20: {  	(v2sf) =	vpush v1, $0x0;
	_ =	sdelay $0xe  }
0x21: {  	s0 =	spop (v2sf)  }
0x22: {  	s3 =	sshra.s32 s30, $0x2;
	s0 =	sshll.u32 s0, $0x9  }
0x23: {  	v1 =	vld [tilespmem:s3+$0x6400];
	s0 =	sshra.s32 s0, $0x2  }
0x24: {  	v2 =	vld [tilespmem:s0+$0x19200];
	_ =	sdelay $0x4  }
0x25: {  	v1 =	vmul.f32 v1, v2;
	_ =	sdelay $0x1  }
0x26: {  	[tilespmem:s3+$0x12C00] =	vst v1;
	v1 =	vld [tilespmem:s3+$0x6410]  }
0x27: {  	v2 =	vld [tilespmem:s0+$0x19210];
	_ =	sdelay $0x4  }
0x28: {  	v1 =	vmul.f32 v1, v2;
	_ =	sdelay $0x1  }
0x29: {  	[tilespmem:s3+$0x12C10] =	vst v1;
	v1 =	vld [tilespmem:s3+$0x6420]  }
0x2a: {  	v2 =	vld [tilespmem:s0+$0x19220];
	_ =	sdelay $0x4  }
0x2b: {  	v1 =	vmul.f32 v1, v2;
	_ =	sdelay $0x1  }
0x2c: {  	[tilespmem:s3+$0x12C20] =	vst v1;
	v1 =	vld [tilespmem:s3+$0x6430]  }
0x2d: {  	v2 =	vld [tilespmem:s0+$0x19230];
	_ =	sdelay $0x4  }
0x2e: {  	v1 =	vmul.f32 v1, v2;
	_ =	sdelay $0x1  }
0x2f: {  	[tilespmem:s3+$0x12C30] =	vst v1;
	v1 =	vld [tilespmem:s3+$0x6440]  }
0x30: {  	v2 =	vld [tilespmem:s0+$0x19240];
	_ =	sdelay $0x4  }
0x31: {  	v1 =	vmul.f32 v1, v2;
	_ =	sdelay $0x1  }
0x32: {  	[tilespmem:s3+$0x12C40] =	vst v1;
	v1 =	vld [tilespmem:s3+$0x6450]  }
0x33: {  	v2 =	vld [tilespmem:s0+$0x19250];
	_ =	sdelay $0x4  }
0x34: {  	v1 =	vmul.f32 v1, v2;
	_ =	sdelay $0x1  }
0x35: {  	[tilespmem:s3+$0x12C50] =	vst v1;
	v1 =	vld [tilespmem:s3+$0x6460]  }
0x36: {  	v2 =	vld [tilespmem:s0+$0x19260];
	_ =	sdelay $0x4  }
0x37: {  	v1 =	vmul.f32 v1, v2;
	_ =	sdelay $0x1  }
0x38: {  	[tilespmem:s3+$0x12C60] =	vst v1;
	v1 =	vld [tilespmem:s3+$0x6470]  }
0x39: {  	v2 =	vld [tilespmem:s0+$0x19270];
	_ =	sdelay $0x4  }
0x3a: {  	v1 =	vmul.f32 v1, v2;
	_ =	sdelay $0x1  }
0x3b: {  	[tilespmem:s3+$0x12C70] =	vst v1  }
.LBB2_16:
0x3c: {  	s28 =	sadd.s32 $0x1, s28  }
0x3d: {  	p0 =	sne.s32 s28, $0x19  }
.Ltmp3:
0x3e: {  	_ = 	snop;
	(pc) =	sbr.rel @!p0 .LBB2_17-.Ltmp3, $3  }
0x3f: {  	_ =	sdelay $0x1  }
0x40: {  	s0 =	sadd.s32 s4, s29  }
0x41: {  	[hbm4b:s0+s5] =	stream.linear.scatter [tilespmem:s23], [sflag:$0x6], $0x6400, $0x38;
	[tilespmem:$0x1A200] =	vst v63  }
.LBB2_2:
0x42: {  	s30 =	smul.u32 $0x190, s28;
	_ =	sdelay $0x1  }
0x43: {  	s0 =	sadd.s32 s30, s10  }
0x44: {  	s29 =	sshll.u32 s0, $0x4  }
0x45: {  	s0 =	sshrl.u32 s0, $0x3;
	s3 =	sadd.s32 s1, s29  }
0x46: {  	[tilespmem:s16], [sflag:$0x2] =	stream.linear.gather [hbm4b:s3+s5], $0x6400, $0x38;
	[tilespmem:$0x1A200] =	vst v63  }
0x47: {  	s0 =	sadd.s32 s2, s0  }
0x48: {  	[tilespmem:s17], [sflag:$0x4] =	stream.linear.gather [hbm4b:s0+s5], $0xC8, $0x38;
	[tilespmem:$0x1A200] =	vst v63  }
0x49: {  	_ =	swait.ge [sflag:s18], $0x6400  }
0x4a: {  	[sflag:s18] =	ssyncset.done $0x0  }
0x4b: {  	[sflag:s18] =	ssyncadd.s32 $0xFFFF9C00  }
0x4c: {  	_ =	swait.ge [sflag:s19], $0xC8  }
0x4d: {  	p0 =	seq.s32 s28, $0x0;
	[sflag:s19] =	ssyncset.done $0x0  }
0x4e: {  	s0 =	simm.s32 @!p0 $0x5;
	[sflag:s19] =	ssyncadd.s32 $0xFFFFFF38  }
0x4f: {  	_ =	swait.ge @!p0 [sflag:s0], $0x6400  }
0x50: {  	[sflag:s0] =	ssyncset.done @!p0 $0x0  }
0x51: {  	[sflag:s0] =	ssyncadd.s32 @!p0 $0xFFFF9C00  }
0x52: {  	v1 =	vld [tilespmem:$0x19000]  }
0x53: {  	v2 =	vld [tilespmem:$0x190B8];
	_ =	sdelay $0x3  }
0x54: {  	(v2sf) =	vpush v1, $0x0  }
0x55: {  	(v2sf) =	vpush v2, $0xF;
	_ =	sdelay $0xd  }
0x56: {  	s0 =	spop (v2sf)  }
0x57: {  	s31 =	spop (v2sf)  }
0x58: {  	p1 =	sne.s32 s0, s31  }
.Ltmp4:
0x59: {  	_ = 	snop;
	(pc) =	sbr.rel @p1 .LBB2_3-.Ltmp4, $1  }
0x5a: {  	_ =	sdelay $0x3  }
0x5b: {  	s3 =	simm.s32 $0x0  }
0x5c: {  	v10 =	vld [tilespmem:s3+$0x70]  }
0x5d: {  	v14 =	vld [tilespmem:s3+$0x0]  }
0x5e: {  	v15 =	vld [tilespmem:s3+$0x10]  }
0x5f: {  	v13 =	vld [tilespmem:s3+$0x20]  }
0x60: {  	v12 =	vld [tilespmem:s3+$0x30]  }
0x61: {  	s0 =	sshll.u32 s0, $0x9;
	v9 =	vld [tilespmem:s3+$0x40]  }
0x62: {  	s0 =	sshra.s32 s0, $0x2;
	v11 =	vld [tilespmem:s3+$0x60]  }
0x63: {  	v7 =	vld [tilespmem:s0+$0x19200]  }
0x64: {  	v8 =	vld [tilespmem:s0+$0x19270]  }
0x65: {  	v6 =	vld [tilespmem:s0+$0x19210]  }
0x66: {  	v5 =	vld [tilespmem:s0+$0x19220]  }
0x67: {  	v4 =	vld [tilespmem:s0+$0x19230]  }
0x68: {  	v3 =	vld [tilespmem:s0+$0x19240]  }
0x69: {  	v2 =	vld [tilespmem:s0+$0x19250];
	v16 =	vmul.f32 v10, v8  }
0x6a: {  	v10 =	vld [tilespmem:s3+$0x50];
	v14 =	vmul.f32 v14, v7  }
0x6b: {  	s13 =	simm.s32 $0x400;
	v1 =	vld [tilespmem:s0+$0x19260];
	s0 =	simm.s32 $0x80;
	v15 =	vmul.f32 v15, v6;
	[tilespmem:s3+$0xC870] =	vst v16  }
.LBB2_7:
0x6c: {  	p1 =	seq.s32 s13, $0x18E00;
	v16 =	vld [tilespmem:s0+$0x70];
	[tilespmem:s3+$0xC800] =	vst v14;
	v13 =	vmul.f32 v13, v5  }
0x6d: {  	v14 =	vld [tilespmem:s0+$0x0];
	[tilespmem:s3+$0xC810] =	vst v15;
	v12 =	vmul.f32 v12, v4  }
0x6e: {  	v15 =	vld [tilespmem:s0+$0x10];
	[tilespmem:s3+$0xC820] =	vst v13;
	v9 =	vmul.f32 v9, v3  }
.Ltmp5:
0x6f: {  	v13 =	vld [tilespmem:s0+$0x20];
	[tilespmem:s3+$0xC830] =	vst v12;
	v10 =	vmul.f32 v10, v2;
	(pc) =	sbr.rel @!p1 .LBB2_7-.Ltmp5, $4  }
0x70: {  	v12 =	vld [tilespmem:s0+$0x30];
	[tilespmem:s3+$0xC840] =	vst v9;
	v11 =	vmul.f32 v11, v1  }
0x71: {  	v9 =	vld [tilespmem:s0+$0x40];
	v16 =	vmul.f32 v16, v8;
	[tilespmem:s3+$0xC850] =	vst v10  }
0x72: {  	v14 =	vmul.f32 v14, v7;
	v10 =	vld [tilespmem:s0+$0x50];
	[tilespmem:s3+$0xC860] =	vst v11;
	s3 =	smov.u32 s0  }
0x73: {  	s0 =	sshra.s32 s13, $0x2;
	s13 =	sadd.s32 $0x200, s13;
	v15 =	vmul.f32 v15, v6;
	v11 =	vld [tilespmem:s3+$0x60];
	[tilespmem:s3+$0xC870] =	vst v16  }
0x74: {  	v16 =	vld [tilespmem:s0+$0x70];
	[tilespmem:s3+$0xC800] =	vst v14;
	v13 =	vmul.f32 v13, v5  }
0x75: {  	v14 =	vld [tilespmem:s0+$0x0];
	[tilespmem:s3+$0xC810] =	vst v15;
	v12 =	vmul.f32 v12, v4  }
0x76: {  	v15 =	vld [tilespmem:s0+$0x10];
	[tilespmem:s3+$0xC820] =	vst v13;
	v9 =	vmul.f32 v9, v3  }
0x77: {  	v13 =	vld [tilespmem:s0+$0x20];
	[tilespmem:s3+$0xC830] =	vst v12;
	v10 =	vmul.f32 v10, v2  }
0x78: {  	v12 =	vld [tilespmem:s0+$0x30];
	[tilespmem:s3+$0xC840] =	vst v9;
	v11 =	vmul.f32 v11, v1  }
0x79: {  	v9 =	vld [tilespmem:s0+$0x40];
	[tilespmem:s3+$0xC850] =	vst v10;
	v8 =	vmul.f32 v16, v8  }
0x7a: {  	v10 =	vld [tilespmem:s0+$0x50];
	[tilespmem:s3+$0xC860] =	vst v11;
	v7 =	vmul.f32 v14, v7  }
0x7b: {  	v11 =	vld [tilespmem:s0+$0x60];
	v6 =	vmul.f32 v15, v6;
	[tilespmem:s0+$0xC870] =	vst v8  }
0x7c: {  	[tilespmem:s0+$0xC800] =	vst v7;
	v62 =	vmul.f32 v13, v5  }
0x7d: {  	[tilespmem:s0+$0xC810] =	vst v6;
	v63 =	vmul.f32 v12, v4  }
.Ltmp6:
0x7e: {  	[tilespmem:s0+$0xC820] =	vst v62;
	v3 =	vmul.f32 v9, v3;
	(pc) =	sbr.rel .LBB2_9-.Ltmp6, $4  }
0x7f: {  	[tilespmem:s0+$0xC830] =	vst v63;
	v2 =	vmul.f32 v10, v2  }
0x80: {  	[tilespmem:s0+$0xC840] =	vst v3;
	v1 =	vmul.f32 v11, v1  }
0x81: {  	[tilespmem:s0+$0xC850] =	vst v2  }
0x82: {  	[tilespmem:s0+$0xC860] =	vst v1  }
.LBB2_3:
0x83: {  	s3 =	simm.s32 $0x19000  }
0x84: {  	s31 =	simm.s32 $0x0;
	s0 =	simm.s32 $0x200;
	v1 =	vld [tilespmem:s3+$0x0]  }
.LBB2_4:
0x85: {  	p1 =	sne.s32 s0, $0x18E00;
	_ =	sdelay $0x3  }
0x86: {  	(v2sf) =	vpush v1, $0x0;
	_ =	sdelay $0xe  }
0x87: {  	s13 =	spop (v2sf)  }
0x88: {  	s15 =	sshll.u32 s13, $0x9;
	s13 =	sshra.s32 s31, $0x2;
	s31 =	smov.u32 s0  }
0x89: {  	s15 =	sshra.s32 s15, $0x2;
	v1 =	vld [tilespmem:s13+$0x0]  }
0x8a: {  	v2 =	vld [tilespmem:s15+$0x19200];
	_ =	sdelay $0x4  }
0x8b: {  	v1 =	vmul.f32 v1, v2;
	_ =	sdelay $0x1  }
0x8c: {  	[tilespmem:s13+$0xC800] =	vst v1;
	v1 =	vld [tilespmem:s13+$0x10]  }
0x8d: {  	v2 =	vld [tilespmem:s15+$0x19210];
	_ =	sdelay $0x4  }
0x8e: {  	v1 =	vmul.f32 v1, v2;
	_ =	sdelay $0x1  }
0x8f: {  	[tilespmem:s13+$0xC810] =	vst v1;
	v1 =	vld [tilespmem:s13+$0x20]  }
0x90: {  	v2 =	vld [tilespmem:s15+$0x19220];
	_ =	sdelay $0x4  }
0x91: {  	v1 =	vmul.f32 v1, v2;
	_ =	sdelay $0x1  }
0x92: {  	[tilespmem:s13+$0xC820] =	vst v1;
	v1 =	vld [tilespmem:s13+$0x30]  }
0x93: {  	v2 =	vld [tilespmem:s15+$0x19230];
	_ =	sdelay $0x4  }
0x94: {  	v1 =	vmul.f32 v1, v2;
	_ =	sdelay $0x1  }
0x95: {  	[tilespmem:s13+$0xC830] =	vst v1;
	v1 =	vld [tilespmem:s13+$0x40]  }
0x96: {  	v2 =	vld [tilespmem:s15+$0x19240];
	_ =	sdelay $0x4  }
0x97: {  	v1 =	vmul.f32 v1, v2;
	_ =	sdelay $0x1  }
0x98: {  	[tilespmem:s13+$0xC840] =	vst v1;
	v1 =	vld [tilespmem:s13+$0x50]  }
0x99: {  	v2 =	vld [tilespmem:s15+$0x19250];
	_ =	sdelay $0x4  }
0x9a: {  	v1 =	vmul.f32 v1, v2;
	_ =	sdelay $0x1  }
0x9b: {  	[tilespmem:s13+$0xC850] =	vst v1;
	v1 =	vld [tilespmem:s13+$0x60]  }
0x9c: {  	v2 =	vld [tilespmem:s15+$0x19260];
	_ =	sdelay $0x4  }
0x9d: {  	v1 =	vmul.f32 v1, v2;
	_ =	sdelay $0x1  }
0x9e: {  	[tilespmem:s13+$0xC860] =	vst v1;
	v1 =	vld [tilespmem:s13+$0x70]  }
0x9f: {  	v2 =	vld [tilespmem:s15+$0x19270];
	_ =	sdelay $0x3  }
.Ltmp7:
0xa0: {  	(pc) =	sbr.rel @p1 .LBB2_4-.Ltmp7, $3  }
0xa1: {  	v1 =	vmul.f32 v1, v2;
	_ =	sdelay $0x1  }
0xa2: {  	s3 =	sadd.s32 $0x1, s3;
	[tilespmem:s13+$0xC870] =	vst v1  }
0xa3: {  	s0 =	sadd.s32 $0x200, s0;
	v1 =	vld [tilespmem:s3+$0x0]  }
0xa4: {  	_ =	sdelay $0x3  }
0xa5: {  	(v2sf) =	vpush v1, $0x0;
	_ =	sdelay $0xe  }
0xa6: {  	s0 =	spop (v2sf)  }
0xa7: {  	s3 =	sshra.s32 s31, $0x2;
	s0 =	sshll.u32 s0, $0x9  }
0xa8: {  	v1 =	vld [tilespmem:s3+$0x0];
	s0 =	sshra.s32 s0, $0x2  }
0xa9: {  	v2 =	vld [tilespmem:s0+$0x19200];
	_ =	sdelay $0x4  }
0xaa: {  	v1 =	vmul.f32 v1, v2;
	_ =	sdelay $0x1  }
0xab: {  	[tilespmem:s3+$0xC800] =	vst v1;
	v1 =	vld [tilespmem:s3+$0x10]  }
0xac: {  	v2 =	vld [tilespmem:s0+$0x19210];
	_ =	sdelay $0x4  }
0xad: {  	v1 =	vmul.f32 v1, v2;
	_ =	sdelay $0x1  }
0xae: {  	[tilespmem:s3+$0xC810] =	vst v1;
	v1 =	vld [tilespmem:s3+$0x20]  }
0xaf: {  	v2 =	vld [tilespmem:s0+$0x19220];
	_ =	sdelay $0x4  }
0xb0: {  	v1 =	vmul.f32 v1, v2;
	_ =	sdelay $0x1  }
0xb1: {  	[tilespmem:s3+$0xC820] =	vst v1;
	v1 =	vld [tilespmem:s3+$0x30]  }
0xb2: {  	v2 =	vld [tilespmem:s0+$0x19230];
	_ =	sdelay $0x4  }
0xb3: {  	v1 =	vmul.f32 v1, v2;
	_ =	sdelay $0x1  }
0xb4: {  	[tilespmem:s3+$0xC830] =	vst v1;
	v1 =	vld [tilespmem:s3+$0x40]  }
0xb5: {  	v2 =	vld [tilespmem:s0+$0x19240];
	_ =	sdelay $0x4  }
0xb6: {  	v1 =	vmul.f32 v1, v2;
	_ =	sdelay $0x1  }
0xb7: {  	[tilespmem:s3+$0xC840] =	vst v1;
	v1 =	vld [tilespmem:s3+$0x50]  }
0xb8: {  	v2 =	vld [tilespmem:s0+$0x19250];
	_ =	sdelay $0x4  }
0xb9: {  	v1 =	vmul.f32 v1, v2;
	_ =	sdelay $0x1  }
0xba: {  	[tilespmem:s3+$0xC850] =	vst v1;
	v1 =	vld [tilespmem:s3+$0x60]  }
0xbb: {  	v2 =	vld [tilespmem:s0+$0x19260];
	_ =	sdelay $0x4  }
0xbc: {  	v1 =	vmul.f32 v1, v2;
	_ =	sdelay $0x1  }
0xbd: {  	[tilespmem:s3+$0xC860] =	vst v1;
	v1 =	vld [tilespmem:s3+$0x70]  }
0xbe: {  	v2 =	vld [tilespmem:s0+$0x19270];
	_ =	sdelay $0x4  }
0xbf: {  	v1 =	vmul.f32 v1, v2;
	_ =	sdelay $0x1  }
0xc0: {  	[tilespmem:s3+$0xC870] =	vst v1  }
.LBB2_9:
0xc1: {  	s0 =	sadd.s32 s6, s30  }
0xc2: {  	s0 =	sshll.u32 s0, $0x4  }
0xc3: {  	p1 =	seq.s32 s28, $0x18;
	s0 =	sadd.s32 s4, s0  }
0xc4: {  	[hbm4b:s0+s5] =	stream.linear.scatter [tilespmem:s20], [sflag:$0x5], $0x6400, $0x38;
	[tilespmem:$0x1A200] =	vst v63  }
0xc5: {  	s0 =	sadd.s32 @!p1 s30, s11  }
0xc6: {  	s3 =	sshll.u32 @!p1 s0, $0x4  }
0xc7: {  	s13 =	simm.s32 @!p1 $0x0;
	s0 =	sshrl.u32 @!p1 s0, $0x3;
	s3 =	sadd.s32 @!p1 s1, s3  }
0xc8: {  	[tilespmem:s13], [sflag:$0x1] =	stream.linear.gather @!p1 [hbm4b:s3+s13], $0x6400, $0x38;
	[tilespmem:$0x1A200] =	vst v63  }
0xc9: {  	s0 =	sadd.s32 @!p1 s2, s0;
	s3 =	simm.s32 @!p1 $0x19000  }
0xca: {  	[tilespmem:s3], [sflag:$0x3] =	stream.linear.gather @!p1 [hbm4b:s0+s13], $0xC8, $0x38;
	[tilespmem:$0x1A200] =	vst v63  }
0xcb: {  	_ =	swait.ge [sflag:s21], $0x6400  }
0xcc: {  	[sflag:s21] =	ssyncset.done $0x0  }
0xcd: {  	[sflag:s21] =	ssyncadd.s32 $0xFFFF9C00  }
0xce: {  	_ =	swait.ge [sflag:s22], $0xC8  }
0xcf: {  	[sflag:s22] =	ssyncset.done $0x0  }
0xd0: {  	s0 =	simm.s32 @!p0 $0x6;
	[sflag:s22] =	ssyncadd.s32 $0xFFFFFF38  }
0xd1: {  	_ =	swait.ge @!p0 [sflag:s0], $0x6400  }
0xd2: {  	[sflag:s0] =	ssyncset.done @!p0 $0x0  }
0xd3: {  	[sflag:s0] =	ssyncadd.s32 @!p0 $0xFFFF9C00  }
0xd4: {  	v1 =	vld [tilespmem:$0x19100]  }
0xd5: {  	v2 =	vld [tilespmem:$0x191B8];
	_ =	sdelay $0x3  }
0xd6: {  	(v2sf) =	vpush v1, $0x0  }
0xd7: {  	(v2sf) =	vpush v2, $0xF;
	_ =	sdelay $0xd  }
0xd8: {  	s0 =	spop (v2sf)  }
0xd9: {  	s31 =	spop (v2sf)  }
0xda: {  	p0 =	sne.s32 s0, s31  }
.Ltmp8:
0xdb: {  	_ = 	snop;
	(pc) =	sbr.rel @p0 .LBB2_10-.Ltmp8, $1  }
0xdc: {  	_ =	sdelay $0x3  }
0xdd: {  	s3 =	simm.s32 $0x0  }
0xde: {  	v10 =	vld [tilespmem:s3+$0x6470]  }
0xdf: {  	v14 =	vld [tilespmem:s3+$0x6400]  }
0xe0: {  	v15 =	vld [tilespmem:s3+$0x6410]  }
0xe1: {  	v13 =	vld [tilespmem:s3+$0x6420]  }
0xe2: {  	v12 =	vld [tilespmem:s3+$0x6430]  }
0xe3: {  	s0 =	sshll.u32 s0, $0x9;
	v9 =	vld [tilespmem:s3+$0x6440]  }
0xe4: {  	s0 =	sshra.s32 s0, $0x2;
	v11 =	vld [tilespmem:s3+$0x6460]  }
0xe5: {  	v7 =	vld [tilespmem:s0+$0x19200]  }
0xe6: {  	v8 =	vld [tilespmem:s0+$0x19270]  }
0xe7: {  	v6 =	vld [tilespmem:s0+$0x19210]  }
0xe8: {  	v5 =	vld [tilespmem:s0+$0x19220]  }
0xe9: {  	v4 =	vld [tilespmem:s0+$0x19230]  }
0xea: {  	v3 =	vld [tilespmem:s0+$0x19240]  }
0xeb: {  	v2 =	vld [tilespmem:s0+$0x19250];
	v16 =	vmul.f32 v10, v8  }
0xec: {  	v10 =	vld [tilespmem:s3+$0x6450];
	v14 =	vmul.f32 v14, v7  }
0xed: {  	s13 =	simm.s32 $0x400;
	v1 =	vld [tilespmem:s0+$0x19260];
	s0 =	simm.s32 $0x80;
	v15 =	vmul.f32 v15, v6;
	[tilespmem:s3+$0x12C70] =	vst v16  }
.LBB2_14:
0xee: {  	p0 =	seq.s32 s13, $0x18E00;
	v16 =	vld [tilespmem:s0+$0x6470];
	[tilespmem:s3+$0x12C00] =	vst v14;
	v13 =	vmul.f32 v13, v5  }
0xef: {  	v14 =	vld [tilespmem:s0+$0x6400];
	[tilespmem:s3+$0x12C10] =	vst v15;
	v12 =	vmul.f32 v12, v4  }
0xf0: {  	v15 =	vld [tilespmem:s0+$0x6410];
	[tilespmem:s3+$0x12C20] =	vst v13;
	v9 =	vmul.f32 v9, v3  }
.Ltmp9:
0xf1: {  	v13 =	vld [tilespmem:s0+$0x6420];
	[tilespmem:s3+$0x12C30] =	vst v12;
	v10 =	vmul.f32 v10, v2;
	(pc) =	sbr.rel @!p0 .LBB2_14-.Ltmp9, $4  }
0xf2: {  	v12 =	vld [tilespmem:s0+$0x6430];
	[tilespmem:s3+$0x12C40] =	vst v9;
	v11 =	vmul.f32 v11, v1  }
0xf3: {  	v9 =	vld [tilespmem:s0+$0x6440];
	v16 =	vmul.f32 v16, v8;
	[tilespmem:s3+$0x12C50] =	vst v10  }
0xf4: {  	v14 =	vmul.f32 v14, v7;
	v10 =	vld [tilespmem:s0+$0x6450];
	[tilespmem:s3+$0x12C60] =	vst v11;
	s3 =	smov.u32 s0  }
0xf5: {  	s0 =	sshra.s32 s13, $0x2;
	s13 =	sadd.s32 $0x200, s13;
	v15 =	vmul.f32 v15, v6;
	v11 =	vld [tilespmem:s3+$0x6460];
	[tilespmem:s3+$0x12C70] =	vst v16  }
0xf6: {  	v16 =	vld [tilespmem:s0+$0x6470];
	[tilespmem:s3+$0x12C00] =	vst v14;
	v13 =	vmul.f32 v13, v5  }
0xf7: {  	v14 =	vld [tilespmem:s0+$0x6400];
	[tilespmem:s3+$0x12C10] =	vst v15;
	v12 =	vmul.f32 v12, v4  }
0xf8: {  	v15 =	vld [tilespmem:s0+$0x6410];
	[tilespmem:s3+$0x12C20] =	vst v13;
	v9 =	vmul.f32 v9, v3  }
0xf9: {  	v13 =	vld [tilespmem:s0+$0x6420];
	[tilespmem:s3+$0x12C30] =	vst v12;
	v10 =	vmul.f32 v10, v2  }
0xfa: {  	v12 =	vld [tilespmem:s0+$0x6430];
	[tilespmem:s3+$0x12C40] =	vst v9;
	v11 =	vmul.f32 v11, v1  }
0xfb: {  	v9 =	vld [tilespmem:s0+$0x6440];
	[tilespmem:s3+$0x12C50] =	vst v10;
	v8 =	vmul.f32 v16, v8  }
0xfc: {  	v10 =	vld [tilespmem:s0+$0x6450];
	[tilespmem:s3+$0x12C60] =	vst v11;
	v7 =	vmul.f32 v14, v7  }
0xfd: {  	v11 =	vld [tilespmem:s0+$0x6460];
	v6 =	vmul.f32 v15, v6;
	[tilespmem:s0+$0x12C70] =	vst v8  }
0xfe: {  	[tilespmem:s0+$0x12C00] =	vst v7;
	v62 =	vmul.f32 v13, v5  }
0xff: {  	[tilespmem:s0+$0x12C10] =	vst v6;
	v63 =	vmul.f32 v12, v4  }
.Ltmp10:
0x100: {  	[tilespmem:s0+$0x12C20] =	vst v62;
	v3 =	vmul.f32 v9, v3;
	(pc) =	sbr.rel .LBB2_16-.Ltmp10, $4  }
0x101: {  	[tilespmem:s0+$0x12C30] =	vst v63;
	v2 =	vmul.f32 v10, v2  }
0x102: {  	[tilespmem:s0+$0x12C40] =	vst v3;
	v1 =	vmul.f32 v11, v1  }
0x103: {  	[tilespmem:s0+$0x12C50] =	vst v2  }
0x104: {  	[tilespmem:s0+$0x12C60] =	vst v1  }
.LBB2_10:
0x105: {  	s3 =	simm.s32 $0x19100  }
0x106: {  	s30 =	simm.s32 $0x0;
	s0 =	simm.s32 $0x200;
	v1 =	vld [tilespmem:s3+$0x0]  }
.LBB2_11:
0x107: {  	p0 =	sne.s32 s0, $0x18E00;
	_ =	sdelay $0x3  }
0x108: {  	(v2sf) =	vpush v1, $0x0;
	_ =	sdelay $0xe  }
0x109: {  	s13 =	spop (v2sf)  }
0x10a: {  	s15 =	sshll.u32 s13, $0x9;
	s13 =	sshra.s32 s30, $0x2;
	s30 =	smov.u32 s0  }
0x10b: {  	s15 =	sshra.s32 s15, $0x2;
	v1 =	vld [tilespmem:s13+$0x6400]  }
0x10c: {  	v2 =	vld [tilespmem:s15+$0x19200];
	_ =	sdelay $0x4  }
0x10d: {  	v1 =	vmul.f32 v1, v2;
	_ =	sdelay $0x1  }
0x10e: {  	[tilespmem:s13+$0x12C00] =	vst v1;
	v1 =	vld [tilespmem:s13+$0x6410]  }
0x10f: {  	v2 =	vld [tilespmem:s15+$0x19210];
	_ =	sdelay $0x4  }
0x110: {  	v1 =	vmul.f32 v1, v2;
	_ =	sdelay $0x1  }
0x111: {  	[tilespmem:s13+$0x12C10] =	vst v1;
	v1 =	vld [tilespmem:s13+$0x6420]  }
0x112: {  	v2 =	vld [tilespmem:s15+$0x19220];
	_ =	sdelay $0x4  }
0x113: {  	v1 =	vmul.f32 v1, v2;
	_ =	sdelay $0x1  }
0x114: {  	[tilespmem:s13+$0x12C20] =	vst v1;
	v1 =	vld [tilespmem:s13+$0x6430]  }
0x115: {  	v2 =	vld [tilespmem:s15+$0x19230];
	_ =	sdelay $0x4  }
0x116: {  	v1 =	vmul.f32 v1, v2;
	_ =	sdelay $0x1  }
0x117: {  	[tilespmem:s13+$0x12C30] =	vst v1;
	v1 =	vld [tilespmem:s13+$0x6440]  }
0x118: {  	v2 =	vld [tilespmem:s15+$0x19240];
	_ =	sdelay $0x4  }
0x119: {  	v1 =	vmul.f32 v1, v2;
	_ =	sdelay $0x1  }
0x11a: {  	[tilespmem:s13+$0x12C40] =	vst v1;
	v1 =	vld [tilespmem:s13+$0x6450]  }
0x11b: {  	v2 =	vld [tilespmem:s15+$0x19250];
	_ =	sdelay $0x4  }
0x11c: {  	v1 =	vmul.f32 v1, v2;
	_ =	sdelay $0x1  }
0x11d: {  	[tilespmem:s13+$0x12C50] =	vst v1;
	v1 =	vld [tilespmem:s13+$0x6460]  }
0x11e: {  	v2 =	vld [tilespmem:s15+$0x19260];
	_ =	sdelay $0x4  }
0x11f: {  	v1 =	vmul.f32 v1, v2;
	_ =	sdelay $0x1  }
0x120: {  	[tilespmem:s13+$0x12C60] =	vst v1;
	v1 =	vld [tilespmem:s13+$0x6470]  }
0x121: {  	v2 =	vld [tilespmem:s15+$0x19270];
	_ =	sdelay $0x3  }
.Ltmp11:
0x122: {  	(pc) =	sbr.rel @p0 .LBB2_11-.Ltmp11, $3  }
0x123: {  	v1 =	vmul.f32 v1, v2;
	_ =	sdelay $0x1  }
0x124: {  	s3 =	sadd.s32 $0x1, s3;
	[tilespmem:s13+$0x12C70] =	vst v1  }
0x125: {  	s0 =	sadd.s32 $0x200, s0;
	v1 =	vld [tilespmem:s3+$0x0]  }
.Ltmp12:
0x126: {  	_ = 	snop;
	(pc) =	sbr.rel .LBB2_12-.Ltmp12, $1  }
0x127: {  	_ =	sdelay $0x3  }
.LBB2_18:
0x128: {  	_ =	sfence.sel $0x180000  }
0x129: {  	[bflag:$0x0] =	sbarrier.arrive $0xFFFF  }
0x12a: {  	_ =	strace $0x9000004A  }
0x12b: {  	s0 =	stileid.u32;
	[bflag:$0x2] =	sbarrier.arrive $0xFFFF  }
0x12c: {  	p0 =	sne.s32 s0, $0x0;
	s0 =	rddreg [dreg:$0x4]  }
0x12d: {  	s0 =	sadd.s32 @!p0 $0x100000, s0  }
0x12e: {  	[sflag:s0] =	ssyncadd.tile.s32 @!p0 $0x1;
	_ =	shalt  }
.Lfunc_end2:
_tile_overlayer_lowered:
.L_overlay_start_2:
0x12f: {  	(tag) =	ssettag $0x2  }
0x130: {  	s0 =	rddreg [dreg:$0x0];
	s2 =	stileid.u32  }
0x131: {  	s1 =	rddreg [dreg:$0x1];
	p0 =	sne.s32 s2, $0x0  }
0x132: {  	s3 =	rddreg [dreg:$0x2];
	[bflag:$0x3] =	sbarrier.arrive $0xFFFF;
	s2 =	simm.s32 @!p0 $0x1C07  }
0x133: {  	[timem:s3], [sflag:s2] =	dma.local @!p0 [hbm:s0], s1  }
0x134: {  	s0 =	simm.s32 @!p0 $0x7  }
0x135: {  	_ =	swait.ge @!p0 [sflag:s0], s1  }
0x136: {  	s1 =	ssub.s32 @!p0 $0x0, s1;
	[sflag:s0] =	ssyncset.done @!p0 $0x0  }
0x137: {  	[sflag:s0] =	ssyncadd.s32 @!p0 s1  }
0x138: {  	[bflag:$0x3] =	sbarrier.arrive $0xFFFF  }
0x139: {  	_ =	shalt  }

// kernel: seg_pool_sc.3.cloned.1.call-start
scs
__scs_entry_jumppad:
0x0: {  	(pc) =	sbr.rel $0x88, $3  }
0x1: {  	(tag) =	ssettag $0x0;
	lr =	simm.s32 $0x1  }
0x2: {  	[smem:$0x3F9B] =	sst lr;
	_ =	strace $0xD0000000  }
0x3: {  	_ = 	snop  }
0x4: {  	_ = 	snop  }
0x5: {  	_ = 	snop  }
0x6: {  	_ = 	snop  }
0x7: {  	_ = 	snop  }
__scs_overlays_trampoline_lowered:
0x8: {  	[smem:$0x3FAA] =	sst s0  }
0x9: {  	[smem:$0x3FAB] =	sst s1  }
0xa: {  	[smem:$0x3FAC] =	sst s2  }
0xb: {  	[smem:$0x3FAD] =	sst s3  }
0xc: {  	[smem:$0x3FAE] =	sst s4  }
0xd: {  	[smem:$0x3FAF] =	sst s5  }
0xe: {  	[smem:$0x3FB0] =	sst s6  }
0xf: {  	[smem:$0x3FB1] =	sst s7  }
0x10: {  	[smem:$0x3FB2] =	sst s8  }
0x11: {  	[smem:$0x3FB3] =	sst s9;
	s0 =	simm.s32 @!p0 $0x0  }
0x12: {  	s1 =	sld [smem:$0x3F99];
	s0 =	simm.s32 @p0 $0x1  }
0x13: {  	[smem:$0x3FB4] =	sst s0;
	s0 =	simm.s32 @!p1 $0x0  }
0x14: {  	s2 =	sld [smem:$0x3F98];
	s0 =	simm.s32 @p1 $0x1  }
0x15: {  	[smem:$0x3FB5] =	sst s0;
	s0 =	simm.s32 @!p2 $0x0  }
0x16: {  	s3 =	sld [smem:$0x3FDB];
	s0 =	simm.s32 @p2 $0x1  }
0x17: {  	s4 =	simm.s32 $0x1BF5;
	[smem:$0x3FB7] =	sst s0  }
0x18: {  	s0 =	sld [smem:$0x3F9A];
	_ =	swait.ge [sflag:s4], $0x0  }
0x19: {  	s7 =	sld [smem:$0x3F9B]  }
0x1a: {  	s8 =	sadd.s32 $0xFFFFE003, lr  }
0x1b: {  	s9 =	sadd.s32 $0xFFFFFEF7, lr;
	s5 =	simm.s32 $0xFFFFFFFF;
	p2 =	slt.u32 s8, $0xFFFFF086  }
0x1c: {  	p1 =	slt.u32 s9, $0xF7A;
	s5 =	simm.s32 @!p2 $0x0  }
0x1d: {  	s5 =	simm.s32 @p1 $0x1;
	p0 =	seq.s32 s7, s2  }
0x1e: {  	s7 =	smul.u32 @!p0 $0xF7A, s2;
	p2 =	seq.s32 @!p0 s5, $0x0  }
0x1f: {  	s9 =	smul.u32 $0xF7A, s1;
	s8 =	simm.s32 @!p0 $0x1BF5;
	p2 =	por !p2, p0  }
0x20: {  	[sflag:s8] =	ssyncset.s32 @!p0 $0xFFFFF086;
	s6 =	sadd.s32 @!p0 s3, s7;
	s7 =	simm.s32 @!p0 $0x108  }
0x21: {  	s3 =	sadd.s32 s3, s9;
	s6 =	sadd.s32 @!p0 $0x88, s6;
	s7 =	simm.s32 @p2 $0x1082  }
0x22: {  	[simem:s7], [sflag:s8] =	dma.local @!p0 [hbm:s6], $0xF7A  }
0x23: {  	s9 =	sor.u32 $0xD0000000, s2;
	s6 =	simm.s32 $0x108;
	_ =	swait.ge @!p0 [sflag:s8], $0x0  }
0x24: {  	s3 =	sadd.s32 $0x88, s3;
	s6 =	simm.s32 @!p1 $0x1082;
	[sflag:s4] =	ssyncset.s32 $0xFFFFF086  }
0x25: {  	[simem:s6], [sflag:s4] =	dma.local [hbm:s3], $0xF7A  }
0x26: {  	[smem:$0x3F9B] =	sst s1;
	(tag) =	ssettag s2;
	_ =	strace s9  }
0x27: {  	s1 =	sld [smem:$0x3FAB]  }
0x28: {  	s2 =	sld [smem:$0x3FAC]  }
0x29: {  	s4 =	sld [smem:$0x3FAE]  }
0x2a: {  	p0 =	seq.s32 s5, $0x0;
	s5 =	sld [smem:$0x3FAF]  }
0x2b: {  	s6 =	sld [smem:$0x3FB0]  }
0x2c: {  	s7 =	sld [smem:$0x3FB1]  }
0x2d: {  	s3 =	simm.s32 $0x108;
	s8 =	sld [smem:$0x3FB2]  }
0x2e: {  	s3 =	simm.s32 @!p0 $0x1082;
	s9 =	sld [smem:$0x3FB3]  }
0x2f: {  	lr =	sadd.s32 s0, s3;
	s0 =	sld [smem:$0x3FAA]  }
0x30: {  	s3 =	sld [smem:$0x3FAD]  }
0x31: {  	[smem:$0x3FB6] =	sst s10  }
0x32: {  	s10 =	sld [smem:$0x3FB4];
	_ =	sdelay $0x3  }
0x33: {  	p0 =	seq.s32 s10, $0x1;
	s10 =	sld [smem:$0x3FB6];
	_ =	sdelay $0x3  }
0x34: {  	[smem:$0x3FB6] =	sst s10  }
0x35: {  	s10 =	sld [smem:$0x3FB5];
	_ =	sdelay $0x3  }
0x36: {  	p1 =	seq.s32 s10, $0x1;
	s10 =	sld [smem:$0x3FB6];
	_ =	sdelay $0x3  }
0x37: {  	[smem:$0x3FB6] =	sst s10  }
0x38: {  	s10 =	sld [smem:$0x3FB7]  }
0x39: {  	_ = 	snop;
	(pc) =	sbr.ind lr, $3  }
0x3a: {  	_ = 	snop  }
0x3b: {  	_ = 	snop  }
0x3c: {  	p2 =	seq.s32 s10, $0x1;
	s10 =	sld [smem:$0x3FB6]  }
0x3d: {  	_ =	shalt  }
0x3e: {  	_ =	shalt  }
0x3f: {  	_ =	shalt  }
0x40: {  	_ =	shalt  }
0x41: {  	_ =	shalt  }
0x42: {  	_ =	shalt  }
0x43: {  	_ =	shalt  }
0x44: {  	_ =	shalt  }
0x45: {  	_ =	shalt  }
0x46: {  	_ =	shalt  }
0x47: {  	_ =	shalt  }
0x48: {  	_ =	shalt  }
0x49: {  	_ =	shalt  }
0x4a: {  	_ =	shalt  }
0x4b: {  	_ =	shalt  }
0x4c: {  	_ =	shalt  }
0x4d: {  	_ =	shalt  }
0x4e: {  	_ =	shalt  }
0x4f: {  	_ =	shalt  }
0x50: {  	_ =	shalt  }
0x51: {  	_ =	shalt  }
0x52: {  	_ =	shalt  }
0x53: {  	_ =	shalt  }
0x54: {  	_ =	shalt  }
0x55: {  	_ =	shalt  }
0x56: {  	_ =	shalt  }
0x57: {  	_ =	shalt  }
0x58: {  	_ =	shalt  }
0x59: {  	_ =	shalt  }
0x5a: {  	_ =	shalt  }
0x5b: {  	_ =	shalt  }
0x5c: {  	_ =	shalt  }
0x5d: {  	_ =	shalt  }
0x5e: {  	_ =	shalt  }
0x5f: {  	_ =	shalt  }
0x60: {  	_ =	shalt  }
0x61: {  	_ =	shalt  }
0x62: {  	_ =	shalt  }
0x63: {  	_ =	shalt  }
0x64: {  	_ =	shalt  }
0x65: {  	_ =	shalt  }
0x66: {  	_ =	shalt  }
0x67: {  	_ =	shalt  }
0x68: {  	_ =	shalt  }
0x69: {  	_ =	shalt  }
0x6a: {  	_ =	shalt  }
0x6b: {  	_ =	shalt  }
0x6c: {  	_ =	shalt  }
0x6d: {  	_ =	shalt  }
0x6e: {  	_ =	shalt  }
0x6f: {  	_ =	shalt  }
0x70: {  	_ =	shalt  }
0x71: {  	_ =	shalt  }
0x72: {  	_ =	shalt  }
0x73: {  	_ =	shalt  }
0x74: {  	_ =	shalt  }
0x75: {  	_ =	shalt  }
0x76: {  	_ =	shalt  }
0x77: {  	_ =	shalt  }
0x78: {  	_ =	shalt  }
0x79: {  	_ =	shalt  }
0x7a: {  	_ =	shalt  }
0x7b: {  	_ =	shalt  }
0x7c: {  	_ =	shalt  }
0x7d: {  	_ =	shalt  }
0x7e: {  	_ =	shalt  }
0x7f: {  	_ =	shalt  }
0x80: {  	_ =	shalt  }
0x81: {  	_ =	shalt  }
0x82: {  	_ =	shalt  }
0x83: {  	_ =	shalt  }
0x84: {  	_ =	shalt  }
0x85: {  	_ =	shalt  }
0x86: {  	_ =	shalt  }
0x87: {  	_ =	shalt  }
.Lfunc_end0:
.L_simem_size_0:
called_computation_lowered:
.L_overlay_start_0:
0x88: {  	s2 =	sld [smem:$0x3FD9]  }
0x89: {  	s3 =	sld [smem:$0x3FFE];
	_ =	sdelay $0x1  }
0x8a: {  	s1 =	srdreg.scid  }
0x8b: {  	s0 =	sand.u32 $0x1, s1  }
0x8c: {  	s17 =	sshll.u32 s0, $0xA;
	s2 =	sadd.s32 s3, s2  }
0x8d: {  	s2 =	sadd.s32 s2, s17  }
0x8e: {  	[smem:$0x3FC2] =	sst s2  }
0x8f: {  	_ = 	snop  }
0x90: {  	s2 =	sld [smem:$0x3FC9]  }
0x91: {  	s18 =	sld [smem:$0x3FC8]  }
0x92: {  	s4 =	sld [smem:$0x3FD0];
	(tm) =	ssettm $0x1  }
0x93: {  	s5 =	sld [smem:$0x3FFB];
	_ =	sdelay $0x3  }
0x94: {  	_ =	strace s5  }
0x95: {  	s5 =	sld [smem:$0x3FFC];
	_ =	sdelay $0x3  }
0x96: {  	_ =	strace s5  }
0x97: {  	s5 =	sld [smem:$0x3FFD];
	_ =	sdelay $0x3  }
0x98: {  	_ =	strace s5  }
0x99: {  	_ =	strace $0x8FFFFFFF  }
0x9a: {  	s19 =	sld [smem:$0x3FDB];
	_ =	sdelay $0x1  }
0x9b: {  	s6 =	simm.s32 $_scs_section_size  }
0x9c: {  	s7 =	simm.s32 $_size__tile_overlayer_lowered;
	s8 =	simm.s32 $_tile_overlayer_lowered  }
0x9d: {  	s22 =	simm.s32 $0x1BFF;
	s21 =	sshll.u32 s8, $0x1;
	s5 =	sadd.s32 s6, s19  }
0x9e: {  	s9 =	simm.s32 $0x0;
	s20 =	sshll.u32 s7, $0x1;
	s7 =	sadd.s32 s21, s5  }
0x9f: {  	[timem:s9], [sflag:s22] =	dma.local [hbm:s7], s20  }
0xa0: {  	_ =	swait.ge [sflag:s22], s20  }
0xa1: {  	s6 =	ssub.s32 $0x0, s20;
	[sflag:s22] =	ssyncset.done $0x0  }
0xa2: {  	[sflag:s22] =	ssyncadd.s32 s6;
	_ =	sdelay $0x1  }
0xa3: {  	s23 =	simm.s32 $0x1B8B  }
0xa4: {  	_ =	swait.ge [sflag:s23], $0x1  }
0xa5: {  	[sflag:s23] =	ssyncset.done $0x0  }
0xa6: {  	s25 =	simm.s32 $0x1B8E;
	s24 =	sld [smem:$0x3FFE];
	[sflag:s23] =	ssyncadd.s32 $0xFFFFFFFF  }
0xa7: {  	s26 =	simm.s32 $execute0_lowered;
	[smem:$0x3FD2] =	sst s25  }
0xa8: {  	s7 =	sshll.u32 s26, $0x1;
	_ =	strace $0x80000046;
	[dreg:$0x1] =	wrdreg $0xFFFFFFFF  }
0xa9: {  	s28 =	simm.s32 $_size_execute0_lowered;
	s5 =	sadd.s32 s5, s7;
	[dreg:$0x0] =	wrdreg $0x0  }
0xaa: {  	s7 =	sshll.u32 s28, $0x1;
	[dreg:$0x2] =	wrdreg s5  }
0xab: {  	[dreg:$0x3] =	wrdreg s7  }
0xac: {  	[dreg:$0x4] =	wrdreg $0xC0  }
0xad: {  	_ =	task [dreg:s9], $0x5FFFF  }
0xae: {  	[dreg:$0x1] =	wrdreg $0xFFFFFFFF  }
0xaf: {  	[dreg:$0x0] =	wrdreg $0x60  }
0xb0: {  	[dreg:$0x2] =	wrdreg s2  }
0xb1: {  	[dreg:$0x3] =	wrdreg s18  }
0xb2: {  	[dreg:$0x4] =	wrdreg s4  }
0xb3: {  	[dreg:$0x5] =	wrdreg s24  }
0xb4: {  	[dreg:$0x6] =	wrdreg $0x9  }
0xb5: {  	_ =	task.clear_ibuf [dreg:s9], $0x7FFFF;
	_ =	strace $0x90000046  }
0xb6: {  	s29 =	simm.s32 $0x9;
	_ =	strace $0x80000048  }
0xb7: {  	_ =	swait.ge [sflag:s29], $0x1  }
0xb8: {  	[sflag:s29] =	ssyncadd.s32 $0xFFFFFFFF  }
0xb9: {  	_ =	strace $0x90000048  }
0xba: {  	_ =	sfence  }
0xbb: {  	s30 =	sld [smem:$0x0];
	_ =	sdelay $0x2  }
0xbc: {  	s31 =	sshll.u32 s1, $0xD;
	s1 =	sshrl.u32 s1, $0x2  }
0xbd: {  	s3 =	sand.u32 $0x4000, s31;
	s1 =	sadd.s32 s1, s30  }
0xbe: {  	s0 =	sor.u32 s3, s0;
	s1 =	sshll.u32 s1, $0x11  }
0xbf: {  	s0 =	sor.u32 s1, s0  }
0xc0: {  	s0 =	sadd.s32 $0x8F2B, s0  }
0xc1: {  	[sflag:s0] =	ssyncadd.remote.s32 $0x1  }
0xc2: {  	_ =	sfence.sel $0xFFFF  }
0xc3: {  	[dreg:$0x0] =	wrdreg $0xFFFFFFFF;
	(pc) =	sbr.abs _section_cstart, $3  }
0xc4: {  	[dreg:$0x1] =	wrdreg $0xFFFFFFFF  }
0xc5: {  	_ =	task.clear_ibuf [dreg:s9], $0x2FFFF;
	_ =	strace $0x9FFFFFFF  }
0xc6: {  	(tm) =	ssettm $0x7FFFFFFF  }
0xc7: {  	_ =	shalt  }
tec
execute0_lowered:
.L_overlay_start_1:
0x0: {  	(tag) =	ssettag $0x1  }
0x1: {  	s1 =	rddreg [dreg:$0x0]  }
0x2: {  	s2 =	rddreg [dreg:$0x1]  }
0x3: {  	s9 =	rddreg [dreg:$0x2];
	s3 =	srdreg.scid  }
0x4: {  	s0 =	stileid.u32;
	s5 =	rddreg [dreg:$0x3];
	s4 =	simm.s32 $0x0  }
0x5: {  	s15 =	simm.s32 $0xC900;
	s16 =	simm.s32 $0x1;
	s17 =	simm.s32 $0x3  }
0x6: {  	s18 =	simm.s32 $0x2;
	s19 =	simm.s32 $0x4;
	s20 =	simm.s32 $0xCA00  }
0x7: {  	s21 =	simm.s32 $0x5;
	s22 =	simm.s32 $0xDA00;
	s23 =	simm.s32 $0xEA00  }
0x8: {  	s6 =	sand.u32 $0x1, s3;
	s7 =	sshll.u32 s0, $0x1;
	[smem:$0x7FF] =	sst s4  }
0x9: {  	s24 =	simm.s32 $0x0;
	s7 =	sor.u32 s6, s7;
	_ =	strace $0x80000047  }
0xa: {  	s6 =	ssub.s32 $0x2, s6;
	s10 =	sshll.u32 s7, $0x9;
	s8 =	smul.u32 $0x1450, s7  }
0xb: {  	s12 =	sshll.u32 s7, $0x4;
	s7 =	smul.u32 $0x14500, s7;
	s31 =	sshrl.u32 s6, $0x1  }
.Ltmp0:
0xc: {  	s11 =	sadd.s32 s10, s5;
	s12 =	sadd.s32 s12, s5;
	(pc) =	sbr.rel .LBB2_1-.Ltmp0, $4  }
0xd: {  	s14 =	ssub.s32 s6, s31;
	s9 =	sadd.s32 s9, s10;
	s13 =	sshrl.u32 s8, $0x3  }
0xe: {  	s5 =	sadd.s32 s1, s7;
	s7 =	sadd.s32 $0xC8, s8;
	s8 =	sadd.s32 $0x190, s8  }
0xf: {  	v0 =	vimm.f32 $0.0e+00;
	s10 =	sadd.s32 $0x1C00, s11;
	s11 =	sadd.s32 $0x5C00, s12;
	s12 =	smax.u32 s14, $0x1  }
0x10: {  	v1 =	vimm.f32 $-Inf;
	v2 =	vimm.s32 $0x7F;
	v3 =	vlaneseq.u32;
	s14 =	simm.s32 $0x6400;
	s6 =	sadd.s32 s2, s13;
	s13 =	simm.s32 $0xC800  }
.LBB2_19:
0x11: {  	[hbm4b:s9+s4] =	stream.linear.scatter [tilespmem:s20], [sflag:$0x5], $0x1000, $0x38;
	[tilespmem:$0xEA80] =	vst v63  }
0x12: {  	_ =	swait.ge [sflag:s21], $0x1000  }
0x13: {  	[sflag:s21] =	ssyncset.done $0x0  }
0x14: {  	[sflag:s21] =	ssyncadd.s32 $0xFFFFF000  }
0x15: {  	[hbm4b:s10+s4] =	stream.linear.scatter [tilespmem:s22], [sflag:$0x5], $0x1000, $0x38;
	[tilespmem:$0xEA80] =	vst v63  }
0x16: {  	s24 =	sadd.s32 $0x1, s24;
	_ =	swait.ge [sflag:s21], $0x1000  }
0x17: {  	p0 =	sne.s32 s24, s12;
	[sflag:s21] =	ssyncset.done $0x0  }
.Ltmp1:
0x18: {  	[sflag:s21] =	ssyncadd.s32 $0xFFFFF000;
	(pc) =	sbr.rel @!p0 .LBB2_20-.Ltmp1, $4  }
0x19: {  	[hbm4b:s11+s4] =	stream.linear.scatter [tilespmem:s23], [sflag:$0x5], $0x80, $0x38;
	[tilespmem:$0xEA80] =	vst v63  }
0x1a: {  	_ =	swait.ge [sflag:s21], $0x80  }
0x1b: {  	[sflag:s21] =	ssyncset.done $0x0  }
0x1c: {  	[sflag:s21] =	ssyncadd.s32 $0xFFFFFF80  }
.LBB2_1:
0x1d: {  	s25 =	simm.s32 $0x0;
	s26 =	simm.s32 $0x200  }
.LBB2_2:
0x1e: {  	p0 =	sne.s32 s26, $0x3E00;
	[tilespmem:s25+$0xDA70] =	vst v1  }
0x1f: {  	[tilespmem:s25+$0xCA00] =	vst v0  }
0x20: {  	[tilespmem:s25+$0xDA00] =	vst v1  }
0x21: {  	[tilespmem:s25+$0xCA10] =	vst v0  }
0x22: {  	[tilespmem:s25+$0xDA10] =	vst v1  }
0x23: {  	[tilespmem:s25+$0xCA20] =	vst v0  }
0x24: {  	[tilespmem:s25+$0xDA20] =	vst v1  }
0x25: {  	[tilespmem:s25+$0xCA30] =	vst v0  }
0x26: {  	[tilespmem:s25+$0xDA30] =	vst v1  }
0x27: {  	[tilespmem:s25+$0xCA40] =	vst v0  }
0x28: {  	[tilespmem:s25+$0xDA40] =	vst v1  }
.Ltmp2:
0x29: {  	[tilespmem:s25+$0xCA50] =	vst v0;
	(pc) =	sbr.rel @p0 .LBB2_2-.Ltmp2, $4  }
0x2a: {  	[tilespmem:s25+$0xDA50] =	vst v1  }
0x2b: {  	[tilespmem:s25+$0xCA60] =	vst v0  }
0x2c: {  	[tilespmem:s25+$0xDA60] =	vst v1  }
0x2d: {  	[tilespmem:s25+$0xCA70] =	vst v0;
	s25 =	sshra.s32 s26, $0x2;
	s26 =	sadd.s32 $0x200, s26  }
0x2e: {  	[tilespmem:s25+$0xDA70] =	vst v1  }
0x2f: {  	[tilespmem:s25+$0xCA00] =	vst v0  }
0x30: {  	[tilespmem:s25+$0xDA00] =	vst v1  }
0x31: {  	[tilespmem:s25+$0xCA10] =	vst v0  }
0x32: {  	[tilespmem:s25+$0xDA10] =	vst v1  }
0x33: {  	[tilespmem:s25+$0xCA20] =	vst v0  }
0x34: {  	[tilespmem:s25+$0xDA20] =	vst v1  }
0x35: {  	[tilespmem:s25+$0xCA30] =	vst v0  }
0x36: {  	[tilespmem:s25+$0xDA30] =	vst v1  }
0x37: {  	[tilespmem:s25+$0xCA40] =	vst v0  }
0x38: {  	[tilespmem:s25+$0xDA40] =	vst v1  }
0x39: {  	[tilespmem:s25+$0xCA50] =	vst v0  }
0x3a: {  	[tilespmem:s25+$0xDA50] =	vst v1  }
0x3b: {  	[tilespmem:s25+$0xCA60] =	vst v0  }
0x3c: {  	[tilespmem:s25+$0xDA60] =	vst v1  }
0x3d: {  	[tilespmem:s25+$0xCA70] =	vst v0  }
0x3e: {  	[tilespmem:$0xEA00] =	vst v0  }
0x3f: {  	[tilespmem:$0xEA10] =	vst v0  }
.Ltmp3:
0x40: {  	[tilespmem:$0xC8C8] =	vst v2;
	(pc) =	sbr.rel .LBB2_4-.Ltmp3, $4  }
0x41: {  	s25 =	simm.s32 $0x0;
	[tilespmem:$0xC9C8] =	vst v2  }
0x42: {  	[tilespmem:s25], [sflag:$0x1] =	stream.linear.gather [hbm4b:s5+s25], $0x6400, $0x38;
	[tilespmem:$0xEA80] =	vst v63  }
0x43: {  	s26 =	simm.s32 $0x0  }
0x44: {  	[tilespmem:s13], [sflag:$0x3] =	stream.linear.gather [hbm4b:s6+s25], $0xC8, $0x38;
	[tilespmem:$0xEA80] =	vst v63  }
.LBB2_17:
0x45: {  	v4 =	vadd.f32 v4, v6  }
0x46: {  	[tilespmem:$0xEA00] =	vst v5  }
0x47: {  	[tilespmem:$0xEA10] =	vst v4  }
.LBB2_18:
0x48: {  	s26 =	sadd.s32 $0x1, s26  }
0x49: {  	p0 =	sne.s32 s26, $0xD  }
.Ltmp4:
0x4a: {  	_ = 	snop;
	(pc) =	sbr.rel @!p0 .LBB2_19-.Ltmp4, $1  }
0x4b: {  	_ =	sdelay $0x3  }
.LBB2_4:
0x4c: {  	s28 =	smul.u32 $0x190, s26;
	_ =	sdelay $0x1  }
0x4d: {  	s29 =	sadd.s32 s28, s7  }
0x4e: {  	s30 =	sshll.u32 s29, $0x4  }
0x4f: {  	s29 =	sshrl.u32 s29, $0x3;
	s30 =	sadd.s32 s1, s30  }
0x50: {  	[tilespmem:s14], [sflag:$0x2] =	stream.linear.gather [hbm4b:s30+s25], $0x6400, $0x38;
	[tilespmem:$0xEA80] =	vst v63  }
0x51: {  	s29 =	sadd.s32 s2, s29  }
0x52: {  	[tilespmem:s15], [sflag:$0x4] =	stream.linear.gather [hbm4b:s29+s25], $0xC8, $0x38;
	[tilespmem:$0xEA80] =	vst v63  }
0x53: {  	_ =	swait.ge [sflag:s16], $0x6400  }
0x54: {  	[sflag:s16] =	ssyncset.done $0x0  }
0x55: {  	[sflag:s16] =	ssyncadd.s32 $0xFFFF9C00  }
0x56: {  	_ =	swait.ge [sflag:s17], $0xC8  }
0x57: {  	[sflag:s17] =	ssyncset.done $0x0  }
0x58: {  	[sflag:s17] =	ssyncadd.s32 $0xFFFFFF38  }
0x59: {  	v4 =	vld [tilespmem:$0xC800]  }
0x5a: {  	v5 =	vld [tilespmem:$0xC8B8];
	_ =	sdelay $0x3  }
0x5b: {  	(v2sf) =	vpush v4, $0x0  }
0x5c: {  	(v2sf) =	vpush v5, $0xF;
	_ =	sdelay $0xd  }
0x5d: {  	s30 =	spop (v2sf)  }
0x5e: {  	s29 =	spop (v2sf)  }
0x5f: {  	p0 =	sne.s32 s30, s29  }
.Ltmp5:
0x60: {  	_ = 	snop;
	(pc) =	sbr.rel @p0 .LBB2_8-.Ltmp5, $2  }
0x61: {  	_ =	sdelay $0x2  }
0x62: {  	s3 =	simm.s32 $0x0;
	s29 =	simm.s32 $0x40  }
0x63: {  	v5 =	vld [tilespmem:s3+$0x70]  }
0x64: {  	v7 =	vld [tilespmem:s3+$0x0]  }
0x65: {  	v8 =	vld [tilespmem:s3+$0x10]  }
0x66: {  	v21 =	vimm.f32 $0.0e+00  }
0x67: {  	v14 =	vimm.f32 $-Inf;
	v19 =	vld [tilespmem:s3+$0x20];
	v23 =	vimm.f32 $0.0e+00;
	v15 =	vimm.f32 $-Inf  }
0x68: {  	v17 =	vld [tilespmem:s3+$0x30];
	v20 =	vimm.f32 $0.0e+00;
	v10 =	vimm.f32 $-Inf;
	v16 =	vimm.f32 $0.0e+00  }
0x69: {  	v12 =	vld [tilespmem:s3+$0x40];
	v13 =	vimm.f32 $0.0e+00;
	v6 =	vadd.f32 v5, v21;
	v5 =	vmax.f32 v14, v5  }
0x6a: {  	v11 =	vld [tilespmem:s3+$0x50];
	v25 =	vadd.f32 v7, v21;
	v22 =	vmax.f32 v14, v7;
	v24 =	vadd.f32 v8, v21  }
0x6b: {  	s29 =	simm.s32 $0x80;
	s31 =	simm.s32 $0x400;
	v9 =	vld [tilespmem:s3+$0x60];
	v18 =	vmax.f32 v14, v8;
	v8 =	vimm.f32 $-Inf;
	v7 =	vimm.f32 $-Inf  }
.LBB2_6:
0x6c: {  	p0 =	sne.s32 s31, $0x18E00;
	v26 =	vld [tilespmem:s29+$0x70];
	v21 =	vadd.f32 v19, v21;
	v14 =	vmax.f32 v14, v19  }
0x6d: {  	v27 =	vld [tilespmem:s29+$0x0];
	v23 =	vadd.f32 v17, v23;
	v15 =	vmax.f32 v15, v17  }
0x6e: {  	v28 =	vld [tilespmem:s29+$0x10];
	v20 =	vadd.f32 v12, v20;
	v10 =	vmax.f32 v10, v12  }
.Ltmp6:
0x6f: {  	v19 =	vld [tilespmem:s29+$0x20];
	v16 =	vadd.f32 v11, v16;
	v8 =	vmax.f32 v8, v11;
	(pc) =	sbr.rel @p0 .LBB2_6-.Ltmp6, $4  }
0x70: {  	v17 =	vld [tilespmem:s29+$0x30];
	v13 =	vadd.f32 v9, v13;
	v7 =	vmax.f32 v7, v9  }
0x71: {  	v12 =	vld [tilespmem:s29+$0x40];
	v6 =	vadd.f32 v26, v6;
	v5 =	vmax.f32 v5, v26  }
0x72: {  	v25 =	vadd.f32 v27, v25;
	v22 =	vmax.f32 v22, v27;
	v11 =	vld [tilespmem:s29+$0x50]  }
0x73: {  	v24 =	vadd.f32 v28, v24;
	v18 =	vmax.f32 v18, v28;
	v9 =	vld [tilespmem:s29+$0x60];
	s29 =	sshra.s32 s31, $0x2;
	s31 =	sadd.s32 $0x200, s31  }
0x74: {  	v26 =	vld [tilespmem:s29+$0x70]  }
0x75: {  	v27 =	vld [tilespmem:s29+$0x0]  }
0x76: {  	v28 =	vld [tilespmem:s29+$0x10]  }
0x77: {  	v29 =	vld [tilespmem:s29+$0x20]  }
0x78: {  	v30 =	vld [tilespmem:s29+$0x30]  }
0x79: {  	v31 =	vld [tilespmem:s29+$0x40]  }
0x7a: {  	v32 =	vld [tilespmem:s29+$0x50]  }
0x7b: {  	v33 =	vld [tilespmem:s29+$0x60];
	s31 =	sshll.u32 s30, $0x7  }
0x7c: {  	v34 =	vld [tilespmem:s31+$0xCA00]  }
0x7d: {  	v35 =	vld [tilespmem:s31+$0xDA00]  }
0x7e: {  	v37 =	vld [tilespmem:s31+$0xDA10]  }
0x7f: {  	v42 =	vld [tilespmem:s31+$0xDA20]  }
0x80: {  	v21 =	vadd.f32 v19, v21;
	v14 =	vmax.f32 v14, v19;
	v23 =	vadd.f32 v17, v23;
	v44 =	vld [tilespmem:s31+$0xDA30]  }
0x81: {  	v48 =	vld [tilespmem:s31+$0xDA40];
	v15 =	vmax.f32 v15, v17;
	v45 =	vadd.f32 v12, v20;
	v22 =	vmax.f32 v22, v27  }
0x82: {  	v52 =	vld [tilespmem:s31+$0xDA50];
	v10 =	vmax.f32 v10, v12;
	v18 =	vmax.f32 v18, v28;
	v22 =	vmax.f32 v35, v22  }
0x83: {  	v57 =	vld [tilespmem:s31+$0xDA60];
	v16 =	vadd.f32 v11, v16;
	v14 =	vmax.f32 v14, v29;
	v18 =	vmax.f32 v37, v18;
	[tilespmem:s31+$0xDA00] =	vst v22  }
0x84: {  	v61 =	vld [tilespmem:s31+$0xDA70];
	v8 =	vmax.f32 v8, v11;
	v53 =	vmax.f32 v15, v30;
	v14 =	vmax.f32 v42, v14;
	[tilespmem:s31+$0xDA10] =	vst v18  }
0x85: {  	v36 =	vld [tilespmem:s31+$0xCA10];
	v13 =	vadd.f32 v9, v13;
	v10 =	vmax.f32 v10, v31;
	v12 =	vmax.f32 v44, v53;
	[tilespmem:s31+$0xDA20] =	vst v14  }
0x86: {  	v38 =	vld [tilespmem:s31+$0xCA20];
	v7 =	vmax.f32 v7, v9;
	v8 =	vmax.f32 v8, v32;
	v10 =	vmax.f32 v48, v10;
	[tilespmem:s31+$0xDA30] =	vst v12  }
0x87: {  	v43 =	vld [tilespmem:s31+$0xCA30];
	v25 =	vadd.f32 v27, v25;
	v7 =	vmax.f32 v7, v33;
	v8 =	vmax.f32 v52, v8;
	[tilespmem:s31+$0xDA40] =	vst v10  }
0x88: {  	v46 =	vld [tilespmem:s31+$0xCA40];
	v24 =	vadd.f32 v28, v24;
	v5 =	vmax.f32 v5, v26;
	v7 =	vmax.f32 v57, v7;
	[tilespmem:s31+$0xDA50] =	vst v8  }
0x89: {  	v49 =	vld [tilespmem:s31+$0xCA50];
	v21 =	vadd.f32 v29, v21;
	v5 =	vmax.f32 v61, v5;
	v25 =	vadd.f32 v34, v25;
	[tilespmem:s31+$0xDA60] =	vst v7  }
0x8a: {  	v58 =	vld [tilespmem:s31+$0xCA70];
	v47 =	vadd.f32 v30, v23;
	v24 =	vadd.f32 v36, v24;
	[tilespmem:s31+$0xDA70] =	vst v5  }
0x8b: {  	v54 =	vld [tilespmem:s31+$0xCA60];
	v50 =	vadd.f32 v31, v45;
	v21 =	vadd.f32 v38, v21;
	[tilespmem:s31+$0xCA00] =	vst v25  }
0x8c: {  	v55 =	vadd.f32 v32, v16;
	v51 =	vadd.f32 v43, v47;
	[tilespmem:s31+$0xCA10] =	vst v24  }
0x8d: {  	v6 =	vadd.f32 v26, v6;
	v56 =	vadd.f32 v46, v50;
	[tilespmem:s31+$0xCA20] =	vst v21  }
0x8e: {  	v59 =	vadd.f32 v33, v13;
	v60 =	vadd.f32 v49, v55;
	[tilespmem:s31+$0xCA30] =	vst v51  }
0x8f: {  	v6 =	vadd.f32 v58, v6;
	[tilespmem:s31+$0xCA40] =	vst v56  }
0x90: {  	v62 =	vadd.f32 v54, v59;
	[tilespmem:s31+$0xCA50] =	vst v60  }
0x91: {  	[tilespmem:s31+$0xCA70] =	vst v6  }
0x92: {  	[tilespmem:s31+$0xCA60] =	vst v62  }
0x93: {  	v5 =	vld [tilespmem:$0xEA00]  }
0x94: {  	v4 =	vbroadcast v4, $0x0;
	v6 =	vld [tilespmem:$0xEA10]  }
0x95: {  	s3 =	sadd.s32 $0xFFFFFFF0, s30  }
0x96: {  	vm0 =	veq.s32 v4, v3;
	v4 =	vmov s3  }
.Ltmp7:
0x97: {  	v63 =	vsel vm0, $0x43480000, v0;
	vm15 =	veq.s32 v4, v3;
	(pc) =	sbr.rel .LBB2_11-.Ltmp7, $4  }
0x98: {  	v4 =	vadd.f32 v5, v63;
	v5 =	vsel vm15, $0x43480000, v0  }
0x99: {  	v5 =	vadd.f32 v6, v5  }
0x9a: {  	[tilespmem:$0xEA00] =	vst v4  }
0x9b: {  	[tilespmem:$0xEA10] =	vst v5  }
.LBB2_8:
0x9c: {  	v4 =	vld [tilespmem:s3+$0xC800];
	_ =	sdelay $0x4  }
0x9d: {  	(v2sf) =	vpush v4, $0x0;
	_ =	sdelay $0xe  }
0x9e: {  	s31 =	spop (v2sf)  }
0x9f: {  	v5 =	vld [tilespmem:s29+$0xFFFFFFC0];
	s30 =	sshll.u32 s31, $0x7  }
0xa0: {  	v6 =	vld [tilespmem:s30+$0xCA00]  }
0xa1: {  	v7 =	vld [tilespmem:s30+$0xDA00];
	_ =	sdelay $0x4  }
0xa2: {  	v6 =	vadd.f32 v6, v5;
	v5 =	vmax.f32 v7, v5  }
0xa3: {  	[tilespmem:s30+$0xDA00] =	vst v5;
	v5 =	vld [tilespmem:s30+$0xCA10]  }
0xa4: {  	[tilespmem:s30+$0xCA00] =	vst v6;
	v6 =	vld [tilespmem:s30+$0xDA10]  }
0xa5: {  	v7 =	vld [tilespmem:s29+$0xFFFFFFD0];
	_ =	sdelay $0x4  }
0xa6: {  	v5 =	vadd.f32 v5, v7;
	v6 =	vmax.f32 v6, v7  }
0xa7: {  	[tilespmem:s30+$0xDA10] =	vst v6;
	v6 =	vld [tilespmem:s30+$0xDA20]  }
0xa8: {  	[tilespmem:s30+$0xCA10] =	vst v5;
	v5 =	vld [tilespmem:s30+$0xCA20]  }
0xa9: {  	v7 =	vld [tilespmem:s29+$0xFFFFFFE0];
	_ =	sdelay $0x4  }
0xaa: {  	v5 =	vadd.f32 v5, v7;
	v6 =	vmax.f32 v6, v7  }
0xab: {  	[tilespmem:s30+$0xDA20] =	vst v6;
	v6 =	vld [tilespmem:s30+$0xDA30]  }
0xac: {  	[tilespmem:s30+$0xCA20] =	vst v5;
	v5 =	vld [tilespmem:s30+$0xCA30]  }
0xad: {  	v7 =	vld [tilespmem:s29+$0xFFFFFFF0];
	_ =	sdelay $0x4  }
0xae: {  	v5 =	vadd.f32 v5, v7;
	v6 =	vmax.f32 v6, v7  }
0xaf: {  	[tilespmem:s30+$0xDA30] =	vst v6;
	v6 =	vld [tilespmem:s30+$0xDA40]  }
0xb0: {  	[tilespmem:s30+$0xCA30] =	vst v5;
	v5 =	vld [tilespmem:s30+$0xCA40]  }
0xb1: {  	v7 =	vld [tilespmem:s29+$0x0];
	_ =	sdelay $0x4  }
0xb2: {  	v5 =	vadd.f32 v5, v7;
	v6 =	vmax.f32 v6, v7  }
0xb3: {  	[tilespmem:s30+$0xDA40] =	vst v6;
	v6 =	vld [tilespmem:s30+$0xDA50]  }
0xb4: {  	[tilespmem:s30+$0xCA40] =	vst v5;
	v5 =	vld [tilespmem:s30+$0xCA50]  }
0xb5: {  	v7 =	vld [tilespmem:s29+$0x10];
	_ =	sdelay $0x4  }
0xb6: {  	v5 =	vadd.f32 v5, v7;
	v6 =	vmax.f32 v6, v7  }
0xb7: {  	[tilespmem:s30+$0xDA50] =	vst v6;
	v6 =	vld [tilespmem:s30+$0xDA60]  }
0xb8: {  	[tilespmem:s30+$0xCA50] =	vst v5;
	v5 =	vld [tilespmem:s30+$0xCA60]  }
0xb9: {  	v7 =	vld [tilespmem:s29+$0x20];
	_ =	sdelay $0x4  }
0xba: {  	v5 =	vadd.f32 v5, v7;
	v6 =	vmax.f32 v6, v7  }
0xbb: {  	[tilespmem:s30+$0xDA60] =	vst v6;
	v6 =	vld [tilespmem:s30+$0xDA70]  }
0xbc: {  	[tilespmem:s30+$0xCA60] =	vst v5;
	v5 =	vld [tilespmem:s30+$0xCA70]  }
0xbd: {  	v7 =	vld [tilespmem:s29+$0x30];
	_ =	sdelay $0x4  }
0xbe: {  	v5 =	vadd.f32 v5, v7;
	v6 =	vmax.f32 v6, v7  }
0xbf: {  	[tilespmem:s30+$0xDA70] =	vst v6  }
0xc0: {  	v4 =	vbroadcast v4, $0x0;
	[tilespmem:s30+$0xCA70] =	vst v5  }
0xc1: {  	s3 =	sadd.s32 $0xFFFFFFF0, s31;
	v5 =	vld [tilespmem:$0xEA00]  }
0xc2: {  	vm0 =	veq.s32 v4, v3;
	v4 =	vmov s3  }
0xc3: {  	vm1 =	veq.s32 v4, v3;
	v4 =	vld [tilespmem:$0xEA10];
	_ =	sdelay $0x1  }
0xc4: {  	v7 =	vsel vm0, $0x3F800000, v0  }
0xc5: {  	v6 =	vsel vm1, $0x3F800000, v0;
	s30 =	simm.s32 $0x4;
	v5 =	vadd.f32 v5, v7  }
.LBB2_9:
0xc6: {  	p0 =	sne.s32 s30, $0x31C  }
0xc7: {  	v4 =	vadd.f32 v4, v6;
	s29 =	sadd.s32 $0x80, s29;
	s3 =	smov.u32 s30;
	s30 =	sadd.s32 $0x4, s30  }
0xc8: {  	[tilespmem:$0xEA00] =	vst v5  }
0xc9: {  	s3 =	sshra.s32 s3, $0x2;
	[tilespmem:$0xEA10] =	vst v4  }
0xca: {  	v4 =	vld [tilespmem:s3+$0xC800];
	_ =	sdelay $0x4  }
0xcb: {  	v5 =	vbroadcast v4, $0x0;
	(v2sf) =	vpush v4, $0x0;
	_ =	sdelay $0x1  }
0xcc: {  	vm0 =	veq.s32 v5, v3;
	_ =	sdelay $0xc  }
0xcd: {  	s3 =	spop (v2sf)  }
0xce: {  	v4 =	vld [tilespmem:s29+$0xFFFFFFC0];
	s31 =	sshll.u32 s3, $0x7;
	s3 =	sadd.s32 $0xFFFFFFF0, s3  }
0xcf: {  	v5 =	vld [tilespmem:s31+$0xCA00];
	v6 =	vmov s3  }
0xd0: {  	v7 =	vld [tilespmem:s31+$0xDA00];
	vm1 =	veq.s32 v6, v3;
	_ =	sdelay $0x3  }
0xd1: {  	v5 =	vadd.f32 v5, v4  }
0xd2: {  	v4 =	vmax.f32 v7, v4  }
0xd3: {  	[tilespmem:s31+$0xCA00] =	vst v5;
	v5 =	vld [tilespmem:s31+$0xDA10]  }
0xd4: {  	[tilespmem:s31+$0xDA00] =	vst v4;
	v4 =	vld [tilespmem:s31+$0xCA10]  }
0xd5: {  	v6 =	vld [tilespmem:s29+$0xFFFFFFD0];
	_ =	sdelay $0x4  }
0xd6: {  	v4 =	vadd.f32 v4, v6;
	v5 =	vmax.f32 v5, v6  }
0xd7: {  	[tilespmem:s31+$0xDA10] =	vst v5;
	v5 =	vld [tilespmem:s31+$0xDA20]  }
0xd8: {  	[tilespmem:s31+$0xCA10] =	vst v4;
	v4 =	vld [tilespmem:s31+$0xCA20]  }
0xd9: {  	v6 =	vld [tilespmem:s29+$0xFFFFFFE0];
	_ =	sdelay $0x4  }
0xda: {  	v4 =	vadd.f32 v4, v6;
	v5 =	vmax.f32 v5, v6  }
0xdb: {  	[tilespmem:s31+$0xDA20] =	vst v5;
	v5 =	vld [tilespmem:s31+$0xDA30]  }
0xdc: {  	[tilespmem:s31+$0xCA20] =	vst v4;
	v4 =	vld [tilespmem:s31+$0xCA30]  }
0xdd: {  	v6 =	vld [tilespmem:s29+$0xFFFFFFF0];
	_ =	sdelay $0x4  }
0xde: {  	v4 =	vadd.f32 v4, v6;
	v5 =	vmax.f32 v5, v6  }
0xdf: {  	[tilespmem:s31+$0xDA30] =	vst v5;
	v5 =	vld [tilespmem:s31+$0xDA40]  }
0xe0: {  	[tilespmem:s31+$0xCA30] =	vst v4;
	v4 =	vld [tilespmem:s31+$0xCA40]  }
0xe1: {  	v6 =	vld [tilespmem:s29+$0x0];
	_ =	sdelay $0x4  }
0xe2: {  	v4 =	vadd.f32 v4, v6;
	v5 =	vmax.f32 v5, v6  }
0xe3: {  	[tilespmem:s31+$0xDA40] =	vst v5;
	v5 =	vld [tilespmem:s31+$0xDA50]  }
0xe4: {  	[tilespmem:s31+$0xCA40] =	vst v4;
	v4 =	vld [tilespmem:s31+$0xCA50]  }
0xe5: {  	v6 =	vld [tilespmem:s29+$0x10];
	_ =	sdelay $0x4  }
0xe6: {  	v4 =	vadd.f32 v4, v6;
	v5 =	vmax.f32 v5, v6  }
0xe7: {  	[tilespmem:s31+$0xDA50] =	vst v5;
	v5 =	vld [tilespmem:s31+$0xDA60]  }
0xe8: {  	[tilespmem:s31+$0xCA50] =	vst v4;
	v4 =	vld [tilespmem:s31+$0xCA60]  }
0xe9: {  	v6 =	vld [tilespmem:s29+$0x20];
	_ =	sdelay $0x4  }
0xea: {  	v4 =	vadd.f32 v4, v6;
	v5 =	vmax.f32 v5, v6  }
0xeb: {  	[tilespmem:s31+$0xDA60] =	vst v5;
	v5 =	vld [tilespmem:s31+$0xDA70]  }
0xec: {  	[tilespmem:s31+$0xCA60] =	vst v4;
	v4 =	vld [tilespmem:s31+$0xCA70]  }
0xed: {  	v6 =	vld [tilespmem:s29+$0x30];
	_ =	sdelay $0x4  }
0xee: {  	v4 =	vadd.f32 v4, v6;
	v5 =	vmax.f32 v5, v6  }
0xef: {  	[tilespmem:s31+$0xDA70] =	vst v5  }
0xf0: {  	[tilespmem:s31+$0xCA70] =	vst v4  }
0xf1: {  	v5 =	vld [tilespmem:$0xEA00]  }
.Ltmp8:
0xf2: {  	v4 =	vld [tilespmem:$0xEA10];
	(pc) =	sbr.rel @p0 .LBB2_9-.Ltmp8, $3  }
0xf3: {  	_ =	sdelay $0x1  }
0xf4: {  	v7 =	vsel vm0, $0x3F800000, v0;
	v6 =	vsel vm1, $0x3F800000, v0  }
0xf5: {  	v5 =	vadd.f32 v5, v7  }
0xf6: {  	v4 =	vadd.f32 v4, v6  }
0xf7: {  	[tilespmem:$0xEA00] =	vst v5  }
0xf8: {  	[tilespmem:$0xEA10] =	vst v4  }
.LBB2_11:
0xf9: {  	p0 =	seq.s32 s26, $0xC  }
0xfa: {  	s3 =	sadd.s32 @!p0 s28, s8  }
0xfb: {  	s28 =	sshll.u32 @!p0 s3, $0x4  }
0xfc: {  	s29 =	simm.s32 @!p0 $0x0;
	s3 =	sshrl.u32 @!p0 s3, $0x3;
	s28 =	sadd.s32 @!p0 s1, s28  }
0xfd: {  	[tilespmem:s29], [sflag:$0x1] =	stream.linear.gather @!p0 [hbm4b:s28+s29], $0x6400, $0x38;
	[tilespmem:$0xEA80] =	vst v63  }
0xfe: {  	s3 =	sadd.s32 @!p0 s2, s3;
	s28 =	simm.s32 @!p0 $0xC800  }
0xff: {  	[tilespmem:s28], [sflag:$0x3] =	stream.linear.gather @!p0 [hbm4b:s3+s29], $0xC8, $0x38;
	[tilespmem:$0xEA80] =	vst v63  }
0x100: {  	_ =	swait.ge [sflag:s18], $0x6400  }
0x101: {  	[sflag:s18] =	ssyncset.done $0x0  }
0x102: {  	[sflag:s18] =	ssyncadd.s32 $0xFFFF9C00  }
0x103: {  	_ =	swait.ge [sflag:s19], $0xC8  }
0x104: {  	[sflag:s19] =	ssyncset.done $0x0  }
0x105: {  	[sflag:s19] =	ssyncadd.s32 $0xFFFFFF38  }
0x106: {  	v4 =	vld [tilespmem:$0xC900]  }
0x107: {  	v5 =	vld [tilespmem:$0xC9B8];
	_ =	sdelay $0x3  }
0x108: {  	(v2sf) =	vpush v4, $0x0  }
0x109: {  	(v2sf) =	vpush v5, $0xF;
	_ =	sdelay $0xd  }
0x10a: {  	s29 =	spop (v2sf)  }
0x10b: {  	s31 =	spop (v2sf)  }
0x10c: {  	p0 =	sne.s32 s29, s31  }
.Ltmp9:
0x10d: {  	_ = 	snop;
	(pc) =	sbr.rel @p0 .LBB2_15-.Ltmp9, $2  }
0x10e: {  	_ =	sdelay $0x2  }
0x10f: {  	s28 =	simm.s32 $0x6440;
	s3 =	simm.s32 $0x0  }
0x110: {  	v5 =	vld [tilespmem:s3+$0x6470]  }
0x111: {  	v7 =	vld [tilespmem:s3+$0x6400]  }
0x112: {  	v8 =	vld [tilespmem:s3+$0x6410]  }
0x113: {  	v21 =	vimm.f32 $0.0e+00  }
0x114: {  	v14 =	vimm.f32 $-Inf;
	v19 =	vld [tilespmem:s3+$0x6420];
	v23 =	vimm.f32 $0.0e+00;
	v15 =	vimm.f32 $-Inf  }
0x115: {  	v17 =	vld [tilespmem:s3+$0x6430];
	v20 =	vimm.f32 $0.0e+00;
	v10 =	vimm.f32 $-Inf;
	v16 =	vimm.f32 $0.0e+00  }
0x116: {  	v12 =	vld [tilespmem:s3+$0x6440];
	v13 =	vimm.f32 $0.0e+00;
	v6 =	vadd.f32 v5, v21;
	v5 =	vmax.f32 v14, v5  }
0x117: {  	v11 =	vld [tilespmem:s3+$0x6450];
	v25 =	vadd.f32 v7, v21;
	v22 =	vmax.f32 v14, v7;
	v24 =	vadd.f32 v8, v21  }
0x118: {  	s28 =	simm.s32 $0x80;
	s30 =	simm.s32 $0x400;
	v9 =	vld [tilespmem:s3+$0x6460];
	v18 =	vmax.f32 v14, v8;
	v8 =	vimm.f32 $-Inf;
	v7 =	vimm.f32 $-Inf  }
.LBB2_13:
0x119: {  	p0 =	sne.s32 s30, $0x18E00;
	v26 =	vld [tilespmem:s28+$0x6470];
	v21 =	vadd.f32 v19, v21;
	v14 =	vmax.f32 v14, v19  }
0x11a: {  	v27 =	vld [tilespmem:s28+$0x6400];
	v23 =	vadd.f32 v17, v23;
	v15 =	vmax.f32 v15, v17  }
0x11b: {  	v28 =	vld [tilespmem:s28+$0x6410];
	v20 =	vadd.f32 v12, v20;
	v10 =	vmax.f32 v10, v12  }
.Ltmp10:
0x11c: {  	v19 =	vld [tilespmem:s28+$0x6420];
	v16 =	vadd.f32 v11, v16;
	v8 =	vmax.f32 v8, v11;
	(pc) =	sbr.rel @p0 .LBB2_13-.Ltmp10, $4  }
0x11d: {  	v17 =	vld [tilespmem:s28+$0x6430];
	v13 =	vadd.f32 v9, v13;
	v7 =	vmax.f32 v7, v9  }
0x11e: {  	v12 =	vld [tilespmem:s28+$0x6440];
	v6 =	vadd.f32 v26, v6;
	v5 =	vmax.f32 v5, v26  }
0x11f: {  	v25 =	vadd.f32 v27, v25;
	v22 =	vmax.f32 v22, v27;
	v11 =	vld [tilespmem:s28+$0x6450]  }
0x120: {  	v24 =	vadd.f32 v28, v24;
	v18 =	vmax.f32 v18, v28;
	v9 =	vld [tilespmem:s28+$0x6460];
	s28 =	sshra.s32 s30, $0x2;
	s30 =	sadd.s32 $0x200, s30  }
0x121: {  	v26 =	vld [tilespmem:s28+$0x6470]  }
0x122: {  	v27 =	vld [tilespmem:s28+$0x6400]  }
0x123: {  	v28 =	vld [tilespmem:s28+$0x6410]  }
0x124: {  	v29 =	vld [tilespmem:s28+$0x6420]  }
0x125: {  	v30 =	vld [tilespmem:s28+$0x6430]  }
0x126: {  	v31 =	vld [tilespmem:s28+$0x6440]  }
0x127: {  	v32 =	vld [tilespmem:s28+$0x6450]  }
0x128: {  	v33 =	vld [tilespmem:s28+$0x6460];
	s31 =	sshll.u32 s29, $0x7  }
0x129: {  	v34 =	vld [tilespmem:s31+$0xCA00]  }
0x12a: {  	v35 =	vld [tilespmem:s31+$0xDA00]  }
0x12b: {  	v37 =	vld [tilespmem:s31+$0xDA10]  }
0x12c: {  	v42 =	vld [tilespmem:s31+$0xDA20]  }
0x12d: {  	v21 =	vadd.f32 v19, v21;
	v14 =	vmax.f32 v14, v19;
	v23 =	vadd.f32 v17, v23;
	v44 =	vld [tilespmem:s31+$0xDA30]  }
0x12e: {  	v48 =	vld [tilespmem:s31+$0xDA40];
	v15 =	vmax.f32 v15, v17;
	v45 =	vadd.f32 v12, v20;
	v22 =	vmax.f32 v22, v27  }
0x12f: {  	v52 =	vld [tilespmem:s31+$0xDA50];
	v10 =	vmax.f32 v10, v12;
	v18 =	vmax.f32 v18, v28;
	v22 =	vmax.f32 v35, v22  }
0x130: {  	v57 =	vld [tilespmem:s31+$0xDA60];
	v16 =	vadd.f32 v11, v16;
	v14 =	vmax.f32 v14, v29;
	v18 =	vmax.f32 v37, v18;
	[tilespmem:s31+$0xDA00] =	vst v22  }
0x131: {  	v61 =	vld [tilespmem:s31+$0xDA70];
	v8 =	vmax.f32 v8, v11;
	v53 =	vmax.f32 v15, v30;
	v14 =	vmax.f32 v42, v14;
	[tilespmem:s31+$0xDA10] =	vst v18  }
0x132: {  	v36 =	vld [tilespmem:s31+$0xCA10];
	v13 =	vadd.f32 v9, v13;
	v10 =	vmax.f32 v10, v31;
	v12 =	vmax.f32 v44, v53;
	[tilespmem:s31+$0xDA20] =	vst v14  }
0x133: {  	v38 =	vld [tilespmem:s31+$0xCA20];
	v7 =	vmax.f32 v7, v9;
	v8 =	vmax.f32 v8, v32;
	v10 =	vmax.f32 v48, v10;
	[tilespmem:s31+$0xDA30] =	vst v12  }
0x134: {  	v43 =	vld [tilespmem:s31+$0xCA30];
	v25 =	vadd.f32 v27, v25;
	v7 =	vmax.f32 v7, v33;
	v8 =	vmax.f32 v52, v8;
	[tilespmem:s31+$0xDA40] =	vst v10  }
0x135: {  	v46 =	vld [tilespmem:s31+$0xCA40];
	v24 =	vadd.f32 v28, v24;
	v5 =	vmax.f32 v5, v26;
	v7 =	vmax.f32 v57, v7;
	[tilespmem:s31+$0xDA50] =	vst v8  }
0x136: {  	v49 =	vld [tilespmem:s31+$0xCA50];
	v21 =	vadd.f32 v29, v21;
	v5 =	vmax.f32 v61, v5;
	v25 =	vadd.f32 v34, v25;
	[tilespmem:s31+$0xDA60] =	vst v7  }
0x137: {  	v58 =	vld [tilespmem:s31+$0xCA70];
	v47 =	vadd.f32 v30, v23;
	v24 =	vadd.f32 v36, v24;
	[tilespmem:s31+$0xDA70] =	vst v5  }
0x138: {  	v54 =	vld [tilespmem:s31+$0xCA60];
	v50 =	vadd.f32 v31, v45;
	v21 =	vadd.f32 v38, v21;
	[tilespmem:s31+$0xCA00] =	vst v25  }
0x139: {  	v55 =	vadd.f32 v32, v16;
	v51 =	vadd.f32 v43, v47;
	[tilespmem:s31+$0xCA10] =	vst v24  }
0x13a: {  	v6 =	vadd.f32 v26, v6;
	v56 =	vadd.f32 v46, v50;
	[tilespmem:s31+$0xCA20] =	vst v21  }
0x13b: {  	v59 =	vadd.f32 v33, v13;
	v60 =	vadd.f32 v49, v55;
	[tilespmem:s31+$0xCA30] =	vst v51  }
0x13c: {  	v6 =	vadd.f32 v58, v6;
	[tilespmem:s31+$0xCA40] =	vst v56  }
0x13d: {  	v62 =	vadd.f32 v54, v59;
	[tilespmem:s31+$0xCA50] =	vst v60  }
0x13e: {  	[tilespmem:s31+$0xCA70] =	vst v6  }
0x13f: {  	[tilespmem:s31+$0xCA60] =	vst v62  }
0x140: {  	v5 =	vld [tilespmem:$0xEA00]  }
0x141: {  	v4 =	vbroadcast v4, $0x0;
	v6 =	vld [tilespmem:$0xEA10]  }
0x142: {  	s3 =	sadd.s32 $0xFFFFFFF0, s29  }
0x143: {  	vm0 =	veq.s32 v4, v3;
	v4 =	vmov s3  }
.Ltmp11:
0x144: {  	v63 =	vsel vm0, $0x43480000, v0;
	vm15 =	veq.s32 v4, v3;
	(pc) =	sbr.rel .LBB2_18-.Ltmp11, $4  }
0x145: {  	v4 =	vadd.f32 v5, v63;
	v5 =	vsel vm15, $0x43480000, v0  }
0x146: {  	v5 =	vadd.f32 v6, v5  }
0x147: {  	[tilespmem:$0xEA00] =	vst v4  }
0x148: {  	[tilespmem:$0xEA10] =	vst v5  }
.LBB2_15:
0x149: {  	v4 =	vld [tilespmem:s3+$0xC900];
	_ =	sdelay $0x4  }
0x14a: {  	(v2sf) =	vpush v4, $0x0;
	_ =	sdelay $0xe  }
0x14b: {  	s31 =	spop (v2sf)  }
0x14c: {  	v5 =	vld [tilespmem:s28+$0xFFFFFFC0];
	s29 =	sshll.u32 s31, $0x7  }
0x14d: {  	v6 =	vld [tilespmem:s29+$0xCA00]  }
0x14e: {  	v7 =	vld [tilespmem:s29+$0xDA00];
	_ =	sdelay $0x4  }
0x14f: {  	v6 =	vadd.f32 v6, v5;
	v5 =	vmax.f32 v7, v5  }
0x150: {  	[tilespmem:s29+$0xDA00] =	vst v5;
	v5 =	vld [tilespmem:s29+$0xCA10]  }
0x151: {  	[tilespmem:s29+$0xCA00] =	vst v6;
	v6 =	vld [tilespmem:s29+$0xDA10]  }
0x152: {  	v7 =	vld [tilespmem:s28+$0xFFFFFFD0];
	_ =	sdelay $0x4  }
0x153: {  	v5 =	vadd.f32 v5, v7;
	v6 =	vmax.f32 v6, v7  }
0x154: {  	[tilespmem:s29+$0xDA10] =	vst v6;
	v6 =	vld [tilespmem:s29+$0xDA20]  }
0x155: {  	[tilespmem:s29+$0xCA10] =	vst v5;
	v5 =	vld [tilespmem:s29+$0xCA20]  }
0x156: {  	v7 =	vld [tilespmem:s28+$0xFFFFFFE0];
	_ =	sdelay $0x4  }
0x157: {  	v5 =	vadd.f32 v5, v7;
	v6 =	vmax.f32 v6, v7  }
0x158: {  	[tilespmem:s29+$0xDA20] =	vst v6;
	v6 =	vld [tilespmem:s29+$0xDA30]  }
0x159: {  	[tilespmem:s29+$0xCA20] =	vst v5;
	v5 =	vld [tilespmem:s29+$0xCA30]  }
0x15a: {  	v7 =	vld [tilespmem:s28+$0xFFFFFFF0];
	_ =	sdelay $0x4  }
0x15b: {  	v5 =	vadd.f32 v5, v7;
	v6 =	vmax.f32 v6, v7  }
0x15c: {  	[tilespmem:s29+$0xDA30] =	vst v6;
	v6 =	vld [tilespmem:s29+$0xDA40]  }
0x15d: {  	[tilespmem:s29+$0xCA30] =	vst v5;
	v5 =	vld [tilespmem:s29+$0xCA40]  }
0x15e: {  	v7 =	vld [tilespmem:s28+$0x0];
	_ =	sdelay $0x4  }
0x15f: {  	v5 =	vadd.f32 v5, v7;
	v6 =	vmax.f32 v6, v7  }
0x160: {  	[tilespmem:s29+$0xDA40] =	vst v6;
	v6 =	vld [tilespmem:s29+$0xDA50]  }
0x161: {  	[tilespmem:s29+$0xCA40] =	vst v5;
	v5 =	vld [tilespmem:s29+$0xCA50]  }
0x162: {  	v7 =	vld [tilespmem:s28+$0x10];
	_ =	sdelay $0x4  }
0x163: {  	v5 =	vadd.f32 v5, v7;
	v6 =	vmax.f32 v6, v7  }
0x164: {  	[tilespmem:s29+$0xDA50] =	vst v6;
	v6 =	vld [tilespmem:s29+$0xDA60]  }
0x165: {  	[tilespmem:s29+$0xCA50] =	vst v5;
	v5 =	vld [tilespmem:s29+$0xCA60]  }
0x166: {  	v7 =	vld [tilespmem:s28+$0x20];
	_ =	sdelay $0x4  }
0x167: {  	v5 =	vadd.f32 v5, v7;
	v6 =	vmax.f32 v6, v7  }
0x168: {  	[tilespmem:s29+$0xDA60] =	vst v6;
	v6 =	vld [tilespmem:s29+$0xDA70]  }
0x169: {  	[tilespmem:s29+$0xCA60] =	vst v5;
	v5 =	vld [tilespmem:s29+$0xCA70]  }
0x16a: {  	v7 =	vld [tilespmem:s28+$0x30];
	_ =	sdelay $0x4  }
0x16b: {  	v5 =	vadd.f32 v5, v7;
	v6 =	vmax.f32 v6, v7  }
0x16c: {  	[tilespmem:s29+$0xDA70] =	vst v6  }
0x16d: {  	v4 =	vbroadcast v4, $0x0;
	[tilespmem:s29+$0xCA70] =	vst v5  }
0x16e: {  	s3 =	sadd.s32 $0xFFFFFFF0, s31;
	v5 =	vld [tilespmem:$0xEA00]  }
0x16f: {  	vm0 =	veq.s32 v4, v3;
	v4 =	vmov s3  }
0x170: {  	vm1 =	veq.s32 v4, v3;
	v4 =	vld [tilespmem:$0xEA10];
	_ =	sdelay $0x1  }
0x171: {  	v7 =	vsel vm0, $0x3F800000, v0  }
0x172: {  	v6 =	vsel vm1, $0x3F800000, v0;
	s29 =	simm.s32 $0x4;
	v5 =	vadd.f32 v5, v7  }
.LBB2_16:
0x173: {  	p0 =	sne.s32 s29, $0x31C  }
0x174: {  	v4 =	vadd.f32 v4, v6;
	s28 =	sadd.s32 $0x80, s28;
	s3 =	smov.u32 s29;
	s29 =	sadd.s32 $0x4, s29  }
0x175: {  	[tilespmem:$0xEA00] =	vst v5  }
0x176: {  	s3 =	sshra.s32 s3, $0x2;
	[tilespmem:$0xEA10] =	vst v4  }
0x177: {  	v4 =	vld [tilespmem:s3+$0xC900];
	_ =	sdelay $0x4  }
0x178: {  	v5 =	vbroadcast v4, $0x0;
	(v2sf) =	vpush v4, $0x0;
	_ =	sdelay $0x1  }
0x179: {  	vm0 =	veq.s32 v5, v3;
	_ =	sdelay $0xc  }
0x17a: {  	s3 =	spop (v2sf)  }
0x17b: {  	v4 =	vld [tilespmem:s28+$0xFFFFFFC0];
	s30 =	sshll.u32 s3, $0x7;
	s3 =	sadd.s32 $0xFFFFFFF0, s3  }
0x17c: {  	v5 =	vld [tilespmem:s30+$0xCA00];
	v6 =	vmov s3  }
0x17d: {  	v7 =	vld [tilespmem:s30+$0xDA00];
	vm1 =	veq.s32 v6, v3;
	_ =	sdelay $0x3  }
0x17e: {  	v5 =	vadd.f32 v5, v4  }
0x17f: {  	v4 =	vmax.f32 v7, v4  }
0x180: {  	[tilespmem:s30+$0xCA00] =	vst v5;
	v5 =	vld [tilespmem:s30+$0xDA10]  }
0x181: {  	[tilespmem:s30+$0xDA00] =	vst v4;
	v4 =	vld [tilespmem:s30+$0xCA10]  }
0x182: {  	v6 =	vld [tilespmem:s28+$0xFFFFFFD0];
	_ =	sdelay $0x4  }
0x183: {  	v4 =	vadd.f32 v4, v6;
	v5 =	vmax.f32 v5, v6  }
0x184: {  	[tilespmem:s30+$0xDA10] =	vst v5;
	v5 =	vld [tilespmem:s30+$0xDA20]  }
0x185: {  	[tilespmem:s30+$0xCA10] =	vst v4;
	v4 =	vld [tilespmem:s30+$0xCA20]  }
0x186: {  	v6 =	vld [tilespmem:s28+$0xFFFFFFE0];
	_ =	sdelay $0x4  }
0x187: {  	v4 =	vadd.f32 v4, v6;
	v5 =	vmax.f32 v5, v6  }
0x188: {  	[tilespmem:s30+$0xDA20] =	vst v5;
	v5 =	vld [tilespmem:s30+$0xDA30]  }
0x189: {  	[tilespmem:s30+$0xCA20] =	vst v4;
	v4 =	vld [tilespmem:s30+$0xCA30]  }
0x18a: {  	v6 =	vld [tilespmem:s28+$0xFFFFFFF0];
	_ =	sdelay $0x4  }
0x18b: {  	v4 =	vadd.f32 v4, v6;
	v5 =	vmax.f32 v5, v6  }
0x18c: {  	[tilespmem:s30+$0xDA30] =	vst v5;
	v5 =	vld [tilespmem:s30+$0xDA40]  }
0x18d: {  	[tilespmem:s30+$0xCA30] =	vst v4;
	v4 =	vld [tilespmem:s30+$0xCA40]  }
0x18e: {  	v6 =	vld [tilespmem:s28+$0x0];
	_ =	sdelay $0x4  }
0x18f: {  	v4 =	vadd.f32 v4, v6;
	v5 =	vmax.f32 v5, v6  }
0x190: {  	[tilespmem:s30+$0xDA40] =	vst v5;
	v5 =	vld [tilespmem:s30+$0xDA50]  }
0x191: {  	[tilespmem:s30+$0xCA40] =	vst v4;
	v4 =	vld [tilespmem:s30+$0xCA50]  }
0x192: {  	v6 =	vld [tilespmem:s28+$0x10];
	_ =	sdelay $0x4  }
0x193: {  	v4 =	vadd.f32 v4, v6;
	v5 =	vmax.f32 v5, v6  }
0x194: {  	[tilespmem:s30+$0xDA50] =	vst v5;
	v5 =	vld [tilespmem:s30+$0xDA60]  }
0x195: {  	[tilespmem:s30+$0xCA50] =	vst v4;
	v4 =	vld [tilespmem:s30+$0xCA60]  }
0x196: {  	v6 =	vld [tilespmem:s28+$0x20];
	_ =	sdelay $0x4  }
0x197: {  	v4 =	vadd.f32 v4, v6;
	v5 =	vmax.f32 v5, v6  }
0x198: {  	[tilespmem:s30+$0xDA60] =	vst v5;
	v5 =	vld [tilespmem:s30+$0xDA70]  }
0x199: {  	[tilespmem:s30+$0xCA60] =	vst v4;
	v4 =	vld [tilespmem:s30+$0xCA70]  }
0x19a: {  	v6 =	vld [tilespmem:s28+$0x30];
	_ =	sdelay $0x4  }
0x19b: {  	v4 =	vadd.f32 v4, v6;
	v5 =	vmax.f32 v5, v6  }
0x19c: {  	[tilespmem:s30+$0xDA70] =	vst v5  }
0x19d: {  	[tilespmem:s30+$0xCA70] =	vst v4  }
0x19e: {  	v5 =	vld [tilespmem:$0xEA00]  }
.Ltmp12:
0x19f: {  	v4 =	vld [tilespmem:$0xEA10];
	(pc) =	sbr.rel @p0 .LBB2_16-.Ltmp12, $3  }
0x1a0: {  	_ =	sdelay $0x1  }
0x1a1: {  	v7 =	vsel vm0, $0x3F800000, v0;
	v6 =	vsel vm1, $0x3F800000, v0  }
0x1a2: {  	v5 =	vadd.f32 v5, v7  }
.Ltmp13:
0x1a3: {  	_ = 	snop;
	(pc) =	sbr.rel .LBB2_17-.Ltmp13, $1  }
0x1a4: {  	_ =	sdelay $0x3  }
.LBB2_20:
0x1a5: {  	_ =	sfence.sel $0x180000  }
0x1a6: {  	[bflag:$0x0] =	sbarrier.arrive $0xFFFF  }
0x1a7: {  	_ =	strace $0x90000047  }
0x1a8: {  	[bflag:$0x2] =	sbarrier.arrive $0xFFFF  }
0x1a9: {  	p0 =	sne.s32 s0, $0x0;
	s0 =	rddreg [dreg:$0x4]  }
0x1aa: {  	s0 =	sadd.s32 @!p0 $0x100000, s0  }
0x1ab: {  	[sflag:s0] =	ssyncadd.tile.s32 @!p0 $0x1;
	_ =	shalt  }
.Lfunc_end2:
_tile_overlayer_lowered:
.L_overlay_start_2:
0x1ac: {  	(tag) =	ssettag $0x2  }
0x1ad: {  	s0 =	rddreg [dreg:$0x0];
	s2 =	stileid.u32  }
0x1ae: {  	s1 =	rddreg [dreg:$0x1];
	p0 =	sne.s32 s2, $0x0  }
0x1af: {  	s3 =	rddreg [dreg:$0x2];
	[bflag:$0x3] =	sbarrier.arrive $0xFFFF;
	s2 =	simm.s32 @!p0 $0x1C05  }
0x1b0: {  	[timem:s3], [sflag:s2] =	dma.local @!p0 [hbm:s0], s1  }
0x1b1: {  	s0 =	simm.s32 @!p0 $0x5  }
0x1b2: {  	_ =	swait.ge @!p0 [sflag:s0], s1  }
0x1b3: {  	s1 =	ssub.s32 @!p0 $0x0, s1;
	[sflag:s0] =	ssyncset.done @!p0 $0x0  }
0x1b4: {  	[sflag:s0] =	ssyncadd.s32 @!p0 s1  }
0x1b5: {  	[bflag:$0x3] =	sbarrier.arrive $0xFFFF  }
0x1b6: {  	_ =	shalt  }

</sc_bundles>
